<compile_context>
chip_gen: v7x
topology: tpu7x:2x2x1
jax: 0.10.2.dev20260603
libtpu: 0.0.44.dev20260713+nightly
codegen_flags: <defaults>
</compile_context>

<pallas_src>
import jax
import jax.numpy as jnp
from jax import lax
from jax.experimental import pallas as pl
from jax.experimental.pallas import tpu as pltpu
from jax.experimental.pallas import tpu_sc as plsc

B = 4096
S = 200
D = 32
V = 1000000

_info = plsc.get_sparse_core_info()
NC = _info.num_cores
NS = _info.num_subcores
NW = NC * NS

BT = B // 128
ST = S // 8
DT = D // 8
NBUF = 4

TCB = 32768
TG = (V + TCB - 1) // TCB
VP = TG * TCB

assert BT == NW and S % NBUF == 0


def _tc_body(i_ref, o_ref):
  r = lax.broadcasted_iota(jnp.int32, (D, D), 0)
  c = lax.broadcasted_iota(jnp.int32, (D, D), 1)
  eye = (r == c).astype(jnp.float32)
  a = lax.dot_general(i_ref[...], eye, (((0,), (0,)), ((), ())),
                      preferred_element_type=jnp.float32)
  for m in range(TCB // 512):
    for k in range(4):
      lo = 512 * m + 128 * k
      o_ref[128 * m:128 * (m + 1), 32 * k:32 * (k + 1)] = a[lo:lo + 128, :]


_tc_transpose = pl.pallas_call(
    _tc_body,
    grid=(TG,),
    in_specs=[pl.BlockSpec((D, TCB), lambda g: (0, g))],
    out_specs=pl.BlockSpec((TCB // 4, 128), lambda g: (g, 0)),
    out_shape=jax.ShapeDtypeStruct((TG * (TCB // 4), 128), jnp.float32),
)


def _sc_body(xv_hbm, tok_hbm, pos_hbm, out_hbm,
             idx_v, pos_v, rows, tbuf, gsems, osems, lsem):
  cid = lax.axis_index("c")
  sid = lax.axis_index("s")
  wid = sid * NC + cid

  for a in range(ST):
    pltpu.async_copy(xv_hbm.at[a, wid], idx_v.at[a], lsem)
  pltpu.async_copy(pos_hbm, pos_v, lsem)
  for a in range(ST):
    pltpu.make_async_copy(xv_hbm.at[a, wid], idx_v.at[a], lsem).wait()
  pltpu.make_async_copy(pos_hbm, pos_v, lsem).wait()

  def permbody(p, carry):
    a = p // 8
    r = p % 8
    for c in range(8):
      v = idx_v[a, r, pl.ds(16 * c, 16)]
      idx_v[a, r, pl.ds(16 * c, 16)] = (
          (v & -512) + ((v & 127) << 2) + ((v >> 7) & 3))
    return carry

  lax.fori_loop(0, ST * 8, permbody, 0)

  def fire_gather(s, b):
    a = s // 8
    r = s % 8
    pltpu.async_copy(tok_hbm.at[idx_v.at[a, r]], rows[b], gsems[b])

  def drain_gather(s, b):
    a = s // 8
    r = s % 8
    pltpu.make_async_copy(tok_hbm.at[idx_v.at[a, r]], rows[b],
                          gsems[b]).wait()

  def compute(s, b):
    def rbody(rr, carry):
      lane = lax.iota(jnp.int32, 16)
      dt_lo = lane // 8
      d8_lo = lane % 8
      dt_hi = dt_lo + 2
      pv0 = pos_v[s, pl.ds(0, 16)]
      pv1 = pos_v[s, pl.ds(16, 16)]
      for k in range(8):
        r = rr * 8 + k
        rsp = jnp.full((16,), r, dtype=jnp.int32)
        v0 = rows[b][r, pl.ds(0, 16)] + pv0
        v1 = rows[b][r, pl.ds(16, 16)] + pv1
        plsc.store_scatter(tbuf[b], [dt_lo, d8_lo, rsp], v0)
        plsc.store_scatter(tbuf[b], [dt_hi, d8_lo, rsp], v1)
      return carry

    lax.fori_loop(0, 16, rbody, 0)

  def fire_out(s, b):
    pltpu.async_copy(tbuf[b].at[slice(None), slice(None), pl.ds(0, 128)],
                     out_hbm.at[s, slice(None), wid], osems[b])

  def wait_out(s, b):
    pltpu.make_async_copy(tbuf[b].at[slice(None), slice(None), pl.ds(0, 128)],
                          out_hbm.at[s, slice(None), wid], osems[b]).wait()

  for b in range(NBUF):
    fire_gather(b, b)

  def sbody(ss, carry):
    for b in range(NBUF):
      s = NBUF * ss + b

      @pl.when(ss > 0)
      def _wait_prev():
        wait_out(s - NBUF, b)

      drain_gather(s, b)
      compute(s, b)
      fire_out(s, b)

      @pl.when(ss < S // NBUF - 1)
      def _refill():
        fire_gather(s + NBUF, b)
    return carry

  lax.fori_loop(0, S // NBUF, sbody, 0)

  for b in range(NBUF):
    wait_out(S - NBUF + b, b)


def _make_sc_embed():
  scratch = [
      pltpu.VMEM((ST, 8, 128), jnp.int32),
      pltpu.VMEM((S, D), jnp.float32),
      [pltpu.VMEM((128, D), jnp.float32) for _ in range(NBUF)],
      [pltpu.VMEM((DT, 8, 129), jnp.float32) for _ in range(NBUF)],
      [pltpu.SemaphoreType.DMA for _ in range(NBUF)],
      [pltpu.SemaphoreType.DMA for _ in range(NBUF)],
      pltpu.SemaphoreType.DMA,
  ]
  return pl.kernel(
      _sc_body,
      out_type=jax.ShapeDtypeStruct((S, DT, BT, 8, 128), jnp.float32),
      mesh=plsc.VectorSubcoreMesh(core_axis_name="c", subcore_axis_name="s"),
      compiler_params=pltpu.CompilerParams(use_tc_tiling_on_sc=False,
                                           needs_layout_passes=False),
      scratch_types=scratch,
  )


_sc_embed = _make_sc_embed()


@jax.jit
def kernel(x, token_table, pos_table):
  xv = x.astype(jnp.int32).T.reshape(ST, 8, BT, 128).transpose(0, 2, 1, 3)
  tok_rows = _tc_transpose(token_table.T).reshape(VP, D)
  p = _sc_embed(xv, tok_rows, pos_table)
  return p.transpose(2, 4, 0, 1, 3).reshape(B, S, D)

# --- scband reference (transcript-rebuilt; emitter-appended) ---
"""Pipeline reference for scband-token-and-position-embedding-10539849745008 (READ-ONLY COPY).

The authoritative reference and input builder live on the scoring server;
editing this copy changes nothing except your own understanding.
"""

import jax, jax.numpy as jnp
import numpy as np

MAXLEN = 200
MAX_WORDS = 1000000
EMBED_DIM = 32
BATCH = 4096
SEQ = 200

def setup_inputs(seed: int = 0) -> dict:
    key = jax.random.key(seed)
    k1, k2, k3 = jax.random.split(key, 3)
    x = jax.random.randint(k1, (BATCH, SEQ), 0, MAX_WORDS, dtype=jnp.int64)
    token_table = jax.random.normal(k2, (MAX_WORDS, EMBED_DIM), dtype=jnp.float32) * 0.02
    pos_table = jax.random.normal(k3, (MAXLEN, EMBED_DIM), dtype=jnp.float32) * 0.02
    return {"x": x, "token_table": token_table, "pos_table": pos_table}

def reference(x, token_table, pos_table):
    # call(): maxlen = tf.shape(x)[-1]; positions = range(maxlen)
    maxlen = x.shape[-1]
    positions = jnp.arange(0, maxlen, 1)
    pos = jnp.take(pos_table, positions, axis=0)      # pos_emb(positions) -> [SEQ, D]
    tok = jnp.take(token_table, x, axis=0)            # token_emb(x)      -> [B, SEQ, D]
    return tok + pos[None, :, :]

if __name__ == "__main__":
    import jax
    _d = setup_inputs()
    print(jax.jit(kernel)(*tuple(_d.values())))

</pallas_src>

<mosaic_0001>
#map = affine_map<(d0, d1) -> (0, 0, 0, 0)>
#map1 = affine_map<(d0, d1) -> (0, 0)>
#map2 = affine_map<(d0, d1) -> (0, 0, 0, 0, 0)>
module attributes {stable_mosaic.version = 14 : i64} {
  func.func @_sc_body(%arg0: i32, %arg1: i32, %arg2: memref<25x32x8x128xi32, #tpu.memory_space<hbm>>, %arg3: memref<1015808x32xf32, #tpu.memory_space<hbm>>, %arg4: memref<200x32xf32, #tpu.memory_space<hbm>>, %arg5: memref<200x4x32x8x128xf32, #tpu.memory_space<hbm>>, %arg6: memref<25x8x128xi32, #tpu.memory_space<vmem>>, %arg7: memref<200x32xf32, #tpu.memory_space<vmem>>, %arg8: memref<128x32xf32, #tpu.memory_space<vmem>>, %arg9: memref<128x32xf32, #tpu.memory_space<vmem>>, %arg10: memref<128x32xf32, #tpu.memory_space<vmem>>, %arg11: memref<128x32xf32, #tpu.memory_space<vmem>>, %arg12: memref<4x8x129xf32, #tpu.memory_space<vmem>>, %arg13: memref<4x8x129xf32, #tpu.memory_space<vmem>>, %arg14: memref<4x8x129xf32, #tpu.memory_space<vmem>>, %arg15: memref<4x8x129xf32, #tpu.memory_space<vmem>>, %arg16: memref<!tpu.dma_semaphore, #tpu.memory_space<semaphore_mem>>, %arg17: memref<!tpu.dma_semaphore, #tpu.memory_space<semaphore_mem>>, %arg18: memref<!tpu.dma_semaphore, #tpu.memory_space<semaphore_mem>>, %arg19: memref<!tpu.dma_semaphore, #tpu.memory_space<semaphore_mem>>, %arg20: memref<!tpu.dma_semaphore, #tpu.memory_space<semaphore_mem>>, %arg21: memref<!tpu.dma_semaphore, #tpu.memory_space<semaphore_mem>>, %arg22: memref<!tpu.dma_semaphore, #tpu.memory_space<semaphore_mem>>, %arg23: memref<!tpu.dma_semaphore, #tpu.memory_space<semaphore_mem>>, %arg24: memref<!tpu.dma_semaphore, #tpu.memory_space<semaphore_mem>>) attributes {dimension_semantics = [#tpu.dimension_semantics<core_parallel>, #tpu.dimension_semantics<subcore_parallel>], iteration_bounds = array<i64: 2, 16>, scalar_prefetch = 0 : i64, scratch_operands = 19 : i64, tpu.core_type = #tpu.core_type<sc_vector_subcore>, window_params = [{transform_indices = #map}, {transform_indices = #map1}, {transform_indices = #map1}, {transform_indices = #map2}]} {
    %mul3A = arith.constant 2 : i32
    %mul3A_0 = arith.muli %arg1, %mul3A : i32
    %add3A = arith.addi %mul3A_0, %arg0 : i32
    %dma_start3A = arith.constant 0 : i32
    %dma_start3A_1 = arith.constant 0 : i32
    %dma_start3A_2 = arith.constant 0 : i32
    %dma_start3A_3 = arith.constant 0 : i32
    %dma_start3A_4 = tpu.memref_slice %arg6[%dma_start3A_1, %dma_start3A_2, %dma_start3A_3] : memref<25x8x128xi32, #tpu.memory_space<vmem>> -> memref<1x8x128xi32, #tpu.memory_space<vmem>>
    %dma_start3A_5 = tpu.memref_squeeze %dma_start3A_4 : memref<1x8x128xi32, #tpu.memory_space<vmem>> -> memref<8x128xi32, #tpu.memory_space<vmem>>
    %dma_start3A_6 = arith.constant 0 : i32
    %dma_start3A_7 = arith.constant 0 : i32
    %dma_start3A_8 = tpu.memref_slice %arg2[%dma_start3A, %add3A, %dma_start3A_6, %dma_start3A_7] : memref<25x32x8x128xi32, #tpu.memory_space<hbm>> -> memref<1x1x8x128xi32, #tpu.memory_space<hbm>>
    %dma_start3A_9 = tpu.memref_squeeze %dma_start3A_8 : memref<1x1x8x128xi32, #tpu.memory_space<hbm>> -> memref<8x128xi32, #tpu.memory_space<hbm>>
    %dma_start3A_10 = arith.constant 0 : i32
    %dma_start3A_11 = arith.constant 0 : i32
    %dma_start3A_12 = tpu.memref_slice %arg6[%dma_start3A_1, %dma_start3A_10, %dma_start3A_11] : memref<25x8x128xi32, #tpu.memory_space<vmem>> -> memref<1x8x128xi32, #tpu.memory_space<vmem>>
    %dma_start3A_13 = tpu.memref_squeeze %dma_start3A_12 : memref<1x8x128xi32, #tpu.memory_space<vmem>> -> memref<8x128xi32, #tpu.memory_space<vmem>>
    %dma_start3A_14 = arith.constant 0 : i32
    %dma_start3A_15 = arith.constant 0 : i32
    %dma_start3A_16 = tpu.memref_slice %arg2[%dma_start3A, %add3A, %dma_start3A_14, %dma_start3A_15] : memref<25x32x8x128xi32, #tpu.memory_space<hbm>> -> memref<1x1x8x128xi32, #tpu.memory_space<hbm>>
    %dma_start3A_17 = tpu.memref_squeeze %dma_start3A_16 : memref<1x1x8x128xi32, #tpu.memory_space<hbm>> -> memref<8x128xi32, #tpu.memory_space<hbm>>
    tpu.enqueue_dma source(%dma_start3A_17 : memref<8x128xi32, #tpu.memory_space<hbm>>) target(%dma_start3A_13 : memref<8x128xi32, #tpu.memory_space<vmem>>) target_semaphore(%arg24 : memref<!tpu.dma_semaphore, #tpu.memory_space<semaphore_mem>>)
    %dma_start3A_18 = arith.constant 1 : i32
    %dma_start3A_19 = arith.constant 1 : i32
    %dma_start3A_20 = arith.constant 0 : i32
    %dma_start3A_21 = arith.constant 0 : i32
    %dma_start3A_22 = tpu.memref_slice %arg6[%dma_start3A_19, %dma_start3A_20, %dma_start3A_21] : memref<25x8x128xi32, #tpu.memory_space<vmem>> -> memref<1x8x128xi32, #tpu.memory_space<vmem>>
    %dma_start3A_23 = tpu.memref_squeeze %dma_start3A_22 : memref<1x8x128xi32, #tpu.memory_space<vmem>> -> memref<8x128xi32, #tpu.memory_space<vmem>>
    %dma_start3A_24 = arith.constant 0 : i32
    %dma_start3A_25 = arith.constant 0 : i32
    %dma_start3A_26 = tpu.memref_slice %arg2[%dma_start3A_18, %add3A, %dma_start3A_24, %dma_start3A_25] : memref<25x32x8x128xi32, #tpu.memory_space<hbm>> -> memref<1x1x8x128xi32, #tpu.memory_space<hbm>>
    %dma_start3A_27 = tpu.memref_squeeze %dma_start3A_26 : memref<1x1x8x128xi32, #tpu.memory_space<hbm>> -> memref<8x128xi32, #tpu.memory_space<hbm>>
    %dma_start3A_28 = arith.constant 0 : i32
    %dma_start3A_29 = arith.constant 0 : i32
    %dma_start3A_30 = tpu.memref_slice %arg6[%dma_start3A_19, %dma_start3A_28, %dma_start3A_29] : memref<25x8x128xi32, #tpu.memory_space<vmem>> -> memref<1x8x128xi32, #tpu.memory_space<vmem>>
    %dma_start3A_31 = tpu.memref_squeeze %dma_start3A_30 : memref<1x8x128xi32, #tpu.memory_space<vmem>> -> memref<8x128xi32, #tpu.memory_space<vmem>>
    %dma_start3A_32 = arith.constant 0 : i32
    %dma_start3A_33 = arith.constant 0 : i32
    %dma_start3A_34 = tpu.memref_slice %arg2[%dma_start3A_18, %add3A, %dma_start3A_32, %dma_start3A_33] : memref<25x32x8x128xi32, #tpu.memory_space<hbm>> -> memref<1x1x8x128xi32, #tpu.memory_space<hbm>>
    %dma_start3A_35 = tpu.memref_squeeze %dma_start3A_34 : memref<1x1x8x128xi32, #tpu.memory_space<hbm>> -> memref<8x128xi32, #tpu.memory_space<hbm>>
    tpu.enqueue_dma source(%dma_start3A_35 : memref<8x128xi32, #tpu.memory_space<hbm>>) target(%dma_start3A_31 : memref<8x128xi32, #tpu.memory_space<vmem>>) target_semaphore(%arg24 : memref<!tpu.dma_semaphore, #tpu.memory_space<semaphore_mem>>)
    %dma_start3A_36 = arith.constant 2 : i32
    %dma_start3A_37 = arith.constant 2 : i32
    %dma_start3A_38 = arith.constant 0 : i32
    %dma_start3A_39 = arith.constant 0 : i32
    %dma_start3A_40 = tpu.memref_slice %arg6[%dma_start3A_37, %dma_start3A_38, %dma_start3A_39] : memref<25x8x128xi32, #tpu.memory_space<vmem>> -> memref<1x8x128xi32, #tpu.memory_space<vmem>>
    %dma_start3A_41 = tpu.memref_squeeze %dma_start3A_40 : memref<1x8x128xi32, #tpu.memory_space<vmem>> -> memref<8x128xi32, #tpu.memory_space<vmem>>
    %dma_start3A_42 = arith.constant 0 : i32
    %dma_start3A_43 = arith.constant 0 : i32
    %dma_start3A_44 = tpu.memref_slice %arg2[%dma_start3A_36, %add3A, %dma_start3A_42, %dma_start3A_43] : memref<25x32x8x128xi32, #tpu.memory_space<hbm>> -> memref<1x1x8x128xi32, #tpu.memory_space<hbm>>
    %dma_start3A_45 = tpu.memref_squeeze %dma_start3A_44 : memref<1x1x8x128xi32, #tpu.memory_space<hbm>> -> memref<8x128xi32, #tpu.memory_space<hbm>>
    %dma_start3A_46 = arith.constant 0 : i32
    %dma_start3A_47 = arith.constant 0 : i32
    %dma_start3A_48 = tpu.memref_slice %arg6[%dma_start3A_37, %dma_start3A_46, %dma_start3A_47] : memref<25x8x128xi32, #tpu.memory_space<vmem>> -> memref<1x8x128xi32, #tpu.memory_space<vmem>>
    %dma_start3A_49 = tpu.memref_squeeze %dma_start3A_48 : memref<1x8x128xi32, #tpu.memory_space<vmem>> -> memref<8x128xi32, #tpu.memory_space<vmem>>
    %dma_start3A_50 = arith.constant 0 : i32
    %dma_start3A_51 = arith.constant 0 : i32
    %dma_start3A_52 = tpu.memref_slice %arg2[%dma_start3A_36, %add3A, %dma_start3A_50, %dma_start3A_51] : memref<25x32x8x128xi32, #tpu.memory_space<hbm>> -> memref<1x1x8x128xi32, #tpu.memory_space<hbm>>
    %dma_start3A_53 = tpu.memref_squeeze %dma_start3A_52 : memref<1x1x8x128xi32, #tpu.memory_space<hbm>> -> memref<8x128xi32, #tpu.memory_space<hbm>>
    tpu.enqueue_dma source(%dma_start3A_53 : memref<8x128xi32, #tpu.memory_space<hbm>>) target(%dma_start3A_49 : memref<8x128xi32, #tpu.memory_space<vmem>>) target_semaphore(%arg24 : memref<!tpu.dma_semaphore, #tpu.memory_space<semaphore_mem>>)
    %dma_start3A_54 = arith.constant 3 : i32
    %dma_start3A_55 = arith.constant 3 : i32
    %dma_start3A_56 = arith.constant 0 : i32
    %dma_start3A_57 = arith.constant 0 : i32
    %dma_start3A_58 = tpu.memref_slice %arg6[%dma_start3A_55, %dma_start3A_56, %dma_start3A_57] : memref<25x8x128xi32, #tpu.memory_space<vmem>> -> memref<1x8x128xi32, #tpu.memory_space<vmem>>
    %dma_start3A_59 = tpu.memref_squeeze %dma_start3A_58 : memref<1x8x128xi32, #tpu.memory_space<vmem>> -> memref<8x128xi32, #tpu.memory_space<vmem>>
    %dma_start3A_60 = arith.constant 0 : i32
    %dma_start3A_61 = arith.constant 0 : i32
    %dma_start3A_62 = tpu.memref_slice %arg2[%dma_start3A_54, %add3A, %dma_start3A_60, %dma_start3A_61] : memref<25x32x8x128xi32, #tpu.memory_space<hbm>> -> memref<1x1x8x128xi32, #tpu.memory_space<hbm>>
    %dma_start3A_63 = tpu.memref_squeeze %dma_start3A_62 : memref<1x1x8x128xi32, #tpu.memory_space<hbm>> -> memref<8x128xi32, #tpu.memory_space<hbm>>
    %dma_start3A_64 = arith.constant 0 : i32
    %dma_start3A_65 = arith.constant 0 : i32
    %dma_start3A_66 = tpu.memref_slice %arg6[%dma_start3A_55, %dma_start3A_64, %dma_start3A_65] : memref<25x8x128xi32, #tpu.memory_space<vmem>> -> memref<1x8x128xi32, #tpu.memory_space<vmem>>
    %dma_start3A_67 = tpu.memref_squeeze %dma_start3A_66 : memref<1x8x128xi32, #tpu.memory_space<vmem>> -> memref<8x128xi32, #tpu.memory_space<vmem>>
    %dma_start3A_68 = arith.constant 0 : i32
    %dma_start3A_69 = arith.constant 0 : i32
    %dma_start3A_70 = tpu.memref_slice %arg2[%dma_start3A_54, %add3A, %dma_start3A_68, %dma_start3A_69] : memref<25x32x8x128xi32, #tpu.memory_space<hbm>> -> memref<1x1x8x128xi32, #tpu.memory_space<hbm>>
    %dma_start3A_71 = tpu.memref_squeeze %dma_start3A_70 : memref<1x1x8x128xi32, #tpu.memory_space<hbm>> -> memref<8x128xi32, #tpu.memory_space<hbm>>
    tpu.enqueue_dma source(%dma_start3A_71 : memref<8x128xi32, #tpu.memory_space<hbm>>) target(%dma_start3A_67 : memref<8x128xi32, #tpu.memory_space<vmem>>) target_semaphore(%arg24 : memref<!tpu.dma_semaphore, #tpu.memory_space<semaphore_mem>>)
    %dma_start3A_72 = arith.constant 4 : i32
    %dma_start3A_73 = arith.constant 4 : i32
    %dma_start3A_74 = arith.constant 0 : i32
    %dma_start3A_75 = arith.constant 0 : i32
    %dma_start3A_76 = tpu.memref_slice %arg6[%dma_start3A_73, %dma_start3A_74, %dma_start3A_75] : memref<25x8x128xi32, #tpu.memory_space<vmem>> -> memref<1x8x128xi32, #tpu.memory_space<vmem>>
    %dma_start3A_77 = tpu.memref_squeeze %dma_start3A_76 : memref<1x8x128xi32, #tpu.memory_space<vmem>> -> memref<8x128xi32, #tpu.memory_space<vmem>>
    %dma_start3A_78 = arith.constant 0 : i32
    %dma_start3A_79 = arith.constant 0 : i32
    %dma_start3A_80 = tpu.memref_slice %arg2[%dma_start3A_72, %add3A, %dma_start3A_78, %dma_start3A_79] : memref<25x32x8x128xi32, #tpu.memory_space<hbm>> -> memref<1x1x8x128xi32, #tpu.memory_space<hbm>>
    %dma_start3A_81 = tpu.memref_squeeze %dma_start3A_80 : memref<1x1x8x128xi32, #tpu.memory_space<hbm>> -> memref<8x128xi32, #tpu.memory_space<hbm>>
    %dma_start3A_82 = arith.constant 0 : i32
    %dma_start3A_83 = arith.constant 0 : i32
    %dma_start3A_84 = tpu.memref_slice %arg6[%dma_start3A_73, %dma_start3A_82, %dma_start3A_83] : memref<25x8x128xi32, #tpu.memory_space<vmem>> -> memref<1x8x128xi32, #tpu.memory_space<vmem>>
    %dma_start3A_85 = tpu.memref_squeeze %dma_start3A_84 : memref<1x8x128xi32, #tpu.memory_space<vmem>> -> memref<8x128xi32, #tpu.memory_space<vmem>>
    %dma_start3A_86 = arith.constant 0 : i32
    %dma_start3A_87 = arith.constant 0 : i32
    %dma_start3A_88 = tpu.memref_slice %arg2[%dma_start3A_72, %add3A, %dma_start3A_86, %dma_start3A_87] : memref<25x32x8x128xi32, #tpu.memory_space<hbm>> -> memref<1x1x8x128xi32, #tpu.memory_space<hbm>>
    %dma_start3A_89 = tpu.memref_squeeze %dma_start3A_88 : memref<1x1x8x128xi32, #tpu.memory_space<hbm>> -> memref<8x128xi32, #tpu.memory_space<hbm>>
    tpu.enqueue_dma source(%dma_start3A_89 : memref<8x128xi32, #tpu.memory_space<hbm>>) target(%dma_start3A_85 : memref<8x128xi32, #tpu.memory_space<vmem>>) target_semaphore(%arg24 : memref<!tpu.dma_semaphore, #tpu.memory_space<semaphore_mem>>)
    %dma_start3A_90 = arith.constant 5 : i32
    %dma_start3A_91 = arith.constant 5 : i32
    %dma_start3A_92 = arith.constant 0 : i32
    %dma_start3A_93 = arith.constant 0 : i32
    %dma_start3A_94 = tpu.memref_slice %arg6[%dma_start3A_91, %dma_start3A_92, %dma_start3A_93] : memref<25x8x128xi32, #tpu.memory_space<vmem>> -> memref<1x8x128xi32, #tpu.memory_space<vmem>>
    %dma_start3A_95 = tpu.memref_squeeze %dma_start3A_94 : memref<1x8x128xi32, #tpu.memory_space<vmem>> -> memref<8x128xi32, #tpu.memory_space<vmem>>
    %dma_start3A_96 = arith.constant 0 : i32
    %dma_start3A_97 = arith.constant 0 : i32
    %dma_start3A_98 = tpu.memref_slice %arg2[%dma_start3A_90, %add3A, %dma_start3A_96, %dma_start3A_97] : memref<25x32x8x128xi32, #tpu.memory_space<hbm>> -> memref<1x1x8x128xi32, #tpu.memory_space<hbm>>
    %dma_start3A_99 = tpu.memref_squeeze %dma_start3A_98 : memref<1x1x8x128xi32, #tpu.memory_space<hbm>> -> memref<8x128xi32, #tpu.memory_space<hbm>>
    %dma_start3A_100 = arith.constant 0 : i32
    %dma_start3A_101 = arith.constant 0 : i32
    %dma_start3A_102 = tpu.memref_slice %arg6[%dma_start3A_91, %dma_start3A_100, %dma_start3A_101] : memref<25x8x128xi32, #tpu.memory_space<vmem>> -> memref<1x8x128xi32, #tpu.memory_space<vmem>>
    %dma_start3A_103 = tpu.memref_squeeze %dma_start3A_102 : memref<1x8x128xi32, #tpu.memory_space<vmem>> -> memref<8x128xi32, #tpu.memory_space<vmem>>
    %dma_start3A_104 = arith.constant 0 : i32
    %dma_start3A_105 = arith.constant 0 : i32
    %dma_start3A_106 = tpu.memref_slice %arg2[%dma_start3A_90, %add3A, %dma_start3A_104, %dma_start3A_105] : memref<25x32x8x128xi32, #tpu.memory_space<hbm>> -> memref<1x1x8x128xi32, #tpu.memory_space<hbm>>
    %dma_start3A_107 = tpu.memref_squeeze %dma_start3A_106 : memref<1x1x8x128xi32, #tpu.memory_space<hbm>> -> memref<8x128xi32, #tpu.memory_space<hbm>>
    tpu.enqueue_dma source(%dma_start3A_107 : memref<8x128xi32, #tpu.memory_space<hbm>>) target(%dma_start3A_103 : memref<8x128xi32, #tpu.memory_space<vmem>>) target_semaphore(%arg24 : memref<!tpu.dma_semaphore, #tpu.memory_space<semaphore_mem>>)
    %dma_start3A_108 = arith.constant 6 : i32
    %dma_start3A_109 = arith.constant 6 : i32
    %dma_start3A_110 = arith.constant 0 : i32
    %dma_start3A_111 = arith.constant 0 : i32
    %dma_start3A_112 = tpu.memref_slice %arg6[%dma_start3A_109, %dma_start3A_110, %dma_start3A_111] : memref<25x8x128xi32, #tpu.memory_space<vmem>> -> memref<1x8x128xi32, #tpu.memory_space<vmem>>
    %dma_start3A_113 = tpu.memref_squeeze %dma_start3A_112 : memref<1x8x128xi32, #tpu.memory_space<vmem>> -> memref<8x128xi32, #tpu.memory_space<vmem>>
    %dma_start3A_114 = arith.constant 0 : i32
    %dma_start3A_115 = arith.constant 0 : i32
    %dma_start3A_116 = tpu.memref_slice %arg2[%dma_start3A_108, %add3A, %dma_start3A_114, %dma_start3A_115] : memref<25x32x8x128xi32, #tpu.memory_space<hbm>> -> memref<1x1x8x128xi32, #tpu.memory_space<hbm>>
    %dma_start3A_117 = tpu.memref_squeeze %dma_start3A_116 : memref<1x1x8x128xi32, #tpu.memory_space<hbm>> -> memref<8x128xi32, #tpu.memory_space<hbm>>
    %dma_start3A_118 = arith.constant 0 : i32
    %dma_start3A_119 = arith.constant 0 : i32
    %dma_start3A_120 = tpu.memref_slice %arg6[%dma_start3A_109, %dma_start3A_118, %dma_start3A_119] : memref<25x8x128xi32, #tpu.memory_space<vmem>> -> memref<1x8x128xi32, #tpu.memory_space<vmem>>
    %dma_start3A_121 = tpu.memref_squeeze %dma_start3A_120 : memref<1x8x128xi32, #tpu.memory_space<vmem>> -> memref<8x128xi32, #tpu.memory_space<vmem>>
    %dma_start3A_122 = arith.constant 0 : i32
    %dma_start3A_123 = arith.constant 0 : i32
    %dma_start3A_124 = tpu.memref_slice %arg2[%dma_start3A_108, %add3A, %dma_start3A_122, %dma_start3A_123] : memref<25x32x8x128xi32, #tpu.memory_space<hbm>> -> memref<1x1x8x128xi32, #tpu.memory_space<hbm>>
    %dma_start3A_125 = tpu.memref_squeeze %dma_start3A_124 : memref<1x1x8x128xi32, #tpu.memory_space<hbm>> -> memref<8x128xi32, #tpu.memory_space<hbm>>
    tpu.enqueue_dma source(%dma_start3A_125 : memref<8x128xi32, #tpu.memory_space<hbm>>) target(%dma_start3A_121 : memref<8x128xi32, #tpu.memory_space<vmem>>) target_semaphore(%arg24 : memref<!tpu.dma_semaphore, #tpu.memory_space<semaphore_mem>>)
    %dma_start3A_126 = arith.constant 7 : i32
    %dma_start3A_127 = arith.constant 7 : i32
    %dma_start3A_128 = arith.constant 0 : i32
    %dma_start3A_129 = arith.constant 0 : i32
    %dma_start3A_130 = tpu.memref_slice %arg6[%dma_start3A_127, %dma_start3A_128, %dma_start3A_129] : memref<25x8x128xi32, #tpu.memory_space<vmem>> -> memref<1x8x128xi32, #tpu.memory_space<vmem>>
    %dma_start3A_131 = tpu.memref_squeeze %dma_start3A_130 : memref<1x8x128xi32, #tpu.memory_space<vmem>> -> memref<8x128xi32, #tpu.memory_space<vmem>>
    %dma_start3A_132 = arith.constant 0 : i32
    %dma_start3A_133 = arith.constant 0 : i32
    %dma_start3A_134 = tpu.memref_slice %arg2[%dma_start3A_126, %add3A, %dma_start3A_132, %dma_start3A_133] : memref<25x32x8x128xi32, #tpu.memory_space<hbm>> -> memref<1x1x8x128xi32, #tpu.memory_space<hbm>>
    %dma_start3A_135 = tpu.memref_squeeze %dma_start3A_134 : memref<1x1x8x128xi32, #tpu.memory_space<hbm>> -> memref<8x128xi32, #tpu.memory_space<hbm>>
    %dma_start3A_136 = arith.constant 0 : i32
    %dma_start3A_137 = arith.constant 0 : i32
    %dma_start3A_138 = tpu.memref_slice %arg6[%dma_start3A_127, %dma_start3A_136, %dma_start3A_137] : memref<25x8x128xi32, #tpu.memory_space<vmem>> -> memref<1x8x128xi32, #tpu.memory_space<vmem>>
    %dma_start3A_139 = tpu.memref_squeeze %dma_start3A_138 : memref<1x8x128xi32, #tpu.memory_space<vmem>> -> memref<8x128xi32, #tpu.memory_space<vmem>>
    %dma_start3A_140 = arith.constant 0 : i32
    %dma_start3A_141 = arith.constant 0 : i32
    %dma_start3A_142 = tpu.memref_slice %arg2[%dma_start3A_126, %add3A, %dma_start3A_140, %dma_start3A_141] : memref<25x32x8x128xi32, #tpu.memory_space<hbm>> -> memref<1x1x8x128xi32, #tpu.memory_space<hbm>>
    %dma_start3A_143 = tpu.memref_squeeze %dma_start3A_142 : memref<1x1x8x128xi32, #tpu.memory_space<hbm>> -> memref<8x128xi32, #tpu.memory_space<hbm>>
    tpu.enqueue_dma source(%dma_start3A_143 : memref<8x128xi32, #tpu.memory_space<hbm>>) target(%dma_start3A_139 : memref<8x128xi32, #tpu.memory_space<vmem>>) target_semaphore(%arg24 : memref<!tpu.dma_semaphore, #tpu.memory_space<semaphore_mem>>)
    %dma_start3A_144 = arith.constant 8 : i32
    %dma_start3A_145 = arith.constant 8 : i32
    %dma_start3A_146 = arith.constant 0 : i32
    %dma_start3A_147 = arith.constant 0 : i32
    %dma_start3A_148 = tpu.memref_slice %arg6[%dma_start3A_145, %dma_start3A_146, %dma_start3A_147] : memref<25x8x128xi32, #tpu.memory_space<vmem>> -> memref<1x8x128xi32, #tpu.memory_space<vmem>>
    %dma_start3A_149 = tpu.memref_squeeze %dma_start3A_148 : memref<1x8x128xi32, #tpu.memory_space<vmem>> -> memref<8x128xi32, #tpu.memory_space<vmem>>
    %dma_start3A_150 = arith.constant 0 : i32
    %dma_start3A_151 = arith.constant 0 : i32
    %dma_start3A_152 = tpu.memref_slice %arg2[%dma_start3A_144, %add3A, %dma_start3A_150, %dma_start3A_151] : memref<25x32x8x128xi32, #tpu.memory_space<hbm>> -> memref<1x1x8x128xi32, #tpu.memory_space<hbm>>
    %dma_start3A_153 = tpu.memref_squeeze %dma_start3A_152 : memref<1x1x8x128xi32, #tpu.memory_space<hbm>> -> memref<8x128xi32, #tpu.memory_space<hbm>>
    %dma_start3A_154 = arith.constant 0 : i32
    %dma_start3A_155 = arith.constant 0 : i32
    %dma_start3A_156 = tpu.memref_slice %arg6[%dma_start3A_145, %dma_start3A_154, %dma_start3A_155] : memref<25x8x128xi32, #tpu.memory_space<vmem>> -> memref<1x8x128xi32, #tpu.memory_space<vmem>>
    %dma_start3A_157 = tpu.memref_squeeze %dma_start3A_156 : memref<1x8x128xi32, #tpu.memory_space<vmem>> -> memref<8x128xi32, #tpu.memory_space<vmem>>
    %dma_start3A_158 = arith.constant 0 : i32
    %dma_start3A_159 = arith.constant 0 : i32
    %dma_start3A_160 = tpu.memref_slice %arg2[%dma_start3A_144, %add3A, %dma_start3A_158, %dma_start3A_159] : memref<25x32x8x128xi32, #tpu.memory_space<hbm>> -> memref<1x1x8x128xi32, #tpu.memory_space<hbm>>
    %dma_start3A_161 = tpu.memref_squeeze %dma_start3A_160 : memref<1x1x8x128xi32, #tpu.memory_space<hbm>> -> memref<8x128xi32, #tpu.memory_space<hbm>>
    tpu.enqueue_dma source(%dma_start3A_161 : memref<8x128xi32, #tpu.memory_space<hbm>>) target(%dma_start3A_157 : memref<8x128xi32, #tpu.memory_space<vmem>>) target_semaphore(%arg24 : memref<!tpu.dma_semaphore, #tpu.memory_space<semaphore_mem>>)
    %dma_start3A_162 = arith.constant 9 : i32
    %dma_start3A_163 = arith.constant 9 : i32
    %dma_start3A_164 = arith.constant 0 : i32
    %dma_start3A_165 = arith.constant 0 : i32
    %dma_start3A_166 = tpu.memref_slice %arg6[%dma_start3A_163, %dma_start3A_164, %dma_start3A_165] : memref<25x8x128xi32, #tpu.memory_space<vmem>> -> memref<1x8x128xi32, #tpu.memory_space<vmem>>
    %dma_start3A_167 = tpu.memref_squeeze %dma_start3A_166 : memref<1x8x128xi32, #tpu.memory_space<vmem>> -> memref<8x128xi32, #tpu.memory_space<vmem>>
    %dma_start3A_168 = arith.constant 0 : i32
    %dma_start3A_169 = arith.constant 0 : i32
    %dma_start3A_170 = tpu.memref_slice %arg2[%dma_start3A_162, %add3A, %dma_start3A_168, %dma_start3A_169] : memref<25x32x8x128xi32, #tpu.memory_space<hbm>> -> memref<1x1x8x128xi32, #tpu.memory_space<hbm>>
    %dma_start3A_171 = tpu.memref_squeeze %dma_start3A_170 : memref<1x1x8x128xi32, #tpu.memory_space<hbm>> -> memref<8x128xi32, #tpu.memory_space<hbm>>
    %dma_start3A_172 = arith.constant 0 : i32
    %dma_start3A_173 = arith.constant 0 : i32
    %dma_start3A_174 = tpu.memref_slice %arg6[%dma_start3A_163, %dma_start3A_172, %dma_start3A_173] : memref<25x8x128xi32, #tpu.memory_space<vmem>> -> memref<1x8x128xi32, #tpu.memory_space<vmem>>
    %dma_start3A_175 = tpu.memref_squeeze %dma_start3A_174 : memref<1x8x128xi32, #tpu.memory_space<vmem>> -> memref<8x128xi32, #tpu.memory_space<vmem>>
    %dma_start3A_176 = arith.constant 0 : i32
    %dma_start3A_177 = arith.constant 0 : i32
    %dma_start3A_178 = tpu.memref_slice %arg2[%dma_start3A_162, %add3A, %dma_start3A_176, %dma_start3A_177] : memref<25x32x8x128xi32, #tpu.memory_space<hbm>> -> memref<1x1x8x128xi32, #tpu.memory_space<hbm>>
    %dma_start3A_179 = tpu.memref_squeeze %dma_start3A_178 : memref<1x1x8x128xi32, #tpu.memory_space<hbm>> -> memref<8x128xi32, #tpu.memory_space<hbm>>
    tpu.enqueue_dma source(%dma_start3A_179 : memref<8x128xi32, #tpu.memory_space<hbm>>) target(%dma_start3A_175 : memref<8x128xi32, #tpu.memory_space<vmem>>) target_semaphore(%arg24 : memref<!tpu.dma_semaphore, #tpu.memory_space<semaphore_mem>>)
    %dma_start3A_180 = arith.constant 10 : i32
    %dma_start3A_181 = arith.constant 10 : i32
    %dma_start3A_182 = arith.constant 0 : i32
    %dma_start3A_183 = arith.constant 0 : i32
    %dma_start3A_184 = tpu.memref_slice %arg6[%dma_start3A_181, %dma_start3A_182, %dma_start3A_183] : memref<25x8x128xi32, #tpu.memory_space<vmem>> -> memref<1x8x128xi32, #tpu.memory_space<vmem>>
    %dma_start3A_185 = tpu.memref_squeeze %dma_start3A_184 : memref<1x8x128xi32, #tpu.memory_space<vmem>> -> memref<8x128xi32, #tpu.memory_space<vmem>>
    %dma_start3A_186 = arith.constant 0 : i32
    %dma_start3A_187 = arith.constant 0 : i32
    %dma_start3A_188 = tpu.memref_slice %arg2[%dma_start3A_180, %add3A, %dma_start3A_186, %dma_start3A_187] : memref<25x32x8x128xi32, #tpu.memory_space<hbm>> -> memref<1x1x8x128xi32, #tpu.memory_space<hbm>>
    %dma_start3A_189 = tpu.memref_squeeze %dma_start3A_188 : memref<1x1x8x128xi32, #tpu.memory_space<hbm>> -> memref<8x128xi32, #tpu.memory_space<hbm>>
    %dma_start3A_190 = arith.constant 0 : i32
    %dma_start3A_191 = arith.constant 0 : i32
    %dma_start3A_192 = tpu.memref_slice %arg6[%dma_start3A_181, %dma_start3A_190, %dma_start3A_191] : memref<25x8x128xi32, #tpu.memory_space<vmem>> -> memref<1x8x128xi32, #tpu.memory_space<vmem>>
    %dma_start3A_193 = tpu.memref_squeeze %dma_start3A_192 : memref<1x8x128xi32, #tpu.memory_space<vmem>> -> memref<8x128xi32, #tpu.memory_space<vmem>>
    %dma_start3A_194 = arith.constant 0 : i32
    %dma_start3A_195 = arith.constant 0 : i32
    %dma_start3A_196 = tpu.memref_slice %arg2[%dma_start3A_180, %add3A, %dma_start3A_194, %dma_start3A_195] : memref<25x32x8x128xi32, #tpu.memory_space<hbm>> -> memref<1x1x8x128xi32, #tpu.memory_space<hbm>>
    %dma_start3A_197 = tpu.memref_squeeze %dma_start3A_196 : memref<1x1x8x128xi32, #tpu.memory_space<hbm>> -> memref<8x128xi32, #tpu.memory_space<hbm>>
    tpu.enqueue_dma source(%dma_start3A_197 : memref<8x128xi32, #tpu.memory_space<hbm>>) target(%dma_start3A_193 : memref<8x128xi32, #tpu.memory_space<vmem>>) target_semaphore(%arg24 : memref<!tpu.dma_semaphore, #tpu.memory_space<semaphore_mem>>)
    %dma_start3A_198 = arith.constant 11 : i32
    %dma_start3A_199 = arith.constant 11 : i32
    %dma_start3A_200 = arith.constant 0 : i32
    %dma_start3A_201 = arith.constant 0 : i32
    %dma_start3A_202 = tpu.memref_slice %arg6[%dma_start3A_199, %dma_start3A_200, %dma_start3A_201] : memref<25x8x128xi32, #tpu.memory_space<vmem>> -> memref<1x8x128xi32, #tpu.memory_space<vmem>>
    %dma_start3A_203 = tpu.memref_squeeze %dma_start3A_202 : memref<1x8x128xi32, #tpu.memory_space<vmem>> -> memref<8x128xi32, #tpu.memory_space<vmem>>
    %dma_start3A_204 = arith.constant 0 : i32
    %dma_start3A_205 = arith.constant 0 : i32
    %dma_start3A_206 = tpu.memref_slice %arg2[%dma_start3A_198, %add3A, %dma_start3A_204, %dma_start3A_205] : memref<25x32x8x128xi32, #tpu.memory_space<hbm>> -> memref<1x1x8x128xi32, #tpu.memory_space<hbm>>
    %dma_start3A_207 = tpu.memref_squeeze %dma_start3A_206 : memref<1x1x8x128xi32, #tpu.memory_space<hbm>> -> memref<8x128xi32, #tpu.memory_space<hbm>>
    %dma_start3A_208 = arith.constant 0 : i32
    %dma_start3A_209 = arith.constant 0 : i32
    %dma_start3A_210 = tpu.memref_slice %arg6[%dma_start3A_199, %dma_start3A_208, %dma_start3A_209] : memref<25x8x128xi32, #tpu.memory_space<vmem>> -> memref<1x8x128xi32, #tpu.memory_space<vmem>>
    %dma_start3A_211 = tpu.memref_squeeze %dma_start3A_210 : memref<1x8x128xi32, #tpu.memory_space<vmem>> -> memref<8x128xi32, #tpu.memory_space<vmem>>
    %dma_start3A_212 = arith.constant 0 : i32
    %dma_start3A_213 = arith.constant 0 : i32
    %dma_start3A_214 = tpu.memref_slice %arg2[%dma_start3A_198, %add3A, %dma_start3A_212, %dma_start3A_213] : memref<25x32x8x128xi32, #tpu.memory_space<hbm>> -> memref<1x1x8x128xi32, #tpu.memory_space<hbm>>
    %dma_start3A_215 = tpu.memref_squeeze %dma_start3A_214 : memref<1x1x8x128xi32, #tpu.memory_space<hbm>> -> memref<8x128xi32, #tpu.memory_space<hbm>>
    tpu.enqueue_dma source(%dma_start3A_215 : memref<8x128xi32, #tpu.memory_space<hbm>>) target(%dma_start3A_211 : memref<8x128xi32, #tpu.memory_space<vmem>>) target_semaphore(%arg24 : memref<!tpu.dma_semaphore, #tpu.memory_space<semaphore_mem>>)
    %dma_start3A_216 = arith.constant 12 : i32
    %dma_start3A_217 = arith.constant 12 : i32
    %dma_start3A_218 = arith.constant 0 : i32
    %dma_start3A_219 = arith.constant 0 : i32
    %dma_start3A_220 = tpu.memref_slice %arg6[%dma_start3A_217, %dma_start3A_218, %dma_start3A_219] : memref<25x8x128xi32, #tpu.memory_space<vmem>> -> memref<1x8x128xi32, #tpu.memory_space<vmem>>
    %dma_start3A_221 = tpu.memref_squeeze %dma_start3A_220 : memref<1x8x128xi32, #tpu.memory_space<vmem>> -> memref<8x128xi32, #tpu.memory_space<vmem>>
    %dma_start3A_222 = arith.constant 0 : i32
    %dma_start3A_223 = arith.constant 0 : i32
    %dma_start3A_224 = tpu.memref_slice %arg2[%dma_start3A_216, %add3A, %dma_start3A_222, %dma_start3A_223] : memref<25x32x8x128xi32, #tpu.memory_space<hbm>> -> memref<1x1x8x128xi32, #tpu.memory_space<hbm>>
    %dma_start3A_225 = tpu.memref_squeeze %dma_start3A_224 : memref<1x1x8x128xi32, #tpu.memory_space<hbm>> -> memref<8x128xi32, #tpu.memory_space<hbm>>
    %dma_start3A_226 = arith.constant 0 : i32
    %dma_start3A_227 = arith.constant 0 : i32
    %dma_start3A_228 = tpu.memref_slice %arg6[%dma_start3A_217, %dma_start3A_226, %dma_start3A_227] : memref<25x8x128xi32, #tpu.memory_space<vmem>> -> memref<1x8x128xi32, #tpu.memory_space<vmem>>
    %dma_start3A_229 = tpu.memref_squeeze %dma_start3A_228 : memref<1x8x128xi32, #tpu.memory_space<vmem>> -> memref<8x128xi32, #tpu.memory_space<vmem>>
    %dma_start3A_230 = arith.constant 0 : i32
    %dma_start3A_231 = arith.constant 0 : i32
    %dma_start3A_232 = tpu.memref_slice %arg2[%dma_start3A_216, %add3A, %dma_start3A_230, %dma_start3A_231] : memref<25x32x8x128xi32, #tpu.memory_space<hbm>> -> memref<1x1x8x128xi32, #tpu.memory_space<hbm>>
    %dma_start3A_233 = tpu.memref_squeeze %dma_start3A_232 : memref<1x1x8x128xi32, #tpu.memory_space<hbm>> -> memref<8x128xi32, #tpu.memory_space<hbm>>
    tpu.enqueue_dma source(%dma_start3A_233 : memref<8x128xi32, #tpu.memory_space<hbm>>) target(%dma_start3A_229 : memref<8x128xi32, #tpu.memory_space<vmem>>) target_semaphore(%arg24 : memref<!tpu.dma_semaphore, #tpu.memory_space<semaphore_mem>>)
    %dma_start3A_234 = arith.constant 13 : i32
    %dma_start3A_235 = arith.constant 13 : i32
    %dma_start3A_236 = arith.constant 0 : i32
    %dma_start3A_237 = arith.constant 0 : i32
    %dma_start3A_238 = tpu.memref_slice %arg6[%dma_start3A_235, %dma_start3A_236, %dma_start3A_237] : memref<25x8x128xi32, #tpu.memory_space<vmem>> -> memref<1x8x128xi32, #tpu.memory_space<vmem>>
    %dma_start3A_239 = tpu.memref_squeeze %dma_start3A_238 : memref<1x8x128xi32, #tpu.memory_space<vmem>> -> memref<8x128xi32, #tpu.memory_space<vmem>>
    %dma_start3A_240 = arith.constant 0 : i32
    %dma_start3A_241 = arith.constant 0 : i32
    %dma_start3A_242 = tpu.memref_slice %arg2[%dma_start3A_234, %add3A, %dma_start3A_240, %dma_start3A_241] : memref<25x32x8x128xi32, #tpu.memory_space<hbm>> -> memref<1x1x8x128xi32, #tpu.memory_space<hbm>>
    %dma_start3A_243 = tpu.memref_squeeze %dma_start3A_242 : memref<1x1x8x128xi32, #tpu.memory_space<hbm>> -> memref<8x128xi32, #tpu.memory_space<hbm>>
    %dma_start3A_244 = arith.constant 0 : i32
    %dma_start3A_245 = arith.constant 0 : i32
    %dma_start3A_246 = tpu.memref_slice %arg6[%dma_start3A_235, %dma_start3A_244, %dma_start3A_245] : memref<25x8x128xi32, #tpu.memory_space<vmem>> -> memref<1x8x128xi32, #tpu.memory_space<vmem>>
    %dma_start3A_247 = tpu.memref_squeeze %dma_start3A_246 : memref<1x8x128xi32, #tpu.memory_space<vmem>> -> memref<8x128xi32, #tpu.memory_space<vmem>>
    %dma_start3A_248 = arith.constant 0 : i32
    %dma_start3A_249 = arith.constant 0 : i32
    %dma_start3A_250 = tpu.memref_slice %arg2[%dma_start3A_234, %add3A, %dma_start3A_248, %dma_start3A_249] : memref<25x32x8x128xi32, #tpu.memory_space<hbm>> -> memref<1x1x8x128xi32, #tpu.memory_space<hbm>>
    %dma_start3A_251 = tpu.memref_squeeze %dma_start3A_250 : memref<1x1x8x128xi32, #tpu.memory_space<hbm>> -> memref<8x128xi32, #tpu.memory_space<hbm>>
    tpu.enqueue_dma source(%dma_start3A_251 : memref<8x128xi32, #tpu.memory_space<hbm>>) target(%dma_start3A_247 : memref<8x128xi32, #tpu.memory_space<vmem>>) target_semaphore(%arg24 : memref<!tpu.dma_semaphore, #tpu.memory_space<semaphore_mem>>)
    %dma_start3A_252 = arith.constant 14 : i32
    %dma_start3A_253 = arith.constant 14 : i32
    %dma_start3A_254 = arith.constant 0 : i32
    %dma_start3A_255 = arith.constant 0 : i32
    %dma_start3A_256 = tpu.memref_slice %arg6[%dma_start3A_253, %dma_start3A_254, %dma_start3A_255] : memref<25x8x128xi32, #tpu.memory_space<vmem>> -> memref<1x8x128xi32, #tpu.memory_space<vmem>>
    %dma_start3A_257 = tpu.memref_squeeze %dma_start3A_256 : memref<1x8x128xi32, #tpu.memory_space<vmem>> -> memref<8x128xi32, #tpu.memory_space<vmem>>
    %dma_start3A_258 = arith.constant 0 : i32
    %dma_start3A_259 = arith.constant 0 : i32
    %dma_start3A_260 = tpu.memref_slice %arg2[%dma_start3A_252, %add3A, %dma_start3A_258, %dma_start3A_259] : memref<25x32x8x128xi32, #tpu.memory_space<hbm>> -> memref<1x1x8x128xi32, #tpu.memory_space<hbm>>
    %dma_start3A_261 = tpu.memref_squeeze %dma_start3A_260 : memref<1x1x8x128xi32, #tpu.memory_space<hbm>> -> memref<8x128xi32, #tpu.memory_space<hbm>>
    %dma_start3A_262 = arith.constant 0 : i32
    %dma_start3A_263 = arith.constant 0 : i32
    %dma_start3A_264 = tpu.memref_slice %arg6[%dma_start3A_253, %dma_start3A_262, %dma_start3A_263] : memref<25x8x128xi32, #tpu.memory_space<vmem>> -> memref<1x8x128xi32, #tpu.memory_space<vmem>>
    %dma_start3A_265 = tpu.memref_squeeze %dma_start3A_264 : memref<1x8x128xi32, #tpu.memory_space<vmem>> -> memref<8x128xi32, #tpu.memory_space<vmem>>
    %dma_start3A_266 = arith.constant 0 : i32
    %dma_start3A_267 = arith.constant 0 : i32
    %dma_start3A_268 = tpu.memref_slice %arg2[%dma_start3A_252, %add3A, %dma_start3A_266, %dma_start3A_267] : memref<25x32x8x128xi32, #tpu.memory_space<hbm>> -> memref<1x1x8x128xi32, #tpu.memory_space<hbm>>
    %dma_start3A_269 = tpu.memref_squeeze %dma_start3A_268 : memref<1x1x8x128xi32, #tpu.memory_space<hbm>> -> memref<8x128xi32, #tpu.memory_space<hbm>>
    tpu.enqueue_dma source(%dma_start3A_269 : memref<8x128xi32, #tpu.memory_space<hbm>>) target(%dma_start3A_265 : memref<8x128xi32, #tpu.memory_space<vmem>>) target_semaphore(%arg24 : memref<!tpu.dma_semaphore, #tpu.memory_space<semaphore_mem>>)
    %dma_start3A_270 = arith.constant 15 : i32
    %dma_start3A_271 = arith.constant 15 : i32
    %dma_start3A_272 = arith.constant 0 : i32
    %dma_start3A_273 = arith.constant 0 : i32
    %dma_start3A_274 = tpu.memref_slice %arg6[%dma_start3A_271, %dma_start3A_272, %dma_start3A_273] : memref<25x8x128xi32, #tpu.memory_space<vmem>> -> memref<1x8x128xi32, #tpu.memory_space<vmem>>
    %dma_start3A_275 = tpu.memref_squeeze %dma_start3A_274 : memref<1x8x128xi32, #tpu.memory_space<vmem>> -> memref<8x128xi32, #tpu.memory_space<vmem>>
    %dma_start3A_276 = arith.constant 0 : i32
    %dma_start3A_277 = arith.constant 0 : i32
    %dma_start3A_278 = tpu.memref_slice %arg2[%dma_start3A_270, %add3A, %dma_start3A_276, %dma_start3A_277] : memref<25x32x8x128xi32, #tpu.memory_space<hbm>> -> memref<1x1x8x128xi32, #tpu.memory_space<hbm>>
    %dma_start3A_279 = tpu.memref_squeeze %dma_start3A_278 : memref<1x1x8x128xi32, #tpu.memory_space<hbm>> -> memref<8x128xi32, #tpu.memory_space<hbm>>
    %dma_start3A_280 = arith.constant 0 : i32
    %dma_start3A_281 = arith.constant 0 : i32
    %dma_start3A_282 = tpu.memref_slice %arg6[%dma_start3A_271, %dma_start3A_280, %dma_start3A_281] : memref<25x8x128xi32, #tpu.memory_space<vmem>> -> memref<1x8x128xi32, #tpu.memory_space<vmem>>
    %dma_start3A_283 = tpu.memref_squeeze %dma_start3A_282 : memref<1x8x128xi32, #tpu.memory_space<vmem>> -> memref<8x128xi32, #tpu.memory_space<vmem>>
    %dma_start3A_284 = arith.constant 0 : i32
    %dma_start3A_285 = arith.constant 0 : i32
    %dma_start3A_286 = tpu.memref_slice %arg2[%dma_start3A_270, %add3A, %dma_start3A_284, %dma_start3A_285] : memref<25x32x8x128xi32, #tpu.memory_space<hbm>> -> memref<1x1x8x128xi32, #tpu.memory_space<hbm>>
    %dma_start3A_287 = tpu.memref_squeeze %dma_start3A_286 : memref<1x1x8x128xi32, #tpu.memory_space<hbm>> -> memref<8x128xi32, #tpu.memory_space<hbm>>
    tpu.enqueue_dma source(%dma_start3A_287 : memref<8x128xi32, #tpu.memory_space<hbm>>) target(%dma_start3A_283 : memref<8x128xi32, #tpu.memory_space<vmem>>) target_semaphore(%arg24 : memref<!tpu.dma_semaphore, #tpu.memory_space<semaphore_mem>>)
    %dma_start3A_288 = arith.constant 16 : i32
    %dma_start3A_289 = arith.constant 16 : i32
    %dma_start3A_290 = arith.constant 0 : i32
    %dma_start3A_291 = arith.constant 0 : i32
    %dma_start3A_292 = tpu.memref_slice %arg6[%dma_start3A_289, %dma_start3A_290, %dma_start3A_291] : memref<25x8x128xi32, #tpu.memory_space<vmem>> -> memref<1x8x128xi32, #tpu.memory_space<vmem>>
    %dma_start3A_293 = tpu.memref_squeeze %dma_start3A_292 : memref<1x8x128xi32, #tpu.memory_space<vmem>> -> memref<8x128xi32, #tpu.memory_space<vmem>>
    %dma_start3A_294 = arith.constant 0 : i32
    %dma_start3A_295 = arith.constant 0 : i32
    %dma_start3A_296 = tpu.memref_slice %arg2[%dma_start3A_288, %add3A, %dma_start3A_294, %dma_start3A_295] : memref<25x32x8x128xi32, #tpu.memory_space<hbm>> -> memref<1x1x8x128xi32, #tpu.memory_space<hbm>>
    %dma_start3A_297 = tpu.memref_squeeze %dma_start3A_296 : memref<1x1x8x128xi32, #tpu.memory_space<hbm>> -> memref<8x128xi32, #tpu.memory_space<hbm>>
    %dma_start3A_298 = arith.constant 0 : i32
    %dma_start3A_299 = arith.constant 0 : i32
    %dma_start3A_300 = tpu.memref_slice %arg6[%dma_start3A_289, %dma_start3A_298, %dma_start3A_299] : memref<25x8x128xi32, #tpu.memory_space<vmem>> -> memref<1x8x128xi32, #tpu.memory_space<vmem>>
    %dma_start3A_301 = tpu.memref_squeeze %dma_start3A_300 : memref<1x8x128xi32, #tpu.memory_space<vmem>> -> memref<8x128xi32, #tpu.memory_space<vmem>>
    %dma_start3A_302 = arith.constant 0 : i32
    %dma_start3A_303 = arith.constant 0 : i32
    %dma_start3A_304 = tpu.memref_slice %arg2[%dma_start3A_288, %add3A, %dma_start3A_302, %dma_start3A_303] : memref<25x32x8x128xi32, #tpu.memory_space<hbm>> -> memref<1x1x8x128xi32, #tpu.memory_space<hbm>>
    %dma_start3A_305 = tpu.memref_squeeze %dma_start3A_304 : memref<1x1x8x128xi32, #tpu.memory_space<hbm>> -> memref<8x128xi32, #tpu.memory_space<hbm>>
    tpu.enqueue_dma source(%dma_start3A_305 : memref<8x128xi32, #tpu.memory_space<hbm>>) target(%dma_start3A_301 : memref<8x128xi32, #tpu.memory_space<vmem>>) target_semaphore(%arg24 : memref<!tpu.dma_semaphore, #tpu.memory_space<semaphore_mem>>)
    %dma_start3A_306 = arith.constant 17 : i32
    %dma_start3A_307 = arith.constant 17 : i32
    %dma_start3A_308 = arith.constant 0 : i32
    %dma_start3A_309 = arith.constant 0 : i32
    %dma_start3A_310 = tpu.memref_slice %arg6[%dma_start3A_307, %dma_start3A_308, %dma_start3A_309] : memref<25x8x128xi32, #tpu.memory_space<vmem>> -> memref<1x8x128xi32, #tpu.memory_space<vmem>>
    %dma_start3A_311 = tpu.memref_squeeze %dma_start3A_310 : memref<1x8x128xi32, #tpu.memory_space<vmem>> -> memref<8x128xi32, #tpu.memory_space<vmem>>
    %dma_start3A_312 = arith.constant 0 : i32
    %dma_start3A_313 = arith.constant 0 : i32
    %dma_start3A_314 = tpu.memref_slice %arg2[%dma_start3A_306, %add3A, %dma_start3A_312, %dma_start3A_313] : memref<25x32x8x128xi32, #tpu.memory_space<hbm>> -> memref<1x1x8x128xi32, #tpu.memory_space<hbm>>
    %dma_start3A_315 = tpu.memref_squeeze %dma_start3A_314 : memref<1x1x8x128xi32, #tpu.memory_space<hbm>> -> memref<8x128xi32, #tpu.memory_space<hbm>>
    %dma_start3A_316 = arith.constant 0 : i32
    %dma_start3A_317 = arith.constant 0 : i32
    %dma_start3A_318 = tpu.memref_slice %arg6[%dma_start3A_307, %dma_start3A_316, %dma_start3A_317] : memref<25x8x128xi32, #tpu.memory_space<vmem>> -> memref<1x8x128xi32, #tpu.memory_space<vmem>>
    %dma_start3A_319 = tpu.memref_squeeze %dma_start3A_318 : memref<1x8x128xi32, #tpu.memory_space<vmem>> -> memref<8x128xi32, #tpu.memory_space<vmem>>
    %dma_start3A_320 = arith.constant 0 : i32
    %dma_start3A_321 = arith.constant 0 : i32
    %dma_start3A_322 = tpu.memref_slice %arg2[%dma_start3A_306, %add3A, %dma_start3A_320, %dma_start3A_321] : memref<25x32x8x128xi32, #tpu.memory_space<hbm>> -> memref<1x1x8x128xi32, #tpu.memory_space<hbm>>
    %dma_start3A_323 = tpu.memref_squeeze %dma_start3A_322 : memref<1x1x8x128xi32, #tpu.memory_space<hbm>> -> memref<8x128xi32, #tpu.memory_space<hbm>>
    tpu.enqueue_dma source(%dma_start3A_323 : memref<8x128xi32, #tpu.memory_space<hbm>>) target(%dma_start3A_319 : memref<8x128xi32, #tpu.memory_space<vmem>>) target_semaphore(%arg24 : memref<!tpu.dma_semaphore, #tpu.memory_space<semaphore_mem>>)
    %dma_start3A_324 = arith.constant 18 : i32
    %dma_start3A_325 = arith.constant 18 : i32
    %dma_start3A_326 = arith.constant 0 : i32
    %dma_start3A_327 = arith.constant 0 : i32
    %dma_start3A_328 = tpu.memref_slice %arg6[%dma_start3A_325, %dma_start3A_326, %dma_start3A_327] : memref<25x8x128xi32, #tpu.memory_space<vmem>> -> memref<1x8x128xi32, #tpu.memory_space<vmem>>
    %dma_start3A_329 = tpu.memref_squeeze %dma_start3A_328 : memref<1x8x128xi32, #tpu.memory_space<vmem>> -> memref<8x128xi32, #tpu.memory_space<vmem>>
    %dma_start3A_330 = arith.constant 0 : i32
    %dma_start3A_331 = arith.constant 0 : i32
    %dma_start3A_332 = tpu.memref_slice %arg2[%dma_start3A_324, %add3A, %dma_start3A_330, %dma_start3A_331] : memref<25x32x8x128xi32, #tpu.memory_space<hbm>> -> memref<1x1x8x128xi32, #tpu.memory_space<hbm>>
    %dma_start3A_333 = tpu.memref_squeeze %dma_start3A_332 : memref<1x1x8x128xi32, #tpu.memory_space<hbm>> -> memref<8x128xi32, #tpu.memory_space<hbm>>
    %dma_start3A_334 = arith.constant 0 : i32
    %dma_start3A_335 = arith.constant 0 : i32
    %dma_start3A_336 = tpu.memref_slice %arg6[%dma_start3A_325, %dma_start3A_334, %dma_start3A_335] : memref<25x8x128xi32, #tpu.memory_space<vmem>> -> memref<1x8x128xi32, #tpu.memory_space<vmem>>
    %dma_start3A_337 = tpu.memref_squeeze %dma_start3A_336 : memref<1x8x128xi32, #tpu.memory_space<vmem>> -> memref<8x128xi32, #tpu.memory_space<vmem>>
    %dma_start3A_338 = arith.constant 0 : i32
    %dma_start3A_339 = arith.constant 0 : i32
    %dma_start3A_340 = tpu.memref_slice %arg2[%dma_start3A_324, %add3A, %dma_start3A_338, %dma_start3A_339] : memref<25x32x8x128xi32, #tpu.memory_space<hbm>> -> memref<1x1x8x128xi32, #tpu.memory_space<hbm>>
    %dma_start3A_341 = tpu.memref_squeeze %dma_start3A_340 : memref<1x1x8x128xi32, #tpu.memory_space<hbm>> -> memref<8x128xi32, #tpu.memory_space<hbm>>
    tpu.enqueue_dma source(%dma_start3A_341 : memref<8x128xi32, #tpu.memory_space<hbm>>) target(%dma_start3A_337 : memref<8x128xi32, #tpu.memory_space<vmem>>) target_semaphore(%arg24 : memref<!tpu.dma_semaphore, #tpu.memory_space<semaphore_mem>>)
    %dma_start3A_342 = arith.constant 19 : i32
    %dma_start3A_343 = arith.constant 19 : i32
    %dma_start3A_344 = arith.constant 0 : i32
    %dma_start3A_345 = arith.constant 0 : i32
    %dma_start3A_346 = tpu.memref_slice %arg6[%dma_start3A_343, %dma_start3A_344, %dma_start3A_345] : memref<25x8x128xi32, #tpu.memory_space<vmem>> -> memref<1x8x128xi32, #tpu.memory_space<vmem>>
    %dma_start3A_347 = tpu.memref_squeeze %dma_start3A_346 : memref<1x8x128xi32, #tpu.memory_space<vmem>> -> memref<8x128xi32, #tpu.memory_space<vmem>>
    %dma_start3A_348 = arith.constant 0 : i32
    %dma_start3A_349 = arith.constant 0 : i32
    %dma_start3A_350 = tpu.memref_slice %arg2[%dma_start3A_342, %add3A, %dma_start3A_348, %dma_start3A_349] : memref<25x32x8x128xi32, #tpu.memory_space<hbm>> -> memref<1x1x8x128xi32, #tpu.memory_space<hbm>>
    %dma_start3A_351 = tpu.memref_squeeze %dma_start3A_350 : memref<1x1x8x128xi32, #tpu.memory_space<hbm>> -> memref<8x128xi32, #tpu.memory_space<hbm>>
    %dma_start3A_352 = arith.constant 0 : i32
    %dma_start3A_353 = arith.constant 0 : i32
    %dma_start3A_354 = tpu.memref_slice %arg6[%dma_start3A_343, %dma_start3A_352, %dma_start3A_353] : memref<25x8x128xi32, #tpu.memory_space<vmem>> -> memref<1x8x128xi32, #tpu.memory_space<vmem>>
    %dma_start3A_355 = tpu.memref_squeeze %dma_start3A_354 : memref<1x8x128xi32, #tpu.memory_space<vmem>> -> memref<8x128xi32, #tpu.memory_space<vmem>>
    %dma_start3A_356 = arith.constant 0 : i32
    %dma_start3A_357 = arith.constant 0 : i32
    %dma_start3A_358 = tpu.memref_slice %arg2[%dma_start3A_342, %add3A, %dma_start3A_356, %dma_start3A_357] : memref<25x32x8x128xi32, #tpu.memory_space<hbm>> -> memref<1x1x8x128xi32, #tpu.memory_space<hbm>>
    %dma_start3A_359 = tpu.memref_squeeze %dma_start3A_358 : memref<1x1x8x128xi32, #tpu.memory_space<hbm>> -> memref<8x128xi32, #tpu.memory_space<hbm>>
    tpu.enqueue_dma source(%dma_start3A_359 : memref<8x128xi32, #tpu.memory_space<hbm>>) target(%dma_start3A_355 : memref<8x128xi32, #tpu.memory_space<vmem>>) target_semaphore(%arg24 : memref<!tpu.dma_semaphore, #tpu.memory_space<semaphore_mem>>)
    %dma_start3A_360 = arith.constant 20 : i32
    %dma_start3A_361 = arith.constant 20 : i32
    %dma_start3A_362 = arith.constant 0 : i32
    %dma_start3A_363 = arith.constant 0 : i32
    %dma_start3A_364 = tpu.memref_slice %arg6[%dma_start3A_361, %dma_start3A_362, %dma_start3A_363] : memref<25x8x128xi32, #tpu.memory_space<vmem>> -> memref<1x8x128xi32, #tpu.memory_space<vmem>>
    %dma_start3A_365 = tpu.memref_squeeze %dma_start3A_364 : memref<1x8x128xi32, #tpu.memory_space<vmem>> -> memref<8x128xi32, #tpu.memory_space<vmem>>
    %dma_start3A_366 = arith.constant 0 : i32
    %dma_start3A_367 = arith.constant 0 : i32
    %dma_start3A_368 = tpu.memref_slice %arg2[%dma_start3A_360, %add3A, %dma_start3A_366, %dma_start3A_367] : memref<25x32x8x128xi32, #tpu.memory_space<hbm>> -> memref<1x1x8x128xi32, #tpu.memory_space<hbm>>
    %dma_start3A_369 = tpu.memref_squeeze %dma_start3A_368 : memref<1x1x8x128xi32, #tpu.memory_space<hbm>> -> memref<8x128xi32, #tpu.memory_space<hbm>>
    %dma_start3A_370 = arith.constant 0 : i32
    %dma_start3A_371 = arith.constant 0 : i32
    %dma_start3A_372 = tpu.memref_slice %arg6[%dma_start3A_361, %dma_start3A_370, %dma_start3A_371] : memref<25x8x128xi32, #tpu.memory_space<vmem>> -> memref<1x8x128xi32, #tpu.memory_space<vmem>>
    %dma_start3A_373 = tpu.memref_squeeze %dma_start3A_372 : memref<1x8x128xi32, #tpu.memory_space<vmem>> -> memref<8x128xi32, #tpu.memory_space<vmem>>
    %dma_start3A_374 = arith.constant 0 : i32
    %dma_start3A_375 = arith.constant 0 : i32
    %dma_start3A_376 = tpu.memref_slice %arg2[%dma_start3A_360, %add3A, %dma_start3A_374, %dma_start3A_375] : memref<25x32x8x128xi32, #tpu.memory_space<hbm>> -> memref<1x1x8x128xi32, #tpu.memory_space<hbm>>
    %dma_start3A_377 = tpu.memref_squeeze %dma_start3A_376 : memref<1x1x8x128xi32, #tpu.memory_space<hbm>> -> memref<8x128xi32, #tpu.memory_space<hbm>>
    tpu.enqueue_dma source(%dma_start3A_377 : memref<8x128xi32, #tpu.memory_space<hbm>>) target(%dma_start3A_373 : memref<8x128xi32, #tpu.memory_space<vmem>>) target_semaphore(%arg24 : memref<!tpu.dma_semaphore, #tpu.memory_space<semaphore_mem>>)
    %dma_start3A_378 = arith.constant 21 : i32
    %dma_start3A_379 = arith.constant 21 : i32
    %dma_start3A_380 = arith.constant 0 : i32
    %dma_start3A_381 = arith.constant 0 : i32
    %dma_start3A_382 = tpu.memref_slice %arg6[%dma_start3A_379, %dma_start3A_380, %dma_start3A_381] : memref<25x8x128xi32, #tpu.memory_space<vmem>> -> memref<1x8x128xi32, #tpu.memory_space<vmem>>
    %dma_start3A_383 = tpu.memref_squeeze %dma_start3A_382 : memref<1x8x128xi32, #tpu.memory_space<vmem>> -> memref<8x128xi32, #tpu.memory_space<vmem>>
    %dma_start3A_384 = arith.constant 0 : i32
    %dma_start3A_385 = arith.constant 0 : i32
    %dma_start3A_386 = tpu.memref_slice %arg2[%dma_start3A_378, %add3A, %dma_start3A_384, %dma_start3A_385] : memref<25x32x8x128xi32, #tpu.memory_space<hbm>> -> memref<1x1x8x128xi32, #tpu.memory_space<hbm>>
    %dma_start3A_387 = tpu.memref_squeeze %dma_start3A_386 : memref<1x1x8x128xi32, #tpu.memory_space<hbm>> -> memref<8x128xi32, #tpu.memory_space<hbm>>
    %dma_start3A_388 = arith.constant 0 : i32
    %dma_start3A_389 = arith.constant 0 : i32
    %dma_start3A_390 = tpu.memref_slice %arg6[%dma_start3A_379, %dma_start3A_388, %dma_start3A_389] : memref<25x8x128xi32, #tpu.memory_space<vmem>> -> memref<1x8x128xi32, #tpu.memory_space<vmem>>
    %dma_start3A_391 = tpu.memref_squeeze %dma_start3A_390 : memref<1x8x128xi32, #tpu.memory_space<vmem>> -> memref<8x128xi32, #tpu.memory_space<vmem>>
    %dma_start3A_392 = arith.constant 0 : i32
    %dma_start3A_393 = arith.constant 0 : i32
    %dma_start3A_394 = tpu.memref_slice %arg2[%dma_start3A_378, %add3A, %dma_start3A_392, %dma_start3A_393] : memref<25x32x8x128xi32, #tpu.memory_space<hbm>> -> memref<1x1x8x128xi32, #tpu.memory_space<hbm>>
    %dma_start3A_395 = tpu.memref_squeeze %dma_start3A_394 : memref<1x1x8x128xi32, #tpu.memory_space<hbm>> -> memref<8x128xi32, #tpu.memory_space<hbm>>
    tpu.enqueue_dma source(%dma_start3A_395 : memref<8x128xi32, #tpu.memory_space<hbm>>) target(%dma_start3A_391 : memref<8x128xi32, #tpu.memory_space<vmem>>) target_semaphore(%arg24 : memref<!tpu.dma_semaphore, #tpu.memory_space<semaphore_mem>>)
    %dma_start3A_396 = arith.constant 22 : i32
    %dma_start3A_397 = arith.constant 22 : i32
    %dma_start3A_398 = arith.constant 0 : i32
    %dma_start3A_399 = arith.constant 0 : i32
    %dma_start3A_400 = tpu.memref_slice %arg6[%dma_start3A_397, %dma_start3A_398, %dma_start3A_399] : memref<25x8x128xi32, #tpu.memory_space<vmem>> -> memref<1x8x128xi32, #tpu.memory_space<vmem>>
    %dma_start3A_401 = tpu.memref_squeeze %dma_start3A_400 : memref<1x8x128xi32, #tpu.memory_space<vmem>> -> memref<8x128xi32, #tpu.memory_space<vmem>>
    %dma_start3A_402 = arith.constant 0 : i32
    %dma_start3A_403 = arith.constant 0 : i32
    %dma_start3A_404 = tpu.memref_slice %arg2[%dma_start3A_396, %add3A, %dma_start3A_402, %dma_start3A_403] : memref<25x32x8x128xi32, #tpu.memory_space<hbm>> -> memref<1x1x8x128xi32, #tpu.memory_space<hbm>>
    %dma_start3A_405 = tpu.memref_squeeze %dma_start3A_404 : memref<1x1x8x128xi32, #tpu.memory_space<hbm>> -> memref<8x128xi32, #tpu.memory_space<hbm>>
    %dma_start3A_406 = arith.constant 0 : i32
    %dma_start3A_407 = arith.constant 0 : i32
    %dma_start3A_408 = tpu.memref_slice %arg6[%dma_start3A_397, %dma_start3A_406, %dma_start3A_407] : memref<25x8x128xi32, #tpu.memory_space<vmem>> -> memref<1x8x128xi32, #tpu.memory_space<vmem>>
    %dma_start3A_409 = tpu.memref_squeeze %dma_start3A_408 : memref<1x8x128xi32, #tpu.memory_space<vmem>> -> memref<8x128xi32, #tpu.memory_space<vmem>>
    %dma_start3A_410 = arith.constant 0 : i32
    %dma_start3A_411 = arith.constant 0 : i32
    %dma_start3A_412 = tpu.memref_slice %arg2[%dma_start3A_396, %add3A, %dma_start3A_410, %dma_start3A_411] : memref<25x32x8x128xi32, #tpu.memory_space<hbm>> -> memref<1x1x8x128xi32, #tpu.memory_space<hbm>>
    %dma_start3A_413 = tpu.memref_squeeze %dma_start3A_412 : memref<1x1x8x128xi32, #tpu.memory_space<hbm>> -> memref<8x128xi32, #tpu.memory_space<hbm>>
    tpu.enqueue_dma source(%dma_start3A_413 : memref<8x128xi32, #tpu.memory_space<hbm>>) target(%dma_start3A_409 : memref<8x128xi32, #tpu.memory_space<vmem>>) target_semaphore(%arg24 : memref<!tpu.dma_semaphore, #tpu.memory_space<semaphore_mem>>)
    %dma_start3A_414 = arith.constant 23 : i32
    %dma_start3A_415 = arith.constant 23 : i32
    %dma_start3A_416 = arith.constant 0 : i32
    %dma_start3A_417 = arith.constant 0 : i32
    %dma_start3A_418 = tpu.memref_slice %arg6[%dma_start3A_415, %dma_start3A_416, %dma_start3A_417] : memref<25x8x128xi32, #tpu.memory_space<vmem>> -> memref<1x8x128xi32, #tpu.memory_space<vmem>>
    %dma_start3A_419 = tpu.memref_squeeze %dma_start3A_418 : memref<1x8x128xi32, #tpu.memory_space<vmem>> -> memref<8x128xi32, #tpu.memory_space<vmem>>
    %dma_start3A_420 = arith.constant 0 : i32
    %dma_start3A_421 = arith.constant 0 : i32
    %dma_start3A_422 = tpu.memref_slice %arg2[%dma_start3A_414, %add3A, %dma_start3A_420, %dma_start3A_421] : memref<25x32x8x128xi32, #tpu.memory_space<hbm>> -> memref<1x1x8x128xi32, #tpu.memory_space<hbm>>
    %dma_start3A_423 = tpu.memref_squeeze %dma_start3A_422 : memref<1x1x8x128xi32, #tpu.memory_space<hbm>> -> memref<8x128xi32, #tpu.memory_space<hbm>>
    %dma_start3A_424 = arith.constant 0 : i32
    %dma_start3A_425 = arith.constant 0 : i32
    %dma_start3A_426 = tpu.memref_slice %arg6[%dma_start3A_415, %dma_start3A_424, %dma_start3A_425] : memref<25x8x128xi32, #tpu.memory_space<vmem>> -> memref<1x8x128xi32, #tpu.memory_space<vmem>>
    %dma_start3A_427 = tpu.memref_squeeze %dma_start3A_426 : memref<1x8x128xi32, #tpu.memory_space<vmem>> -> memref<8x128xi32, #tpu.memory_space<vmem>>
    %dma_start3A_428 = arith.constant 0 : i32
    %dma_start3A_429 = arith.constant 0 : i32
    %dma_start3A_430 = tpu.memref_slice %arg2[%dma_start3A_414, %add3A, %dma_start3A_428, %dma_start3A_429] : memref<25x32x8x128xi32, #tpu.memory_space<hbm>> -> memref<1x1x8x128xi32, #tpu.memory_space<hbm>>
    %dma_start3A_431 = tpu.memref_squeeze %dma_start3A_430 : memref<1x1x8x128xi32, #tpu.memory_space<hbm>> -> memref<8x128xi32, #tpu.memory_space<hbm>>
    tpu.enqueue_dma source(%dma_start3A_431 : memref<8x128xi32, #tpu.memory_space<hbm>>) target(%dma_start3A_427 : memref<8x128xi32, #tpu.memory_space<vmem>>) target_semaphore(%arg24 : memref<!tpu.dma_semaphore, #tpu.memory_space<semaphore_mem>>)
    %dma_start3A_432 = arith.constant 24 : i32
    %dma_start3A_433 = arith.constant 24 : i32
    %dma_start3A_434 = arith.constant 0 : i32
    %dma_start3A_435 = arith.constant 0 : i32
    %dma_start3A_436 = tpu.memref_slice %arg6[%dma_start3A_433, %dma_start3A_434, %dma_start3A_435] : memref<25x8x128xi32, #tpu.memory_space<vmem>> -> memref<1x8x128xi32, #tpu.memory_space<vmem>>
    %dma_start3A_437 = tpu.memref_squeeze %dma_start3A_436 : memref<1x8x128xi32, #tpu.memory_space<vmem>> -> memref<8x128xi32, #tpu.memory_space<vmem>>
    %dma_start3A_438 = arith.constant 0 : i32
    %dma_start3A_439 = arith.constant 0 : i32
    %dma_start3A_440 = tpu.memref_slice %arg2[%dma_start3A_432, %add3A, %dma_start3A_438, %dma_start3A_439] : memref<25x32x8x128xi32, #tpu.memory_space<hbm>> -> memref<1x1x8x128xi32, #tpu.memory_space<hbm>>
    %dma_start3A_441 = tpu.memref_squeeze %dma_start3A_440 : memref<1x1x8x128xi32, #tpu.memory_space<hbm>> -> memref<8x128xi32, #tpu.memory_space<hbm>>
    %dma_start3A_442 = arith.constant 0 : i32
    %dma_start3A_443 = arith.constant 0 : i32
    %dma_start3A_444 = tpu.memref_slice %arg6[%dma_start3A_433, %dma_start3A_442, %dma_start3A_443] : memref<25x8x128xi32, #tpu.memory_space<vmem>> -> memref<1x8x128xi32, #tpu.memory_space<vmem>>
    %dma_start3A_445 = tpu.memref_squeeze %dma_start3A_444 : memref<1x8x128xi32, #tpu.memory_space<vmem>> -> memref<8x128xi32, #tpu.memory_space<vmem>>
    %dma_start3A_446 = arith.constant 0 : i32
    %dma_start3A_447 = arith.constant 0 : i32
    %dma_start3A_448 = tpu.memref_slice %arg2[%dma_start3A_432, %add3A, %dma_start3A_446, %dma_start3A_447] : memref<25x32x8x128xi32, #tpu.memory_space<hbm>> -> memref<1x1x8x128xi32, #tpu.memory_space<hbm>>
    %dma_start3A_449 = tpu.memref_squeeze %dma_start3A_448 : memref<1x1x8x128xi32, #tpu.memory_space<hbm>> -> memref<8x128xi32, #tpu.memory_space<hbm>>
    tpu.enqueue_dma source(%dma_start3A_449 : memref<8x128xi32, #tpu.memory_space<hbm>>) target(%dma_start3A_445 : memref<8x128xi32, #tpu.memory_space<vmem>>) target_semaphore(%arg24 : memref<!tpu.dma_semaphore, #tpu.memory_space<semaphore_mem>>)
    tpu.enqueue_dma source(%arg4 : memref<200x32xf32, #tpu.memory_space<hbm>>) target(%arg7 : memref<200x32xf32, #tpu.memory_space<vmem>>) target_semaphore(%arg24 : memref<!tpu.dma_semaphore, #tpu.memory_space<semaphore_mem>>)
    %dma_wait3A = arith.constant 0 : i32
    %dma_wait3A_450 = arith.constant 0 : i32
    %dma_wait3A_451 = arith.constant 0 : i32
    %dma_wait3A_452 = arith.constant 0 : i32
    %dma_wait3A_453 = tpu.memref_slice %arg6[%dma_wait3A_450, %dma_wait3A_451, %dma_wait3A_452] : memref<25x8x128xi32, #tpu.memory_space<vmem>> -> memref<1x8x128xi32, #tpu.memory_space<vmem>>
    %dma_wait3A_454 = tpu.memref_squeeze %dma_wait3A_453 : memref<1x8x128xi32, #tpu.memory_space<vmem>> -> memref<8x128xi32, #tpu.memory_space<vmem>>
    %dma_wait3A_455 = arith.constant 0 : i32
    %dma_wait3A_456 = arith.constant 0 : i32
    %dma_wait3A_457 = tpu.memref_slice %arg2[%dma_wait3A, %add3A, %dma_wait3A_455, %dma_wait3A_456] : memref<25x32x8x128xi32, #tpu.memory_space<hbm>> -> memref<1x1x8x128xi32, #tpu.memory_space<hbm>>
    %dma_wait3A_458 = tpu.memref_squeeze %dma_wait3A_457 : memref<1x1x8x128xi32, #tpu.memory_space<hbm>> -> memref<8x128xi32, #tpu.memory_space<hbm>>
    %dma_wait3A_459 = arith.constant 0 : i32
    %dma_wait3A_460 = arith.constant 0 : i32
    %dma_wait3A_461 = tpu.memref_slice %arg6[%dma_wait3A_450, %dma_wait3A_459, %dma_wait3A_460] : memref<25x8x128xi32, #tpu.memory_space<vmem>> -> memref<1x8x128xi32, #tpu.memory_space<vmem>>
    %dma_wait3A_462 = tpu.memref_squeeze %dma_wait3A_461 : memref<1x8x128xi32, #tpu.memory_space<vmem>> -> memref<8x128xi32, #tpu.memory_space<vmem>>
    %dma_wait3A_463 = arith.constant 0 : i32
    %dma_wait3A_464 = arith.constant 0 : i32
    %dma_wait3A_465 = tpu.memref_slice %arg2[%dma_wait3A, %add3A, %dma_wait3A_463, %dma_wait3A_464] : memref<25x32x8x128xi32, #tpu.memory_space<hbm>> -> memref<1x1x8x128xi32, #tpu.memory_space<hbm>>
    %dma_wait3A_466 = tpu.memref_squeeze %dma_wait3A_465 : memref<1x1x8x128xi32, #tpu.memory_space<hbm>> -> memref<8x128xi32, #tpu.memory_space<hbm>>
    tpu.wait_dma2 semaphore(%arg24 : memref<!tpu.dma_semaphore, #tpu.memory_space<semaphore_mem>>) src(%dma_wait3A_466 : memref<8x128xi32, #tpu.memory_space<hbm>>) dst(%dma_wait3A_462 : memref<8x128xi32, #tpu.memory_space<vmem>>)
    %dma_wait3A_467 = arith.constant 1 : i32
    %dma_wait3A_468 = arith.constant 1 : i32
    %dma_wait3A_469 = arith.constant 0 : i32
    %dma_wait3A_470 = arith.constant 0 : i32
    %dma_wait3A_471 = tpu.memref_slice %arg6[%dma_wait3A_468, %dma_wait3A_469, %dma_wait3A_470] : memref<25x8x128xi32, #tpu.memory_space<vmem>> -> memref<1x8x128xi32, #tpu.memory_space<vmem>>
    %dma_wait3A_472 = tpu.memref_squeeze %dma_wait3A_471 : memref<1x8x128xi32, #tpu.memory_space<vmem>> -> memref<8x128xi32, #tpu.memory_space<vmem>>
    %dma_wait3A_473 = arith.constant 0 : i32
    %dma_wait3A_474 = arith.constant 0 : i32
    %dma_wait3A_475 = tpu.memref_slice %arg2[%dma_wait3A_467, %add3A, %dma_wait3A_473, %dma_wait3A_474] : memref<25x32x8x128xi32, #tpu.memory_space<hbm>> -> memref<1x1x8x128xi32, #tpu.memory_space<hbm>>
    %dma_wait3A_476 = tpu.memref_squeeze %dma_wait3A_475 : memref<1x1x8x128xi32, #tpu.memory_space<hbm>> -> memref<8x128xi32, #tpu.memory_space<hbm>>
    %dma_wait3A_477 = arith.constant 0 : i32
    %dma_wait3A_478 = arith.constant 0 : i32
    %dma_wait3A_479 = tpu.memref_slice %arg6[%dma_wait3A_468, %dma_wait3A_477, %dma_wait3A_478] : memref<25x8x128xi32, #tpu.memory_space<vmem>> -> memref<1x8x128xi32, #tpu.memory_space<vmem>>
    %dma_wait3A_480 = tpu.memref_squeeze %dma_wait3A_479 : memref<1x8x128xi32, #tpu.memory_space<vmem>> -> memref<8x128xi32, #tpu.memory_space<vmem>>
    %dma_wait3A_481 = arith.constant 0 : i32
    %dma_wait3A_482 = arith.constant 0 : i32
    %dma_wait3A_483 = tpu.memref_slice %arg2[%dma_wait3A_467, %add3A, %dma_wait3A_481, %dma_wait3A_482] : memref<25x32x8x128xi32, #tpu.memory_space<hbm>> -> memref<1x1x8x128xi32, #tpu.memory_space<hbm>>
    %dma_wait3A_484 = tpu.memref_squeeze %dma_wait3A_483 : memref<1x1x8x128xi32, #tpu.memory_space<hbm>> -> memref<8x128xi32, #tpu.memory_space<hbm>>
    tpu.wait_dma2 semaphore(%arg24 : memref<!tpu.dma_semaphore, #tpu.memory_space<semaphore_mem>>) src(%dma_wait3A_484 : memref<8x128xi32, #tpu.memory_space<hbm>>) dst(%dma_wait3A_480 : memref<8x128xi32, #tpu.memory_space<vmem>>)
    %dma_wait3A_485 = arith.constant 2 : i32
    %dma_wait3A_486 = arith.constant 2 : i32
    %dma_wait3A_487 = arith.constant 0 : i32
    %dma_wait3A_488 = arith.constant 0 : i32
    %dma_wait3A_489 = tpu.memref_slice %arg6[%dma_wait3A_486, %dma_wait3A_487, %dma_wait3A_488] : memref<25x8x128xi32, #tpu.memory_space<vmem>> -> memref<1x8x128xi32, #tpu.memory_space<vmem>>
    %dma_wait3A_490 = tpu.memref_squeeze %dma_wait3A_489 : memref<1x8x128xi32, #tpu.memory_space<vmem>> -> memref<8x128xi32, #tpu.memory_space<vmem>>
    %dma_wait3A_491 = arith.constant 0 : i32
    %dma_wait3A_492 = arith.constant 0 : i32
    %dma_wait3A_493 = tpu.memref_slice %arg2[%dma_wait3A_485, %add3A, %dma_wait3A_491, %dma_wait3A_492] : memref<25x32x8x128xi32, #tpu.memory_space<hbm>> -> memref<1x1x8x128xi32, #tpu.memory_space<hbm>>
    %dma_wait3A_494 = tpu.memref_squeeze %dma_wait3A_493 : memref<1x1x8x128xi32, #tpu.memory_space<hbm>> -> memref<8x128xi32, #tpu.memory_space<hbm>>
    %dma_wait3A_495 = arith.constant 0 : i32
    %dma_wait3A_496 = arith.constant 0 : i32
    %dma_wait3A_497 = tpu.memref_slice %arg6[%dma_wait3A_486, %dma_wait3A_495, %dma_wait3A_496] : memref<25x8x128xi32, #tpu.memory_space<vmem>> -> memref<1x8x128xi32, #tpu.memory_space<vmem>>
    %dma_wait3A_498 = tpu.memref_squeeze %dma_wait3A_497 : memref<1x8x128xi32, #tpu.memory_space<vmem>> -> memref<8x128xi32, #tpu.memory_space<vmem>>
    %dma_wait3A_499 = arith.constant 0 : i32
    %dma_wait3A_500 = arith.constant 0 : i32
    %dma_wait3A_501 = tpu.memref_slice %arg2[%dma_wait3A_485, %add3A, %dma_wait3A_499, %dma_wait3A_500] : memref<25x32x8x128xi32, #tpu.memory_space<hbm>> -> memref<1x1x8x128xi32, #tpu.memory_space<hbm>>
    %dma_wait3A_502 = tpu.memref_squeeze %dma_wait3A_501 : memref<1x1x8x128xi32, #tpu.memory_space<hbm>> -> memref<8x128xi32, #tpu.memory_space<hbm>>
    tpu.wait_dma2 semaphore(%arg24 : memref<!tpu.dma_semaphore, #tpu.memory_space<semaphore_mem>>) src(%dma_wait3A_502 : memref<8x128xi32, #tpu.memory_space<hbm>>) dst(%dma_wait3A_498 : memref<8x128xi32, #tpu.memory_space<vmem>>)
    %dma_wait3A_503 = arith.constant 3 : i32
    %dma_wait3A_504 = arith.constant 3 : i32
    %dma_wait3A_505 = arith.constant 0 : i32
    %dma_wait3A_506 = arith.constant 0 : i32
    %dma_wait3A_507 = tpu.memref_slice %arg6[%dma_wait3A_504, %dma_wait3A_505, %dma_wait3A_506] : memref<25x8x128xi32, #tpu.memory_space<vmem>> -> memref<1x8x128xi32, #tpu.memory_space<vmem>>
    %dma_wait3A_508 = tpu.memref_squeeze %dma_wait3A_507 : memref<1x8x128xi32, #tpu.memory_space<vmem>> -> memref<8x128xi32, #tpu.memory_space<vmem>>
    %dma_wait3A_509 = arith.constant 0 : i32
    %dma_wait3A_510 = arith.constant 0 : i32
    %dma_wait3A_511 = tpu.memref_slice %arg2[%dma_wait3A_503, %add3A, %dma_wait3A_509, %dma_wait3A_510] : memref<25x32x8x128xi32, #tpu.memory_space<hbm>> -> memref<1x1x8x128xi32, #tpu.memory_space<hbm>>
    %dma_wait3A_512 = tpu.memref_squeeze %dma_wait3A_511 : memref<1x1x8x128xi32, #tpu.memory_space<hbm>> -> memref<8x128xi32, #tpu.memory_space<hbm>>
    %dma_wait3A_513 = arith.constant 0 : i32
    %dma_wait3A_514 = arith.constant 0 : i32
    %dma_wait3A_515 = tpu.memref_slice %arg6[%dma_wait3A_504, %dma_wait3A_513, %dma_wait3A_514] : memref<25x8x128xi32, #tpu.memory_space<vmem>> -> memref<1x8x128xi32, #tpu.memory_space<vmem>>
    %dma_wait3A_516 = tpu.memref_squeeze %dma_wait3A_515 : memref<1x8x128xi32, #tpu.memory_space<vmem>> -> memref<8x128xi32, #tpu.memory_space<vmem>>
    %dma_wait3A_517 = arith.constant 0 : i32
    %dma_wait3A_518 = arith.constant 0 : i32
    %dma_wait3A_519 = tpu.memref_slice %arg2[%dma_wait3A_503, %add3A, %dma_wait3A_517, %dma_wait3A_518] : memref<25x32x8x128xi32, #tpu.memory_space<hbm>> -> memref<1x1x8x128xi32, #tpu.memory_space<hbm>>
    %dma_wait3A_520 = tpu.memref_squeeze %dma_wait3A_519 : memref<1x1x8x128xi32, #tpu.memory_space<hbm>> -> memref<8x128xi32, #tpu.memory_space<hbm>>
    tpu.wait_dma2 semaphore(%arg24 : memref<!tpu.dma_semaphore, #tpu.memory_space<semaphore_mem>>) src(%dma_wait3A_520 : memref<8x128xi32, #tpu.memory_space<hbm>>) dst(%dma_wait3A_516 : memref<8x128xi32, #tpu.memory_space<vmem>>)
    %dma_wait3A_521 = arith.constant 4 : i32
    %dma_wait3A_522 = arith.constant 4 : i32
    %dma_wait3A_523 = arith.constant 0 : i32
    %dma_wait3A_524 = arith.constant 0 : i32
    %dma_wait3A_525 = tpu.memref_slice %arg6[%dma_wait3A_522, %dma_wait3A_523, %dma_wait3A_524] : memref<25x8x128xi32, #tpu.memory_space<vmem>> -> memref<1x8x128xi32, #tpu.memory_space<vmem>>
    %dma_wait3A_526 = tpu.memref_squeeze %dma_wait3A_525 : memref<1x8x128xi32, #tpu.memory_space<vmem>> -> memref<8x128xi32, #tpu.memory_space<vmem>>
    %dma_wait3A_527 = arith.constant 0 : i32
    %dma_wait3A_528 = arith.constant 0 : i32
    %dma_wait3A_529 = tpu.memref_slice %arg2[%dma_wait3A_521, %add3A, %dma_wait3A_527, %dma_wait3A_528] : memref<25x32x8x128xi32, #tpu.memory_space<hbm>> -> memref<1x1x8x128xi32, #tpu.memory_space<hbm>>
    %dma_wait3A_530 = tpu.memref_squeeze %dma_wait3A_529 : memref<1x1x8x128xi32, #tpu.memory_space<hbm>> -> memref<8x128xi32, #tpu.memory_space<hbm>>
    %dma_wait3A_531 = arith.constant 0 : i32
    %dma_wait3A_532 = arith.constant 0 : i32
    %dma_wait3A_533 = tpu.memref_slice %arg6[%dma_wait3A_522, %dma_wait3A_531, %dma_wait3A_532] : memref<25x8x128xi32, #tpu.memory_space<vmem>> -> memref<1x8x128xi32, #tpu.memory_space<vmem>>
    %dma_wait3A_534 = tpu.memref_squeeze %dma_wait3A_533 : memref<1x8x128xi32, #tpu.memory_space<vmem>> -> memref<8x128xi32, #tpu.memory_space<vmem>>
    %dma_wait3A_535 = arith.constant 0 : i32
    %dma_wait3A_536 = arith.constant 0 : i32
    %dma_wait3A_537 = tpu.memref_slice %arg2[%dma_wait3A_521, %add3A, %dma_wait3A_535, %dma_wait3A_536] : memref<25x32x8x128xi32, #tpu.memory_space<hbm>> -> memref<1x1x8x128xi32, #tpu.memory_space<hbm>>
    %dma_wait3A_538 = tpu.memref_squeeze %dma_wait3A_537 : memref<1x1x8x128xi32, #tpu.memory_space<hbm>> -> memref<8x128xi32, #tpu.memory_space<hbm>>
    tpu.wait_dma2 semaphore(%arg24 : memref<!tpu.dma_semaphore, #tpu.memory_space<semaphore_mem>>) src(%dma_wait3A_538 : memref<8x128xi32, #tpu.memory_space<hbm>>) dst(%dma_wait3A_534 : memref<8x128xi32, #tpu.memory_space<vmem>>)
    %dma_wait3A_539 = arith.constant 5 : i32
    %dma_wait3A_540 = arith.constant 5 : i32
    %dma_wait3A_541 = arith.constant 0 : i32
    %dma_wait3A_542 = arith.constant 0 : i32
    %dma_wait3A_543 = tpu.memref_slice %arg6[%dma_wait3A_540, %dma_wait3A_541, %dma_wait3A_542] : memref<25x8x128xi32, #tpu.memory_space<vmem>> -> memref<1x8x128xi32, #tpu.memory_space<vmem>>
    %dma_wait3A_544 = tpu.memref_squeeze %dma_wait3A_543 : memref<1x8x128xi32, #tpu.memory_space<vmem>> -> memref<8x128xi32, #tpu.memory_space<vmem>>
    %dma_wait3A_545 = arith.constant 0 : i32
    %dma_wait3A_546 = arith.constant 0 : i32
    %dma_wait3A_547 = tpu.memref_slice %arg2[%dma_wait3A_539, %add3A, %dma_wait3A_545, %dma_wait3A_546] : memref<25x32x8x128xi32, #tpu.memory_space<hbm>> -> memref<1x1x8x128xi32, #tpu.memory_space<hbm>>
    %dma_wait3A_548 = tpu.memref_squeeze %dma_wait3A_547 : memref<1x1x8x128xi32, #tpu.memory_space<hbm>> -> memref<8x128xi32, #tpu.memory_space<hbm>>
    %dma_wait3A_549 = arith.constant 0 : i32
    %dma_wait3A_550 = arith.constant 0 : i32
    %dma_wait3A_551 = tpu.memref_slice %arg6[%dma_wait3A_540, %dma_wait3A_549, %dma_wait3A_550] : memref<25x8x128xi32, #tpu.memory_space<vmem>> -> memref<1x8x128xi32, #tpu.memory_space<vmem>>
    %dma_wait3A_552 = tpu.memref_squeeze %dma_wait3A_551 : memref<1x8x128xi32, #tpu.memory_space<vmem>> -> memref<8x128xi32, #tpu.memory_space<vmem>>
    %dma_wait3A_553 = arith.constant 0 : i32
    %dma_wait3A_554 = arith.constant 0 : i32
    %dma_wait3A_555 = tpu.memref_slice %arg2[%dma_wait3A_539, %add3A, %dma_wait3A_553, %dma_wait3A_554] : memref<25x32x8x128xi32, #tpu.memory_space<hbm>> -> memref<1x1x8x128xi32, #tpu.memory_space<hbm>>
    %dma_wait3A_556 = tpu.memref_squeeze %dma_wait3A_555 : memref<1x1x8x128xi32, #tpu.memory_space<hbm>> -> memref<8x128xi32, #tpu.memory_space<hbm>>
    tpu.wait_dma2 semaphore(%arg24 : memref<!tpu.dma_semaphore, #tpu.memory_space<semaphore_mem>>) src(%dma_wait3A_556 : memref<8x128xi32, #tpu.memory_space<hbm>>) dst(%dma_wait3A_552 : memref<8x128xi32, #tpu.memory_space<vmem>>)
    %dma_wait3A_557 = arith.constant 6 : i32
    %dma_wait3A_558 = arith.constant 6 : i32
    %dma_wait3A_559 = arith.constant 0 : i32
    %dma_wait3A_560 = arith.constant 0 : i32
    %dma_wait3A_561 = tpu.memref_slice %arg6[%dma_wait3A_558, %dma_wait3A_559, %dma_wait3A_560] : memref<25x8x128xi32, #tpu.memory_space<vmem>> -> memref<1x8x128xi32, #tpu.memory_space<vmem>>
    %dma_wait3A_562 = tpu.memref_squeeze %dma_wait3A_561 : memref<1x8x128xi32, #tpu.memory_space<vmem>> -> memref<8x128xi32, #tpu.memory_space<vmem>>
    %dma_wait3A_563 = arith.constant 0 : i32
    %dma_wait3A_564 = arith.constant 0 : i32
    %dma_wait3A_565 = tpu.memref_slice %arg2[%dma_wait3A_557, %add3A, %dma_wait3A_563, %dma_wait3A_564] : memref<25x32x8x128xi32, #tpu.memory_space<hbm>> -> memref<1x1x8x128xi32, #tpu.memory_space<hbm>>
    %dma_wait3A_566 = tpu.memref_squeeze %dma_wait3A_565 : memref<1x1x8x128xi32, #tpu.memory_space<hbm>> -> memref<8x128xi32, #tpu.memory_space<hbm>>
    %dma_wait3A_567 = arith.constant 0 : i32
    %dma_wait3A_568 = arith.constant 0 : i32
    %dma_wait3A_569 = tpu.memref_slice %arg6[%dma_wait3A_558, %dma_wait3A_567, %dma_wait3A_568] : memref<25x8x128xi32, #tpu.memory_space<vmem>> -> memref<1x8x128xi32, #tpu.memory_space<vmem>>
    %dma_wait3A_570 = tpu.memref_squeeze %dma_wait3A_569 : memref<1x8x128xi32, #tpu.memory_space<vmem>> -> memref<8x128xi32, #tpu.memory_space<vmem>>
    %dma_wait3A_571 = arith.constant 0 : i32
    %dma_wait3A_572 = arith.constant 0 : i32
    %dma_wait3A_573 = tpu.memref_slice %arg2[%dma_wait3A_557, %add3A, %dma_wait3A_571, %dma_wait3A_572] : memref<25x32x8x128xi32, #tpu.memory_space<hbm>> -> memref<1x1x8x128xi32, #tpu.memory_space<hbm>>
    %dma_wait3A_574 = tpu.memref_squeeze %dma_wait3A_573 : memref<1x1x8x128xi32, #tpu.memory_space<hbm>> -> memref<8x128xi32, #tpu.memory_space<hbm>>
    tpu.wait_dma2 semaphore(%arg24 : memref<!tpu.dma_semaphore, #tpu.memory_space<semaphore_mem>>) src(%dma_wait3A_574 : memref<8x128xi32, #tpu.memory_space<hbm>>) dst(%dma_wait3A_570 : memref<8x128xi32, #tpu.memory_space<vmem>>)
    %dma_wait3A_575 = arith.constant 7 : i32
    %dma_wait3A_576 = arith.constant 7 : i32
    %dma_wait3A_577 = arith.constant 0 : i32
    %dma_wait3A_578 = arith.constant 0 : i32
    %dma_wait3A_579 = tpu.memref_slice %arg6[%dma_wait3A_576, %dma_wait3A_577, %dma_wait3A_578] : memref<25x8x128xi32, #tpu.memory_space<vmem>> -> memref<1x8x128xi32, #tpu.memory_space<vmem>>
    %dma_wait3A_580 = tpu.memref_squeeze %dma_wait3A_579 : memref<1x8x128xi32, #tpu.memory_space<vmem>> -> memref<8x128xi32, #tpu.memory_space<vmem>>
    %dma_wait3A_581 = arith.constant 0 : i32
    %dma_wait3A_582 = arith.constant 0 : i32
    %dma_wait3A_583 = tpu.memref_slice %arg2[%dma_wait3A_575, %add3A, %dma_wait3A_581, %dma_wait3A_582] : memref<25x32x8x128xi32, #tpu.memory_space<hbm>> -> memref<1x1x8x128xi32, #tpu.memory_space<hbm>>
    %dma_wait3A_584 = tpu.memref_squeeze %dma_wait3A_583 : memref<1x1x8x128xi32, #tpu.memory_space<hbm>> -> memref<8x128xi32, #tpu.memory_space<hbm>>
    %dma_wait3A_585 = arith.constant 0 : i32
    %dma_wait3A_586 = arith.constant 0 : i32
    %dma_wait3A_587 = tpu.memref_slice %arg6[%dma_wait3A_576, %dma_wait3A_585, %dma_wait3A_586] : memref<25x8x128xi32, #tpu.memory_space<vmem>> -> memref<1x8x128xi32, #tpu.memory_space<vmem>>
    %dma_wait3A_588 = tpu.memref_squeeze %dma_wait3A_587 : memref<1x8x128xi32, #tpu.memory_space<vmem>> -> memref<8x128xi32, #tpu.memory_space<vmem>>
    %dma_wait3A_589 = arith.constant 0 : i32
    %dma_wait3A_590 = arith.constant 0 : i32
    %dma_wait3A_591 = tpu.memref_slice %arg2[%dma_wait3A_575, %add3A, %dma_wait3A_589, %dma_wait3A_590] : memref<25x32x8x128xi32, #tpu.memory_space<hbm>> -> memref<1x1x8x128xi32, #tpu.memory_space<hbm>>
    %dma_wait3A_592 = tpu.memref_squeeze %dma_wait3A_591 : memref<1x1x8x128xi32, #tpu.memory_space<hbm>> -> memref<8x128xi32, #tpu.memory_space<hbm>>
    tpu.wait_dma2 semaphore(%arg24 : memref<!tpu.dma_semaphore, #tpu.memory_space<semaphore_mem>>) src(%dma_wait3A_592 : memref<8x128xi32, #tpu.memory_space<hbm>>) dst(%dma_wait3A_588 : memref<8x128xi32, #tpu.memory_space<vmem>>)
    %dma_wait3A_593 = arith.constant 8 : i32
    %dma_wait3A_594 = arith.constant 8 : i32
    %dma_wait3A_595 = arith.constant 0 : i32
    %dma_wait3A_596 = arith.constant 0 : i32
    %dma_wait3A_597 = tpu.memref_slice %arg6[%dma_wait3A_594, %dma_wait3A_595, %dma_wait3A_596] : memref<25x8x128xi32, #tpu.memory_space<vmem>> -> memref<1x8x128xi32, #tpu.memory_space<vmem>>
    %dma_wait3A_598 = tpu.memref_squeeze %dma_wait3A_597 : memref<1x8x128xi32, #tpu.memory_space<vmem>> -> memref<8x128xi32, #tpu.memory_space<vmem>>
    %dma_wait3A_599 = arith.constant 0 : i32
    %dma_wait3A_600 = arith.constant 0 : i32
    %dma_wait3A_601 = tpu.memref_slice %arg2[%dma_wait3A_593, %add3A, %dma_wait3A_599, %dma_wait3A_600] : memref<25x32x8x128xi32, #tpu.memory_space<hbm>> -> memref<1x1x8x128xi32, #tpu.memory_space<hbm>>
    %dma_wait3A_602 = tpu.memref_squeeze %dma_wait3A_601 : memref<1x1x8x128xi32, #tpu.memory_space<hbm>> -> memref<8x128xi32, #tpu.memory_space<hbm>>
    %dma_wait3A_603 = arith.constant 0 : i32
    %dma_wait3A_604 = arith.constant 0 : i32
    %dma_wait3A_605 = tpu.memref_slice %arg6[%dma_wait3A_594, %dma_wait3A_603, %dma_wait3A_604] : memref<25x8x128xi32, #tpu.memory_space<vmem>> -> memref<1x8x128xi32, #tpu.memory_space<vmem>>
    %dma_wait3A_606 = tpu.memref_squeeze %dma_wait3A_605 : memref<1x8x128xi32, #tpu.memory_space<vmem>> -> memref<8x128xi32, #tpu.memory_space<vmem>>
    %dma_wait3A_607 = arith.constant 0 : i32
    %dma_wait3A_608 = arith.constant 0 : i32
    %dma_wait3A_609 = tpu.memref_slice %arg2[%dma_wait3A_593, %add3A, %dma_wait3A_607, %dma_wait3A_608] : memref<25x32x8x128xi32, #tpu.memory_space<hbm>> -> memref<1x1x8x128xi32, #tpu.memory_space<hbm>>
    %dma_wait3A_610 = tpu.memref_squeeze %dma_wait3A_609 : memref<1x1x8x128xi32, #tpu.memory_space<hbm>> -> memref<8x128xi32, #tpu.memory_space<hbm>>
    tpu.wait_dma2 semaphore(%arg24 : memref<!tpu.dma_semaphore, #tpu.memory_space<semaphore_mem>>) src(%dma_wait3A_610 : memref<8x128xi32, #tpu.memory_space<hbm>>) dst(%dma_wait3A_606 : memref<8x128xi32, #tpu.memory_space<vmem>>)
    %dma_wait3A_611 = arith.constant 9 : i32
    %dma_wait3A_612 = arith.constant 9 : i32
    %dma_wait3A_613 = arith.constant 0 : i32
    %dma_wait3A_614 = arith.constant 0 : i32
    %dma_wait3A_615 = tpu.memref_slice %arg6[%dma_wait3A_612, %dma_wait3A_613, %dma_wait3A_614] : memref<25x8x128xi32, #tpu.memory_space<vmem>> -> memref<1x8x128xi32, #tpu.memory_space<vmem>>
    %dma_wait3A_616 = tpu.memref_squeeze %dma_wait3A_615 : memref<1x8x128xi32, #tpu.memory_space<vmem>> -> memref<8x128xi32, #tpu.memory_space<vmem>>
    %dma_wait3A_617 = arith.constant 0 : i32
    %dma_wait3A_618 = arith.constant 0 : i32
    %dma_wait3A_619 = tpu.memref_slice %arg2[%dma_wait3A_611, %add3A, %dma_wait3A_617, %dma_wait3A_618] : memref<25x32x8x128xi32, #tpu.memory_space<hbm>> -> memref<1x1x8x128xi32, #tpu.memory_space<hbm>>
    %dma_wait3A_620 = tpu.memref_squeeze %dma_wait3A_619 : memref<1x1x8x128xi32, #tpu.memory_space<hbm>> -> memref<8x128xi32, #tpu.memory_space<hbm>>
    %dma_wait3A_621 = arith.constant 0 : i32
    %dma_wait3A_622 = arith.constant 0 : i32
    %dma_wait3A_623 = tpu.memref_slice %arg6[%dma_wait3A_612, %dma_wait3A_621, %dma_wait3A_622] : memref<25x8x128xi32, #tpu.memory_space<vmem>> -> memref<1x8x128xi32, #tpu.memory_space<vmem>>
    %dma_wait3A_624 = tpu.memref_squeeze %dma_wait3A_623 : memref<1x8x128xi32, #tpu.memory_space<vmem>> -> memref<8x128xi32, #tpu.memory_space<vmem>>
    %dma_wait3A_625 = arith.constant 0 : i32
    %dma_wait3A_626 = arith.constant 0 : i32
    %dma_wait3A_627 = tpu.memref_slice %arg2[%dma_wait3A_611, %add3A, %dma_wait3A_625, %dma_wait3A_626] : memref<25x32x8x128xi32, #tpu.memory_space<hbm>> -> memref<1x1x8x128xi32, #tpu.memory_space<hbm>>
    %dma_wait3A_628 = tpu.memref_squeeze %dma_wait3A_627 : memref<1x1x8x128xi32, #tpu.memory_space<hbm>> -> memref<8x128xi32, #tpu.memory_space<hbm>>
    tpu.wait_dma2 semaphore(%arg24 : memref<!tpu.dma_semaphore, #tpu.memory_space<semaphore_mem>>) src(%dma_wait3A_628 : memref<8x128xi32, #tpu.memory_space<hbm>>) dst(%dma_wait3A_624 : memref<8x128xi32, #tpu.memory_space<vmem>>)
    %dma_wait3A_629 = arith.constant 10 : i32
    %dma_wait3A_630 = arith.constant 10 : i32
    %dma_wait3A_631 = arith.constant 0 : i32
    %dma_wait3A_632 = arith.constant 0 : i32
    %dma_wait3A_633 = tpu.memref_slice %arg6[%dma_wait3A_630, %dma_wait3A_631, %dma_wait3A_632] : memref<25x8x128xi32, #tpu.memory_space<vmem>> -> memref<1x8x128xi32, #tpu.memory_space<vmem>>
    %dma_wait3A_634 = tpu.memref_squeeze %dma_wait3A_633 : memref<1x8x128xi32, #tpu.memory_space<vmem>> -> memref<8x128xi32, #tpu.memory_space<vmem>>
    %dma_wait3A_635 = arith.constant 0 : i32
    %dma_wait3A_636 = arith.constant 0 : i32
    %dma_wait3A_637 = tpu.memref_slice %arg2[%dma_wait3A_629, %add3A, %dma_wait3A_635, %dma_wait3A_636] : memref<25x32x8x128xi32, #tpu.memory_space<hbm>> -> memref<1x1x8x128xi32, #tpu.memory_space<hbm>>
    %dma_wait3A_638 = tpu.memref_squeeze %dma_wait3A_637 : memref<1x1x8x128xi32, #tpu.memory_space<hbm>> -> memref<8x128xi32, #tpu.memory_space<hbm>>
    %dma_wait3A_639 = arith.constant 0 : i32
    %dma_wait3A_640 = arith.constant 0 : i32
    %dma_wait3A_641 = tpu.memref_slice %arg6[%dma_wait3A_630, %dma_wait3A_639, %dma_wait3A_640] : memref<25x8x128xi32, #tpu.memory_space<vmem>> -> memref<1x8x128xi32, #tpu.memory_space<vmem>>
    %dma_wait3A_642 = tpu.memref_squeeze %dma_wait3A_641 : memref<1x8x128xi32, #tpu.memory_space<vmem>> -> memref<8x128xi32, #tpu.memory_space<vmem>>
    %dma_wait3A_643 = arith.constant 0 : i32
    %dma_wait3A_644 = arith.constant 0 : i32
    %dma_wait3A_645 = tpu.memref_slice %arg2[%dma_wait3A_629, %add3A, %dma_wait3A_643, %dma_wait3A_644] : memref<25x32x8x128xi32, #tpu.memory_space<hbm>> -> memref<1x1x8x128xi32, #tpu.memory_space<hbm>>
    %dma_wait3A_646 = tpu.memref_squeeze %dma_wait3A_645 : memref<1x1x8x128xi32, #tpu.memory_space<hbm>> -> memref<8x128xi32, #tpu.memory_space<hbm>>
    tpu.wait_dma2 semaphore(%arg24 : memref<!tpu.dma_semaphore, #tpu.memory_space<semaphore_mem>>) src(%dma_wait3A_646 : memref<8x128xi32, #tpu.memory_space<hbm>>) dst(%dma_wait3A_642 : memref<8x128xi32, #tpu.memory_space<vmem>>)
    %dma_wait3A_647 = arith.constant 11 : i32
    %dma_wait3A_648 = arith.constant 11 : i32
    %dma_wait3A_649 = arith.constant 0 : i32
    %dma_wait3A_650 = arith.constant 0 : i32
    %dma_wait3A_651 = tpu.memref_slice %arg6[%dma_wait3A_648, %dma_wait3A_649, %dma_wait3A_650] : memref<25x8x128xi32, #tpu.memory_space<vmem>> -> memref<1x8x128xi32, #tpu.memory_space<vmem>>
    %dma_wait3A_652 = tpu.memref_squeeze %dma_wait3A_651 : memref<1x8x128xi32, #tpu.memory_space<vmem>> -> memref<8x128xi32, #tpu.memory_space<vmem>>
    %dma_wait3A_653 = arith.constant 0 : i32
    %dma_wait3A_654 = arith.constant 0 : i32
    %dma_wait3A_655 = tpu.memref_slice %arg2[%dma_wait3A_647, %add3A, %dma_wait3A_653, %dma_wait3A_654] : memref<25x32x8x128xi32, #tpu.memory_space<hbm>> -> memref<1x1x8x128xi32, #tpu.memory_space<hbm>>
    %dma_wait3A_656 = tpu.memref_squeeze %dma_wait3A_655 : memref<1x1x8x128xi32, #tpu.memory_space<hbm>> -> memref<8x128xi32, #tpu.memory_space<hbm>>
    %dma_wait3A_657 = arith.constant 0 : i32
    %dma_wait3A_658 = arith.constant 0 : i32
    %dma_wait3A_659 = tpu.memref_slice %arg6[%dma_wait3A_648, %dma_wait3A_657, %dma_wait3A_658] : memref<25x8x128xi32, #tpu.memory_space<vmem>> -> memref<1x8x128xi32, #tpu.memory_space<vmem>>
    %dma_wait3A_660 = tpu.memref_squeeze %dma_wait3A_659 : memref<1x8x128xi32, #tpu.memory_space<vmem>> -> memref<8x128xi32, #tpu.memory_space<vmem>>
    %dma_wait3A_661 = arith.constant 0 : i32
    %dma_wait3A_662 = arith.constant 0 : i32
    %dma_wait3A_663 = tpu.memref_slice %arg2[%dma_wait3A_647, %add3A, %dma_wait3A_661, %dma_wait3A_662] : memref<25x32x8x128xi32, #tpu.memory_space<hbm>> -> memref<1x1x8x128xi32, #tpu.memory_space<hbm>>
    %dma_wait3A_664 = tpu.memref_squeeze %dma_wait3A_663 : memref<1x1x8x128xi32, #tpu.memory_space<hbm>> -> memref<8x128xi32, #tpu.memory_space<hbm>>
    tpu.wait_dma2 semaphore(%arg24 : memref<!tpu.dma_semaphore, #tpu.memory_space<semaphore_mem>>) src(%dma_wait3A_664 : memref<8x128xi32, #tpu.memory_space<hbm>>) dst(%dma_wait3A_660 : memref<8x128xi32, #tpu.memory_space<vmem>>)
    %dma_wait3A_665 = arith.constant 12 : i32
    %dma_wait3A_666 = arith.constant 12 : i32
    %dma_wait3A_667 = arith.constant 0 : i32
    %dma_wait3A_668 = arith.constant 0 : i32
    %dma_wait3A_669 = tpu.memref_slice %arg6[%dma_wait3A_666, %dma_wait3A_667, %dma_wait3A_668] : memref<25x8x128xi32, #tpu.memory_space<vmem>> -> memref<1x8x128xi32, #tpu.memory_space<vmem>>
    %dma_wait3A_670 = tpu.memref_squeeze %dma_wait3A_669 : memref<1x8x128xi32, #tpu.memory_space<vmem>> -> memref<8x128xi32, #tpu.memory_space<vmem>>
    %dma_wait3A_671 = arith.constant 0 : i32
    %dma_wait3A_672 = arith.constant 0 : i32
    %dma_wait3A_673 = tpu.memref_slice %arg2[%dma_wait3A_665, %add3A, %dma_wait3A_671, %dma_wait3A_672] : memref<25x32x8x128xi32, #tpu.memory_space<hbm>> -> memref<1x1x8x128xi32, #tpu.memory_space<hbm>>
    %dma_wait3A_674 = tpu.memref_squeeze %dma_wait3A_673 : memref<1x1x8x128xi32, #tpu.memory_space<hbm>> -> memref<8x128xi32, #tpu.memory_space<hbm>>
    %dma_wait3A_675 = arith.constant 0 : i32
    %dma_wait3A_676 = arith.constant 0 : i32
    %dma_wait3A_677 = tpu.memref_slice %arg6[%dma_wait3A_666, %dma_wait3A_675, %dma_wait3A_676] : memref<25x8x128xi32, #tpu.memory_space<vmem>> -> memref<1x8x128xi32, #tpu.memory_space<vmem>>
    %dma_wait3A_678 = tpu.memref_squeeze %dma_wait3A_677 : memref<1x8x128xi32, #tpu.memory_space<vmem>> -> memref<8x128xi32, #tpu.memory_space<vmem>>
    %dma_wait3A_679 = arith.constant 0 : i32
    %dma_wait3A_680 = arith.constant 0 : i32
    %dma_wait3A_681 = tpu.memref_slice %arg2[%dma_wait3A_665, %add3A, %dma_wait3A_679, %dma_wait3A_680] : memref<25x32x8x128xi32, #tpu.memory_space<hbm>> -> memref<1x1x8x128xi32, #tpu.memory_space<hbm>>
    %dma_wait3A_682 = tpu.memref_squeeze %dma_wait3A_681 : memref<1x1x8x128xi32, #tpu.memory_space<hbm>> -> memref<8x128xi32, #tpu.memory_space<hbm>>
    tpu.wait_dma2 semaphore(%arg24 : memref<!tpu.dma_semaphore, #tpu.memory_space<semaphore_mem>>) src(%dma_wait3A_682 : memref<8x128xi32, #tpu.memory_space<hbm>>) dst(%dma_wait3A_678 : memref<8x128xi32, #tpu.memory_space<vmem>>)
    %dma_wait3A_683 = arith.constant 13 : i32
    %dma_wait3A_684 = arith.constant 13 : i32
    %dma_wait3A_685 = arith.constant 0 : i32
    %dma_wait3A_686 = arith.constant 0 : i32
    %dma_wait3A_687 = tpu.memref_slice %arg6[%dma_wait3A_684, %dma_wait3A_685, %dma_wait3A_686] : memref<25x8x128xi32, #tpu.memory_space<vmem>> -> memref<1x8x128xi32, #tpu.memory_space<vmem>>
    %dma_wait3A_688 = tpu.memref_squeeze %dma_wait3A_687 : memref<1x8x128xi32, #tpu.memory_space<vmem>> -> memref<8x128xi32, #tpu.memory_space<vmem>>
    %dma_wait3A_689 = arith.constant 0 : i32
    %dma_wait3A_690 = arith.constant 0 : i32
    %dma_wait3A_691 = tpu.memref_slice %arg2[%dma_wait3A_683, %add3A, %dma_wait3A_689, %dma_wait3A_690] : memref<25x32x8x128xi32, #tpu.memory_space<hbm>> -> memref<1x1x8x128xi32, #tpu.memory_space<hbm>>
    %dma_wait3A_692 = tpu.memref_squeeze %dma_wait3A_691 : memref<1x1x8x128xi32, #tpu.memory_space<hbm>> -> memref<8x128xi32, #tpu.memory_space<hbm>>
    %dma_wait3A_693 = arith.constant 0 : i32
    %dma_wait3A_694 = arith.constant 0 : i32
    %dma_wait3A_695 = tpu.memref_slice %arg6[%dma_wait3A_684, %dma_wait3A_693, %dma_wait3A_694] : memref<25x8x128xi32, #tpu.memory_space<vmem>> -> memref<1x8x128xi32, #tpu.memory_space<vmem>>
    %dma_wait3A_696 = tpu.memref_squeeze %dma_wait3A_695 : memref<1x8x128xi32, #tpu.memory_space<vmem>> -> memref<8x128xi32, #tpu.memory_space<vmem>>
    %dma_wait3A_697 = arith.constant 0 : i32
    %dma_wait3A_698 = arith.constant 0 : i32
    %dma_wait3A_699 = tpu.memref_slice %arg2[%dma_wait3A_683, %add3A, %dma_wait3A_697, %dma_wait3A_698] : memref<25x32x8x128xi32, #tpu.memory_space<hbm>> -> memref<1x1x8x128xi32, #tpu.memory_space<hbm>>
    %dma_wait3A_700 = tpu.memref_squeeze %dma_wait3A_699 : memref<1x1x8x128xi32, #tpu.memory_space<hbm>> -> memref<8x128xi32, #tpu.memory_space<hbm>>
    tpu.wait_dma2 semaphore(%arg24 : memref<!tpu.dma_semaphore, #tpu.memory_space<semaphore_mem>>) src(%dma_wait3A_700 : memref<8x128xi32, #tpu.memory_space<hbm>>) dst(%dma_wait3A_696 : memref<8x128xi32, #tpu.memory_space<vmem>>)
    %dma_wait3A_701 = arith.constant 14 : i32
    %dma_wait3A_702 = arith.constant 14 : i32
    %dma_wait3A_703 = arith.constant 0 : i32
    %dma_wait3A_704 = arith.constant 0 : i32
    %dma_wait3A_705 = tpu.memref_slice %arg6[%dma_wait3A_702, %dma_wait3A_703, %dma_wait3A_704] : memref<25x8x128xi32, #tpu.memory_space<vmem>> -> memref<1x8x128xi32, #tpu.memory_space<vmem>>
    %dma_wait3A_706 = tpu.memref_squeeze %dma_wait3A_705 : memref<1x8x128xi32, #tpu.memory_space<vmem>> -> memref<8x128xi32, #tpu.memory_space<vmem>>
    %dma_wait3A_707 = arith.constant 0 : i32
    %dma_wait3A_708 = arith.constant 0 : i32
    %dma_wait3A_709 = tpu.memref_slice %arg2[%dma_wait3A_701, %add3A, %dma_wait3A_707, %dma_wait3A_708] : memref<25x32x8x128xi32, #tpu.memory_space<hbm>> -> memref<1x1x8x128xi32, #tpu.memory_space<hbm>>
    %dma_wait3A_710 = tpu.memref_squeeze %dma_wait3A_709 : memref<1x1x8x128xi32, #tpu.memory_space<hbm>> -> memref<8x128xi32, #tpu.memory_space<hbm>>
    %dma_wait3A_711 = arith.constant 0 : i32
    %dma_wait3A_712 = arith.constant 0 : i32
    %dma_wait3A_713 = tpu.memref_slice %arg6[%dma_wait3A_702, %dma_wait3A_711, %dma_wait3A_712] : memref<25x8x128xi32, #tpu.memory_space<vmem>> -> memref<1x8x128xi32, #tpu.memory_space<vmem>>
    %dma_wait3A_714 = tpu.memref_squeeze %dma_wait3A_713 : memref<1x8x128xi32, #tpu.memory_space<vmem>> -> memref<8x128xi32, #tpu.memory_space<vmem>>
    %dma_wait3A_715 = arith.constant 0 : i32
    %dma_wait3A_716 = arith.constant 0 : i32
    %dma_wait3A_717 = tpu.memref_slice %arg2[%dma_wait3A_701, %add3A, %dma_wait3A_715, %dma_wait3A_716] : memref<25x32x8x128xi32, #tpu.memory_space<hbm>> -> memref<1x1x8x128xi32, #tpu.memory_space<hbm>>
    %dma_wait3A_718 = tpu.memref_squeeze %dma_wait3A_717 : memref<1x1x8x128xi32, #tpu.memory_space<hbm>> -> memref<8x128xi32, #tpu.memory_space<hbm>>
    tpu.wait_dma2 semaphore(%arg24 : memref<!tpu.dma_semaphore, #tpu.memory_space<semaphore_mem>>) src(%dma_wait3A_718 : memref<8x128xi32, #tpu.memory_space<hbm>>) dst(%dma_wait3A_714 : memref<8x128xi32, #tpu.memory_space<vmem>>)
    %dma_wait3A_719 = arith.constant 15 : i32
    %dma_wait3A_720 = arith.constant 15 : i32
    %dma_wait3A_721 = arith.constant 0 : i32
    %dma_wait3A_722 = arith.constant 0 : i32
    %dma_wait3A_723 = tpu.memref_slice %arg6[%dma_wait3A_720, %dma_wait3A_721, %dma_wait3A_722] : memref<25x8x128xi32, #tpu.memory_space<vmem>> -> memref<1x8x128xi32, #tpu.memory_space<vmem>>
    %dma_wait3A_724 = tpu.memref_squeeze %dma_wait3A_723 : memref<1x8x128xi32, #tpu.memory_space<vmem>> -> memref<8x128xi32, #tpu.memory_space<vmem>>
    %dma_wait3A_725 = arith.constant 0 : i32
    %dma_wait3A_726 = arith.constant 0 : i32
    %dma_wait3A_727 = tpu.memref_slice %arg2[%dma_wait3A_719, %add3A, %dma_wait3A_725, %dma_wait3A_726] : memref<25x32x8x128xi32, #tpu.memory_space<hbm>> -> memref<1x1x8x128xi32, #tpu.memory_space<hbm>>
    %dma_wait3A_728 = tpu.memref_squeeze %dma_wait3A_727 : memref<1x1x8x128xi32, #tpu.memory_space<hbm>> -> memref<8x128xi32, #tpu.memory_space<hbm>>
    %dma_wait3A_729 = arith.constant 0 : i32
    %dma_wait3A_730 = arith.constant 0 : i32
    %dma_wait3A_731 = tpu.memref_slice %arg6[%dma_wait3A_720, %dma_wait3A_729, %dma_wait3A_730] : memref<25x8x128xi32, #tpu.memory_space<vmem>> -> memref<1x8x128xi32, #tpu.memory_space<vmem>>
    %dma_wait3A_732 = tpu.memref_squeeze %dma_wait3A_731 : memref<1x8x128xi32, #tpu.memory_space<vmem>> -> memref<8x128xi32, #tpu.memory_space<vmem>>
    %dma_wait3A_733 = arith.constant 0 : i32
    %dma_wait3A_734 = arith.constant 0 : i32
    %dma_wait3A_735 = tpu.memref_slice %arg2[%dma_wait3A_719, %add3A, %dma_wait3A_733, %dma_wait3A_734] : memref<25x32x8x128xi32, #tpu.memory_space<hbm>> -> memref<1x1x8x128xi32, #tpu.memory_space<hbm>>
    %dma_wait3A_736 = tpu.memref_squeeze %dma_wait3A_735 : memref<1x1x8x128xi32, #tpu.memory_space<hbm>> -> memref<8x128xi32, #tpu.memory_space<hbm>>
    tpu.wait_dma2 semaphore(%arg24 : memref<!tpu.dma_semaphore, #tpu.memory_space<semaphore_mem>>) src(%dma_wait3A_736 : memref<8x128xi32, #tpu.memory_space<hbm>>) dst(%dma_wait3A_732 : memref<8x128xi32, #tpu.memory_space<vmem>>)
    %dma_wait3A_737 = arith.constant 16 : i32
    %dma_wait3A_738 = arith.constant 16 : i32
    %dma_wait3A_739 = arith.constant 0 : i32
    %dma_wait3A_740 = arith.constant 0 : i32
    %dma_wait3A_741 = tpu.memref_slice %arg6[%dma_wait3A_738, %dma_wait3A_739, %dma_wait3A_740] : memref<25x8x128xi32, #tpu.memory_space<vmem>> -> memref<1x8x128xi32, #tpu.memory_space<vmem>>
    %dma_wait3A_742 = tpu.memref_squeeze %dma_wait3A_741 : memref<1x8x128xi32, #tpu.memory_space<vmem>> -> memref<8x128xi32, #tpu.memory_space<vmem>>
    %dma_wait3A_743 = arith.constant 0 : i32
    %dma_wait3A_744 = arith.constant 0 : i32
    %dma_wait3A_745 = tpu.memref_slice %arg2[%dma_wait3A_737, %add3A, %dma_wait3A_743, %dma_wait3A_744] : memref<25x32x8x128xi32, #tpu.memory_space<hbm>> -> memref<1x1x8x128xi32, #tpu.memory_space<hbm>>
    %dma_wait3A_746 = tpu.memref_squeeze %dma_wait3A_745 : memref<1x1x8x128xi32, #tpu.memory_space<hbm>> -> memref<8x128xi32, #tpu.memory_space<hbm>>
    %dma_wait3A_747 = arith.constant 0 : i32
    %dma_wait3A_748 = arith.constant 0 : i32
    %dma_wait3A_749 = tpu.memref_slice %arg6[%dma_wait3A_738, %dma_wait3A_747, %dma_wait3A_748] : memref<25x8x128xi32, #tpu.memory_space<vmem>> -> memref<1x8x128xi32, #tpu.memory_space<vmem>>
    %dma_wait3A_750 = tpu.memref_squeeze %dma_wait3A_749 : memref<1x8x128xi32, #tpu.memory_space<vmem>> -> memref<8x128xi32, #tpu.memory_space<vmem>>
    %dma_wait3A_751 = arith.constant 0 : i32
    %dma_wait3A_752 = arith.constant 0 : i32
    %dma_wait3A_753 = tpu.memref_slice %arg2[%dma_wait3A_737, %add3A, %dma_wait3A_751, %dma_wait3A_752] : memref<25x32x8x128xi32, #tpu.memory_space<hbm>> -> memref<1x1x8x128xi32, #tpu.memory_space<hbm>>
    %dma_wait3A_754 = tpu.memref_squeeze %dma_wait3A_753 : memref<1x1x8x128xi32, #tpu.memory_space<hbm>> -> memref<8x128xi32, #tpu.memory_space<hbm>>
    tpu.wait_dma2 semaphore(%arg24 : memref<!tpu.dma_semaphore, #tpu.memory_space<semaphore_mem>>) src(%dma_wait3A_754 : memref<8x128xi32, #tpu.memory_space<hbm>>) dst(%dma_wait3A_750 : memref<8x128xi32, #tpu.memory_space<vmem>>)
    %dma_wait3A_755 = arith.constant 17 : i32
    %dma_wait3A_756 = arith.constant 17 : i32
    %dma_wait3A_757 = arith.constant 0 : i32
    %dma_wait3A_758 = arith.constant 0 : i32
    %dma_wait3A_759 = tpu.memref_slice %arg6[%dma_wait3A_756, %dma_wait3A_757, %dma_wait3A_758] : memref<25x8x128xi32, #tpu.memory_space<vmem>> -> memref<1x8x128xi32, #tpu.memory_space<vmem>>
    %dma_wait3A_760 = tpu.memref_squeeze %dma_wait3A_759 : memref<1x8x128xi32, #tpu.memory_space<vmem>> -> memref<8x128xi32, #tpu.memory_space<vmem>>
    %dma_wait3A_761 = arith.constant 0 : i32
    %dma_wait3A_762 = arith.constant 0 : i32
    %dma_wait3A_763 = tpu.memref_slice %arg2[%dma_wait3A_755, %add3A, %dma_wait3A_761, %dma_wait3A_762] : memref<25x32x8x128xi32, #tpu.memory_space<hbm>> -> memref<1x1x8x128xi32, #tpu.memory_space<hbm>>
    %dma_wait3A_764 = tpu.memref_squeeze %dma_wait3A_763 : memref<1x1x8x128xi32, #tpu.memory_space<hbm>> -> memref<8x128xi32, #tpu.memory_space<hbm>>
    %dma_wait3A_765 = arith.constant 0 : i32
    %dma_wait3A_766 = arith.constant 0 : i32
    %dma_wait3A_767 = tpu.memref_slice %arg6[%dma_wait3A_756, %dma_wait3A_765, %dma_wait3A_766] : memref<25x8x128xi32, #tpu.memory_space<vmem>> -> memref<1x8x128xi32, #tpu.memory_space<vmem>>
    %dma_wait3A_768 = tpu.memref_squeeze %dma_wait3A_767 : memref<1x8x128xi32, #tpu.memory_space<vmem>> -> memref<8x128xi32, #tpu.memory_space<vmem>>
    %dma_wait3A_769 = arith.constant 0 : i32
    %dma_wait3A_770 = arith.constant 0 : i32
    %dma_wait3A_771 = tpu.memref_slice %arg2[%dma_wait3A_755, %add3A, %dma_wait3A_769, %dma_wait3A_770] : memref<25x32x8x128xi32, #tpu.memory_space<hbm>> -> memref<1x1x8x128xi32, #tpu.memory_space<hbm>>
    %dma_wait3A_772 = tpu.memref_squeeze %dma_wait3A_771 : memref<1x1x8x128xi32, #tpu.memory_space<hbm>> -> memref<8x128xi32, #tpu.memory_space<hbm>>
    tpu.wait_dma2 semaphore(%arg24 : memref<!tpu.dma_semaphore, #tpu.memory_space<semaphore_mem>>) src(%dma_wait3A_772 : memref<8x128xi32, #tpu.memory_space<hbm>>) dst(%dma_wait3A_768 : memref<8x128xi32, #tpu.memory_space<vmem>>)
    %dma_wait3A_773 = arith.constant 18 : i32
    %dma_wait3A_774 = arith.constant 18 : i32
    %dma_wait3A_775 = arith.constant 0 : i32
    %dma_wait3A_776 = arith.constant 0 : i32
    %dma_wait3A_777 = tpu.memref_slice %arg6[%dma_wait3A_774, %dma_wait3A_775, %dma_wait3A_776] : memref<25x8x128xi32, #tpu.memory_space<vmem>> -> memref<1x8x128xi32, #tpu.memory_space<vmem>>
    %dma_wait3A_778 = tpu.memref_squeeze %dma_wait3A_777 : memref<1x8x128xi32, #tpu.memory_space<vmem>> -> memref<8x128xi32, #tpu.memory_space<vmem>>
    %dma_wait3A_779 = arith.constant 0 : i32
    %dma_wait3A_780 = arith.constant 0 : i32
    %dma_wait3A_781 = tpu.memref_slice %arg2[%dma_wait3A_773, %add3A, %dma_wait3A_779, %dma_wait3A_780] : memref<25x32x8x128xi32, #tpu.memory_space<hbm>> -> memref<1x1x8x128xi32, #tpu.memory_space<hbm>>
    %dma_wait3A_782 = tpu.memref_squeeze %dma_wait3A_781 : memref<1x1x8x128xi32, #tpu.memory_space<hbm>> -> memref<8x128xi32, #tpu.memory_space<hbm>>
    %dma_wait3A_783 = arith.constant 0 : i32
    %dma_wait3A_784 = arith.constant 0 : i32
    %dma_wait3A_785 = tpu.memref_slice %arg6[%dma_wait3A_774, %dma_wait3A_783, %dma_wait3A_784] : memref<25x8x128xi32, #tpu.memory_space<vmem>> -> memref<1x8x128xi32, #tpu.memory_space<vmem>>
    %dma_wait3A_786 = tpu.memref_squeeze %dma_wait3A_785 : memref<1x8x128xi32, #tpu.memory_space<vmem>> -> memref<8x128xi32, #tpu.memory_space<vmem>>
    %dma_wait3A_787 = arith.constant 0 : i32
    %dma_wait3A_788 = arith.constant 0 : i32
    %dma_wait3A_789 = tpu.memref_slice %arg2[%dma_wait3A_773, %add3A, %dma_wait3A_787, %dma_wait3A_788] : memref<25x32x8x128xi32, #tpu.memory_space<hbm>> -> memref<1x1x8x128xi32, #tpu.memory_space<hbm>>
    %dma_wait3A_790 = tpu.memref_squeeze %dma_wait3A_789 : memref<1x1x8x128xi32, #tpu.memory_space<hbm>> -> memref<8x128xi32, #tpu.memory_space<hbm>>
    tpu.wait_dma2 semaphore(%arg24 : memref<!tpu.dma_semaphore, #tpu.memory_space<semaphore_mem>>) src(%dma_wait3A_790 : memref<8x128xi32, #tpu.memory_space<hbm>>) dst(%dma_wait3A_786 : memref<8x128xi32, #tpu.memory_space<vmem>>)
    %dma_wait3A_791 = arith.constant 19 : i32
    %dma_wait3A_792 = arith.constant 19 : i32
    %dma_wait3A_793 = arith.constant 0 : i32
    %dma_wait3A_794 = arith.constant 0 : i32
    %dma_wait3A_795 = tpu.memref_slice %arg6[%dma_wait3A_792, %dma_wait3A_793, %dma_wait3A_794] : memref<25x8x128xi32, #tpu.memory_space<vmem>> -> memref<1x8x128xi32, #tpu.memory_space<vmem>>
    %dma_wait3A_796 = tpu.memref_squeeze %dma_wait3A_795 : memref<1x8x128xi32, #tpu.memory_space<vmem>> -> memref<8x128xi32, #tpu.memory_space<vmem>>
    %dma_wait3A_797 = arith.constant 0 : i32
    %dma_wait3A_798 = arith.constant 0 : i32
    %dma_wait3A_799 = tpu.memref_slice %arg2[%dma_wait3A_791, %add3A, %dma_wait3A_797, %dma_wait3A_798] : memref<25x32x8x128xi32, #tpu.memory_space<hbm>> -> memref<1x1x8x128xi32, #tpu.memory_space<hbm>>
    %dma_wait3A_800 = tpu.memref_squeeze %dma_wait3A_799 : memref<1x1x8x128xi32, #tpu.memory_space<hbm>> -> memref<8x128xi32, #tpu.memory_space<hbm>>
    %dma_wait3A_801 = arith.constant 0 : i32
    %dma_wait3A_802 = arith.constant 0 : i32
    %dma_wait3A_803 = tpu.memref_slice %arg6[%dma_wait3A_792, %dma_wait3A_801, %dma_wait3A_802] : memref<25x8x128xi32, #tpu.memory_space<vmem>> -> memref<1x8x128xi32, #tpu.memory_space<vmem>>
    %dma_wait3A_804 = tpu.memref_squeeze %dma_wait3A_803 : memref<1x8x128xi32, #tpu.memory_space<vmem>> -> memref<8x128xi32, #tpu.memory_space<vmem>>
    %dma_wait3A_805 = arith.constant 0 : i32
    %dma_wait3A_806 = arith.constant 0 : i32
    %dma_wait3A_807 = tpu.memref_slice %arg2[%dma_wait3A_791, %add3A, %dma_wait3A_805, %dma_wait3A_806] : memref<25x32x8x128xi32, #tpu.memory_space<hbm>> -> memref<1x1x8x128xi32, #tpu.memory_space<hbm>>
    %dma_wait3A_808 = tpu.memref_squeeze %dma_wait3A_807 : memref<1x1x8x128xi32, #tpu.memory_space<hbm>> -> memref<8x128xi32, #tpu.memory_space<hbm>>
    tpu.wait_dma2 semaphore(%arg24 : memref<!tpu.dma_semaphore, #tpu.memory_space<semaphore_mem>>) src(%dma_wait3A_808 : memref<8x128xi32, #tpu.memory_space<hbm>>) dst(%dma_wait3A_804 : memref<8x128xi32, #tpu.memory_space<vmem>>)
    %dma_wait3A_809 = arith.constant 20 : i32
    %dma_wait3A_810 = arith.constant 20 : i32
    %dma_wait3A_811 = arith.constant 0 : i32
    %dma_wait3A_812 = arith.constant 0 : i32
    %dma_wait3A_813 = tpu.memref_slice %arg6[%dma_wait3A_810, %dma_wait3A_811, %dma_wait3A_812] : memref<25x8x128xi32, #tpu.memory_space<vmem>> -> memref<1x8x128xi32, #tpu.memory_space<vmem>>
    %dma_wait3A_814 = tpu.memref_squeeze %dma_wait3A_813 : memref<1x8x128xi32, #tpu.memory_space<vmem>> -> memref<8x128xi32, #tpu.memory_space<vmem>>
    %dma_wait3A_815 = arith.constant 0 : i32
    %dma_wait3A_816 = arith.constant 0 : i32
    %dma_wait3A_817 = tpu.memref_slice %arg2[%dma_wait3A_809, %add3A, %dma_wait3A_815, %dma_wait3A_816] : memref<25x32x8x128xi32, #tpu.memory_space<hbm>> -> memref<1x1x8x128xi32, #tpu.memory_space<hbm>>
    %dma_wait3A_818 = tpu.memref_squeeze %dma_wait3A_817 : memref<1x1x8x128xi32, #tpu.memory_space<hbm>> -> memref<8x128xi32, #tpu.memory_space<hbm>>
    %dma_wait3A_819 = arith.constant 0 : i32
    %dma_wait3A_820 = arith.constant 0 : i32
    %dma_wait3A_821 = tpu.memref_slice %arg6[%dma_wait3A_810, %dma_wait3A_819, %dma_wait3A_820] : memref<25x8x128xi32, #tpu.memory_space<vmem>> -> memref<1x8x128xi32, #tpu.memory_space<vmem>>
    %dma_wait3A_822 = tpu.memref_squeeze %dma_wait3A_821 : memref<1x8x128xi32, #tpu.memory_space<vmem>> -> memref<8x128xi32, #tpu.memory_space<vmem>>
    %dma_wait3A_823 = arith.constant 0 : i32
    %dma_wait3A_824 = arith.constant 0 : i32
    %dma_wait3A_825 = tpu.memref_slice %arg2[%dma_wait3A_809, %add3A, %dma_wait3A_823, %dma_wait3A_824] : memref<25x32x8x128xi32, #tpu.memory_space<hbm>> -> memref<1x1x8x128xi32, #tpu.memory_space<hbm>>
    %dma_wait3A_826 = tpu.memref_squeeze %dma_wait3A_825 : memref<1x1x8x128xi32, #tpu.memory_space<hbm>> -> memref<8x128xi32, #tpu.memory_space<hbm>>
    tpu.wait_dma2 semaphore(%arg24 : memref<!tpu.dma_semaphore, #tpu.memory_space<semaphore_mem>>) src(%dma_wait3A_826 : memref<8x128xi32, #tpu.memory_space<hbm>>) dst(%dma_wait3A_822 : memref<8x128xi32, #tpu.memory_space<vmem>>)
    %dma_wait3A_827 = arith.constant 21 : i32
    %dma_wait3A_828 = arith.constant 21 : i32
    %dma_wait3A_829 = arith.constant 0 : i32
    %dma_wait3A_830 = arith.constant 0 : i32
    %dma_wait3A_831 = tpu.memref_slice %arg6[%dma_wait3A_828, %dma_wait3A_829, %dma_wait3A_830] : memref<25x8x128xi32, #tpu.memory_space<vmem>> -> memref<1x8x128xi32, #tpu.memory_space<vmem>>
    %dma_wait3A_832 = tpu.memref_squeeze %dma_wait3A_831 : memref<1x8x128xi32, #tpu.memory_space<vmem>> -> memref<8x128xi32, #tpu.memory_space<vmem>>
    %dma_wait3A_833 = arith.constant 0 : i32
    %dma_wait3A_834 = arith.constant 0 : i32
    %dma_wait3A_835 = tpu.memref_slice %arg2[%dma_wait3A_827, %add3A, %dma_wait3A_833, %dma_wait3A_834] : memref<25x32x8x128xi32, #tpu.memory_space<hbm>> -> memref<1x1x8x128xi32, #tpu.memory_space<hbm>>
    %dma_wait3A_836 = tpu.memref_squeeze %dma_wait3A_835 : memref<1x1x8x128xi32, #tpu.memory_space<hbm>> -> memref<8x128xi32, #tpu.memory_space<hbm>>
    %dma_wait3A_837 = arith.constant 0 : i32
    %dma_wait3A_838 = arith.constant 0 : i32
    %dma_wait3A_839 = tpu.memref_slice %arg6[%dma_wait3A_828, %dma_wait3A_837, %dma_wait3A_838] : memref<25x8x128xi32, #tpu.memory_space<vmem>> -> memref<1x8x128xi32, #tpu.memory_space<vmem>>
    %dma_wait3A_840 = tpu.memref_squeeze %dma_wait3A_839 : memref<1x8x128xi32, #tpu.memory_space<vmem>> -> memref<8x128xi32, #tpu.memory_space<vmem>>
    %dma_wait3A_841 = arith.constant 0 : i32
    %dma_wait3A_842 = arith.constant 0 : i32
    %dma_wait3A_843 = tpu.memref_slice %arg2[%dma_wait3A_827, %add3A, %dma_wait3A_841, %dma_wait3A_842] : memref<25x32x8x128xi32, #tpu.memory_space<hbm>> -> memref<1x1x8x128xi32, #tpu.memory_space<hbm>>
    %dma_wait3A_844 = tpu.memref_squeeze %dma_wait3A_843 : memref<1x1x8x128xi32, #tpu.memory_space<hbm>> -> memref<8x128xi32, #tpu.memory_space<hbm>>
    tpu.wait_dma2 semaphore(%arg24 : memref<!tpu.dma_semaphore, #tpu.memory_space<semaphore_mem>>) src(%dma_wait3A_844 : memref<8x128xi32, #tpu.memory_space<hbm>>) dst(%dma_wait3A_840 : memref<8x128xi32, #tpu.memory_space<vmem>>)
    %dma_wait3A_845 = arith.constant 22 : i32
    %dma_wait3A_846 = arith.constant 22 : i32
    %dma_wait3A_847 = arith.constant 0 : i32
    %dma_wait3A_848 = arith.constant 0 : i32
    %dma_wait3A_849 = tpu.memref_slice %arg6[%dma_wait3A_846, %dma_wait3A_847, %dma_wait3A_848] : memref<25x8x128xi32, #tpu.memory_space<vmem>> -> memref<1x8x128xi32, #tpu.memory_space<vmem>>
    %dma_wait3A_850 = tpu.memref_squeeze %dma_wait3A_849 : memref<1x8x128xi32, #tpu.memory_space<vmem>> -> memref<8x128xi32, #tpu.memory_space<vmem>>
    %dma_wait3A_851 = arith.constant 0 : i32
    %dma_wait3A_852 = arith.constant 0 : i32
    %dma_wait3A_853 = tpu.memref_slice %arg2[%dma_wait3A_845, %add3A, %dma_wait3A_851, %dma_wait3A_852] : memref<25x32x8x128xi32, #tpu.memory_space<hbm>> -> memref<1x1x8x128xi32, #tpu.memory_space<hbm>>
    %dma_wait3A_854 = tpu.memref_squeeze %dma_wait3A_853 : memref<1x1x8x128xi32, #tpu.memory_space<hbm>> -> memref<8x128xi32, #tpu.memory_space<hbm>>
    %dma_wait3A_855 = arith.constant 0 : i32
    %dma_wait3A_856 = arith.constant 0 : i32
    %dma_wait3A_857 = tpu.memref_slice %arg6[%dma_wait3A_846, %dma_wait3A_855, %dma_wait3A_856] : memref<25x8x128xi32, #tpu.memory_space<vmem>> -> memref<1x8x128xi32, #tpu.memory_space<vmem>>
    %dma_wait3A_858 = tpu.memref_squeeze %dma_wait3A_857 : memref<1x8x128xi32, #tpu.memory_space<vmem>> -> memref<8x128xi32, #tpu.memory_space<vmem>>
    %dma_wait3A_859 = arith.constant 0 : i32
    %dma_wait3A_860 = arith.constant 0 : i32
    %dma_wait3A_861 = tpu.memref_slice %arg2[%dma_wait3A_845, %add3A, %dma_wait3A_859, %dma_wait3A_860] : memref<25x32x8x128xi32, #tpu.memory_space<hbm>> -> memref<1x1x8x128xi32, #tpu.memory_space<hbm>>
    %dma_wait3A_862 = tpu.memref_squeeze %dma_wait3A_861 : memref<1x1x8x128xi32, #tpu.memory_space<hbm>> -> memref<8x128xi32, #tpu.memory_space<hbm>>
    tpu.wait_dma2 semaphore(%arg24 : memref<!tpu.dma_semaphore, #tpu.memory_space<semaphore_mem>>) src(%dma_wait3A_862 : memref<8x128xi32, #tpu.memory_space<hbm>>) dst(%dma_wait3A_858 : memref<8x128xi32, #tpu.memory_space<vmem>>)
    %dma_wait3A_863 = arith.constant 23 : i32
    %dma_wait3A_864 = arith.constant 23 : i32
    %dma_wait3A_865 = arith.constant 0 : i32
    %dma_wait3A_866 = arith.constant 0 : i32
    %dma_wait3A_867 = tpu.memref_slice %arg6[%dma_wait3A_864, %dma_wait3A_865, %dma_wait3A_866] : memref<25x8x128xi32, #tpu.memory_space<vmem>> -> memref<1x8x128xi32, #tpu.memory_space<vmem>>
    %dma_wait3A_868 = tpu.memref_squeeze %dma_wait3A_867 : memref<1x8x128xi32, #tpu.memory_space<vmem>> -> memref<8x128xi32, #tpu.memory_space<vmem>>
    %dma_wait3A_869 = arith.constant 0 : i32
    %dma_wait3A_870 = arith.constant 0 : i32
    %dma_wait3A_871 = tpu.memref_slice %arg2[%dma_wait3A_863, %add3A, %dma_wait3A_869, %dma_wait3A_870] : memref<25x32x8x128xi32, #tpu.memory_space<hbm>> -> memref<1x1x8x128xi32, #tpu.memory_space<hbm>>
    %dma_wait3A_872 = tpu.memref_squeeze %dma_wait3A_871 : memref<1x1x8x128xi32, #tpu.memory_space<hbm>> -> memref<8x128xi32, #tpu.memory_space<hbm>>
    %dma_wait3A_873 = arith.constant 0 : i32
    %dma_wait3A_874 = arith.constant 0 : i32
    %dma_wait3A_875 = tpu.memref_slice %arg6[%dma_wait3A_864, %dma_wait3A_873, %dma_wait3A_874] : memref<25x8x128xi32, #tpu.memory_space<vmem>> -> memref<1x8x128xi32, #tpu.memory_space<vmem>>
    %dma_wait3A_876 = tpu.memref_squeeze %dma_wait3A_875 : memref<1x8x128xi32, #tpu.memory_space<vmem>> -> memref<8x128xi32, #tpu.memory_space<vmem>>
    %dma_wait3A_877 = arith.constant 0 : i32
    %dma_wait3A_878 = arith.constant 0 : i32
    %dma_wait3A_879 = tpu.memref_slice %arg2[%dma_wait3A_863, %add3A, %dma_wait3A_877, %dma_wait3A_878] : memref<25x32x8x128xi32, #tpu.memory_space<hbm>> -> memref<1x1x8x128xi32, #tpu.memory_space<hbm>>
    %dma_wait3A_880 = tpu.memref_squeeze %dma_wait3A_879 : memref<1x1x8x128xi32, #tpu.memory_space<hbm>> -> memref<8x128xi32, #tpu.memory_space<hbm>>
    tpu.wait_dma2 semaphore(%arg24 : memref<!tpu.dma_semaphore, #tpu.memory_space<semaphore_mem>>) src(%dma_wait3A_880 : memref<8x128xi32, #tpu.memory_space<hbm>>) dst(%dma_wait3A_876 : memref<8x128xi32, #tpu.memory_space<vmem>>)
    %dma_wait3A_881 = arith.constant 24 : i32
    %dma_wait3A_882 = arith.constant 24 : i32
    %dma_wait3A_883 = arith.constant 0 : i32
    %dma_wait3A_884 = arith.constant 0 : i32
    %dma_wait3A_885 = tpu.memref_slice %arg6[%dma_wait3A_882, %dma_wait3A_883, %dma_wait3A_884] : memref<25x8x128xi32, #tpu.memory_space<vmem>> -> memref<1x8x128xi32, #tpu.memory_space<vmem>>
    %dma_wait3A_886 = tpu.memref_squeeze %dma_wait3A_885 : memref<1x8x128xi32, #tpu.memory_space<vmem>> -> memref<8x128xi32, #tpu.memory_space<vmem>>
    %dma_wait3A_887 = arith.constant 0 : i32
    %dma_wait3A_888 = arith.constant 0 : i32
    %dma_wait3A_889 = tpu.memref_slice %arg2[%dma_wait3A_881, %add3A, %dma_wait3A_887, %dma_wait3A_888] : memref<25x32x8x128xi32, #tpu.memory_space<hbm>> -> memref<1x1x8x128xi32, #tpu.memory_space<hbm>>
    %dma_wait3A_890 = tpu.memref_squeeze %dma_wait3A_889 : memref<1x1x8x128xi32, #tpu.memory_space<hbm>> -> memref<8x128xi32, #tpu.memory_space<hbm>>
    %dma_wait3A_891 = arith.constant 0 : i32
    %dma_wait3A_892 = arith.constant 0 : i32
    %dma_wait3A_893 = tpu.memref_slice %arg6[%dma_wait3A_882, %dma_wait3A_891, %dma_wait3A_892] : memref<25x8x128xi32, #tpu.memory_space<vmem>> -> memref<1x8x128xi32, #tpu.memory_space<vmem>>
    %dma_wait3A_894 = tpu.memref_squeeze %dma_wait3A_893 : memref<1x8x128xi32, #tpu.memory_space<vmem>> -> memref<8x128xi32, #tpu.memory_space<vmem>>
    %dma_wait3A_895 = arith.constant 0 : i32
    %dma_wait3A_896 = arith.constant 0 : i32
    %dma_wait3A_897 = tpu.memref_slice %arg2[%dma_wait3A_881, %add3A, %dma_wait3A_895, %dma_wait3A_896] : memref<25x32x8x128xi32, #tpu.memory_space<hbm>> -> memref<1x1x8x128xi32, #tpu.memory_space<hbm>>
    %dma_wait3A_898 = tpu.memref_squeeze %dma_wait3A_897 : memref<1x1x8x128xi32, #tpu.memory_space<hbm>> -> memref<8x128xi32, #tpu.memory_space<hbm>>
    tpu.wait_dma2 semaphore(%arg24 : memref<!tpu.dma_semaphore, #tpu.memory_space<semaphore_mem>>) src(%dma_wait3A_898 : memref<8x128xi32, #tpu.memory_space<hbm>>) dst(%dma_wait3A_894 : memref<8x128xi32, #tpu.memory_space<vmem>>)
    tpu.wait_dma2 semaphore(%arg24 : memref<!tpu.dma_semaphore, #tpu.memory_space<semaphore_mem>>) src(%arg4 : memref<200x32xf32, #tpu.memory_space<hbm>>) dst(%arg7 : memref<200x32xf32, #tpu.memory_space<vmem>>)
    %scan3A = arith.constant 0 : i32
    %scan3A_899 = arith.constant 0 : i32
    %scan3A_900 = arith.constant 200 : i32
    %scan3A_901 = arith.addi %scan3A_899, %scan3A_900 : i32
    %scan3A_902 = arith.constant 1 : i32
    scf.for %scan3A_1018 = %scan3A_899 to %scan3A_901 step %scan3A_902  : i32 {
      %jit3A = arith.constant 8 : i32
      %div3A = arith.divsi %scan3A_1018, %jit3A : i32
      %sign3A = arith.constant 0 : i32
      %sign3A_1019 = arith.cmpi sgt, %scan3A_1018, %sign3A : i32
      %sign3A_1020 = arith.extui %sign3A_1019 : i1 to i32
      %sign3A_1021 = arith.constant 0 : i32
      %sign3A_1022 = arith.cmpi slt, %scan3A_1018, %sign3A_1021 : i32
      %sign3A_1023 = arith.extui %sign3A_1022 : i1 to i32
      %sign3A_1024 = arith.subi %sign3A_1020, %sign3A_1023 : i32
      %sign3A_1025 = arith.constant 0 : i32
      %sign3A_1026 = arith.cmpi sgt, %jit3A, %sign3A_1025 : i32
      %sign3A_1027 = arith.extui %sign3A_1026 : i1 to i32
      %sign3A_1028 = arith.constant 0 : i32
      %sign3A_1029 = arith.cmpi slt, %jit3A, %sign3A_1028 : i32
      %sign3A_1030 = arith.extui %sign3A_1029 : i1 to i32
      %sign3A_1031 = arith.subi %sign3A_1027, %sign3A_1030 : i32
      %ne3A = arith.cmpi ne, %sign3A_1024, %sign3A_1031 : i32
      %rem3A = arith.remsi %scan3A_1018, %jit3A : i32
      %ne3A_1032 = arith.constant 0 : i32
      %ne3A_1033 = arith.cmpi ne, %rem3A, %ne3A_1032 : i32
      %and3A = arith.andi %ne3A, %ne3A_1033 : i1
      %sub3A = arith.constant 1 : i32
      %sub3A_1034 = arith.subi %div3A, %sub3A : i32
      %select_n3A = arith.select %and3A, %sub3A_1034, %div3A : i32
      %jit3A_1035 = arith.constant 8 : i32
      %eq3A = arith.constant 0 : i32
      %eq3A_1036 = arith.cmpi eq, %jit3A_1035, %eq3A : i32
      %jit3A_1037 = arith.constant 1 : i32
      %select_n3A_1038 = arith.select %eq3A_1036, %jit3A_1037, %jit3A_1035 : i32
      %rem3A_1039 = arith.remsi %scan3A_1018, %select_n3A_1038 : i32
      %ne3A_1040 = arith.constant 0 : i32
      %ne3A_1041 = arith.cmpi ne, %rem3A_1039, %ne3A_1040 : i32
      %lt3A = arith.constant 0 : i32
      %lt3A_1042 = arith.cmpi slt, %rem3A_1039, %lt3A : i32
      %lt3A_1043 = arith.constant 0 : i32
      %lt3A_1044 = arith.cmpi slt, %select_n3A_1038, %lt3A_1043 : i32
      %ne3A_1045 = arith.xori %lt3A_1042, %lt3A_1044 : i1
      %and3A_1046 = arith.andi %ne3A_1045, %ne3A_1041 : i1
      %add3A_1047 = arith.addi %rem3A_1039, %select_n3A_1038 : i32
      %select_n3A_1048 = arith.select %and3A_1046, %add3A_1047, %rem3A_1039 : i32
      %get3A = arith.index_cast %select_n3A : i32 to index
      %get3A_1049 = arith.index_cast %select_n3A_1048 : i32 to index
      %get3A_1050 = arith.constant 0 : index
      %get3A_1051 = tpu.vector_load %arg6[%get3A, %get3A_1049, %get3A_1050] {strides = array<i32>} : memref<25x8x128xi32, #tpu.memory_space<vmem>>, vector<16xi32>,
      %and3A_1052 = arith.constant -512 : i32
      %and3A_1053 = vector.broadcast %and3A_1052 : i32 to vector<16xi32>
      %and3A_1054 = arith.andi %get3A_1051, %and3A_1053 : vector<16xi32>
      %and3A_1055 = arith.constant 127 : i32
      %and3A_1056 = vector.broadcast %and3A_1055 : i32 to vector<16xi32>
      %and3A_1057 = arith.andi %get3A_1051, %and3A_1056 : vector<16xi32>
      %shift_left3A = arith.constant 2 : i32
      %shift_left3A_1058 = vector.broadcast %shift_left3A : i32 to vector<16xi32>
      %shift_left3A_1059 = arith.shli %and3A_1057, %shift_left3A_1058 : vector<16xi32>
      %add3A_1060 = arith.addi %and3A_1054, %shift_left3A_1059 : vector<16xi32>
      %shift_right_arithmetic3A = arith.constant 7 : i32
      %shift_right_arithmetic3A_1061 = vector.broadcast %shift_right_arithmetic3A : i32 to vector<16xi32>
      %shift_right_arithmetic3A_1062 = arith.shrsi %get3A_1051, %shift_right_arithmetic3A_1061 : vector<16xi32>
      %and3A_1063 = arith.constant 3 : i32
      %and3A_1064 = vector.broadcast %and3A_1063 : i32 to vector<16xi32>
      %and3A_1065 = arith.andi %shift_right_arithmetic3A_1062, %and3A_1064 : vector<16xi32>
      %add3A_1066 = arith.addi %add3A_1060, %and3A_1065 : vector<16xi32>
      %swap3A = arith.index_cast %select_n3A : i32 to index
      %swap3A_1067 = arith.index_cast %select_n3A_1048 : i32 to index
      %swap3A_1068 = arith.constant 0 : index
      %swap3A_1069 = tpu.vector_load %arg6[%swap3A, %swap3A_1067, %swap3A_1068] {strides = array<i32>} : memref<25x8x128xi32, #tpu.memory_space<vmem>>, vector<16xi32>,
      tpu.vector_store %arg6[%swap3A, %swap3A_1067, %swap3A_1068], %add3A_1066 {strides = array<i32>} : memref<25x8x128xi32, #tpu.memory_space<vmem>>, vector<16xi32>,
      %get3A_1070 = arith.index_cast %select_n3A : i32 to index
      %get3A_1071 = arith.index_cast %select_n3A_1048 : i32 to index
      %get3A_1072 = arith.constant 16 : index
      %get3A_1073 = tpu.vector_load %arg6[%get3A_1070, %get3A_1071, %get3A_1072] {strides = array<i32>} : memref<25x8x128xi32, #tpu.memory_space<vmem>>, vector<16xi32>,
      %and3A_1074 = arith.constant -512 : i32
      %and3A_1075 = vector.broadcast %and3A_1074 : i32 to vector<16xi32>
      %and3A_1076 = arith.andi %get3A_1073, %and3A_1075 : vector<16xi32>
      %and3A_1077 = arith.constant 127 : i32
      %and3A_1078 = vector.broadcast %and3A_1077 : i32 to vector<16xi32>
      %and3A_1079 = arith.andi %get3A_1073, %and3A_1078 : vector<16xi32>
      %shift_left3A_1080 = arith.constant 2 : i32
      %shift_left3A_1081 = vector.broadcast %shift_left3A_1080 : i32 to vector<16xi32>
      %shift_left3A_1082 = arith.shli %and3A_1079, %shift_left3A_1081 : vector<16xi32>
      %add3A_1083 = arith.addi %and3A_1076, %shift_left3A_1082 : vector<16xi32>
      %shift_right_arithmetic3A_1084 = arith.constant 7 : i32
      %shift_right_arithmetic3A_1085 = vector.broadcast %shift_right_arithmetic3A_1084 : i32 to vector<16xi32>
      %shift_right_arithmetic3A_1086 = arith.shrsi %get3A_1073, %shift_right_arithmetic3A_1085 : vector<16xi32>
      %and3A_1087 = arith.constant 3 : i32
      %and3A_1088 = vector.broadcast %and3A_1087 : i32 to vector<16xi32>
      %and3A_1089 = arith.andi %shift_right_arithmetic3A_1086, %and3A_1088 : vector<16xi32>
      %add3A_1090 = arith.addi %add3A_1083, %and3A_1089 : vector<16xi32>
      %swap3A_1091 = arith.index_cast %select_n3A : i32 to index
      %swap3A_1092 = arith.index_cast %select_n3A_1048 : i32 to index
      %swap3A_1093 = arith.constant 16 : index
      %swap3A_1094 = tpu.vector_load %arg6[%swap3A_1091, %swap3A_1092, %swap3A_1093] {strides = array<i32>} : memref<25x8x128xi32, #tpu.memory_space<vmem>>, vector<16xi32>,
      tpu.vector_store %arg6[%swap3A_1091, %swap3A_1092, %swap3A_1093], %add3A_1090 {strides = array<i32>} : memref<25x8x128xi32, #tpu.memory_space<vmem>>, vector<16xi32>,
      %get3A_1095 = arith.index_cast %select_n3A : i32 to index
      %get3A_1096 = arith.index_cast %select_n3A_1048 : i32 to index
      %get3A_1097 = arith.constant 32 : index
      %get3A_1098 = tpu.vector_load %arg6[%get3A_1095, %get3A_1096, %get3A_1097] {strides = array<i32>} : memref<25x8x128xi32, #tpu.memory_space<vmem>>, vector<16xi32>,
      %and3A_1099 = arith.constant -512 : i32
      %and3A_1100 = vector.broadcast %and3A_1099 : i32 to vector<16xi32>
      %and3A_1101 = arith.andi %get3A_1098, %and3A_1100 : vector<16xi32>
      %and3A_1102 = arith.constant 127 : i32
      %and3A_1103 = vector.broadcast %and3A_1102 : i32 to vector<16xi32>
      %and3A_1104 = arith.andi %get3A_1098, %and3A_1103 : vector<16xi32>
      %shift_left3A_1105 = arith.constant 2 : i32
      %shift_left3A_1106 = vector.broadcast %shift_left3A_1105 : i32 to vector<16xi32>
      %shift_left3A_1107 = arith.shli %and3A_1104, %shift_left3A_1106 : vector<16xi32>
      %add3A_1108 = arith.addi %and3A_1101, %shift_left3A_1107 : vector<16xi32>
      %shift_right_arithmetic3A_1109 = arith.constant 7 : i32
      %shift_right_arithmetic3A_1110 = vector.broadcast %shift_right_arithmetic3A_1109 : i32 to vector<16xi32>
      %shift_right_arithmetic3A_1111 = arith.shrsi %get3A_1098, %shift_right_arithmetic3A_1110 : vector<16xi32>
      %and3A_1112 = arith.constant 3 : i32
      %and3A_1113 = vector.broadcast %and3A_1112 : i32 to vector<16xi32>
      %and3A_1114 = arith.andi %shift_right_arithmetic3A_1111, %and3A_1113 : vector<16xi32>
      %add3A_1115 = arith.addi %add3A_1108, %and3A_1114 : vector<16xi32>
      %swap3A_1116 = arith.index_cast %select_n3A : i32 to index
      %swap3A_1117 = arith.index_cast %select_n3A_1048 : i32 to index
      %swap3A_1118 = arith.constant 32 : index
      %swap3A_1119 = tpu.vector_load %arg6[%swap3A_1116, %swap3A_1117, %swap3A_1118] {strides = array<i32>} : memref<25x8x128xi32, #tpu.memory_space<vmem>>, vector<16xi32>,
      tpu.vector_store %arg6[%swap3A_1116, %swap3A_1117, %swap3A_1118], %add3A_1115 {strides = array<i32>} : memref<25x8x128xi32, #tpu.memory_space<vmem>>, vector<16xi32>,
      %get3A_1120 = arith.index_cast %select_n3A : i32 to index
      %get3A_1121 = arith.index_cast %select_n3A_1048 : i32 to index
      %get3A_1122 = arith.constant 48 : index
      %get3A_1123 = tpu.vector_load %arg6[%get3A_1120, %get3A_1121, %get3A_1122] {strides = array<i32>} : memref<25x8x128xi32, #tpu.memory_space<vmem>>, vector<16xi32>,
      %and3A_1124 = arith.constant -512 : i32
      %and3A_1125 = vector.broadcast %and3A_1124 : i32 to vector<16xi32>
      %and3A_1126 = arith.andi %get3A_1123, %and3A_1125 : vector<16xi32>
      %and3A_1127 = arith.constant 127 : i32
      %and3A_1128 = vector.broadcast %and3A_1127 : i32 to vector<16xi32>
      %and3A_1129 = arith.andi %get3A_1123, %and3A_1128 : vector<16xi32>
      %shift_left3A_1130 = arith.constant 2 : i32
      %shift_left3A_1131 = vector.broadcast %shift_left3A_1130 : i32 to vector<16xi32>
      %shift_left3A_1132 = arith.shli %and3A_1129, %shift_left3A_1131 : vector<16xi32>
      %add3A_1133 = arith.addi %and3A_1126, %shift_left3A_1132 : vector<16xi32>
      %shift_right_arithmetic3A_1134 = arith.constant 7 : i32
      %shift_right_arithmetic3A_1135 = vector.broadcast %shift_right_arithmetic3A_1134 : i32 to vector<16xi32>
      %shift_right_arithmetic3A_1136 = arith.shrsi %get3A_1123, %shift_right_arithmetic3A_1135 : vector<16xi32>
      %and3A_1137 = arith.constant 3 : i32
      %and3A_1138 = vector.broadcast %and3A_1137 : i32 to vector<16xi32>
      %and3A_1139 = arith.andi %shift_right_arithmetic3A_1136, %and3A_1138 : vector<16xi32>
      %add3A_1140 = arith.addi %add3A_1133, %and3A_1139 : vector<16xi32>
      %swap3A_1141 = arith.index_cast %select_n3A : i32 to index
      %swap3A_1142 = arith.index_cast %select_n3A_1048 : i32 to index
      %swap3A_1143 = arith.constant 48 : index
      %swap3A_1144 = tpu.vector_load %arg6[%swap3A_1141, %swap3A_1142, %swap3A_1143] {strides = array<i32>} : memref<25x8x128xi32, #tpu.memory_space<vmem>>, vector<16xi32>,
      tpu.vector_store %arg6[%swap3A_1141, %swap3A_1142, %swap3A_1143], %add3A_1140 {strides = array<i32>} : memref<25x8x128xi32, #tpu.memory_space<vmem>>, vector<16xi32>,
      %get3A_1145 = arith.index_cast %select_n3A : i32 to index
      %get3A_1146 = arith.index_cast %select_n3A_1048 : i32 to index
      %get3A_1147 = arith.constant 64 : index
      %get3A_1148 = tpu.vector_load %arg6[%get3A_1145, %get3A_1146, %get3A_1147] {strides = array<i32>} : memref<25x8x128xi32, #tpu.memory_space<vmem>>, vector<16xi32>,
      %and3A_1149 = arith.constant -512 : i32
      %and3A_1150 = vector.broadcast %and3A_1149 : i32 to vector<16xi32>
      %and3A_1151 = arith.andi %get3A_1148, %and3A_1150 : vector<16xi32>
      %and3A_1152 = arith.constant 127 : i32
      %and3A_1153 = vector.broadcast %and3A_1152 : i32 to vector<16xi32>
      %and3A_1154 = arith.andi %get3A_1148, %and3A_1153 : vector<16xi32>
      %shift_left3A_1155 = arith.constant 2 : i32
      %shift_left3A_1156 = vector.broadcast %shift_left3A_1155 : i32 to vector<16xi32>
      %shift_left3A_1157 = arith.shli %and3A_1154, %shift_left3A_1156 : vector<16xi32>
      %add3A_1158 = arith.addi %and3A_1151, %shift_left3A_1157 : vector<16xi32>
      %shift_right_arithmetic3A_1159 = arith.constant 7 : i32
      %shift_right_arithmetic3A_1160 = vector.broadcast %shift_right_arithmetic3A_1159 : i32 to vector<16xi32>
      %shift_right_arithmetic3A_1161 = arith.shrsi %get3A_1148, %shift_right_arithmetic3A_1160 : vector<16xi32>
      %and3A_1162 = arith.constant 3 : i32
      %and3A_1163 = vector.broadcast %and3A_1162 : i32 to vector<16xi32>
      %and3A_1164 = arith.andi %shift_right_arithmetic3A_1161, %and3A_1163 : vector<16xi32>
      %add3A_1165 = arith.addi %add3A_1158, %and3A_1164 : vector<16xi32>
      %swap3A_1166 = arith.index_cast %select_n3A : i32 to index
      %swap3A_1167 = arith.index_cast %select_n3A_1048 : i32 to index
      %swap3A_1168 = arith.constant 64 : index
      %swap3A_1169 = tpu.vector_load %arg6[%swap3A_1166, %swap3A_1167, %swap3A_1168] {strides = array<i32>} : memref<25x8x128xi32, #tpu.memory_space<vmem>>, vector<16xi32>,
      tpu.vector_store %arg6[%swap3A_1166, %swap3A_1167, %swap3A_1168], %add3A_1165 {strides = array<i32>} : memref<25x8x128xi32, #tpu.memory_space<vmem>>, vector<16xi32>,
      %get3A_1170 = arith.index_cast %select_n3A : i32 to index
      %get3A_1171 = arith.index_cast %select_n3A_1048 : i32 to index
      %get3A_1172 = arith.constant 80 : index
      %get3A_1173 = tpu.vector_load %arg6[%get3A_1170, %get3A_1171, %get3A_1172] {strides = array<i32>} : memref<25x8x128xi32, #tpu.memory_space<vmem>>, vector<16xi32>,
      %and3A_1174 = arith.constant -512 : i32
      %and3A_1175 = vector.broadcast %and3A_1174 : i32 to vector<16xi32>
      %and3A_1176 = arith.andi %get3A_1173, %and3A_1175 : vector<16xi32>
      %and3A_1177 = arith.constant 127 : i32
      %and3A_1178 = vector.broadcast %and3A_1177 : i32 to vector<16xi32>
      %and3A_1179 = arith.andi %get3A_1173, %and3A_1178 : vector<16xi32>
      %shift_left3A_1180 = arith.constant 2 : i32
      %shift_left3A_1181 = vector.broadcast %shift_left3A_1180 : i32 to vector<16xi32>
      %shift_left3A_1182 = arith.shli %and3A_1179, %shift_left3A_1181 : vector<16xi32>
      %add3A_1183 = arith.addi %and3A_1176, %shift_left3A_1182 : vector<16xi32>
      %shift_right_arithmetic3A_1184 = arith.constant 7 : i32
      %shift_right_arithmetic3A_1185 = vector.broadcast %shift_right_arithmetic3A_1184 : i32 to vector<16xi32>
      %shift_right_arithmetic3A_1186 = arith.shrsi %get3A_1173, %shift_right_arithmetic3A_1185 : vector<16xi32>
      %and3A_1187 = arith.constant 3 : i32
      %and3A_1188 = vector.broadcast %and3A_1187 : i32 to vector<16xi32>
      %and3A_1189 = arith.andi %shift_right_arithmetic3A_1186, %and3A_1188 : vector<16xi32>
      %add3A_1190 = arith.addi %add3A_1183, %and3A_1189 : vector<16xi32>
      %swap3A_1191 = arith.index_cast %select_n3A : i32 to index
      %swap3A_1192 = arith.index_cast %select_n3A_1048 : i32 to index
      %swap3A_1193 = arith.constant 80 : index
      %swap3A_1194 = tpu.vector_load %arg6[%swap3A_1191, %swap3A_1192, %swap3A_1193] {strides = array<i32>} : memref<25x8x128xi32, #tpu.memory_space<vmem>>, vector<16xi32>,
      tpu.vector_store %arg6[%swap3A_1191, %swap3A_1192, %swap3A_1193], %add3A_1190 {strides = array<i32>} : memref<25x8x128xi32, #tpu.memory_space<vmem>>, vector<16xi32>,
      %get3A_1195 = arith.index_cast %select_n3A : i32 to index
      %get3A_1196 = arith.index_cast %select_n3A_1048 : i32 to index
      %get3A_1197 = arith.constant 96 : index
      %get3A_1198 = tpu.vector_load %arg6[%get3A_1195, %get3A_1196, %get3A_1197] {strides = array<i32>} : memref<25x8x128xi32, #tpu.memory_space<vmem>>, vector<16xi32>,
      %and3A_1199 = arith.constant -512 : i32
      %and3A_1200 = vector.broadcast %and3A_1199 : i32 to vector<16xi32>
      %and3A_1201 = arith.andi %get3A_1198, %and3A_1200 : vector<16xi32>
      %and3A_1202 = arith.constant 127 : i32
      %and3A_1203 = vector.broadcast %and3A_1202 : i32 to vector<16xi32>
      %and3A_1204 = arith.andi %get3A_1198, %and3A_1203 : vector<16xi32>
      %shift_left3A_1205 = arith.constant 2 : i32
      %shift_left3A_1206 = vector.broadcast %shift_left3A_1205 : i32 to vector<16xi32>
      %shift_left3A_1207 = arith.shli %and3A_1204, %shift_left3A_1206 : vector<16xi32>
      %add3A_1208 = arith.addi %and3A_1201, %shift_left3A_1207 : vector<16xi32>
      %shift_right_arithmetic3A_1209 = arith.constant 7 : i32
      %shift_right_arithmetic3A_1210 = vector.broadcast %shift_right_arithmetic3A_1209 : i32 to vector<16xi32>
      %shift_right_arithmetic3A_1211 = arith.shrsi %get3A_1198, %shift_right_arithmetic3A_1210 : vector<16xi32>
      %and3A_1212 = arith.constant 3 : i32
      %and3A_1213 = vector.broadcast %and3A_1212 : i32 to vector<16xi32>
      %and3A_1214 = arith.andi %shift_right_arithmetic3A_1211, %and3A_1213 : vector<16xi32>
      %add3A_1215 = arith.addi %add3A_1208, %and3A_1214 : vector<16xi32>
      %swap3A_1216 = arith.index_cast %select_n3A : i32 to index
      %swap3A_1217 = arith.index_cast %select_n3A_1048 : i32 to index
      %swap3A_1218 = arith.constant 96 : index
      %swap3A_1219 = tpu.vector_load %arg6[%swap3A_1216, %swap3A_1217, %swap3A_1218] {strides = array<i32>} : memref<25x8x128xi32, #tpu.memory_space<vmem>>, vector<16xi32>,
      tpu.vector_store %arg6[%swap3A_1216, %swap3A_1217, %swap3A_1218], %add3A_1215 {strides = array<i32>} : memref<25x8x128xi32, #tpu.memory_space<vmem>>, vector<16xi32>,
      %get3A_1220 = arith.index_cast %select_n3A : i32 to index
      %get3A_1221 = arith.index_cast %select_n3A_1048 : i32 to index
      %get3A_1222 = arith.constant 112 : index
      %get3A_1223 = tpu.vector_load %arg6[%get3A_1220, %get3A_1221, %get3A_1222] {strides = array<i32>} : memref<25x8x128xi32, #tpu.memory_space<vmem>>, vector<16xi32>,
      %and3A_1224 = arith.constant -512 : i32
      %and3A_1225 = vector.broadcast %and3A_1224 : i32 to vector<16xi32>
      %and3A_1226 = arith.andi %get3A_1223, %and3A_1225 : vector<16xi32>
      %and3A_1227 = arith.constant 127 : i32
      %and3A_1228 = vector.broadcast %and3A_1227 : i32 to vector<16xi32>
      %and3A_1229 = arith.andi %get3A_1223, %and3A_1228 : vector<16xi32>
      %shift_left3A_1230 = arith.constant 2 : i32
      %shift_left3A_1231 = vector.broadcast %shift_left3A_1230 : i32 to vector<16xi32>
      %shift_left3A_1232 = arith.shli %and3A_1229, %shift_left3A_1231 : vector<16xi32>
      %add3A_1233 = arith.addi %and3A_1226, %shift_left3A_1232 : vector<16xi32>
      %shift_right_arithmetic3A_1234 = arith.constant 7 : i32
      %shift_right_arithmetic3A_1235 = vector.broadcast %shift_right_arithmetic3A_1234 : i32 to vector<16xi32>
      %shift_right_arithmetic3A_1236 = arith.shrsi %get3A_1223, %shift_right_arithmetic3A_1235 : vector<16xi32>
      %and3A_1237 = arith.constant 3 : i32
      %and3A_1238 = vector.broadcast %and3A_1237 : i32 to vector<16xi32>
      %and3A_1239 = arith.andi %shift_right_arithmetic3A_1236, %and3A_1238 : vector<16xi32>
      %add3A_1240 = arith.addi %add3A_1233, %and3A_1239 : vector<16xi32>
      %swap3A_1241 = arith.index_cast %select_n3A : i32 to index
      %swap3A_1242 = arith.index_cast %select_n3A_1048 : i32 to index
      %swap3A_1243 = arith.constant 112 : index
      %swap3A_1244 = tpu.vector_load %arg6[%swap3A_1241, %swap3A_1242, %swap3A_1243] {strides = array<i32>} : memref<25x8x128xi32, #tpu.memory_space<vmem>>, vector<16xi32>,
      tpu.vector_store %arg6[%swap3A_1241, %swap3A_1242, %swap3A_1243], %add3A_1240 {strides = array<i32>} : memref<25x8x128xi32, #tpu.memory_space<vmem>>, vector<16xi32>,
    }
    %scan3A_903 = arith.constant 200 : i32
    %dma_start3A_904 = arith.constant 0 : i32
    %dma_start3A_905 = arith.constant 0 : i32
    %dma_start3A_906 = arith.constant 0 : i32
    %dma_start3A_907 = tpu.memref_slice %arg6[%dma_start3A_904, %dma_start3A_905, %dma_start3A_906] : memref<25x8x128xi32, #tpu.memory_space<vmem>> -> memref<1x1x128xi32, #tpu.memory_space<vmem>>
    %dma_start3A_908 = tpu.memref_squeeze %dma_start3A_907 : memref<1x1x128xi32, #tpu.memory_space<vmem>> -> memref<128xi32, #tpu.memory_space<vmem>>
    %dma_start3A_909 = arith.constant 0 : i32
    %dma_start3A_910 = arith.constant 0 : i32
    %dma_start3A_911 = tpu.memref_slice %arg3[%dma_start3A_909, %dma_start3A_910] : memref<1015808x32xf32, #tpu.memory_space<hbm>> -> memref<1015808x32xf32, #tpu.memory_space<hbm>>
    tpu.enqueue_indirect_dma source(%dma_start3A_911 : memref<1015808x32xf32, #tpu.memory_space<hbm>>) target(%arg8 : memref<128x32xf32, #tpu.memory_space<vmem>>) offsets(%dma_start3A_908 : memref<128xi32, #tpu.memory_space<vmem>>) semaphore(%arg16 : memref<!tpu.dma_semaphore, #tpu.memory_space<semaphore_mem>>)
    %dma_start3A_912 = arith.constant 0 : i32
    %dma_start3A_913 = arith.constant 1 : i32
    %dma_start3A_914 = arith.constant 0 : i32
    %dma_start3A_915 = tpu.memref_slice %arg6[%dma_start3A_912, %dma_start3A_913, %dma_start3A_914] : memref<25x8x128xi32, #tpu.memory_space<vmem>> -> memref<1x1x128xi32, #tpu.memory_space<vmem>>
    %dma_start3A_916 = tpu.memref_squeeze %dma_start3A_915 : memref<1x1x128xi32, #tpu.memory_space<vmem>> -> memref<128xi32, #tpu.memory_space<vmem>>
    %dma_start3A_917 = arith.constant 0 : i32
    %dma_start3A_918 = arith.constant 0 : i32
    %dma_start3A_919 = tpu.memref_slice %arg3[%dma_start3A_917, %dma_start3A_918] : memref<1015808x32xf32, #tpu.memory_space<hbm>> -> memref<1015808x32xf32, #tpu.memory_space<hbm>>
    tpu.enqueue_indirect_dma source(%dma_start3A_919 : memref<1015808x32xf32, #tpu.memory_space<hbm>>) target(%arg9 : memref<128x32xf32, #tpu.memory_space<vmem>>) offsets(%dma_start3A_916 : memref<128xi32, #tpu.memory_space<vmem>>) semaphore(%arg17 : memref<!tpu.dma_semaphore, #tpu.memory_space<semaphore_mem>>)
    %dma_start3A_920 = arith.constant 0 : i32
    %dma_start3A_921 = arith.constant 2 : i32
    %dma_start3A_922 = arith.constant 0 : i32
    %dma_start3A_923 = tpu.memref_slice %arg6[%dma_start3A_920, %dma_start3A_921, %dma_start3A_922] : memref<25x8x128xi32, #tpu.memory_space<vmem>> -> memref<1x1x128xi32, #tpu.memory_space<vmem>>
    %dma_start3A_924 = tpu.memref_squeeze %dma_start3A_923 : memref<1x1x128xi32, #tpu.memory_space<vmem>> -> memref<128xi32, #tpu.memory_space<vmem>>
    %dma_start3A_925 = arith.constant 0 : i32
    %dma_start3A_926 = arith.constant 0 : i32
    %dma_start3A_927 = tpu.memref_slice %arg3[%dma_start3A_925, %dma_start3A_926] : memref<1015808x32xf32, #tpu.memory_space<hbm>> -> memref<1015808x32xf32, #tpu.memory_space<hbm>>
    tpu.enqueue_indirect_dma source(%dma_start3A_927 : memref<1015808x32xf32, #tpu.memory_space<hbm>>) target(%arg10 : memref<128x32xf32, #tpu.memory_space<vmem>>) offsets(%dma_start3A_924 : memref<128xi32, #tpu.memory_space<vmem>>) semaphore(%arg18 : memref<!tpu.dma_semaphore, #tpu.memory_space<semaphore_mem>>)
    %dma_start3A_928 = arith.constant 0 : i32
    %dma_start3A_929 = arith.constant 3 : i32
    %dma_start3A_930 = arith.constant 0 : i32
    %dma_start3A_931 = tpu.memref_slice %arg6[%dma_start3A_928, %dma_start3A_929, %dma_start3A_930] : memref<25x8x128xi32, #tpu.memory_space<vmem>> -> memref<1x1x128xi32, #tpu.memory_space<vmem>>
    %dma_start3A_932 = tpu.memref_squeeze %dma_start3A_931 : memref<1x1x128xi32, #tpu.memory_space<vmem>> -> memref<128xi32, #tpu.memory_space<vmem>>
    %dma_start3A_933 = arith.constant 0 : i32
    %dma_start3A_934 = arith.constant 0 : i32
    %dma_start3A_935 = tpu.memref_slice %arg3[%dma_start3A_933, %dma_start3A_934] : memref<1015808x32xf32, #tpu.memory_space<hbm>> -> memref<1015808x32xf32, #tpu.memory_space<hbm>>
    tpu.enqueue_indirect_dma source(%dma_start3A_935 : memref<1015808x32xf32, #tpu.memory_space<hbm>>) target(%arg11 : memref<128x32xf32, #tpu.memory_space<vmem>>) offsets(%dma_start3A_932 : memref<128xi32, #tpu.memory_space<vmem>>) semaphore(%arg19 : memref<!tpu.dma_semaphore, #tpu.memory_space<semaphore_mem>>)
    %scan3A_936 = arith.constant 0 : i32
    %scan3A_937 = arith.constant 0 : i32
    %scan3A_938 = arith.constant 50 : i32
    %scan3A_939 = arith.addi %scan3A_937, %scan3A_938 : i32
    %scan3A_940 = arith.constant 1 : i32
    scf.for %scan3A_1018 = %scan3A_937 to %scan3A_939 step %scan3A_940  : i32 {
      %mul3A_1019 = arith.constant 4 : i32
      %mul3A_1020 = arith.muli %mul3A_1019, %scan3A_1018 : i32
      %add3A_1021 = arith.constant 0 : i32
      %add3A_1022 = arith.addi %mul3A_1020, %add3A_1021 : i32
      %gt3A = arith.constant 0 : i32
      %gt3A_1023 = arith.cmpi sgt, %scan3A_1018, %gt3A : i32
      %convert_element_type3A = arith.extui %gt3A_1023 : i1 to i32
      %cond3A = arith.constant 0 : i32
      %cond3A_1024 = arith.cmpi ne, %convert_element_type3A, %cond3A : i32
      scf.if %cond3A_1024 {
        %sub3A_1342 = arith.constant 4 : i32
        %sub3A_1343 = arith.subi %add3A_1022, %sub3A_1342 : i32
        %dma_wait3A_1344 = arith.constant 0 : i32
        %dma_wait3A_1345 = arith.constant 0 : i32
        %dma_wait3A_1346 = arith.constant 0 : i32
        %dma_wait3A_1347 = tpu.memref_slice %arg12[%dma_wait3A_1344, %dma_wait3A_1345, %dma_wait3A_1346] : memref<4x8x129xf32, #tpu.memory_space<vmem>> -> memref<4x8x128xf32, #tpu.memory_space<vmem>>
        %dma_wait3A_1348 = arith.constant 0 : i32
        %dma_wait3A_1349 = arith.constant 0 : i32
        %dma_wait3A_1350 = arith.constant 0 : i32
        %dma_wait3A_1351 = tpu.memref_slice %arg5[%sub3A_1343, %dma_wait3A_1348, %add3A, %dma_wait3A_1349, %dma_wait3A_1350] : memref<200x4x32x8x128xf32, #tpu.memory_space<hbm>> -> memref<1x4x1x8x128xf32, #tpu.memory_space<hbm>>
        %dma_wait3A_1352 = tpu.memref_squeeze %dma_wait3A_1351 : memref<1x4x1x8x128xf32, #tpu.memory_space<hbm>> -> memref<4x8x128xf32, #tpu.memory_space<hbm>>
        %dma_wait3A_1353 = arith.constant 0 : i32
        %dma_wait3A_1354 = arith.constant 0 : i32
        %dma_wait3A_1355 = arith.constant 0 : i32
        %dma_wait3A_1356 = tpu.memref_slice %arg5[%sub3A_1343, %dma_wait3A_1353, %add3A, %dma_wait3A_1354, %dma_wait3A_1355] : memref<200x4x32x8x128xf32, #tpu.memory_space<hbm>> -> memref<1x4x1x8x128xf32, #tpu.memory_space<hbm>>
        %dma_wait3A_1357 = tpu.memref_squeeze %dma_wait3A_1356 : memref<1x4x1x8x128xf32, #tpu.memory_space<hbm>> -> memref<4x8x128xf32, #tpu.memory_space<hbm>>
        %dma_wait3A_1358 = arith.constant 0 : i32
        %dma_wait3A_1359 = arith.constant 0 : i32
        %dma_wait3A_1360 = arith.constant 0 : i32
        %dma_wait3A_1361 = tpu.memref_slice %arg12[%dma_wait3A_1358, %dma_wait3A_1359, %dma_wait3A_1360] : memref<4x8x129xf32, #tpu.memory_space<vmem>> -> memref<4x8x128xf32, #tpu.memory_space<vmem>>
        tpu.wait_dma2 semaphore(%arg20 : memref<!tpu.dma_semaphore, #tpu.memory_space<semaphore_mem>>) src(%dma_wait3A_1361 : memref<4x8x128xf32, #tpu.memory_space<vmem>>) dst(%dma_wait3A_1357 : memref<4x8x128xf32, #tpu.memory_space<hbm>>)
      } else {
      }
      %jit3A = arith.constant 8 : i32
      %div3A = arith.divsi %add3A_1022, %jit3A : i32
      %sign3A = arith.constant 0 : i32
      %sign3A_1025 = arith.cmpi sgt, %add3A_1022, %sign3A : i32
      %sign3A_1026 = arith.extui %sign3A_1025 : i1 to i32
      %sign3A_1027 = arith.constant 0 : i32
      %sign3A_1028 = arith.cmpi slt, %add3A_1022, %sign3A_1027 : i32
      %sign3A_1029 = arith.extui %sign3A_1028 : i1 to i32
      %sign3A_1030 = arith.subi %sign3A_1026, %sign3A_1029 : i32
      %sign3A_1031 = arith.constant 0 : i32
      %sign3A_1032 = arith.cmpi sgt, %jit3A, %sign3A_1031 : i32
      %sign3A_1033 = arith.extui %sign3A_1032 : i1 to i32
      %sign3A_1034 = arith.constant 0 : i32
      %sign3A_1035 = arith.cmpi slt, %jit3A, %sign3A_1034 : i32
      %sign3A_1036 = arith.extui %sign3A_1035 : i1 to i32
      %sign3A_1037 = arith.subi %sign3A_1033, %sign3A_1036 : i32
      %ne3A = arith.cmpi ne, %sign3A_1030, %sign3A_1037 : i32
      %rem3A = arith.remsi %add3A_1022, %jit3A : i32
      %ne3A_1038 = arith.constant 0 : i32
      %ne3A_1039 = arith.cmpi ne, %rem3A, %ne3A_1038 : i32
      %and3A = arith.andi %ne3A, %ne3A_1039 : i1
      %sub3A = arith.constant 1 : i32
      %sub3A_1040 = arith.subi %div3A, %sub3A : i32
      %select_n3A = arith.select %and3A, %sub3A_1040, %div3A : i32
      %jit3A_1041 = arith.constant 8 : i32
      %eq3A = arith.constant 0 : i32
      %eq3A_1042 = arith.cmpi eq, %jit3A_1041, %eq3A : i32
      %jit3A_1043 = arith.constant 1 : i32
      %select_n3A_1044 = arith.select %eq3A_1042, %jit3A_1043, %jit3A_1041 : i32
      %rem3A_1045 = arith.remsi %add3A_1022, %select_n3A_1044 : i32
      %ne3A_1046 = arith.constant 0 : i32
      %ne3A_1047 = arith.cmpi ne, %rem3A_1045, %ne3A_1046 : i32
      %lt3A = arith.constant 0 : i32
      %lt3A_1048 = arith.cmpi slt, %rem3A_1045, %lt3A : i32
      %lt3A_1049 = arith.constant 0 : i32
      %lt3A_1050 = arith.cmpi slt, %select_n3A_1044, %lt3A_1049 : i32
      %ne3A_1051 = arith.xori %lt3A_1048, %lt3A_1050 : i1
      %and3A_1052 = arith.andi %ne3A_1051, %ne3A_1047 : i1
      %add3A_1053 = arith.addi %rem3A_1045, %select_n3A_1044 : i32
      %select_n3A_1054 = arith.select %and3A_1052, %add3A_1053, %rem3A_1045 : i32
      %dma_wait3A_1055 = arith.constant 0 : i32
      %dma_wait3A_1056 = tpu.memref_slice %arg6[%select_n3A, %select_n3A_1054, %dma_wait3A_1055] : memref<25x8x128xi32, #tpu.memory_space<vmem>> -> memref<1x1x128xi32, #tpu.memory_space<vmem>>
      %dma_wait3A_1057 = tpu.memref_squeeze %dma_wait3A_1056 : memref<1x1x128xi32, #tpu.memory_space<vmem>> -> memref<128xi32, #tpu.memory_space<vmem>>
      %dma_wait3A_1058 = arith.constant 0 : i32
      %dma_wait3A_1059 = arith.constant 0 : i32
      %dma_wait3A_1060 = tpu.memref_slice %arg3[%dma_wait3A_1058, %dma_wait3A_1059] : memref<1015808x32xf32, #tpu.memory_space<hbm>> -> memref<1015808x32xf32, #tpu.memory_space<hbm>>
      tpu.wait_indirect_dma semaphore(%arg16 : memref<!tpu.dma_semaphore, #tpu.memory_space<semaphore_mem>>) src(%dma_wait3A_1060 : memref<1015808x32xf32, #tpu.memory_space<hbm>>) dst(%arg8 : memref<128x32xf32, #tpu.memory_space<vmem>>)
      %scan3A_1061 = arith.constant 0 : i32
      %scan3A_1062 = arith.constant 0 : i32
      %scan3A_1063 = arith.constant 16 : i32
      %scan3A_1064 = arith.addi %scan3A_1062, %scan3A_1063 : i32
      %scan3A_1065 = arith.constant 1 : i32
      scf.for %scan3A_1342 = %scan3A_1062 to %scan3A_1064 step %scan3A_1065  : i32 {
        %iota3A = tpu.iota {dimensions = array<i32: 0>} : vector<16xi32>
        %jit3A_1343 = arith.constant 8 : i32
        %div3A_1344 = vector.broadcast %jit3A_1343 : i32 to vector<16xi32>
        %div3A_1345 = arith.divsi %iota3A, %div3A_1344 : vector<16xi32>
        %sign3A_1346 = arith.constant 0 : i32
        %sign3A_1347 = vector.broadcast %sign3A_1346 : i32 to vector<16xi32>
        %sign3A_1348 = arith.cmpi sgt, %iota3A, %sign3A_1347 : vector<16xi32>
        %sign3A_1349 = arith.extui %sign3A_1348 : vector<16xi1> to vector<16xi32>
        %sign3A_1350 = arith.constant 0 : i32
        %sign3A_1351 = vector.broadcast %sign3A_1350 : i32 to vector<16xi32>
        %sign3A_1352 = arith.cmpi slt, %iota3A, %sign3A_1351 : vector<16xi32>
        %sign3A_1353 = arith.extui %sign3A_1352 : vector<16xi1> to vector<16xi32>
        %sign3A_1354 = arith.subi %sign3A_1349, %sign3A_1353 : vector<16xi32>
        %sign3A_1355 = arith.constant 0 : i32
        %sign3A_1356 = arith.cmpi sgt, %jit3A_1343, %sign3A_1355 : i32
        %sign3A_1357 = arith.extui %sign3A_1356 : i1 to i32
        %sign3A_1358 = arith.constant 0 : i32
        %sign3A_1359 = arith.cmpi slt, %jit3A_1343, %sign3A_1358 : i32
        %sign3A_1360 = arith.extui %sign3A_1359 : i1 to i32
        %sign3A_1361 = arith.subi %sign3A_1357, %sign3A_1360 : i32
        %ne3A_1362 = vector.broadcast %sign3A_1361 : i32 to vector<16xi32>
        %ne3A_1363 = arith.cmpi ne, %sign3A_1354, %ne3A_1362 : vector<16xi32>
        %rem3A_1364 = vector.broadcast %jit3A_1343 : i32 to vector<16xi32>
        %rem3A_1365 = arith.remsi %iota3A, %rem3A_1364 : vector<16xi32>
        %ne3A_1366 = arith.constant 0 : i32
        %ne3A_1367 = vector.broadcast %ne3A_1366 : i32 to vector<16xi32>
        %ne3A_1368 = arith.cmpi ne, %rem3A_1365, %ne3A_1367 : vector<16xi32>
        %and3A_1369 = arith.andi %ne3A_1363, %ne3A_1368 : vector<16xi1>
        %sub3A_1370 = arith.constant 1 : i32
        %sub3A_1371 = vector.broadcast %sub3A_1370 : i32 to vector<16xi32>
        %sub3A_1372 = arith.subi %div3A_1345, %sub3A_1371 : vector<16xi32>
        %select_n3A_1373 = arith.select %and3A_1369, %sub3A_1372, %div3A_1345 : vector<16xi1>, vector<16xi32>
        %jit3A_1374 = arith.constant 8 : i32
        %eq3A_1375 = arith.constant 0 : i32
        %eq3A_1376 = arith.cmpi eq, %jit3A_1374, %eq3A_1375 : i32
        %jit3A_1377 = arith.constant 1 : i32
        %select_n3A_1378 = arith.select %eq3A_1376, %jit3A_1377, %jit3A_1374 : i32
        %rem3A_1379 = vector.broadcast %select_n3A_1378 : i32 to vector<16xi32>
        %rem3A_1380 = arith.remsi %iota3A, %rem3A_1379 : vector<16xi32>
        %ne3A_1381 = arith.constant 0 : i32
        %ne3A_1382 = vector.broadcast %ne3A_1381 : i32 to vector<16xi32>
        %ne3A_1383 = arith.cmpi ne, %rem3A_1380, %ne3A_1382 : vector<16xi32>
        %lt3A_1384 = arith.constant 0 : i32
        %lt3A_1385 = vector.broadcast %lt3A_1384 : i32 to vector<16xi32>
        %lt3A_1386 = arith.cmpi slt, %rem3A_1380, %lt3A_1385 : vector<16xi32>
        %lt3A_1387 = arith.constant 0 : i32
        %lt3A_1388 = arith.cmpi slt, %select_n3A_1378, %lt3A_1387 : i32
        %ne3A_1389 = vector.broadcast %lt3A_1388 : i1 to vector<16xi1>
        %ne3A_1390 = vector.broadcast %ne3A_1389 : vector<16xi1> to vector<16xi1>
        %ne3A_1391 = arith.xori %lt3A_1386, %ne3A_1390 : vector<16xi1>
        %and3A_1392 = arith.andi %ne3A_1391, %ne3A_1383 : vector<16xi1>
        %add3A_1393 = vector.broadcast %select_n3A_1378 : i32 to vector<16xi32>
        %add3A_1394 = arith.addi %rem3A_1380, %add3A_1393 : vector<16xi32>
        %select_n3A_1395 = arith.select %and3A_1392, %add3A_1394, %rem3A_1380 : vector<16xi1>, vector<16xi32>
        %add3A_1396 = arith.constant 2 : i32
        %add3A_1397 = vector.broadcast %add3A_1396 : i32 to vector<16xi32>
        %add3A_1398 = arith.addi %select_n3A_1373, %add3A_1397 : vector<16xi32>
        %get3A = arith.index_cast %add3A_1022 : i32 to index
        %get3A_1399 = arith.constant 0 : index
        %get3A_1400 = tpu.vector_load %arg7[%get3A, %get3A_1399] {strides = array<i32>} : memref<200x32xf32, #tpu.memory_space<vmem>>, vector<16xf32>,
        %get3A_1401 = arith.index_cast %add3A_1022 : i32 to index
        %get3A_1402 = arith.constant 16 : index
        %get3A_1403 = tpu.vector_load %arg7[%get3A_1401, %get3A_1402] {strides = array<i32>} : memref<200x32xf32, #tpu.memory_space<vmem>>, vector<16xf32>,
        %mul3A_1404 = arith.constant 8 : i32
        %mul3A_1405 = arith.muli %scan3A_1342, %mul3A_1404 : i32
        %add3A_1406 = arith.constant 0 : i32
        %add3A_1407 = arith.addi %mul3A_1405, %add3A_1406 : i32
        %broadcast_in_dim3A = vector.broadcast %add3A_1407 : i32 to vector<16xi32>
        %get3A_1408 = arith.index_cast %add3A_1407 : i32 to index
        %get3A_1409 = arith.constant 0 : index
        %get3A_1410 = tpu.vector_load %arg8[%get3A_1408, %get3A_1409] {strides = array<i32>} : memref<128x32xf32, #tpu.memory_space<vmem>>, vector<16xf32>,
        %add3A_1411 = arith.addf %get3A_1410, %get3A_1400 : vector<16xf32>
        %get3A_1412 = arith.index_cast %add3A_1407 : i32 to index
        %get3A_1413 = arith.constant 16 : index
        %get3A_1414 = tpu.vector_load %arg8[%get3A_1412, %get3A_1413] {strides = array<i32>} : memref<128x32xf32, #tpu.memory_space<vmem>>, vector<16xf32>,
        %add3A_1415 = arith.addf %get3A_1414, %get3A_1403 : vector<16xf32>
        tpu.vector_store_idx %arg12[%select_n3A_1373, %select_n3A_1395, %broadcast_in_dim3A], %add3A_1411 : memref<4x8x129xf32, #tpu.memory_space<vmem>>[vector<16xi32>, vector<16xi32>, vector<16xi32>], vector<16xf32>,
        tpu.vector_store_idx %arg12[%add3A_1398, %select_n3A_1395, %broadcast_in_dim3A], %add3A_1415 : memref<4x8x129xf32, #tpu.memory_space<vmem>>[vector<16xi32>, vector<16xi32>, vector<16xi32>], vector<16xf32>,
        %mul3A_1416 = arith.constant 8 : i32
        %mul3A_1417 = arith.muli %scan3A_1342, %mul3A_1416 : i32
        %add3A_1418 = arith.constant 1 : i32
        %add3A_1419 = arith.addi %mul3A_1417, %add3A_1418 : i32
        %broadcast_in_dim3A_1420 = vector.broadcast %add3A_1419 : i32 to vector<16xi32>
        %get3A_1421 = arith.index_cast %add3A_1419 : i32 to index
        %get3A_1422 = arith.constant 0 : index
        %get3A_1423 = tpu.vector_load %arg8[%get3A_1421, %get3A_1422] {strides = array<i32>} : memref<128x32xf32, #tpu.memory_space<vmem>>, vector<16xf32>,
        %add3A_1424 = arith.addf %get3A_1423, %get3A_1400 : vector<16xf32>
        %get3A_1425 = arith.index_cast %add3A_1419 : i32 to index
        %get3A_1426 = arith.constant 16 : index
        %get3A_1427 = tpu.vector_load %arg8[%get3A_1425, %get3A_1426] {strides = array<i32>} : memref<128x32xf32, #tpu.memory_space<vmem>>, vector<16xf32>,
        %add3A_1428 = arith.addf %get3A_1427, %get3A_1403 : vector<16xf32>
        tpu.vector_store_idx %arg12[%select_n3A_1373, %select_n3A_1395, %broadcast_in_dim3A_1420], %add3A_1424 : memref<4x8x129xf32, #tpu.memory_space<vmem>>[vector<16xi32>, vector<16xi32>, vector<16xi32>], vector<16xf32>,
        tpu.vector_store_idx %arg12[%add3A_1398, %select_n3A_1395, %broadcast_in_dim3A_1420], %add3A_1428 : memref<4x8x129xf32, #tpu.memory_space<vmem>>[vector<16xi32>, vector<16xi32>, vector<16xi32>], vector<16xf32>,
        %mul3A_1429 = arith.constant 8 : i32
        %mul3A_1430 = arith.muli %scan3A_1342, %mul3A_1429 : i32
        %add3A_1431 = arith.constant 2 : i32
        %add3A_1432 = arith.addi %mul3A_1430, %add3A_1431 : i32
        %broadcast_in_dim3A_1433 = vector.broadcast %add3A_1432 : i32 to vector<16xi32>
        %get3A_1434 = arith.index_cast %add3A_1432 : i32 to index
        %get3A_1435 = arith.constant 0 : index
        %get3A_1436 = tpu.vector_load %arg8[%get3A_1434, %get3A_1435] {strides = array<i32>} : memref<128x32xf32, #tpu.memory_space<vmem>>, vector<16xf32>,
        %add3A_1437 = arith.addf %get3A_1436, %get3A_1400 : vector<16xf32>
        %get3A_1438 = arith.index_cast %add3A_1432 : i32 to index
        %get3A_1439 = arith.constant 16 : index
        %get3A_1440 = tpu.vector_load %arg8[%get3A_1438, %get3A_1439] {strides = array<i32>} : memref<128x32xf32, #tpu.memory_space<vmem>>, vector<16xf32>,
        %add3A_1441 = arith.addf %get3A_1440, %get3A_1403 : vector<16xf32>
        tpu.vector_store_idx %arg12[%select_n3A_1373, %select_n3A_1395, %broadcast_in_dim3A_1433], %add3A_1437 : memref<4x8x129xf32, #tpu.memory_space<vmem>>[vector<16xi32>, vector<16xi32>, vector<16xi32>], vector<16xf32>,
        tpu.vector_store_idx %arg12[%add3A_1398, %select_n3A_1395, %broadcast_in_dim3A_1433], %add3A_1441 : memref<4x8x129xf32, #tpu.memory_space<vmem>>[vector<16xi32>, vector<16xi32>, vector<16xi32>], vector<16xf32>,
        %mul3A_1442 = arith.constant 8 : i32
        %mul3A_1443 = arith.muli %scan3A_1342, %mul3A_1442 : i32
        %add3A_1444 = arith.constant 3 : i32
        %add3A_1445 = arith.addi %mul3A_1443, %add3A_1444 : i32
        %broadcast_in_dim3A_1446 = vector.broadcast %add3A_1445 : i32 to vector<16xi32>
        %get3A_1447 = arith.index_cast %add3A_1445 : i32 to index
        %get3A_1448 = arith.constant 0 : index
        %get3A_1449 = tpu.vector_load %arg8[%get3A_1447, %get3A_1448] {strides = array<i32>} : memref<128x32xf32, #tpu.memory_space<vmem>>, vector<16xf32>,
        %add3A_1450 = arith.addf %get3A_1449, %get3A_1400 : vector<16xf32>
        %get3A_1451 = arith.index_cast %add3A_1445 : i32 to index
        %get3A_1452 = arith.constant 16 : index
        %get3A_1453 = tpu.vector_load %arg8[%get3A_1451, %get3A_1452] {strides = array<i32>} : memref<128x32xf32, #tpu.memory_space<vmem>>, vector<16xf32>,
        %add3A_1454 = arith.addf %get3A_1453, %get3A_1403 : vector<16xf32>
        tpu.vector_store_idx %arg12[%select_n3A_1373, %select_n3A_1395, %broadcast_in_dim3A_1446], %add3A_1450 : memref<4x8x129xf32, #tpu.memory_space<vmem>>[vector<16xi32>, vector<16xi32>, vector<16xi32>], vector<16xf32>,
        tpu.vector_store_idx %arg12[%add3A_1398, %select_n3A_1395, %broadcast_in_dim3A_1446], %add3A_1454 : memref<4x8x129xf32, #tpu.memory_space<vmem>>[vector<16xi32>, vector<16xi32>, vector<16xi32>], vector<16xf32>,
        %mul3A_1455 = arith.constant 8 : i32
        %mul3A_1456 = arith.muli %scan3A_1342, %mul3A_1455 : i32
        %add3A_1457 = arith.constant 4 : i32
        %add3A_1458 = arith.addi %mul3A_1456, %add3A_1457 : i32
        %broadcast_in_dim3A_1459 = vector.broadcast %add3A_1458 : i32 to vector<16xi32>
        %get3A_1460 = arith.index_cast %add3A_1458 : i32 to index
        %get3A_1461 = arith.constant 0 : index
        %get3A_1462 = tpu.vector_load %arg8[%get3A_1460, %get3A_1461] {strides = array<i32>} : memref<128x32xf32, #tpu.memory_space<vmem>>, vector<16xf32>,
        %add3A_1463 = arith.addf %get3A_1462, %get3A_1400 : vector<16xf32>
        %get3A_1464 = arith.index_cast %add3A_1458 : i32 to index
        %get3A_1465 = arith.constant 16 : index
        %get3A_1466 = tpu.vector_load %arg8[%get3A_1464, %get3A_1465] {strides = array<i32>} : memref<128x32xf32, #tpu.memory_space<vmem>>, vector<16xf32>,
        %add3A_1467 = arith.addf %get3A_1466, %get3A_1403 : vector<16xf32>
        tpu.vector_store_idx %arg12[%select_n3A_1373, %select_n3A_1395, %broadcast_in_dim3A_1459], %add3A_1463 : memref<4x8x129xf32, #tpu.memory_space<vmem>>[vector<16xi32>, vector<16xi32>, vector<16xi32>], vector<16xf32>,
        tpu.vector_store_idx %arg12[%add3A_1398, %select_n3A_1395, %broadcast_in_dim3A_1459], %add3A_1467 : memref<4x8x129xf32, #tpu.memory_space<vmem>>[vector<16xi32>, vector<16xi32>, vector<16xi32>], vector<16xf32>,
        %mul3A_1468 = arith.constant 8 : i32
        %mul3A_1469 = arith.muli %scan3A_1342, %mul3A_1468 : i32
        %add3A_1470 = arith.constant 5 : i32
        %add3A_1471 = arith.addi %mul3A_1469, %add3A_1470 : i32
        %broadcast_in_dim3A_1472 = vector.broadcast %add3A_1471 : i32 to vector<16xi32>
        %get3A_1473 = arith.index_cast %add3A_1471 : i32 to index
        %get3A_1474 = arith.constant 0 : index
        %get3A_1475 = tpu.vector_load %arg8[%get3A_1473, %get3A_1474] {strides = array<i32>} : memref<128x32xf32, #tpu.memory_space<vmem>>, vector<16xf32>,
        %add3A_1476 = arith.addf %get3A_1475, %get3A_1400 : vector<16xf32>
        %get3A_1477 = arith.index_cast %add3A_1471 : i32 to index
        %get3A_1478 = arith.constant 16 : index
        %get3A_1479 = tpu.vector_load %arg8[%get3A_1477, %get3A_1478] {strides = array<i32>} : memref<128x32xf32, #tpu.memory_space<vmem>>, vector<16xf32>,
        %add3A_1480 = arith.addf %get3A_1479, %get3A_1403 : vector<16xf32>
        tpu.vector_store_idx %arg12[%select_n3A_1373, %select_n3A_1395, %broadcast_in_dim3A_1472], %add3A_1476 : memref<4x8x129xf32, #tpu.memory_space<vmem>>[vector<16xi32>, vector<16xi32>, vector<16xi32>], vector<16xf32>,
        tpu.vector_store_idx %arg12[%add3A_1398, %select_n3A_1395, %broadcast_in_dim3A_1472], %add3A_1480 : memref<4x8x129xf32, #tpu.memory_space<vmem>>[vector<16xi32>, vector<16xi32>, vector<16xi32>], vector<16xf32>,
        %mul3A_1481 = arith.constant 8 : i32
        %mul3A_1482 = arith.muli %scan3A_1342, %mul3A_1481 : i32
        %add3A_1483 = arith.constant 6 : i32
        %add3A_1484 = arith.addi %mul3A_1482, %add3A_1483 : i32
        %broadcast_in_dim3A_1485 = vector.broadcast %add3A_1484 : i32 to vector<16xi32>
        %get3A_1486 = arith.index_cast %add3A_1484 : i32 to index
        %get3A_1487 = arith.constant 0 : index
        %get3A_1488 = tpu.vector_load %arg8[%get3A_1486, %get3A_1487] {strides = array<i32>} : memref<128x32xf32, #tpu.memory_space<vmem>>, vector<16xf32>,
        %add3A_1489 = arith.addf %get3A_1488, %get3A_1400 : vector<16xf32>
        %get3A_1490 = arith.index_cast %add3A_1484 : i32 to index
        %get3A_1491 = arith.constant 16 : index
        %get3A_1492 = tpu.vector_load %arg8[%get3A_1490, %get3A_1491] {strides = array<i32>} : memref<128x32xf32, #tpu.memory_space<vmem>>, vector<16xf32>,
        %add3A_1493 = arith.addf %get3A_1492, %get3A_1403 : vector<16xf32>
        tpu.vector_store_idx %arg12[%select_n3A_1373, %select_n3A_1395, %broadcast_in_dim3A_1485], %add3A_1489 : memref<4x8x129xf32, #tpu.memory_space<vmem>>[vector<16xi32>, vector<16xi32>, vector<16xi32>], vector<16xf32>,
        tpu.vector_store_idx %arg12[%add3A_1398, %select_n3A_1395, %broadcast_in_dim3A_1485], %add3A_1493 : memref<4x8x129xf32, #tpu.memory_space<vmem>>[vector<16xi32>, vector<16xi32>, vector<16xi32>], vector<16xf32>,
        %mul3A_1494 = arith.constant 8 : i32
        %mul3A_1495 = arith.muli %scan3A_1342, %mul3A_1494 : i32
        %add3A_1496 = arith.constant 7 : i32
        %add3A_1497 = arith.addi %mul3A_1495, %add3A_1496 : i32
        %broadcast_in_dim3A_1498 = vector.broadcast %add3A_1497 : i32 to vector<16xi32>
        %get3A_1499 = arith.index_cast %add3A_1497 : i32 to index
        %get3A_1500 = arith.constant 0 : index
        %get3A_1501 = tpu.vector_load %arg8[%get3A_1499, %get3A_1500] {strides = array<i32>} : memref<128x32xf32, #tpu.memory_space<vmem>>, vector<16xf32>,
        %add3A_1502 = arith.addf %get3A_1501, %get3A_1400 : vector<16xf32>
        %get3A_1503 = arith.index_cast %add3A_1497 : i32 to index
        %get3A_1504 = arith.constant 16 : index
        %get3A_1505 = tpu.vector_load %arg8[%get3A_1503, %get3A_1504] {strides = array<i32>} : memref<128x32xf32, #tpu.memory_space<vmem>>, vector<16xf32>,
        %add3A_1506 = arith.addf %get3A_1505, %get3A_1403 : vector<16xf32>
        tpu.vector_store_idx %arg12[%select_n3A_1373, %select_n3A_1395, %broadcast_in_dim3A_1498], %add3A_1502 : memref<4x8x129xf32, #tpu.memory_space<vmem>>[vector<16xi32>, vector<16xi32>, vector<16xi32>], vector<16xf32>,
        tpu.vector_store_idx %arg12[%add3A_1398, %select_n3A_1395, %broadcast_in_dim3A_1498], %add3A_1506 : memref<4x8x129xf32, #tpu.memory_space<vmem>>[vector<16xi32>, vector<16xi32>, vector<16xi32>], vector<16xf32>,
      }
      %scan3A_1066 = arith.constant 16 : i32
      %dma_start3A_1067 = arith.constant 0 : i32
      %dma_start3A_1068 = arith.constant 0 : i32
      %dma_start3A_1069 = arith.constant 0 : i32
      %dma_start3A_1070 = tpu.memref_slice %arg12[%dma_start3A_1067, %dma_start3A_1068, %dma_start3A_1069] : memref<4x8x129xf32, #tpu.memory_space<vmem>> -> memref<4x8x128xf32, #tpu.memory_space<vmem>>
      %dma_start3A_1071 = arith.constant 0 : i32
      %dma_start3A_1072 = arith.constant 0 : i32
      %dma_start3A_1073 = arith.constant 0 : i32
      %dma_start3A_1074 = tpu.memref_slice %arg5[%add3A_1022, %dma_start3A_1071, %add3A, %dma_start3A_1072, %dma_start3A_1073] : memref<200x4x32x8x128xf32, #tpu.memory_space<hbm>> -> memref<1x4x1x8x128xf32, #tpu.memory_space<hbm>>
      %dma_start3A_1075 = tpu.memref_squeeze %dma_start3A_1074 : memref<1x4x1x8x128xf32, #tpu.memory_space<hbm>> -> memref<4x8x128xf32, #tpu.memory_space<hbm>>
      %dma_start3A_1076 = arith.constant 0 : i32
      %dma_start3A_1077 = arith.constant 0 : i32
      %dma_start3A_1078 = arith.constant 0 : i32
      %dma_start3A_1079 = tpu.memref_slice %arg5[%add3A_1022, %dma_start3A_1076, %add3A, %dma_start3A_1077, %dma_start3A_1078] : memref<200x4x32x8x128xf32, #tpu.memory_space<hbm>> -> memref<1x4x1x8x128xf32, #tpu.memory_space<hbm>>
      %dma_start3A_1080 = tpu.memref_squeeze %dma_start3A_1079 : memref<1x4x1x8x128xf32, #tpu.memory_space<hbm>> -> memref<4x8x128xf32, #tpu.memory_space<hbm>>
      %dma_start3A_1081 = arith.constant 0 : i32
      %dma_start3A_1082 = arith.constant 0 : i32
      %dma_start3A_1083 = arith.constant 0 : i32
      %dma_start3A_1084 = tpu.memref_slice %arg12[%dma_start3A_1081, %dma_start3A_1082, %dma_start3A_1083] : memref<4x8x129xf32, #tpu.memory_space<vmem>> -> memref<4x8x128xf32, #tpu.memory_space<vmem>>
      tpu.enqueue_dma source(%dma_start3A_1084 : memref<4x8x128xf32, #tpu.memory_space<vmem>>) target(%dma_start3A_1080 : memref<4x8x128xf32, #tpu.memory_space<hbm>>) target_semaphore(%arg20 : memref<!tpu.dma_semaphore, #tpu.memory_space<semaphore_mem>>)
      %lt3A_1085 = arith.constant 49 : i32
      %lt3A_1086 = arith.cmpi slt, %scan3A_1018, %lt3A_1085 : i32
      %convert_element_type3A_1087 = arith.extui %lt3A_1086 : i1 to i32
      %cond3A_1088 = arith.constant 0 : i32
      %cond3A_1089 = arith.cmpi ne, %convert_element_type3A_1087, %cond3A_1088 : i32
      scf.if %cond3A_1089 {
        %add3A_1342 = arith.constant 4 : i32
        %add3A_1343 = arith.addi %add3A_1022, %add3A_1342 : i32
        %jit3A_1344 = arith.constant 8 : i32
        %div3A_1345 = arith.divsi %add3A_1343, %jit3A_1344 : i32
        %sign3A_1346 = arith.constant 0 : i32
        %sign3A_1347 = arith.cmpi sgt, %add3A_1343, %sign3A_1346 : i32
        %sign3A_1348 = arith.extui %sign3A_1347 : i1 to i32
        %sign3A_1349 = arith.constant 0 : i32
        %sign3A_1350 = arith.cmpi slt, %add3A_1343, %sign3A_1349 : i32
        %sign3A_1351 = arith.extui %sign3A_1350 : i1 to i32
        %sign3A_1352 = arith.subi %sign3A_1348, %sign3A_1351 : i32
        %sign3A_1353 = arith.constant 0 : i32
        %sign3A_1354 = arith.cmpi sgt, %jit3A_1344, %sign3A_1353 : i32
        %sign3A_1355 = arith.extui %sign3A_1354 : i1 to i32
        %sign3A_1356 = arith.constant 0 : i32
        %sign3A_1357 = arith.cmpi slt, %jit3A_1344, %sign3A_1356 : i32
        %sign3A_1358 = arith.extui %sign3A_1357 : i1 to i32
        %sign3A_1359 = arith.subi %sign3A_1355, %sign3A_1358 : i32
        %ne3A_1360 = arith.cmpi ne, %sign3A_1352, %sign3A_1359 : i32
        %rem3A_1361 = arith.remsi %add3A_1343, %jit3A_1344 : i32
        %ne3A_1362 = arith.constant 0 : i32
        %ne3A_1363 = arith.cmpi ne, %rem3A_1361, %ne3A_1362 : i32
        %and3A_1364 = arith.andi %ne3A_1360, %ne3A_1363 : i1
        %sub3A_1365 = arith.constant 1 : i32
        %sub3A_1366 = arith.subi %div3A_1345, %sub3A_1365 : i32
        %select_n3A_1367 = arith.select %and3A_1364, %sub3A_1366, %div3A_1345 : i32
        %jit3A_1368 = arith.constant 8 : i32
        %eq3A_1369 = arith.constant 0 : i32
        %eq3A_1370 = arith.cmpi eq, %jit3A_1368, %eq3A_1369 : i32
        %jit3A_1371 = arith.constant 1 : i32
        %select_n3A_1372 = arith.select %eq3A_1370, %jit3A_1371, %jit3A_1368 : i32
        %rem3A_1373 = arith.remsi %add3A_1343, %select_n3A_1372 : i32
        %ne3A_1374 = arith.constant 0 : i32
        %ne3A_1375 = arith.cmpi ne, %rem3A_1373, %ne3A_1374 : i32
        %lt3A_1376 = arith.constant 0 : i32
        %lt3A_1377 = arith.cmpi slt, %rem3A_1373, %lt3A_1376 : i32
        %lt3A_1378 = arith.constant 0 : i32
        %lt3A_1379 = arith.cmpi slt, %select_n3A_1372, %lt3A_1378 : i32
        %ne3A_1380 = arith.xori %lt3A_1377, %lt3A_1379 : i1
        %and3A_1381 = arith.andi %ne3A_1380, %ne3A_1375 : i1
        %add3A_1382 = arith.addi %rem3A_1373, %select_n3A_1372 : i32
        %select_n3A_1383 = arith.select %and3A_1381, %add3A_1382, %rem3A_1373 : i32
        %dma_start3A_1384 = arith.constant 0 : i32
        %dma_start3A_1385 = tpu.memref_slice %arg6[%select_n3A_1367, %select_n3A_1383, %dma_start3A_1384] : memref<25x8x128xi32, #tpu.memory_space<vmem>> -> memref<1x1x128xi32, #tpu.memory_space<vmem>>
        %dma_start3A_1386 = tpu.memref_squeeze %dma_start3A_1385 : memref<1x1x128xi32, #tpu.memory_space<vmem>> -> memref<128xi32, #tpu.memory_space<vmem>>
        %dma_start3A_1387 = arith.constant 0 : i32
        %dma_start3A_1388 = arith.constant 0 : i32
        %dma_start3A_1389 = tpu.memref_slice %arg3[%dma_start3A_1387, %dma_start3A_1388] : memref<1015808x32xf32, #tpu.memory_space<hbm>> -> memref<1015808x32xf32, #tpu.memory_space<hbm>>
        tpu.enqueue_indirect_dma source(%dma_start3A_1389 : memref<1015808x32xf32, #tpu.memory_space<hbm>>) target(%arg8 : memref<128x32xf32, #tpu.memory_space<vmem>>) offsets(%dma_start3A_1386 : memref<128xi32, #tpu.memory_space<vmem>>) semaphore(%arg16 : memref<!tpu.dma_semaphore, #tpu.memory_space<semaphore_mem>>)
      } else {
      }
      %mul3A_1090 = arith.constant 4 : i32
      %mul3A_1091 = arith.muli %mul3A_1090, %scan3A_1018 : i32
      %add3A_1092 = arith.constant 1 : i32
      %add3A_1093 = arith.addi %mul3A_1091, %add3A_1092 : i32
      %gt3A_1094 = arith.constant 0 : i32
      %gt3A_1095 = arith.cmpi sgt, %scan3A_1018, %gt3A_1094 : i32
      %convert_element_type3A_1096 = arith.extui %gt3A_1095 : i1 to i32
      %cond3A_1097 = arith.constant 0 : i32
      %cond3A_1098 = arith.cmpi ne, %convert_element_type3A_1096, %cond3A_1097 : i32
      scf.if %cond3A_1098 {
        %sub3A_1342 = arith.constant 4 : i32
        %sub3A_1343 = arith.subi %add3A_1093, %sub3A_1342 : i32
        %dma_wait3A_1344 = arith.constant 0 : i32
        %dma_wait3A_1345 = arith.constant 0 : i32
        %dma_wait3A_1346 = arith.constant 0 : i32
        %dma_wait3A_1347 = tpu.memref_slice %arg13[%dma_wait3A_1344, %dma_wait3A_1345, %dma_wait3A_1346] : memref<4x8x129xf32, #tpu.memory_space<vmem>> -> memref<4x8x128xf32, #tpu.memory_space<vmem>>
        %dma_wait3A_1348 = arith.constant 0 : i32
        %dma_wait3A_1349 = arith.constant 0 : i32
        %dma_wait3A_1350 = arith.constant 0 : i32
        %dma_wait3A_1351 = tpu.memref_slice %arg5[%sub3A_1343, %dma_wait3A_1348, %add3A, %dma_wait3A_1349, %dma_wait3A_1350] : memref<200x4x32x8x128xf32, #tpu.memory_space<hbm>> -> memref<1x4x1x8x128xf32, #tpu.memory_space<hbm>>
        %dma_wait3A_1352 = tpu.memref_squeeze %dma_wait3A_1351 : memref<1x4x1x8x128xf32, #tpu.memory_space<hbm>> -> memref<4x8x128xf32, #tpu.memory_space<hbm>>
        %dma_wait3A_1353 = arith.constant 0 : i32
        %dma_wait3A_1354 = arith.constant 0 : i32
        %dma_wait3A_1355 = arith.constant 0 : i32
        %dma_wait3A_1356 = tpu.memref_slice %arg5[%sub3A_1343, %dma_wait3A_1353, %add3A, %dma_wait3A_1354, %dma_wait3A_1355] : memref<200x4x32x8x128xf32, #tpu.memory_space<hbm>> -> memref<1x4x1x8x128xf32, #tpu.memory_space<hbm>>
        %dma_wait3A_1357 = tpu.memref_squeeze %dma_wait3A_1356 : memref<1x4x1x8x128xf32, #tpu.memory_space<hbm>> -> memref<4x8x128xf32, #tpu.memory_space<hbm>>
        %dma_wait3A_1358 = arith.constant 0 : i32
        %dma_wait3A_1359 = arith.constant 0 : i32
        %dma_wait3A_1360 = arith.constant 0 : i32
        %dma_wait3A_1361 = tpu.memref_slice %arg13[%dma_wait3A_1358, %dma_wait3A_1359, %dma_wait3A_1360] : memref<4x8x129xf32, #tpu.memory_space<vmem>> -> memref<4x8x128xf32, #tpu.memory_space<vmem>>
        tpu.wait_dma2 semaphore(%arg21 : memref<!tpu.dma_semaphore, #tpu.memory_space<semaphore_mem>>) src(%dma_wait3A_1361 : memref<4x8x128xf32, #tpu.memory_space<vmem>>) dst(%dma_wait3A_1357 : memref<4x8x128xf32, #tpu.memory_space<hbm>>)
      } else {
      }
      %jit3A_1099 = arith.constant 8 : i32
      %div3A_1100 = arith.divsi %add3A_1093, %jit3A_1099 : i32
      %sign3A_1101 = arith.constant 0 : i32
      %sign3A_1102 = arith.cmpi sgt, %add3A_1093, %sign3A_1101 : i32
      %sign3A_1103 = arith.extui %sign3A_1102 : i1 to i32
      %sign3A_1104 = arith.constant 0 : i32
      %sign3A_1105 = arith.cmpi slt, %add3A_1093, %sign3A_1104 : i32
      %sign3A_1106 = arith.extui %sign3A_1105 : i1 to i32
      %sign3A_1107 = arith.subi %sign3A_1103, %sign3A_1106 : i32
      %sign3A_1108 = arith.constant 0 : i32
      %sign3A_1109 = arith.cmpi sgt, %jit3A_1099, %sign3A_1108 : i32
      %sign3A_1110 = arith.extui %sign3A_1109 : i1 to i32
      %sign3A_1111 = arith.constant 0 : i32
      %sign3A_1112 = arith.cmpi slt, %jit3A_1099, %sign3A_1111 : i32
      %sign3A_1113 = arith.extui %sign3A_1112 : i1 to i32
      %sign3A_1114 = arith.subi %sign3A_1110, %sign3A_1113 : i32
      %ne3A_1115 = arith.cmpi ne, %sign3A_1107, %sign3A_1114 : i32
      %rem3A_1116 = arith.remsi %add3A_1093, %jit3A_1099 : i32
      %ne3A_1117 = arith.constant 0 : i32
      %ne3A_1118 = arith.cmpi ne, %rem3A_1116, %ne3A_1117 : i32
      %and3A_1119 = arith.andi %ne3A_1115, %ne3A_1118 : i1
      %sub3A_1120 = arith.constant 1 : i32
      %sub3A_1121 = arith.subi %div3A_1100, %sub3A_1120 : i32
      %select_n3A_1122 = arith.select %and3A_1119, %sub3A_1121, %div3A_1100 : i32
      %jit3A_1123 = arith.constant 8 : i32
      %eq3A_1124 = arith.constant 0 : i32
      %eq3A_1125 = arith.cmpi eq, %jit3A_1123, %eq3A_1124 : i32
      %jit3A_1126 = arith.constant 1 : i32
      %select_n3A_1127 = arith.select %eq3A_1125, %jit3A_1126, %jit3A_1123 : i32
      %rem3A_1128 = arith.remsi %add3A_1093, %select_n3A_1127 : i32
      %ne3A_1129 = arith.constant 0 : i32
      %ne3A_1130 = arith.cmpi ne, %rem3A_1128, %ne3A_1129 : i32
      %lt3A_1131 = arith.constant 0 : i32
      %lt3A_1132 = arith.cmpi slt, %rem3A_1128, %lt3A_1131 : i32
      %lt3A_1133 = arith.constant 0 : i32
      %lt3A_1134 = arith.cmpi slt, %select_n3A_1127, %lt3A_1133 : i32
      %ne3A_1135 = arith.xori %lt3A_1132, %lt3A_1134 : i1
      %and3A_1136 = arith.andi %ne3A_1135, %ne3A_1130 : i1
      %add3A_1137 = arith.addi %rem3A_1128, %select_n3A_1127 : i32
      %select_n3A_1138 = arith.select %and3A_1136, %add3A_1137, %rem3A_1128 : i32
      %dma_wait3A_1139 = arith.constant 0 : i32
      %dma_wait3A_1140 = tpu.memref_slice %arg6[%select_n3A_1122, %select_n3A_1138, %dma_wait3A_1139] : memref<25x8x128xi32, #tpu.memory_space<vmem>> -> memref<1x1x128xi32, #tpu.memory_space<vmem>>
      %dma_wait3A_1141 = tpu.memref_squeeze %dma_wait3A_1140 : memref<1x1x128xi32, #tpu.memory_space<vmem>> -> memref<128xi32, #tpu.memory_space<vmem>>
      %dma_wait3A_1142 = arith.constant 0 : i32
      %dma_wait3A_1143 = arith.constant 0 : i32
      %dma_wait3A_1144 = tpu.memref_slice %arg3[%dma_wait3A_1142, %dma_wait3A_1143] : memref<1015808x32xf32, #tpu.memory_space<hbm>> -> memref<1015808x32xf32, #tpu.memory_space<hbm>>
      tpu.wait_indirect_dma semaphore(%arg17 : memref<!tpu.dma_semaphore, #tpu.memory_space<semaphore_mem>>) src(%dma_wait3A_1144 : memref<1015808x32xf32, #tpu.memory_space<hbm>>) dst(%arg9 : memref<128x32xf32, #tpu.memory_space<vmem>>)
      %scan3A_1145 = arith.constant 0 : i32
      %scan3A_1146 = arith.constant 0 : i32
      %scan3A_1147 = arith.constant 16 : i32
      %scan3A_1148 = arith.addi %scan3A_1146, %scan3A_1147 : i32
      %scan3A_1149 = arith.constant 1 : i32
      scf.for %scan3A_1342 = %scan3A_1146 to %scan3A_1148 step %scan3A_1149  : i32 {
        %iota3A = tpu.iota {dimensions = array<i32: 0>} : vector<16xi32>
        %jit3A_1343 = arith.constant 8 : i32
        %div3A_1344 = vector.broadcast %jit3A_1343 : i32 to vector<16xi32>
        %div3A_1345 = arith.divsi %iota3A, %div3A_1344 : vector<16xi32>
        %sign3A_1346 = arith.constant 0 : i32
        %sign3A_1347 = vector.broadcast %sign3A_1346 : i32 to vector<16xi32>
        %sign3A_1348 = arith.cmpi sgt, %iota3A, %sign3A_1347 : vector<16xi32>
        %sign3A_1349 = arith.extui %sign3A_1348 : vector<16xi1> to vector<16xi32>
        %sign3A_1350 = arith.constant 0 : i32
        %sign3A_1351 = vector.broadcast %sign3A_1350 : i32 to vector<16xi32>
        %sign3A_1352 = arith.cmpi slt, %iota3A, %sign3A_1351 : vector<16xi32>
        %sign3A_1353 = arith.extui %sign3A_1352 : vector<16xi1> to vector<16xi32>
        %sign3A_1354 = arith.subi %sign3A_1349, %sign3A_1353 : vector<16xi32>
        %sign3A_1355 = arith.constant 0 : i32
        %sign3A_1356 = arith.cmpi sgt, %jit3A_1343, %sign3A_1355 : i32
        %sign3A_1357 = arith.extui %sign3A_1356 : i1 to i32
        %sign3A_1358 = arith.constant 0 : i32
        %sign3A_1359 = arith.cmpi slt, %jit3A_1343, %sign3A_1358 : i32
        %sign3A_1360 = arith.extui %sign3A_1359 : i1 to i32
        %sign3A_1361 = arith.subi %sign3A_1357, %sign3A_1360 : i32
        %ne3A_1362 = vector.broadcast %sign3A_1361 : i32 to vector<16xi32>
        %ne3A_1363 = arith.cmpi ne, %sign3A_1354, %ne3A_1362 : vector<16xi32>
        %rem3A_1364 = vector.broadcast %jit3A_1343 : i32 to vector<16xi32>
        %rem3A_1365 = arith.remsi %iota3A, %rem3A_1364 : vector<16xi32>
        %ne3A_1366 = arith.constant 0 : i32
        %ne3A_1367 = vector.broadcast %ne3A_1366 : i32 to vector<16xi32>
        %ne3A_1368 = arith.cmpi ne, %rem3A_1365, %ne3A_1367 : vector<16xi32>
        %and3A_1369 = arith.andi %ne3A_1363, %ne3A_1368 : vector<16xi1>
        %sub3A_1370 = arith.constant 1 : i32
        %sub3A_1371 = vector.broadcast %sub3A_1370 : i32 to vector<16xi32>
        %sub3A_1372 = arith.subi %div3A_1345, %sub3A_1371 : vector<16xi32>
        %select_n3A_1373 = arith.select %and3A_1369, %sub3A_1372, %div3A_1345 : vector<16xi1>, vector<16xi32>
        %jit3A_1374 = arith.constant 8 : i32
        %eq3A_1375 = arith.constant 0 : i32
        %eq3A_1376 = arith.cmpi eq, %jit3A_1374, %eq3A_1375 : i32
        %jit3A_1377 = arith.constant 1 : i32
        %select_n3A_1378 = arith.select %eq3A_1376, %jit3A_1377, %jit3A_1374 : i32
        %rem3A_1379 = vector.broadcast %select_n3A_1378 : i32 to vector<16xi32>
        %rem3A_1380 = arith.remsi %iota3A, %rem3A_1379 : vector<16xi32>
        %ne3A_1381 = arith.constant 0 : i32
        %ne3A_1382 = vector.broadcast %ne3A_1381 : i32 to vector<16xi32>
        %ne3A_1383 = arith.cmpi ne, %rem3A_1380, %ne3A_1382 : vector<16xi32>
        %lt3A_1384 = arith.constant 0 : i32
        %lt3A_1385 = vector.broadcast %lt3A_1384 : i32 to vector<16xi32>
        %lt3A_1386 = arith.cmpi slt, %rem3A_1380, %lt3A_1385 : vector<16xi32>
        %lt3A_1387 = arith.constant 0 : i32
        %lt3A_1388 = arith.cmpi slt, %select_n3A_1378, %lt3A_1387 : i32
        %ne3A_1389 = vector.broadcast %lt3A_1388 : i1 to vector<16xi1>
        %ne3A_1390 = vector.broadcast %ne3A_1389 : vector<16xi1> to vector<16xi1>
        %ne3A_1391 = arith.xori %lt3A_1386, %ne3A_1390 : vector<16xi1>
        %and3A_1392 = arith.andi %ne3A_1391, %ne3A_1383 : vector<16xi1>
        %add3A_1393 = vector.broadcast %select_n3A_1378 : i32 to vector<16xi32>
        %add3A_1394 = arith.addi %rem3A_1380, %add3A_1393 : vector<16xi32>
        %select_n3A_1395 = arith.select %and3A_1392, %add3A_1394, %rem3A_1380 : vector<16xi1>, vector<16xi32>
        %add3A_1396 = arith.constant 2 : i32
        %add3A_1397 = vector.broadcast %add3A_1396 : i32 to vector<16xi32>
        %add3A_1398 = arith.addi %select_n3A_1373, %add3A_1397 : vector<16xi32>
        %get3A = arith.index_cast %add3A_1093 : i32 to index
        %get3A_1399 = arith.constant 0 : index
        %get3A_1400 = tpu.vector_load %arg7[%get3A, %get3A_1399] {strides = array<i32>} : memref<200x32xf32, #tpu.memory_space<vmem>>, vector<16xf32>,
        %get3A_1401 = arith.index_cast %add3A_1093 : i32 to index
        %get3A_1402 = arith.constant 16 : index
        %get3A_1403 = tpu.vector_load %arg7[%get3A_1401, %get3A_1402] {strides = array<i32>} : memref<200x32xf32, #tpu.memory_space<vmem>>, vector<16xf32>,
        %mul3A_1404 = arith.constant 8 : i32
        %mul3A_1405 = arith.muli %scan3A_1342, %mul3A_1404 : i32
        %add3A_1406 = arith.constant 0 : i32
        %add3A_1407 = arith.addi %mul3A_1405, %add3A_1406 : i32
        %broadcast_in_dim3A = vector.broadcast %add3A_1407 : i32 to vector<16xi32>
        %get3A_1408 = arith.index_cast %add3A_1407 : i32 to index
        %get3A_1409 = arith.constant 0 : index
        %get3A_1410 = tpu.vector_load %arg9[%get3A_1408, %get3A_1409] {strides = array<i32>} : memref<128x32xf32, #tpu.memory_space<vmem>>, vector<16xf32>,
        %add3A_1411 = arith.addf %get3A_1410, %get3A_1400 : vector<16xf32>
        %get3A_1412 = arith.index_cast %add3A_1407 : i32 to index
        %get3A_1413 = arith.constant 16 : index
        %get3A_1414 = tpu.vector_load %arg9[%get3A_1412, %get3A_1413] {strides = array<i32>} : memref<128x32xf32, #tpu.memory_space<vmem>>, vector<16xf32>,
        %add3A_1415 = arith.addf %get3A_1414, %get3A_1403 : vector<16xf32>
        tpu.vector_store_idx %arg13[%select_n3A_1373, %select_n3A_1395, %broadcast_in_dim3A], %add3A_1411 : memref<4x8x129xf32, #tpu.memory_space<vmem>>[vector<16xi32>, vector<16xi32>, vector<16xi32>], vector<16xf32>,
        tpu.vector_store_idx %arg13[%add3A_1398, %select_n3A_1395, %broadcast_in_dim3A], %add3A_1415 : memref<4x8x129xf32, #tpu.memory_space<vmem>>[vector<16xi32>, vector<16xi32>, vector<16xi32>], vector<16xf32>,
        %mul3A_1416 = arith.constant 8 : i32
        %mul3A_1417 = arith.muli %scan3A_1342, %mul3A_1416 : i32
        %add3A_1418 = arith.constant 1 : i32
        %add3A_1419 = arith.addi %mul3A_1417, %add3A_1418 : i32
        %broadcast_in_dim3A_1420 = vector.broadcast %add3A_1419 : i32 to vector<16xi32>
        %get3A_1421 = arith.index_cast %add3A_1419 : i32 to index
        %get3A_1422 = arith.constant 0 : index
        %get3A_1423 = tpu.vector_load %arg9[%get3A_1421, %get3A_1422] {strides = array<i32>} : memref<128x32xf32, #tpu.memory_space<vmem>>, vector<16xf32>,
        %add3A_1424 = arith.addf %get3A_1423, %get3A_1400 : vector<16xf32>
        %get3A_1425 = arith.index_cast %add3A_1419 : i32 to index
        %get3A_1426 = arith.constant 16 : index
        %get3A_1427 = tpu.vector_load %arg9[%get3A_1425, %get3A_1426] {strides = array<i32>} : memref<128x32xf32, #tpu.memory_space<vmem>>, vector<16xf32>,
        %add3A_1428 = arith.addf %get3A_1427, %get3A_1403 : vector<16xf32>
        tpu.vector_store_idx %arg13[%select_n3A_1373, %select_n3A_1395, %broadcast_in_dim3A_1420], %add3A_1424 : memref<4x8x129xf32, #tpu.memory_space<vmem>>[vector<16xi32>, vector<16xi32>, vector<16xi32>], vector<16xf32>,
        tpu.vector_store_idx %arg13[%add3A_1398, %select_n3A_1395, %broadcast_in_dim3A_1420], %add3A_1428 : memref<4x8x129xf32, #tpu.memory_space<vmem>>[vector<16xi32>, vector<16xi32>, vector<16xi32>], vector<16xf32>,
        %mul3A_1429 = arith.constant 8 : i32
        %mul3A_1430 = arith.muli %scan3A_1342, %mul3A_1429 : i32
        %add3A_1431 = arith.constant 2 : i32
        %add3A_1432 = arith.addi %mul3A_1430, %add3A_1431 : i32
        %broadcast_in_dim3A_1433 = vector.broadcast %add3A_1432 : i32 to vector<16xi32>
        %get3A_1434 = arith.index_cast %add3A_1432 : i32 to index
        %get3A_1435 = arith.constant 0 : index
        %get3A_1436 = tpu.vector_load %arg9[%get3A_1434, %get3A_1435] {strides = array<i32>} : memref<128x32xf32, #tpu.memory_space<vmem>>, vector<16xf32>,
        %add3A_1437 = arith.addf %get3A_1436, %get3A_1400 : vector<16xf32>
        %get3A_1438 = arith.index_cast %add3A_1432 : i32 to index
        %get3A_1439 = arith.constant 16 : index
        %get3A_1440 = tpu.vector_load %arg9[%get3A_1438, %get3A_1439] {strides = array<i32>} : memref<128x32xf32, #tpu.memory_space<vmem>>, vector<16xf32>,
        %add3A_1441 = arith.addf %get3A_1440, %get3A_1403 : vector<16xf32>
        tpu.vector_store_idx %arg13[%select_n3A_1373, %select_n3A_1395, %broadcast_in_dim3A_1433], %add3A_1437 : memref<4x8x129xf32, #tpu.memory_space<vmem>>[vector<16xi32>, vector<16xi32>, vector<16xi32>], vector<16xf32>,
        tpu.vector_store_idx %arg13[%add3A_1398, %select_n3A_1395, %broadcast_in_dim3A_1433], %add3A_1441 : memref<4x8x129xf32, #tpu.memory_space<vmem>>[vector<16xi32>, vector<16xi32>, vector<16xi32>], vector<16xf32>,
        %mul3A_1442 = arith.constant 8 : i32
        %mul3A_1443 = arith.muli %scan3A_1342, %mul3A_1442 : i32
        %add3A_1444 = arith.constant 3 : i32
        %add3A_1445 = arith.addi %mul3A_1443, %add3A_1444 : i32
        %broadcast_in_dim3A_1446 = vector.broadcast %add3A_1445 : i32 to vector<16xi32>
        %get3A_1447 = arith.index_cast %add3A_1445 : i32 to index
        %get3A_1448 = arith.constant 0 : index
        %get3A_1449 = tpu.vector_load %arg9[%get3A_1447, %get3A_1448] {strides = array<i32>} : memref<128x32xf32, #tpu.memory_space<vmem>>, vector<16xf32>,
        %add3A_1450 = arith.addf %get3A_1449, %get3A_1400 : vector<16xf32>
        %get3A_1451 = arith.index_cast %add3A_1445 : i32 to index
        %get3A_1452 = arith.constant 16 : index
        %get3A_1453 = tpu.vector_load %arg9[%get3A_1451, %get3A_1452] {strides = array<i32>} : memref<128x32xf32, #tpu.memory_space<vmem>>, vector<16xf32>,
        %add3A_1454 = arith.addf %get3A_1453, %get3A_1403 : vector<16xf32>
        tpu.vector_store_idx %arg13[%select_n3A_1373, %select_n3A_1395, %broadcast_in_dim3A_1446], %add3A_1450 : memref<4x8x129xf32, #tpu.memory_space<vmem>>[vector<16xi32>, vector<16xi32>, vector<16xi32>], vector<16xf32>,
        tpu.vector_store_idx %arg13[%add3A_1398, %select_n3A_1395, %broadcast_in_dim3A_1446], %add3A_1454 : memref<4x8x129xf32, #tpu.memory_space<vmem>>[vector<16xi32>, vector<16xi32>, vector<16xi32>], vector<16xf32>,
        %mul3A_1455 = arith.constant 8 : i32
        %mul3A_1456 = arith.muli %scan3A_1342, %mul3A_1455 : i32
        %add3A_1457 = arith.constant 4 : i32
        %add3A_1458 = arith.addi %mul3A_1456, %add3A_1457 : i32
        %broadcast_in_dim3A_1459 = vector.broadcast %add3A_1458 : i32 to vector<16xi32>
        %get3A_1460 = arith.index_cast %add3A_1458 : i32 to index
        %get3A_1461 = arith.constant 0 : index
        %get3A_1462 = tpu.vector_load %arg9[%get3A_1460, %get3A_1461] {strides = array<i32>} : memref<128x32xf32, #tpu.memory_space<vmem>>, vector<16xf32>,
        %add3A_1463 = arith.addf %get3A_1462, %get3A_1400 : vector<16xf32>
        %get3A_1464 = arith.index_cast %add3A_1458 : i32 to index
        %get3A_1465 = arith.constant 16 : index
        %get3A_1466 = tpu.vector_load %arg9[%get3A_1464, %get3A_1465] {strides = array<i32>} : memref<128x32xf32, #tpu.memory_space<vmem>>, vector<16xf32>,
        %add3A_1467 = arith.addf %get3A_1466, %get3A_1403 : vector<16xf32>
        tpu.vector_store_idx %arg13[%select_n3A_1373, %select_n3A_1395, %broadcast_in_dim3A_1459], %add3A_1463 : memref<4x8x129xf32, #tpu.memory_space<vmem>>[vector<16xi32>, vector<16xi32>, vector<16xi32>], vector<16xf32>,
        tpu.vector_store_idx %arg13[%add3A_1398, %select_n3A_1395, %broadcast_in_dim3A_1459], %add3A_1467 : memref<4x8x129xf32, #tpu.memory_space<vmem>>[vector<16xi32>, vector<16xi32>, vector<16xi32>], vector<16xf32>,
        %mul3A_1468 = arith.constant 8 : i32
        %mul3A_1469 = arith.muli %scan3A_1342, %mul3A_1468 : i32
        %add3A_1470 = arith.constant 5 : i32
        %add3A_1471 = arith.addi %mul3A_1469, %add3A_1470 : i32
        %broadcast_in_dim3A_1472 = vector.broadcast %add3A_1471 : i32 to vector<16xi32>
        %get3A_1473 = arith.index_cast %add3A_1471 : i32 to index
        %get3A_1474 = arith.constant 0 : index
        %get3A_1475 = tpu.vector_load %arg9[%get3A_1473, %get3A_1474] {strides = array<i32>} : memref<128x32xf32, #tpu.memory_space<vmem>>, vector<16xf32>,
        %add3A_1476 = arith.addf %get3A_1475, %get3A_1400 : vector<16xf32>
        %get3A_1477 = arith.index_cast %add3A_1471 : i32 to index
        %get3A_1478 = arith.constant 16 : index
        %get3A_1479 = tpu.vector_load %arg9[%get3A_1477, %get3A_1478] {strides = array<i32>} : memref<128x32xf32, #tpu.memory_space<vmem>>, vector<16xf32>,
        %add3A_1480 = arith.addf %get3A_1479, %get3A_1403 : vector<16xf32>
        tpu.vector_store_idx %arg13[%select_n3A_1373, %select_n3A_1395, %broadcast_in_dim3A_1472], %add3A_1476 : memref<4x8x129xf32, #tpu.memory_space<vmem>>[vector<16xi32>, vector<16xi32>, vector<16xi32>], vector<16xf32>,
        tpu.vector_store_idx %arg13[%add3A_1398, %select_n3A_1395, %broadcast_in_dim3A_1472], %add3A_1480 : memref<4x8x129xf32, #tpu.memory_space<vmem>>[vector<16xi32>, vector<16xi32>, vector<16xi32>], vector<16xf32>,
        %mul3A_1481 = arith.constant 8 : i32
        %mul3A_1482 = arith.muli %scan3A_1342, %mul3A_1481 : i32
        %add3A_1483 = arith.constant 6 : i32
        %add3A_1484 = arith.addi %mul3A_1482, %add3A_1483 : i32
        %broadcast_in_dim3A_1485 = vector.broadcast %add3A_1484 : i32 to vector<16xi32>
        %get3A_1486 = arith.index_cast %add3A_1484 : i32 to index
        %get3A_1487 = arith.constant 0 : index
        %get3A_1488 = tpu.vector_load %arg9[%get3A_1486, %get3A_1487] {strides = array<i32>} : memref<128x32xf32, #tpu.memory_space<vmem>>, vector<16xf32>,
        %add3A_1489 = arith.addf %get3A_1488, %get3A_1400 : vector<16xf32>
        %get3A_1490 = arith.index_cast %add3A_1484 : i32 to index
        %get3A_1491 = arith.constant 16 : index
        %get3A_1492 = tpu.vector_load %arg9[%get3A_1490, %get3A_1491] {strides = array<i32>} : memref<128x32xf32, #tpu.memory_space<vmem>>, vector<16xf32>,
        %add3A_1493 = arith.addf %get3A_1492, %get3A_1403 : vector<16xf32>
        tpu.vector_store_idx %arg13[%select_n3A_1373, %select_n3A_1395, %broadcast_in_dim3A_1485], %add3A_1489 : memref<4x8x129xf32, #tpu.memory_space<vmem>>[vector<16xi32>, vector<16xi32>, vector<16xi32>], vector<16xf32>,
        tpu.vector_store_idx %arg13[%add3A_1398, %select_n3A_1395, %broadcast_in_dim3A_1485], %add3A_1493 : memref<4x8x129xf32, #tpu.memory_space<vmem>>[vector<16xi32>, vector<16xi32>, vector<16xi32>], vector<16xf32>,
        %mul3A_1494 = arith.constant 8 : i32
        %mul3A_1495 = arith.muli %scan3A_1342, %mul3A_1494 : i32
        %add3A_1496 = arith.constant 7 : i32
        %add3A_1497 = arith.addi %mul3A_1495, %add3A_1496 : i32
        %broadcast_in_dim3A_1498 = vector.broadcast %add3A_1497 : i32 to vector<16xi32>
        %get3A_1499 = arith.index_cast %add3A_1497 : i32 to index
        %get3A_1500 = arith.constant 0 : index
        %get3A_1501 = tpu.vector_load %arg9[%get3A_1499, %get3A_1500] {strides = array<i32>} : memref<128x32xf32, #tpu.memory_space<vmem>>, vector<16xf32>,
        %add3A_1502 = arith.addf %get3A_1501, %get3A_1400 : vector<16xf32>
        %get3A_1503 = arith.index_cast %add3A_1497 : i32 to index
        %get3A_1504 = arith.constant 16 : index
        %get3A_1505 = tpu.vector_load %arg9[%get3A_1503, %get3A_1504] {strides = array<i32>} : memref<128x32xf32, #tpu.memory_space<vmem>>, vector<16xf32>,
        %add3A_1506 = arith.addf %get3A_1505, %get3A_1403 : vector<16xf32>
        tpu.vector_store_idx %arg13[%select_n3A_1373, %select_n3A_1395, %broadcast_in_dim3A_1498], %add3A_1502 : memref<4x8x129xf32, #tpu.memory_space<vmem>>[vector<16xi32>, vector<16xi32>, vector<16xi32>], vector<16xf32>,
        tpu.vector_store_idx %arg13[%add3A_1398, %select_n3A_1395, %broadcast_in_dim3A_1498], %add3A_1506 : memref<4x8x129xf32, #tpu.memory_space<vmem>>[vector<16xi32>, vector<16xi32>, vector<16xi32>], vector<16xf32>,
      }
      %scan3A_1150 = arith.constant 16 : i32
      %dma_start3A_1151 = arith.constant 0 : i32
      %dma_start3A_1152 = arith.constant 0 : i32
      %dma_start3A_1153 = arith.constant 0 : i32
      %dma_start3A_1154 = tpu.memref_slice %arg13[%dma_start3A_1151, %dma_start3A_1152, %dma_start3A_1153] : memref<4x8x129xf32, #tpu.memory_space<vmem>> -> memref<4x8x128xf32, #tpu.memory_space<vmem>>
      %dma_start3A_1155 = arith.constant 0 : i32
      %dma_start3A_1156 = arith.constant 0 : i32
      %dma_start3A_1157 = arith.constant 0 : i32
      %dma_start3A_1158 = tpu.memref_slice %arg5[%add3A_1093, %dma_start3A_1155, %add3A, %dma_start3A_1156, %dma_start3A_1157] : memref<200x4x32x8x128xf32, #tpu.memory_space<hbm>> -> memref<1x4x1x8x128xf32, #tpu.memory_space<hbm>>
      %dma_start3A_1159 = tpu.memref_squeeze %dma_start3A_1158 : memref<1x4x1x8x128xf32, #tpu.memory_space<hbm>> -> memref<4x8x128xf32, #tpu.memory_space<hbm>>
      %dma_start3A_1160 = arith.constant 0 : i32
      %dma_start3A_1161 = arith.constant 0 : i32
      %dma_start3A_1162 = arith.constant 0 : i32
      %dma_start3A_1163 = tpu.memref_slice %arg5[%add3A_1093, %dma_start3A_1160, %add3A, %dma_start3A_1161, %dma_start3A_1162] : memref<200x4x32x8x128xf32, #tpu.memory_space<hbm>> -> memref<1x4x1x8x128xf32, #tpu.memory_space<hbm>>
      %dma_start3A_1164 = tpu.memref_squeeze %dma_start3A_1163 : memref<1x4x1x8x128xf32, #tpu.memory_space<hbm>> -> memref<4x8x128xf32, #tpu.memory_space<hbm>>
      %dma_start3A_1165 = arith.constant 0 : i32
      %dma_start3A_1166 = arith.constant 0 : i32
      %dma_start3A_1167 = arith.constant 0 : i32
      %dma_start3A_1168 = tpu.memref_slice %arg13[%dma_start3A_1165, %dma_start3A_1166, %dma_start3A_1167] : memref<4x8x129xf32, #tpu.memory_space<vmem>> -> memref<4x8x128xf32, #tpu.memory_space<vmem>>
      tpu.enqueue_dma source(%dma_start3A_1168 : memref<4x8x128xf32, #tpu.memory_space<vmem>>) target(%dma_start3A_1164 : memref<4x8x128xf32, #tpu.memory_space<hbm>>) target_semaphore(%arg21 : memref<!tpu.dma_semaphore, #tpu.memory_space<semaphore_mem>>)
      %lt3A_1169 = arith.constant 49 : i32
      %lt3A_1170 = arith.cmpi slt, %scan3A_1018, %lt3A_1169 : i32
      %convert_element_type3A_1171 = arith.extui %lt3A_1170 : i1 to i32
      %cond3A_1172 = arith.constant 0 : i32
      %cond3A_1173 = arith.cmpi ne, %convert_element_type3A_1171, %cond3A_1172 : i32
      scf.if %cond3A_1173 {
        %add3A_1342 = arith.constant 4 : i32
        %add3A_1343 = arith.addi %add3A_1093, %add3A_1342 : i32
        %jit3A_1344 = arith.constant 8 : i32
        %div3A_1345 = arith.divsi %add3A_1343, %jit3A_1344 : i32
        %sign3A_1346 = arith.constant 0 : i32
        %sign3A_1347 = arith.cmpi sgt, %add3A_1343, %sign3A_1346 : i32
        %sign3A_1348 = arith.extui %sign3A_1347 : i1 to i32
        %sign3A_1349 = arith.constant 0 : i32
        %sign3A_1350 = arith.cmpi slt, %add3A_1343, %sign3A_1349 : i32
        %sign3A_1351 = arith.extui %sign3A_1350 : i1 to i32
        %sign3A_1352 = arith.subi %sign3A_1348, %sign3A_1351 : i32
        %sign3A_1353 = arith.constant 0 : i32
        %sign3A_1354 = arith.cmpi sgt, %jit3A_1344, %sign3A_1353 : i32
        %sign3A_1355 = arith.extui %sign3A_1354 : i1 to i32
        %sign3A_1356 = arith.constant 0 : i32
        %sign3A_1357 = arith.cmpi slt, %jit3A_1344, %sign3A_1356 : i32
        %sign3A_1358 = arith.extui %sign3A_1357 : i1 to i32
        %sign3A_1359 = arith.subi %sign3A_1355, %sign3A_1358 : i32
        %ne3A_1360 = arith.cmpi ne, %sign3A_1352, %sign3A_1359 : i32
        %rem3A_1361 = arith.remsi %add3A_1343, %jit3A_1344 : i32
        %ne3A_1362 = arith.constant 0 : i32
        %ne3A_1363 = arith.cmpi ne, %rem3A_1361, %ne3A_1362 : i32
        %and3A_1364 = arith.andi %ne3A_1360, %ne3A_1363 : i1
        %sub3A_1365 = arith.constant 1 : i32
        %sub3A_1366 = arith.subi %div3A_1345, %sub3A_1365 : i32
        %select_n3A_1367 = arith.select %and3A_1364, %sub3A_1366, %div3A_1345 : i32
        %jit3A_1368 = arith.constant 8 : i32
        %eq3A_1369 = arith.constant 0 : i32
        %eq3A_1370 = arith.cmpi eq, %jit3A_1368, %eq3A_1369 : i32
        %jit3A_1371 = arith.constant 1 : i32
        %select_n3A_1372 = arith.select %eq3A_1370, %jit3A_1371, %jit3A_1368 : i32
        %rem3A_1373 = arith.remsi %add3A_1343, %select_n3A_1372 : i32
        %ne3A_1374 = arith.constant 0 : i32
        %ne3A_1375 = arith.cmpi ne, %rem3A_1373, %ne3A_1374 : i32
        %lt3A_1376 = arith.constant 0 : i32
        %lt3A_1377 = arith.cmpi slt, %rem3A_1373, %lt3A_1376 : i32
        %lt3A_1378 = arith.constant 0 : i32
        %lt3A_1379 = arith.cmpi slt, %select_n3A_1372, %lt3A_1378 : i32
        %ne3A_1380 = arith.xori %lt3A_1377, %lt3A_1379 : i1
        %and3A_1381 = arith.andi %ne3A_1380, %ne3A_1375 : i1
        %add3A_1382 = arith.addi %rem3A_1373, %select_n3A_1372 : i32
        %select_n3A_1383 = arith.select %and3A_1381, %add3A_1382, %rem3A_1373 : i32
        %dma_start3A_1384 = arith.constant 0 : i32
        %dma_start3A_1385 = tpu.memref_slice %arg6[%select_n3A_1367, %select_n3A_1383, %dma_start3A_1384] : memref<25x8x128xi32, #tpu.memory_space<vmem>> -> memref<1x1x128xi32, #tpu.memory_space<vmem>>
        %dma_start3A_1386 = tpu.memref_squeeze %dma_start3A_1385 : memref<1x1x128xi32, #tpu.memory_space<vmem>> -> memref<128xi32, #tpu.memory_space<vmem>>
        %dma_start3A_1387 = arith.constant 0 : i32
        %dma_start3A_1388 = arith.constant 0 : i32
        %dma_start3A_1389 = tpu.memref_slice %arg3[%dma_start3A_1387, %dma_start3A_1388] : memref<1015808x32xf32, #tpu.memory_space<hbm>> -> memref<1015808x32xf32, #tpu.memory_space<hbm>>
        tpu.enqueue_indirect_dma source(%dma_start3A_1389 : memref<1015808x32xf32, #tpu.memory_space<hbm>>) target(%arg9 : memref<128x32xf32, #tpu.memory_space<vmem>>) offsets(%dma_start3A_1386 : memref<128xi32, #tpu.memory_space<vmem>>) semaphore(%arg17 : memref<!tpu.dma_semaphore, #tpu.memory_space<semaphore_mem>>)
      } else {
      }
      %mul3A_1174 = arith.constant 4 : i32
      %mul3A_1175 = arith.muli %mul3A_1174, %scan3A_1018 : i32
      %add3A_1176 = arith.constant 2 : i32
      %add3A_1177 = arith.addi %mul3A_1175, %add3A_1176 : i32
      %gt3A_1178 = arith.constant 0 : i32
      %gt3A_1179 = arith.cmpi sgt, %scan3A_1018, %gt3A_1178 : i32
      %convert_element_type3A_1180 = arith.extui %gt3A_1179 : i1 to i32
      %cond3A_1181 = arith.constant 0 : i32
      %cond3A_1182 = arith.cmpi ne, %convert_element_type3A_1180, %cond3A_1181 : i32
      scf.if %cond3A_1182 {
        %sub3A_1342 = arith.constant 4 : i32
        %sub3A_1343 = arith.subi %add3A_1177, %sub3A_1342 : i32
        %dma_wait3A_1344 = arith.constant 0 : i32
        %dma_wait3A_1345 = arith.constant 0 : i32
        %dma_wait3A_1346 = arith.constant 0 : i32
        %dma_wait3A_1347 = tpu.memref_slice %arg14[%dma_wait3A_1344, %dma_wait3A_1345, %dma_wait3A_1346] : memref<4x8x129xf32, #tpu.memory_space<vmem>> -> memref<4x8x128xf32, #tpu.memory_space<vmem>>
        %dma_wait3A_1348 = arith.constant 0 : i32
        %dma_wait3A_1349 = arith.constant 0 : i32
        %dma_wait3A_1350 = arith.constant 0 : i32
        %dma_wait3A_1351 = tpu.memref_slice %arg5[%sub3A_1343, %dma_wait3A_1348, %add3A, %dma_wait3A_1349, %dma_wait3A_1350] : memref<200x4x32x8x128xf32, #tpu.memory_space<hbm>> -> memref<1x4x1x8x128xf32, #tpu.memory_space<hbm>>
        %dma_wait3A_1352 = tpu.memref_squeeze %dma_wait3A_1351 : memref<1x4x1x8x128xf32, #tpu.memory_space<hbm>> -> memref<4x8x128xf32, #tpu.memory_space<hbm>>
        %dma_wait3A_1353 = arith.constant 0 : i32
        %dma_wait3A_1354 = arith.constant 0 : i32
        %dma_wait3A_1355 = arith.constant 0 : i32
        %dma_wait3A_1356 = tpu.memref_slice %arg5[%sub3A_1343, %dma_wait3A_1353, %add3A, %dma_wait3A_1354, %dma_wait3A_1355] : memref<200x4x32x8x128xf32, #tpu.memory_space<hbm>> -> memref<1x4x1x8x128xf32, #tpu.memory_space<hbm>>
        %dma_wait3A_1357 = tpu.memref_squeeze %dma_wait3A_1356 : memref<1x4x1x8x128xf32, #tpu.memory_space<hbm>> -> memref<4x8x128xf32, #tpu.memory_space<hbm>>
        %dma_wait3A_1358 = arith.constant 0 : i32
        %dma_wait3A_1359 = arith.constant 0 : i32
        %dma_wait3A_1360 = arith.constant 0 : i32
        %dma_wait3A_1361 = tpu.memref_slice %arg14[%dma_wait3A_1358, %dma_wait3A_1359, %dma_wait3A_1360] : memref<4x8x129xf32, #tpu.memory_space<vmem>> -> memref<4x8x128xf32, #tpu.memory_space<vmem>>
        tpu.wait_dma2 semaphore(%arg22 : memref<!tpu.dma_semaphore, #tpu.memory_space<semaphore_mem>>) src(%dma_wait3A_1361 : memref<4x8x128xf32, #tpu.memory_space<vmem>>) dst(%dma_wait3A_1357 : memref<4x8x128xf32, #tpu.memory_space<hbm>>)
      } else {
      }
      %jit3A_1183 = arith.constant 8 : i32
      %div3A_1184 = arith.divsi %add3A_1177, %jit3A_1183 : i32
      %sign3A_1185 = arith.constant 0 : i32
      %sign3A_1186 = arith.cmpi sgt, %add3A_1177, %sign3A_1185 : i32
      %sign3A_1187 = arith.extui %sign3A_1186 : i1 to i32
      %sign3A_1188 = arith.constant 0 : i32
      %sign3A_1189 = arith.cmpi slt, %add3A_1177, %sign3A_1188 : i32
      %sign3A_1190 = arith.extui %sign3A_1189 : i1 to i32
      %sign3A_1191 = arith.subi %sign3A_1187, %sign3A_1190 : i32
      %sign3A_1192 = arith.constant 0 : i32
      %sign3A_1193 = arith.cmpi sgt, %jit3A_1183, %sign3A_1192 : i32
      %sign3A_1194 = arith.extui %sign3A_1193 : i1 to i32
      %sign3A_1195 = arith.constant 0 : i32
      %sign3A_1196 = arith.cmpi slt, %jit3A_1183, %sign3A_1195 : i32
      %sign3A_1197 = arith.extui %sign3A_1196 : i1 to i32
      %sign3A_1198 = arith.subi %sign3A_1194, %sign3A_1197 : i32
      %ne3A_1199 = arith.cmpi ne, %sign3A_1191, %sign3A_1198 : i32
      %rem3A_1200 = arith.remsi %add3A_1177, %jit3A_1183 : i32
      %ne3A_1201 = arith.constant 0 : i32
      %ne3A_1202 = arith.cmpi ne, %rem3A_1200, %ne3A_1201 : i32
      %and3A_1203 = arith.andi %ne3A_1199, %ne3A_1202 : i1
      %sub3A_1204 = arith.constant 1 : i32
      %sub3A_1205 = arith.subi %div3A_1184, %sub3A_1204 : i32
      %select_n3A_1206 = arith.select %and3A_1203, %sub3A_1205, %div3A_1184 : i32
      %jit3A_1207 = arith.constant 8 : i32
      %eq3A_1208 = arith.constant 0 : i32
      %eq3A_1209 = arith.cmpi eq, %jit3A_1207, %eq3A_1208 : i32
      %jit3A_1210 = arith.constant 1 : i32
      %select_n3A_1211 = arith.select %eq3A_1209, %jit3A_1210, %jit3A_1207 : i32
      %rem3A_1212 = arith.remsi %add3A_1177, %select_n3A_1211 : i32
      %ne3A_1213 = arith.constant 0 : i32
      %ne3A_1214 = arith.cmpi ne, %rem3A_1212, %ne3A_1213 : i32
      %lt3A_1215 = arith.constant 0 : i32
      %lt3A_1216 = arith.cmpi slt, %rem3A_1212, %lt3A_1215 : i32
      %lt3A_1217 = arith.constant 0 : i32
      %lt3A_1218 = arith.cmpi slt, %select_n3A_1211, %lt3A_1217 : i32
      %ne3A_1219 = arith.xori %lt3A_1216, %lt3A_1218 : i1
      %and3A_1220 = arith.andi %ne3A_1219, %ne3A_1214 : i1
      %add3A_1221 = arith.addi %rem3A_1212, %select_n3A_1211 : i32
      %select_n3A_1222 = arith.select %and3A_1220, %add3A_1221, %rem3A_1212 : i32
      %dma_wait3A_1223 = arith.constant 0 : i32
      %dma_wait3A_1224 = tpu.memref_slice %arg6[%select_n3A_1206, %select_n3A_1222, %dma_wait3A_1223] : memref<25x8x128xi32, #tpu.memory_space<vmem>> -> memref<1x1x128xi32, #tpu.memory_space<vmem>>
      %dma_wait3A_1225 = tpu.memref_squeeze %dma_wait3A_1224 : memref<1x1x128xi32, #tpu.memory_space<vmem>> -> memref<128xi32, #tpu.memory_space<vmem>>
      %dma_wait3A_1226 = arith.constant 0 : i32
      %dma_wait3A_1227 = arith.constant 0 : i32
      %dma_wait3A_1228 = tpu.memref_slice %arg3[%dma_wait3A_1226, %dma_wait3A_1227] : memref<1015808x32xf32, #tpu.memory_space<hbm>> -> memref<1015808x32xf32, #tpu.memory_space<hbm>>
      tpu.wait_indirect_dma semaphore(%arg18 : memref<!tpu.dma_semaphore, #tpu.memory_space<semaphore_mem>>) src(%dma_wait3A_1228 : memref<1015808x32xf32, #tpu.memory_space<hbm>>) dst(%arg10 : memref<128x32xf32, #tpu.memory_space<vmem>>)
      %scan3A_1229 = arith.constant 0 : i32
      %scan3A_1230 = arith.constant 0 : i32
      %scan3A_1231 = arith.constant 16 : i32
      %scan3A_1232 = arith.addi %scan3A_1230, %scan3A_1231 : i32
      %scan3A_1233 = arith.constant 1 : i32
      scf.for %scan3A_1342 = %scan3A_1230 to %scan3A_1232 step %scan3A_1233  : i32 {
        %iota3A = tpu.iota {dimensions = array<i32: 0>} : vector<16xi32>
        %jit3A_1343 = arith.constant 8 : i32
        %div3A_1344 = vector.broadcast %jit3A_1343 : i32 to vector<16xi32>
        %div3A_1345 = arith.divsi %iota3A, %div3A_1344 : vector<16xi32>
        %sign3A_1346 = arith.constant 0 : i32
        %sign3A_1347 = vector.broadcast %sign3A_1346 : i32 to vector<16xi32>
        %sign3A_1348 = arith.cmpi sgt, %iota3A, %sign3A_1347 : vector<16xi32>
        %sign3A_1349 = arith.extui %sign3A_1348 : vector<16xi1> to vector<16xi32>
        %sign3A_1350 = arith.constant 0 : i32
        %sign3A_1351 = vector.broadcast %sign3A_1350 : i32 to vector<16xi32>
        %sign3A_1352 = arith.cmpi slt, %iota3A, %sign3A_1351 : vector<16xi32>
        %sign3A_1353 = arith.extui %sign3A_1352 : vector<16xi1> to vector<16xi32>
        %sign3A_1354 = arith.subi %sign3A_1349, %sign3A_1353 : vector<16xi32>
        %sign3A_1355 = arith.constant 0 : i32
        %sign3A_1356 = arith.cmpi sgt, %jit3A_1343, %sign3A_1355 : i32
        %sign3A_1357 = arith.extui %sign3A_1356 : i1 to i32
        %sign3A_1358 = arith.constant 0 : i32
        %sign3A_1359 = arith.cmpi slt, %jit3A_1343, %sign3A_1358 : i32
        %sign3A_1360 = arith.extui %sign3A_1359 : i1 to i32
        %sign3A_1361 = arith.subi %sign3A_1357, %sign3A_1360 : i32
        %ne3A_1362 = vector.broadcast %sign3A_1361 : i32 to vector<16xi32>
        %ne3A_1363 = arith.cmpi ne, %sign3A_1354, %ne3A_1362 : vector<16xi32>
        %rem3A_1364 = vector.broadcast %jit3A_1343 : i32 to vector<16xi32>
        %rem3A_1365 = arith.remsi %iota3A, %rem3A_1364 : vector<16xi32>
        %ne3A_1366 = arith.constant 0 : i32
        %ne3A_1367 = vector.broadcast %ne3A_1366 : i32 to vector<16xi32>
        %ne3A_1368 = arith.cmpi ne, %rem3A_1365, %ne3A_1367 : vector<16xi32>
        %and3A_1369 = arith.andi %ne3A_1363, %ne3A_1368 : vector<16xi1>
        %sub3A_1370 = arith.constant 1 : i32
        %sub3A_1371 = vector.broadcast %sub3A_1370 : i32 to vector<16xi32>
        %sub3A_1372 = arith.subi %div3A_1345, %sub3A_1371 : vector<16xi32>
        %select_n3A_1373 = arith.select %and3A_1369, %sub3A_1372, %div3A_1345 : vector<16xi1>, vector<16xi32>
        %jit3A_1374 = arith.constant 8 : i32
        %eq3A_1375 = arith.constant 0 : i32
        %eq3A_1376 = arith.cmpi eq, %jit3A_1374, %eq3A_1375 : i32
        %jit3A_1377 = arith.constant 1 : i32
        %select_n3A_1378 = arith.select %eq3A_1376, %jit3A_1377, %jit3A_1374 : i32
        %rem3A_1379 = vector.broadcast %select_n3A_1378 : i32 to vector<16xi32>
        %rem3A_1380 = arith.remsi %iota3A, %rem3A_1379 : vector<16xi32>
        %ne3A_1381 = arith.constant 0 : i32
        %ne3A_1382 = vector.broadcast %ne3A_1381 : i32 to vector<16xi32>
        %ne3A_1383 = arith.cmpi ne, %rem3A_1380, %ne3A_1382 : vector<16xi32>
        %lt3A_1384 = arith.constant 0 : i32
        %lt3A_1385 = vector.broadcast %lt3A_1384 : i32 to vector<16xi32>
        %lt3A_1386 = arith.cmpi slt, %rem3A_1380, %lt3A_1385 : vector<16xi32>
        %lt3A_1387 = arith.constant 0 : i32
        %lt3A_1388 = arith.cmpi slt, %select_n3A_1378, %lt3A_1387 : i32
        %ne3A_1389 = vector.broadcast %lt3A_1388 : i1 to vector<16xi1>
        %ne3A_1390 = vector.broadcast %ne3A_1389 : vector<16xi1> to vector<16xi1>
        %ne3A_1391 = arith.xori %lt3A_1386, %ne3A_1390 : vector<16xi1>
        %and3A_1392 = arith.andi %ne3A_1391, %ne3A_1383 : vector<16xi1>
        %add3A_1393 = vector.broadcast %select_n3A_1378 : i32 to vector<16xi32>
        %add3A_1394 = arith.addi %rem3A_1380, %add3A_1393 : vector<16xi32>
        %select_n3A_1395 = arith.select %and3A_1392, %add3A_1394, %rem3A_1380 : vector<16xi1>, vector<16xi32>
        %add3A_1396 = arith.constant 2 : i32
        %add3A_1397 = vector.broadcast %add3A_1396 : i32 to vector<16xi32>
        %add3A_1398 = arith.addi %select_n3A_1373, %add3A_1397 : vector<16xi32>
        %get3A = arith.index_cast %add3A_1177 : i32 to index
        %get3A_1399 = arith.constant 0 : index
        %get3A_1400 = tpu.vector_load %arg7[%get3A, %get3A_1399] {strides = array<i32>} : memref<200x32xf32, #tpu.memory_space<vmem>>, vector<16xf32>,
        %get3A_1401 = arith.index_cast %add3A_1177 : i32 to index
        %get3A_1402 = arith.constant 16 : index
        %get3A_1403 = tpu.vector_load %arg7[%get3A_1401, %get3A_1402] {strides = array<i32>} : memref<200x32xf32, #tpu.memory_space<vmem>>, vector<16xf32>,
        %mul3A_1404 = arith.constant 8 : i32
        %mul3A_1405 = arith.muli %scan3A_1342, %mul3A_1404 : i32
        %add3A_1406 = arith.constant 0 : i32
        %add3A_1407 = arith.addi %mul3A_1405, %add3A_1406 : i32
        %broadcast_in_dim3A = vector.broadcast %add3A_1407 : i32 to vector<16xi32>
        %get3A_1408 = arith.index_cast %add3A_1407 : i32 to index
        %get3A_1409 = arith.constant 0 : index
        %get3A_1410 = tpu.vector_load %arg10[%get3A_1408, %get3A_1409] {strides = array<i32>} : memref<128x32xf32, #tpu.memory_space<vmem>>, vector<16xf32>,
        %add3A_1411 = arith.addf %get3A_1410, %get3A_1400 : vector<16xf32>
        %get3A_1412 = arith.index_cast %add3A_1407 : i32 to index
        %get3A_1413 = arith.constant 16 : index
        %get3A_1414 = tpu.vector_load %arg10[%get3A_1412, %get3A_1413] {strides = array<i32>} : memref<128x32xf32, #tpu.memory_space<vmem>>, vector<16xf32>,
        %add3A_1415 = arith.addf %get3A_1414, %get3A_1403 : vector<16xf32>
        tpu.vector_store_idx %arg14[%select_n3A_1373, %select_n3A_1395, %broadcast_in_dim3A], %add3A_1411 : memref<4x8x129xf32, #tpu.memory_space<vmem>>[vector<16xi32>, vector<16xi32>, vector<16xi32>], vector<16xf32>,
        tpu.vector_store_idx %arg14[%add3A_1398, %select_n3A_1395, %broadcast_in_dim3A], %add3A_1415 : memref<4x8x129xf32, #tpu.memory_space<vmem>>[vector<16xi32>, vector<16xi32>, vector<16xi32>], vector<16xf32>,
        %mul3A_1416 = arith.constant 8 : i32
        %mul3A_1417 = arith.muli %scan3A_1342, %mul3A_1416 : i32
        %add3A_1418 = arith.constant 1 : i32
        %add3A_1419 = arith.addi %mul3A_1417, %add3A_1418 : i32
        %broadcast_in_dim3A_1420 = vector.broadcast %add3A_1419 : i32 to vector<16xi32>
        %get3A_1421 = arith.index_cast %add3A_1419 : i32 to index
        %get3A_1422 = arith.constant 0 : index
        %get3A_1423 = tpu.vector_load %arg10[%get3A_1421, %get3A_1422] {strides = array<i32>} : memref<128x32xf32, #tpu.memory_space<vmem>>, vector<16xf32>,
        %add3A_1424 = arith.addf %get3A_1423, %get3A_1400 : vector<16xf32>
        %get3A_1425 = arith.index_cast %add3A_1419 : i32 to index
        %get3A_1426 = arith.constant 16 : index
        %get3A_1427 = tpu.vector_load %arg10[%get3A_1425, %get3A_1426] {strides = array<i32>} : memref<128x32xf32, #tpu.memory_space<vmem>>, vector<16xf32>,
        %add3A_1428 = arith.addf %get3A_1427, %get3A_1403 : vector<16xf32>
        tpu.vector_store_idx %arg14[%select_n3A_1373, %select_n3A_1395, %broadcast_in_dim3A_1420], %add3A_1424 : memref<4x8x129xf32, #tpu.memory_space<vmem>>[vector<16xi32>, vector<16xi32>, vector<16xi32>], vector<16xf32>,
        tpu.vector_store_idx %arg14[%add3A_1398, %select_n3A_1395, %broadcast_in_dim3A_1420], %add3A_1428 : memref<4x8x129xf32, #tpu.memory_space<vmem>>[vector<16xi32>, vector<16xi32>, vector<16xi32>], vector<16xf32>,
        %mul3A_1429 = arith.constant 8 : i32
        %mul3A_1430 = arith.muli %scan3A_1342, %mul3A_1429 : i32
        %add3A_1431 = arith.constant 2 : i32
        %add3A_1432 = arith.addi %mul3A_1430, %add3A_1431 : i32
        %broadcast_in_dim3A_1433 = vector.broadcast %add3A_1432 : i32 to vector<16xi32>
        %get3A_1434 = arith.index_cast %add3A_1432 : i32 to index
        %get3A_1435 = arith.constant 0 : index
        %get3A_1436 = tpu.vector_load %arg10[%get3A_1434, %get3A_1435] {strides = array<i32>} : memref<128x32xf32, #tpu.memory_space<vmem>>, vector<16xf32>,
        %add3A_1437 = arith.addf %get3A_1436, %get3A_1400 : vector<16xf32>
        %get3A_1438 = arith.index_cast %add3A_1432 : i32 to index
        %get3A_1439 = arith.constant 16 : index
        %get3A_1440 = tpu.vector_load %arg10[%get3A_1438, %get3A_1439] {strides = array<i32>} : memref<128x32xf32, #tpu.memory_space<vmem>>, vector<16xf32>,
        %add3A_1441 = arith.addf %get3A_1440, %get3A_1403 : vector<16xf32>
        tpu.vector_store_idx %arg14[%select_n3A_1373, %select_n3A_1395, %broadcast_in_dim3A_1433], %add3A_1437 : memref<4x8x129xf32, #tpu.memory_space<vmem>>[vector<16xi32>, vector<16xi32>, vector<16xi32>], vector<16xf32>,
        tpu.vector_store_idx %arg14[%add3A_1398, %select_n3A_1395, %broadcast_in_dim3A_1433], %add3A_1441 : memref<4x8x129xf32, #tpu.memory_space<vmem>>[vector<16xi32>, vector<16xi32>, vector<16xi32>], vector<16xf32>,
        %mul3A_1442 = arith.constant 8 : i32
        %mul3A_1443 = arith.muli %scan3A_1342, %mul3A_1442 : i32
        %add3A_1444 = arith.constant 3 : i32
        %add3A_1445 = arith.addi %mul3A_1443, %add3A_1444 : i32
        %broadcast_in_dim3A_1446 = vector.broadcast %add3A_1445 : i32 to vector<16xi32>
        %get3A_1447 = arith.index_cast %add3A_1445 : i32 to index
        %get3A_1448 = arith.constant 0 : index
        %get3A_1449 = tpu.vector_load %arg10[%get3A_1447, %get3A_1448] {strides = array<i32>} : memref<128x32xf32, #tpu.memory_space<vmem>>, vector<16xf32>,
        %add3A_1450 = arith.addf %get3A_1449, %get3A_1400 : vector<16xf32>
        %get3A_1451 = arith.index_cast %add3A_1445 : i32 to index
        %get3A_1452 = arith.constant 16 : index
        %get3A_1453 = tpu.vector_load %arg10[%get3A_1451, %get3A_1452] {strides = array<i32>} : memref<128x32xf32, #tpu.memory_space<vmem>>, vector<16xf32>,
        %add3A_1454 = arith.addf %get3A_1453, %get3A_1403 : vector<16xf32>
        tpu.vector_store_idx %arg14[%select_n3A_1373, %select_n3A_1395, %broadcast_in_dim3A_1446], %add3A_1450 : memref<4x8x129xf32, #tpu.memory_space<vmem>>[vector<16xi32>, vector<16xi32>, vector<16xi32>], vector<16xf32>,
        tpu.vector_store_idx %arg14[%add3A_1398, %select_n3A_1395, %broadcast_in_dim3A_1446], %add3A_1454 : memref<4x8x129xf32, #tpu.memory_space<vmem>>[vector<16xi32>, vector<16xi32>, vector<16xi32>], vector<16xf32>,
        %mul3A_1455 = arith.constant 8 : i32
        %mul3A_1456 = arith.muli %scan3A_1342, %mul3A_1455 : i32
        %add3A_1457 = arith.constant 4 : i32
        %add3A_1458 = arith.addi %mul3A_1456, %add3A_1457 : i32
        %broadcast_in_dim3A_1459 = vector.broadcast %add3A_1458 : i32 to vector<16xi32>
        %get3A_1460 = arith.index_cast %add3A_1458 : i32 to index
        %get3A_1461 = arith.constant 0 : index
        %get3A_1462 = tpu.vector_load %arg10[%get3A_1460, %get3A_1461] {strides = array<i32>} : memref<128x32xf32, #tpu.memory_space<vmem>>, vector<16xf32>,
        %add3A_1463 = arith.addf %get3A_1462, %get3A_1400 : vector<16xf32>
        %get3A_1464 = arith.index_cast %add3A_1458 : i32 to index
        %get3A_1465 = arith.constant 16 : index
        %get3A_1466 = tpu.vector_load %arg10[%get3A_1464, %get3A_1465] {strides = array<i32>} : memref<128x32xf32, #tpu.memory_space<vmem>>, vector<16xf32>,
        %add3A_1467 = arith.addf %get3A_1466, %get3A_1403 : vector<16xf32>
        tpu.vector_store_idx %arg14[%select_n3A_1373, %select_n3A_1395, %broadcast_in_dim3A_1459], %add3A_1463 : memref<4x8x129xf32, #tpu.memory_space<vmem>>[vector<16xi32>, vector<16xi32>, vector<16xi32>], vector<16xf32>,
        tpu.vector_store_idx %arg14[%add3A_1398, %select_n3A_1395, %broadcast_in_dim3A_1459], %add3A_1467 : memref<4x8x129xf32, #tpu.memory_space<vmem>>[vector<16xi32>, vector<16xi32>, vector<16xi32>], vector<16xf32>,
        %mul3A_1468 = arith.constant 8 : i32
        %mul3A_1469 = arith.muli %scan3A_1342, %mul3A_1468 : i32
        %add3A_1470 = arith.constant 5 : i32
        %add3A_1471 = arith.addi %mul3A_1469, %add3A_1470 : i32
        %broadcast_in_dim3A_1472 = vector.broadcast %add3A_1471 : i32 to vector<16xi32>
        %get3A_1473 = arith.index_cast %add3A_1471 : i32 to index
        %get3A_1474 = arith.constant 0 : index
        %get3A_1475 = tpu.vector_load %arg10[%get3A_1473, %get3A_1474] {strides = array<i32>} : memref<128x32xf32, #tpu.memory_space<vmem>>, vector<16xf32>,
        %add3A_1476 = arith.addf %get3A_1475, %get3A_1400 : vector<16xf32>
        %get3A_1477 = arith.index_cast %add3A_1471 : i32 to index
        %get3A_1478 = arith.constant 16 : index
        %get3A_1479 = tpu.vector_load %arg10[%get3A_1477, %get3A_1478] {strides = array<i32>} : memref<128x32xf32, #tpu.memory_space<vmem>>, vector<16xf32>,
        %add3A_1480 = arith.addf %get3A_1479, %get3A_1403 : vector<16xf32>
        tpu.vector_store_idx %arg14[%select_n3A_1373, %select_n3A_1395, %broadcast_in_dim3A_1472], %add3A_1476 : memref<4x8x129xf32, #tpu.memory_space<vmem>>[vector<16xi32>, vector<16xi32>, vector<16xi32>], vector<16xf32>,
        tpu.vector_store_idx %arg14[%add3A_1398, %select_n3A_1395, %broadcast_in_dim3A_1472], %add3A_1480 : memref<4x8x129xf32, #tpu.memory_space<vmem>>[vector<16xi32>, vector<16xi32>, vector<16xi32>], vector<16xf32>,
        %mul3A_1481 = arith.constant 8 : i32
        %mul3A_1482 = arith.muli %scan3A_1342, %mul3A_1481 : i32
        %add3A_1483 = arith.constant 6 : i32
        %add3A_1484 = arith.addi %mul3A_1482, %add3A_1483 : i32
        %broadcast_in_dim3A_1485 = vector.broadcast %add3A_1484 : i32 to vector<16xi32>
        %get3A_1486 = arith.index_cast %add3A_1484 : i32 to index
        %get3A_1487 = arith.constant 0 : index
        %get3A_1488 = tpu.vector_load %arg10[%get3A_1486, %get3A_1487] {strides = array<i32>} : memref<128x32xf32, #tpu.memory_space<vmem>>, vector<16xf32>,
        %add3A_1489 = arith.addf %get3A_1488, %get3A_1400 : vector<16xf32>
        %get3A_1490 = arith.index_cast %add3A_1484 : i32 to index
        %get3A_1491 = arith.constant 16 : index
        %get3A_1492 = tpu.vector_load %arg10[%get3A_1490, %get3A_1491] {strides = array<i32>} : memref<128x32xf32, #tpu.memory_space<vmem>>, vector<16xf32>,
        %add3A_1493 = arith.addf %get3A_1492, %get3A_1403 : vector<16xf32>
        tpu.vector_store_idx %arg14[%select_n3A_1373, %select_n3A_1395, %broadcast_in_dim3A_1485], %add3A_1489 : memref<4x8x129xf32, #tpu.memory_space<vmem>>[vector<16xi32>, vector<16xi32>, vector<16xi32>], vector<16xf32>,
        tpu.vector_store_idx %arg14[%add3A_1398, %select_n3A_1395, %broadcast_in_dim3A_1485], %add3A_1493 : memref<4x8x129xf32, #tpu.memory_space<vmem>>[vector<16xi32>, vector<16xi32>, vector<16xi32>], vector<16xf32>,
        %mul3A_1494 = arith.constant 8 : i32
        %mul3A_1495 = arith.muli %scan3A_1342, %mul3A_1494 : i32
        %add3A_1496 = arith.constant 7 : i32
        %add3A_1497 = arith.addi %mul3A_1495, %add3A_1496 : i32
        %broadcast_in_dim3A_1498 = vector.broadcast %add3A_1497 : i32 to vector<16xi32>
        %get3A_1499 = arith.index_cast %add3A_1497 : i32 to index
        %get3A_1500 = arith.constant 0 : index
        %get3A_1501 = tpu.vector_load %arg10[%get3A_1499, %get3A_1500] {strides = array<i32>} : memref<128x32xf32, #tpu.memory_space<vmem>>, vector<16xf32>,
        %add3A_1502 = arith.addf %get3A_1501, %get3A_1400 : vector<16xf32>
        %get3A_1503 = arith.index_cast %add3A_1497 : i32 to index
        %get3A_1504 = arith.constant 16 : index
        %get3A_1505 = tpu.vector_load %arg10[%get3A_1503, %get3A_1504] {strides = array<i32>} : memref<128x32xf32, #tpu.memory_space<vmem>>, vector<16xf32>,
        %add3A_1506 = arith.addf %get3A_1505, %get3A_1403 : vector<16xf32>
        tpu.vector_store_idx %arg14[%select_n3A_1373, %select_n3A_1395, %broadcast_in_dim3A_1498], %add3A_1502 : memref<4x8x129xf32, #tpu.memory_space<vmem>>[vector<16xi32>, vector<16xi32>, vector<16xi32>], vector<16xf32>,
        tpu.vector_store_idx %arg14[%add3A_1398, %select_n3A_1395, %broadcast_in_dim3A_1498], %add3A_1506 : memref<4x8x129xf32, #tpu.memory_space<vmem>>[vector<16xi32>, vector<16xi32>, vector<16xi32>], vector<16xf32>,
      }
      %scan3A_1234 = arith.constant 16 : i32
      %dma_start3A_1235 = arith.constant 0 : i32
      %dma_start3A_1236 = arith.constant 0 : i32
      %dma_start3A_1237 = arith.constant 0 : i32
      %dma_start3A_1238 = tpu.memref_slice %arg14[%dma_start3A_1235, %dma_start3A_1236, %dma_start3A_1237] : memref<4x8x129xf32, #tpu.memory_space<vmem>> -> memref<4x8x128xf32, #tpu.memory_space<vmem>>
      %dma_start3A_1239 = arith.constant 0 : i32
      %dma_start3A_1240 = arith.constant 0 : i32
      %dma_start3A_1241 = arith.constant 0 : i32
      %dma_start3A_1242 = tpu.memref_slice %arg5[%add3A_1177, %dma_start3A_1239, %add3A, %dma_start3A_1240, %dma_start3A_1241] : memref<200x4x32x8x128xf32, #tpu.memory_space<hbm>> -> memref<1x4x1x8x128xf32, #tpu.memory_space<hbm>>
      %dma_start3A_1243 = tpu.memref_squeeze %dma_start3A_1242 : memref<1x4x1x8x128xf32, #tpu.memory_space<hbm>> -> memref<4x8x128xf32, #tpu.memory_space<hbm>>
      %dma_start3A_1244 = arith.constant 0 : i32
      %dma_start3A_1245 = arith.constant 0 : i32
      %dma_start3A_1246 = arith.constant 0 : i32
      %dma_start3A_1247 = tpu.memref_slice %arg5[%add3A_1177, %dma_start3A_1244, %add3A, %dma_start3A_1245, %dma_start3A_1246] : memref<200x4x32x8x128xf32, #tpu.memory_space<hbm>> -> memref<1x4x1x8x128xf32, #tpu.memory_space<hbm>>
      %dma_start3A_1248 = tpu.memref_squeeze %dma_start3A_1247 : memref<1x4x1x8x128xf32, #tpu.memory_space<hbm>> -> memref<4x8x128xf32, #tpu.memory_space<hbm>>
      %dma_start3A_1249 = arith.constant 0 : i32
      %dma_start3A_1250 = arith.constant 0 : i32
      %dma_start3A_1251 = arith.constant 0 : i32
      %dma_start3A_1252 = tpu.memref_slice %arg14[%dma_start3A_1249, %dma_start3A_1250, %dma_start3A_1251] : memref<4x8x129xf32, #tpu.memory_space<vmem>> -> memref<4x8x128xf32, #tpu.memory_space<vmem>>
      tpu.enqueue_dma source(%dma_start3A_1252 : memref<4x8x128xf32, #tpu.memory_space<vmem>>) target(%dma_start3A_1248 : memref<4x8x128xf32, #tpu.memory_space<hbm>>) target_semaphore(%arg22 : memref<!tpu.dma_semaphore, #tpu.memory_space<semaphore_mem>>)
      %lt3A_1253 = arith.constant 49 : i32
      %lt3A_1254 = arith.cmpi slt, %scan3A_1018, %lt3A_1253 : i32
      %convert_element_type3A_1255 = arith.extui %lt3A_1254 : i1 to i32
      %cond3A_1256 = arith.constant 0 : i32
      %cond3A_1257 = arith.cmpi ne, %convert_element_type3A_1255, %cond3A_1256 : i32
      scf.if %cond3A_1257 {
        %add3A_1342 = arith.constant 4 : i32
        %add3A_1343 = arith.addi %add3A_1177, %add3A_1342 : i32
        %jit3A_1344 = arith.constant 8 : i32
        %div3A_1345 = arith.divsi %add3A_1343, %jit3A_1344 : i32
        %sign3A_1346 = arith.constant 0 : i32
        %sign3A_1347 = arith.cmpi sgt, %add3A_1343, %sign3A_1346 : i32
        %sign3A_1348 = arith.extui %sign3A_1347 : i1 to i32
        %sign3A_1349 = arith.constant 0 : i32
        %sign3A_1350 = arith.cmpi slt, %add3A_1343, %sign3A_1349 : i32
        %sign3A_1351 = arith.extui %sign3A_1350 : i1 to i32
        %sign3A_1352 = arith.subi %sign3A_1348, %sign3A_1351 : i32
        %sign3A_1353 = arith.constant 0 : i32
        %sign3A_1354 = arith.cmpi sgt, %jit3A_1344, %sign3A_1353 : i32
        %sign3A_1355 = arith.extui %sign3A_1354 : i1 to i32
        %sign3A_1356 = arith.constant 0 : i32
        %sign3A_1357 = arith.cmpi slt, %jit3A_1344, %sign3A_1356 : i32
        %sign3A_1358 = arith.extui %sign3A_1357 : i1 to i32
        %sign3A_1359 = arith.subi %sign3A_1355, %sign3A_1358 : i32
        %ne3A_1360 = arith.cmpi ne, %sign3A_1352, %sign3A_1359 : i32
        %rem3A_1361 = arith.remsi %add3A_1343, %jit3A_1344 : i32
        %ne3A_1362 = arith.constant 0 : i32
        %ne3A_1363 = arith.cmpi ne, %rem3A_1361, %ne3A_1362 : i32
        %and3A_1364 = arith.andi %ne3A_1360, %ne3A_1363 : i1
        %sub3A_1365 = arith.constant 1 : i32
        %sub3A_1366 = arith.subi %div3A_1345, %sub3A_1365 : i32
        %select_n3A_1367 = arith.select %and3A_1364, %sub3A_1366, %div3A_1345 : i32
        %jit3A_1368 = arith.constant 8 : i32
        %eq3A_1369 = arith.constant 0 : i32
        %eq3A_1370 = arith.cmpi eq, %jit3A_1368, %eq3A_1369 : i32
        %jit3A_1371 = arith.constant 1 : i32
        %select_n3A_1372 = arith.select %eq3A_1370, %jit3A_1371, %jit3A_1368 : i32
        %rem3A_1373 = arith.remsi %add3A_1343, %select_n3A_1372 : i32
        %ne3A_1374 = arith.constant 0 : i32
        %ne3A_1375 = arith.cmpi ne, %rem3A_1373, %ne3A_1374 : i32
        %lt3A_1376 = arith.constant 0 : i32
        %lt3A_1377 = arith.cmpi slt, %rem3A_1373, %lt3A_1376 : i32
        %lt3A_1378 = arith.constant 0 : i32
        %lt3A_1379 = arith.cmpi slt, %select_n3A_1372, %lt3A_1378 : i32
        %ne3A_1380 = arith.xori %lt3A_1377, %lt3A_1379 : i1
        %and3A_1381 = arith.andi %ne3A_1380, %ne3A_1375 : i1
        %add3A_1382 = arith.addi %rem3A_1373, %select_n3A_1372 : i32
        %select_n3A_1383 = arith.select %and3A_1381, %add3A_1382, %rem3A_1373 : i32
        %dma_start3A_1384 = arith.constant 0 : i32
        %dma_start3A_1385 = tpu.memref_slice %arg6[%select_n3A_1367, %select_n3A_1383, %dma_start3A_1384] : memref<25x8x128xi32, #tpu.memory_space<vmem>> -> memref<1x1x128xi32, #tpu.memory_space<vmem>>
        %dma_start3A_1386 = tpu.memref_squeeze %dma_start3A_1385 : memref<1x1x128xi32, #tpu.memory_space<vmem>> -> memref<128xi32, #tpu.memory_space<vmem>>
        %dma_start3A_1387 = arith.constant 0 : i32
        %dma_start3A_1388 = arith.constant 0 : i32
        %dma_start3A_1389 = tpu.memref_slice %arg3[%dma_start3A_1387, %dma_start3A_1388] : memref<1015808x32xf32, #tpu.memory_space<hbm>> -> memref<1015808x32xf32, #tpu.memory_space<hbm>>
        tpu.enqueue_indirect_dma source(%dma_start3A_1389 : memref<1015808x32xf32, #tpu.memory_space<hbm>>) target(%arg10 : memref<128x32xf32, #tpu.memory_space<vmem>>) offsets(%dma_start3A_1386 : memref<128xi32, #tpu.memory_space<vmem>>) semaphore(%arg18 : memref<!tpu.dma_semaphore, #tpu.memory_space<semaphore_mem>>)
      } else {
      }
      %mul3A_1258 = arith.constant 4 : i32
      %mul3A_1259 = arith.muli %mul3A_1258, %scan3A_1018 : i32
      %add3A_1260 = arith.constant 3 : i32
      %add3A_1261 = arith.addi %mul3A_1259, %add3A_1260 : i32
      %gt3A_1262 = arith.constant 0 : i32
      %gt3A_1263 = arith.cmpi sgt, %scan3A_1018, %gt3A_1262 : i32
      %convert_element_type3A_1264 = arith.extui %gt3A_1263 : i1 to i32
      %cond3A_1265 = arith.constant 0 : i32
      %cond3A_1266 = arith.cmpi ne, %convert_element_type3A_1264, %cond3A_1265 : i32
      scf.if %cond3A_1266 {
        %sub3A_1342 = arith.constant 4 : i32
        %sub3A_1343 = arith.subi %add3A_1261, %sub3A_1342 : i32
        %dma_wait3A_1344 = arith.constant 0 : i32
        %dma_wait3A_1345 = arith.constant 0 : i32
        %dma_wait3A_1346 = arith.constant 0 : i32
        %dma_wait3A_1347 = tpu.memref_slice %arg15[%dma_wait3A_1344, %dma_wait3A_1345, %dma_wait3A_1346] : memref<4x8x129xf32, #tpu.memory_space<vmem>> -> memref<4x8x128xf32, #tpu.memory_space<vmem>>
        %dma_wait3A_1348 = arith.constant 0 : i32
        %dma_wait3A_1349 = arith.constant 0 : i32
        %dma_wait3A_1350 = arith.constant 0 : i32
        %dma_wait3A_1351 = tpu.memref_slice %arg5[%sub3A_1343, %dma_wait3A_1348, %add3A, %dma_wait3A_1349, %dma_wait3A_1350] : memref<200x4x32x8x128xf32, #tpu.memory_space<hbm>> -> memref<1x4x1x8x128xf32, #tpu.memory_space<hbm>>
        %dma_wait3A_1352 = tpu.memref_squeeze %dma_wait3A_1351 : memref<1x4x1x8x128xf32, #tpu.memory_space<hbm>> -> memref<4x8x128xf32, #tpu.memory_space<hbm>>
        %dma_wait3A_1353 = arith.constant 0 : i32
        %dma_wait3A_1354 = arith.constant 0 : i32
        %dma_wait3A_1355 = arith.constant 0 : i32
        %dma_wait3A_1356 = tpu.memref_slice %arg5[%sub3A_1343, %dma_wait3A_1353, %add3A, %dma_wait3A_1354, %dma_wait3A_1355] : memref<200x4x32x8x128xf32, #tpu.memory_space<hbm>> -> memref<1x4x1x8x128xf32, #tpu.memory_space<hbm>>
        %dma_wait3A_1357 = tpu.memref_squeeze %dma_wait3A_1356 : memref<1x4x1x8x128xf32, #tpu.memory_space<hbm>> -> memref<4x8x128xf32, #tpu.memory_space<hbm>>
        %dma_wait3A_1358 = arith.constant 0 : i32
        %dma_wait3A_1359 = arith.constant 0 : i32
        %dma_wait3A_1360 = arith.constant 0 : i32
        %dma_wait3A_1361 = tpu.memref_slice %arg15[%dma_wait3A_1358, %dma_wait3A_1359, %dma_wait3A_1360] : memref<4x8x129xf32, #tpu.memory_space<vmem>> -> memref<4x8x128xf32, #tpu.memory_space<vmem>>
        tpu.wait_dma2 semaphore(%arg23 : memref<!tpu.dma_semaphore, #tpu.memory_space<semaphore_mem>>) src(%dma_wait3A_1361 : memref<4x8x128xf32, #tpu.memory_space<vmem>>) dst(%dma_wait3A_1357 : memref<4x8x128xf32, #tpu.memory_space<hbm>>)
      } else {
      }
      %jit3A_1267 = arith.constant 8 : i32
      %div3A_1268 = arith.divsi %add3A_1261, %jit3A_1267 : i32
      %sign3A_1269 = arith.constant 0 : i32
      %sign3A_1270 = arith.cmpi sgt, %add3A_1261, %sign3A_1269 : i32
      %sign3A_1271 = arith.extui %sign3A_1270 : i1 to i32
      %sign3A_1272 = arith.constant 0 : i32
      %sign3A_1273 = arith.cmpi slt, %add3A_1261, %sign3A_1272 : i32
      %sign3A_1274 = arith.extui %sign3A_1273 : i1 to i32
      %sign3A_1275 = arith.subi %sign3A_1271, %sign3A_1274 : i32
      %sign3A_1276 = arith.constant 0 : i32
      %sign3A_1277 = arith.cmpi sgt, %jit3A_1267, %sign3A_1276 : i32
      %sign3A_1278 = arith.extui %sign3A_1277 : i1 to i32
      %sign3A_1279 = arith.constant 0 : i32
      %sign3A_1280 = arith.cmpi slt, %jit3A_1267, %sign3A_1279 : i32
      %sign3A_1281 = arith.extui %sign3A_1280 : i1 to i32
      %sign3A_1282 = arith.subi %sign3A_1278, %sign3A_1281 : i32
      %ne3A_1283 = arith.cmpi ne, %sign3A_1275, %sign3A_1282 : i32
      %rem3A_1284 = arith.remsi %add3A_1261, %jit3A_1267 : i32
      %ne3A_1285 = arith.constant 0 : i32
      %ne3A_1286 = arith.cmpi ne, %rem3A_1284, %ne3A_1285 : i32
      %and3A_1287 = arith.andi %ne3A_1283, %ne3A_1286 : i1
      %sub3A_1288 = arith.constant 1 : i32
      %sub3A_1289 = arith.subi %div3A_1268, %sub3A_1288 : i32
      %select_n3A_1290 = arith.select %and3A_1287, %sub3A_1289, %div3A_1268 : i32
      %jit3A_1291 = arith.constant 8 : i32
      %eq3A_1292 = arith.constant 0 : i32
      %eq3A_1293 = arith.cmpi eq, %jit3A_1291, %eq3A_1292 : i32
      %jit3A_1294 = arith.constant 1 : i32
      %select_n3A_1295 = arith.select %eq3A_1293, %jit3A_1294, %jit3A_1291 : i32
      %rem3A_1296 = arith.remsi %add3A_1261, %select_n3A_1295 : i32
      %ne3A_1297 = arith.constant 0 : i32
      %ne3A_1298 = arith.cmpi ne, %rem3A_1296, %ne3A_1297 : i32
      %lt3A_1299 = arith.constant 0 : i32
      %lt3A_1300 = arith.cmpi slt, %rem3A_1296, %lt3A_1299 : i32
      %lt3A_1301 = arith.constant 0 : i32
      %lt3A_1302 = arith.cmpi slt, %select_n3A_1295, %lt3A_1301 : i32
      %ne3A_1303 = arith.xori %lt3A_1300, %lt3A_1302 : i1
      %and3A_1304 = arith.andi %ne3A_1303, %ne3A_1298 : i1
      %add3A_1305 = arith.addi %rem3A_1296, %select_n3A_1295 : i32
      %select_n3A_1306 = arith.select %and3A_1304, %add3A_1305, %rem3A_1296 : i32
      %dma_wait3A_1307 = arith.constant 0 : i32
      %dma_wait3A_1308 = tpu.memref_slice %arg6[%select_n3A_1290, %select_n3A_1306, %dma_wait3A_1307] : memref<25x8x128xi32, #tpu.memory_space<vmem>> -> memref<1x1x128xi32, #tpu.memory_space<vmem>>
      %dma_wait3A_1309 = tpu.memref_squeeze %dma_wait3A_1308 : memref<1x1x128xi32, #tpu.memory_space<vmem>> -> memref<128xi32, #tpu.memory_space<vmem>>
      %dma_wait3A_1310 = arith.constant 0 : i32
      %dma_wait3A_1311 = arith.constant 0 : i32
      %dma_wait3A_1312 = tpu.memref_slice %arg3[%dma_wait3A_1310, %dma_wait3A_1311] : memref<1015808x32xf32, #tpu.memory_space<hbm>> -> memref<1015808x32xf32, #tpu.memory_space<hbm>>
      tpu.wait_indirect_dma semaphore(%arg19 : memref<!tpu.dma_semaphore, #tpu.memory_space<semaphore_mem>>) src(%dma_wait3A_1312 : memref<1015808x32xf32, #tpu.memory_space<hbm>>) dst(%arg11 : memref<128x32xf32, #tpu.memory_space<vmem>>)
      %scan3A_1313 = arith.constant 0 : i32
      %scan3A_1314 = arith.constant 0 : i32
      %scan3A_1315 = arith.constant 16 : i32
      %scan3A_1316 = arith.addi %scan3A_1314, %scan3A_1315 : i32
      %scan3A_1317 = arith.constant 1 : i32
      scf.for %scan3A_1342 = %scan3A_1314 to %scan3A_1316 step %scan3A_1317  : i32 {
        %iota3A = tpu.iota {dimensions = array<i32: 0>} : vector<16xi32>
        %jit3A_1343 = arith.constant 8 : i32
        %div3A_1344 = vector.broadcast %jit3A_1343 : i32 to vector<16xi32>
        %div3A_1345 = arith.divsi %iota3A, %div3A_1344 : vector<16xi32>
        %sign3A_1346 = arith.constant 0 : i32
        %sign3A_1347 = vector.broadcast %sign3A_1346 : i32 to vector<16xi32>
        %sign3A_1348 = arith.cmpi sgt, %iota3A, %sign3A_1347 : vector<16xi32>
        %sign3A_1349 = arith.extui %sign3A_1348 : vector<16xi1> to vector<16xi32>
        %sign3A_1350 = arith.constant 0 : i32
        %sign3A_1351 = vector.broadcast %sign3A_1350 : i32 to vector<16xi32>
        %sign3A_1352 = arith.cmpi slt, %iota3A, %sign3A_1351 : vector<16xi32>
        %sign3A_1353 = arith.extui %sign3A_1352 : vector<16xi1> to vector<16xi32>
        %sign3A_1354 = arith.subi %sign3A_1349, %sign3A_1353 : vector<16xi32>
        %sign3A_1355 = arith.constant 0 : i32
        %sign3A_1356 = arith.cmpi sgt, %jit3A_1343, %sign3A_1355 : i32
        %sign3A_1357 = arith.extui %sign3A_1356 : i1 to i32
        %sign3A_1358 = arith.constant 0 : i32
        %sign3A_1359 = arith.cmpi slt, %jit3A_1343, %sign3A_1358 : i32
        %sign3A_1360 = arith.extui %sign3A_1359 : i1 to i32
        %sign3A_1361 = arith.subi %sign3A_1357, %sign3A_1360 : i32
        %ne3A_1362 = vector.broadcast %sign3A_1361 : i32 to vector<16xi32>
        %ne3A_1363 = arith.cmpi ne, %sign3A_1354, %ne3A_1362 : vector<16xi32>
        %rem3A_1364 = vector.broadcast %jit3A_1343 : i32 to vector<16xi32>
        %rem3A_1365 = arith.remsi %iota3A, %rem3A_1364 : vector<16xi32>
        %ne3A_1366 = arith.constant 0 : i32
        %ne3A_1367 = vector.broadcast %ne3A_1366 : i32 to vector<16xi32>
        %ne3A_1368 = arith.cmpi ne, %rem3A_1365, %ne3A_1367 : vector<16xi32>
        %and3A_1369 = arith.andi %ne3A_1363, %ne3A_1368 : vector<16xi1>
        %sub3A_1370 = arith.constant 1 : i32
        %sub3A_1371 = vector.broadcast %sub3A_1370 : i32 to vector<16xi32>
        %sub3A_1372 = arith.subi %div3A_1345, %sub3A_1371 : vector<16xi32>
        %select_n3A_1373 = arith.select %and3A_1369, %sub3A_1372, %div3A_1345 : vector<16xi1>, vector<16xi32>
        %jit3A_1374 = arith.constant 8 : i32
        %eq3A_1375 = arith.constant 0 : i32
        %eq3A_1376 = arith.cmpi eq, %jit3A_1374, %eq3A_1375 : i32
        %jit3A_1377 = arith.constant 1 : i32
        %select_n3A_1378 = arith.select %eq3A_1376, %jit3A_1377, %jit3A_1374 : i32
        %rem3A_1379 = vector.broadcast %select_n3A_1378 : i32 to vector<16xi32>
        %rem3A_1380 = arith.remsi %iota3A, %rem3A_1379 : vector<16xi32>
        %ne3A_1381 = arith.constant 0 : i32
        %ne3A_1382 = vector.broadcast %ne3A_1381 : i32 to vector<16xi32>
        %ne3A_1383 = arith.cmpi ne, %rem3A_1380, %ne3A_1382 : vector<16xi32>
        %lt3A_1384 = arith.constant 0 : i32
        %lt3A_1385 = vector.broadcast %lt3A_1384 : i32 to vector<16xi32>
        %lt3A_1386 = arith.cmpi slt, %rem3A_1380, %lt3A_1385 : vector<16xi32>
        %lt3A_1387 = arith.constant 0 : i32
        %lt3A_1388 = arith.cmpi slt, %select_n3A_1378, %lt3A_1387 : i32
        %ne3A_1389 = vector.broadcast %lt3A_1388 : i1 to vector<16xi1>
        %ne3A_1390 = vector.broadcast %ne3A_1389 : vector<16xi1> to vector<16xi1>
        %ne3A_1391 = arith.xori %lt3A_1386, %ne3A_1390 : vector<16xi1>
        %and3A_1392 = arith.andi %ne3A_1391, %ne3A_1383 : vector<16xi1>
        %add3A_1393 = vector.broadcast %select_n3A_1378 : i32 to vector<16xi32>
        %add3A_1394 = arith.addi %rem3A_1380, %add3A_1393 : vector<16xi32>
        %select_n3A_1395 = arith.select %and3A_1392, %add3A_1394, %rem3A_1380 : vector<16xi1>, vector<16xi32>
        %add3A_1396 = arith.constant 2 : i32
        %add3A_1397 = vector.broadcast %add3A_1396 : i32 to vector<16xi32>
        %add3A_1398 = arith.addi %select_n3A_1373, %add3A_1397 : vector<16xi32>
        %get3A = arith.index_cast %add3A_1261 : i32 to index
        %get3A_1399 = arith.constant 0 : index
        %get3A_1400 = tpu.vector_load %arg7[%get3A, %get3A_1399] {strides = array<i32>} : memref<200x32xf32, #tpu.memory_space<vmem>>, vector<16xf32>,
        %get3A_1401 = arith.index_cast %add3A_1261 : i32 to index
        %get3A_1402 = arith.constant 16 : index
        %get3A_1403 = tpu.vector_load %arg7[%get3A_1401, %get3A_1402] {strides = array<i32>} : memref<200x32xf32, #tpu.memory_space<vmem>>, vector<16xf32>,
        %mul3A_1404 = arith.constant 8 : i32
        %mul3A_1405 = arith.muli %scan3A_1342, %mul3A_1404 : i32
        %add3A_1406 = arith.constant 0 : i32
        %add3A_1407 = arith.addi %mul3A_1405, %add3A_1406 : i32
        %broadcast_in_dim3A = vector.broadcast %add3A_1407 : i32 to vector<16xi32>
        %get3A_1408 = arith.index_cast %add3A_1407 : i32 to index
        %get3A_1409 = arith.constant 0 : index
        %get3A_1410 = tpu.vector_load %arg11[%get3A_1408, %get3A_1409] {strides = array<i32>} : memref<128x32xf32, #tpu.memory_space<vmem>>, vector<16xf32>,
        %add3A_1411 = arith.addf %get3A_1410, %get3A_1400 : vector<16xf32>
        %get3A_1412 = arith.index_cast %add3A_1407 : i32 to index
        %get3A_1413 = arith.constant 16 : index
        %get3A_1414 = tpu.vector_load %arg11[%get3A_1412, %get3A_1413] {strides = array<i32>} : memref<128x32xf32, #tpu.memory_space<vmem>>, vector<16xf32>,
        %add3A_1415 = arith.addf %get3A_1414, %get3A_1403 : vector<16xf32>
        tpu.vector_store_idx %arg15[%select_n3A_1373, %select_n3A_1395, %broadcast_in_dim3A], %add3A_1411 : memref<4x8x129xf32, #tpu.memory_space<vmem>>[vector<16xi32>, vector<16xi32>, vector<16xi32>], vector<16xf32>,
        tpu.vector_store_idx %arg15[%add3A_1398, %select_n3A_1395, %broadcast_in_dim3A], %add3A_1415 : memref<4x8x129xf32, #tpu.memory_space<vmem>>[vector<16xi32>, vector<16xi32>, vector<16xi32>], vector<16xf32>,
        %mul3A_1416 = arith.constant 8 : i32
        %mul3A_1417 = arith.muli %scan3A_1342, %mul3A_1416 : i32
        %add3A_1418 = arith.constant 1 : i32
        %add3A_1419 = arith.addi %mul3A_1417, %add3A_1418 : i32
        %broadcast_in_dim3A_1420 = vector.broadcast %add3A_1419 : i32 to vector<16xi32>
        %get3A_1421 = arith.index_cast %add3A_1419 : i32 to index
        %get3A_1422 = arith.constant 0 : index
        %get3A_1423 = tpu.vector_load %arg11[%get3A_1421, %get3A_1422] {strides = array<i32>} : memref<128x32xf32, #tpu.memory_space<vmem>>, vector<16xf32>,
        %add3A_1424 = arith.addf %get3A_1423, %get3A_1400 : vector<16xf32>
        %get3A_1425 = arith.index_cast %add3A_1419 : i32 to index
        %get3A_1426 = arith.constant 16 : index
        %get3A_1427 = tpu.vector_load %arg11[%get3A_1425, %get3A_1426] {strides = array<i32>} : memref<128x32xf32, #tpu.memory_space<vmem>>, vector<16xf32>,
        %add3A_1428 = arith.addf %get3A_1427, %get3A_1403 : vector<16xf32>
        tpu.vector_store_idx %arg15[%select_n3A_1373, %select_n3A_1395, %broadcast_in_dim3A_1420], %add3A_1424 : memref<4x8x129xf32, #tpu.memory_space<vmem>>[vector<16xi32>, vector<16xi32>, vector<16xi32>], vector<16xf32>,
        tpu.vector_store_idx %arg15[%add3A_1398, %select_n3A_1395, %broadcast_in_dim3A_1420], %add3A_1428 : memref<4x8x129xf32, #tpu.memory_space<vmem>>[vector<16xi32>, vector<16xi32>, vector<16xi32>], vector<16xf32>,
        %mul3A_1429 = arith.constant 8 : i32
        %mul3A_1430 = arith.muli %scan3A_1342, %mul3A_1429 : i32
        %add3A_1431 = arith.constant 2 : i32
        %add3A_1432 = arith.addi %mul3A_1430, %add3A_1431 : i32
        %broadcast_in_dim3A_1433 = vector.broadcast %add3A_1432 : i32 to vector<16xi32>
        %get3A_1434 = arith.index_cast %add3A_1432 : i32 to index
        %get3A_1435 = arith.constant 0 : index
        %get3A_1436 = tpu.vector_load %arg11[%get3A_1434, %get3A_1435] {strides = array<i32>} : memref<128x32xf32, #tpu.memory_space<vmem>>, vector<16xf32>,
        %add3A_1437 = arith.addf %get3A_1436, %get3A_1400 : vector<16xf32>
        %get3A_1438 = arith.index_cast %add3A_1432 : i32 to index
        %get3A_1439 = arith.constant 16 : index
        %get3A_1440 = tpu.vector_load %arg11[%get3A_1438, %get3A_1439] {strides = array<i32>} : memref<128x32xf32, #tpu.memory_space<vmem>>, vector<16xf32>,
        %add3A_1441 = arith.addf %get3A_1440, %get3A_1403 : vector<16xf32>
        tpu.vector_store_idx %arg15[%select_n3A_1373, %select_n3A_1395, %broadcast_in_dim3A_1433], %add3A_1437 : memref<4x8x129xf32, #tpu.memory_space<vmem>>[vector<16xi32>, vector<16xi32>, vector<16xi32>], vector<16xf32>,
        tpu.vector_store_idx %arg15[%add3A_1398, %select_n3A_1395, %broadcast_in_dim3A_1433], %add3A_1441 : memref<4x8x129xf32, #tpu.memory_space<vmem>>[vector<16xi32>, vector<16xi32>, vector<16xi32>], vector<16xf32>,
        %mul3A_1442 = arith.constant 8 : i32
        %mul3A_1443 = arith.muli %scan3A_1342, %mul3A_1442 : i32
        %add3A_1444 = arith.constant 3 : i32
        %add3A_1445 = arith.addi %mul3A_1443, %add3A_1444 : i32
        %broadcast_in_dim3A_1446 = vector.broadcast %add3A_1445 : i32 to vector<16xi32>
        %get3A_1447 = arith.index_cast %add3A_1445 : i32 to index
        %get3A_1448 = arith.constant 0 : index
        %get3A_1449 = tpu.vector_load %arg11[%get3A_1447, %get3A_1448] {strides = array<i32>} : memref<128x32xf32, #tpu.memory_space<vmem>>, vector<16xf32>,
        %add3A_1450 = arith.addf %get3A_1449, %get3A_1400 : vector<16xf32>
        %get3A_1451 = arith.index_cast %add3A_1445 : i32 to index
        %get3A_1452 = arith.constant 16 : index
        %get3A_1453 = tpu.vector_load %arg11[%get3A_1451, %get3A_1452] {strides = array<i32>} : memref<128x32xf32, #tpu.memory_space<vmem>>, vector<16xf32>,
        %add3A_1454 = arith.addf %get3A_1453, %get3A_1403 : vector<16xf32>
        tpu.vector_store_idx %arg15[%select_n3A_1373, %select_n3A_1395, %broadcast_in_dim3A_1446], %add3A_1450 : memref<4x8x129xf32, #tpu.memory_space<vmem>>[vector<16xi32>, vector<16xi32>, vector<16xi32>], vector<16xf32>,
        tpu.vector_store_idx %arg15[%add3A_1398, %select_n3A_1395, %broadcast_in_dim3A_1446], %add3A_1454 : memref<4x8x129xf32, #tpu.memory_space<vmem>>[vector<16xi32>, vector<16xi32>, vector<16xi32>], vector<16xf32>,
        %mul3A_1455 = arith.constant 8 : i32
        %mul3A_1456 = arith.muli %scan3A_1342, %mul3A_1455 : i32
        %add3A_1457 = arith.constant 4 : i32
        %add3A_1458 = arith.addi %mul3A_1456, %add3A_1457 : i32
        %broadcast_in_dim3A_1459 = vector.broadcast %add3A_1458 : i32 to vector<16xi32>
        %get3A_1460 = arith.index_cast %add3A_1458 : i32 to index
        %get3A_1461 = arith.constant 0 : index
        %get3A_1462 = tpu.vector_load %arg11[%get3A_1460, %get3A_1461] {strides = array<i32>} : memref<128x32xf32, #tpu.memory_space<vmem>>, vector<16xf32>,
        %add3A_1463 = arith.addf %get3A_1462, %get3A_1400 : vector<16xf32>
        %get3A_1464 = arith.index_cast %add3A_1458 : i32 to index
        %get3A_1465 = arith.constant 16 : index
        %get3A_1466 = tpu.vector_load %arg11[%get3A_1464, %get3A_1465] {strides = array<i32>} : memref<128x32xf32, #tpu.memory_space<vmem>>, vector<16xf32>,
        %add3A_1467 = arith.addf %get3A_1466, %get3A_1403 : vector<16xf32>
        tpu.vector_store_idx %arg15[%select_n3A_1373, %select_n3A_1395, %broadcast_in_dim3A_1459], %add3A_1463 : memref<4x8x129xf32, #tpu.memory_space<vmem>>[vector<16xi32>, vector<16xi32>, vector<16xi32>], vector<16xf32>,
        tpu.vector_store_idx %arg15[%add3A_1398, %select_n3A_1395, %broadcast_in_dim3A_1459], %add3A_1467 : memref<4x8x129xf32, #tpu.memory_space<vmem>>[vector<16xi32>, vector<16xi32>, vector<16xi32>], vector<16xf32>,
        %mul3A_1468 = arith.constant 8 : i32
        %mul3A_1469 = arith.muli %scan3A_1342, %mul3A_1468 : i32
        %add3A_1470 = arith.constant 5 : i32
        %add3A_1471 = arith.addi %mul3A_1469, %add3A_1470 : i32
        %broadcast_in_dim3A_1472 = vector.broadcast %add3A_1471 : i32 to vector<16xi32>
        %get3A_1473 = arith.index_cast %add3A_1471 : i32 to index
        %get3A_1474 = arith.constant 0 : index
        %get3A_1475 = tpu.vector_load %arg11[%get3A_1473, %get3A_1474] {strides = array<i32>} : memref<128x32xf32, #tpu.memory_space<vmem>>, vector<16xf32>,
        %add3A_1476 = arith.addf %get3A_1475, %get3A_1400 : vector<16xf32>
        %get3A_1477 = arith.index_cast %add3A_1471 : i32 to index
        %get3A_1478 = arith.constant 16 : index
        %get3A_1479 = tpu.vector_load %arg11[%get3A_1477, %get3A_1478] {strides = array<i32>} : memref<128x32xf32, #tpu.memory_space<vmem>>, vector<16xf32>,
        %add3A_1480 = arith.addf %get3A_1479, %get3A_1403 : vector<16xf32>
        tpu.vector_store_idx %arg15[%select_n3A_1373, %select_n3A_1395, %broadcast_in_dim3A_1472], %add3A_1476 : memref<4x8x129xf32, #tpu.memory_space<vmem>>[vector<16xi32>, vector<16xi32>, vector<16xi32>], vector<16xf32>,
        tpu.vector_store_idx %arg15[%add3A_1398, %select_n3A_1395, %broadcast_in_dim3A_1472], %add3A_1480 : memref<4x8x129xf32, #tpu.memory_space<vmem>>[vector<16xi32>, vector<16xi32>, vector<16xi32>], vector<16xf32>,
        %mul3A_1481 = arith.constant 8 : i32
        %mul3A_1482 = arith.muli %scan3A_1342, %mul3A_1481 : i32
        %add3A_1483 = arith.constant 6 : i32
        %add3A_1484 = arith.addi %mul3A_1482, %add3A_1483 : i32
        %broadcast_in_dim3A_1485 = vector.broadcast %add3A_1484 : i32 to vector<16xi32>
        %get3A_1486 = arith.index_cast %add3A_1484 : i32 to index
        %get3A_1487 = arith.constant 0 : index
        %get3A_1488 = tpu.vector_load %arg11[%get3A_1486, %get3A_1487] {strides = array<i32>} : memref<128x32xf32, #tpu.memory_space<vmem>>, vector<16xf32>,
        %add3A_1489 = arith.addf %get3A_1488, %get3A_1400 : vector<16xf32>
        %get3A_1490 = arith.index_cast %add3A_1484 : i32 to index
        %get3A_1491 = arith.constant 16 : index
        %get3A_1492 = tpu.vector_load %arg11[%get3A_1490, %get3A_1491] {strides = array<i32>} : memref<128x32xf32, #tpu.memory_space<vmem>>, vector<16xf32>,
        %add3A_1493 = arith.addf %get3A_1492, %get3A_1403 : vector<16xf32>
        tpu.vector_store_idx %arg15[%select_n3A_1373, %select_n3A_1395, %broadcast_in_dim3A_1485], %add3A_1489 : memref<4x8x129xf32, #tpu.memory_space<vmem>>[vector<16xi32>, vector<16xi32>, vector<16xi32>], vector<16xf32>,
        tpu.vector_store_idx %arg15[%add3A_1398, %select_n3A_1395, %broadcast_in_dim3A_1485], %add3A_1493 : memref<4x8x129xf32, #tpu.memory_space<vmem>>[vector<16xi32>, vector<16xi32>, vector<16xi32>], vector<16xf32>,
        %mul3A_1494 = arith.constant 8 : i32
        %mul3A_1495 = arith.muli %scan3A_1342, %mul3A_1494 : i32
        %add3A_1496 = arith.constant 7 : i32
        %add3A_1497 = arith.addi %mul3A_1495, %add3A_1496 : i32
        %broadcast_in_dim3A_1498 = vector.broadcast %add3A_1497 : i32 to vector<16xi32>
        %get3A_1499 = arith.index_cast %add3A_1497 : i32 to index
        %get3A_1500 = arith.constant 0 : index
        %get3A_1501 = tpu.vector_load %arg11[%get3A_1499, %get3A_1500] {strides = array<i32>} : memref<128x32xf32, #tpu.memory_space<vmem>>, vector<16xf32>,
        %add3A_1502 = arith.addf %get3A_1501, %get3A_1400 : vector<16xf32>
        %get3A_1503 = arith.index_cast %add3A_1497 : i32 to index
        %get3A_1504 = arith.constant 16 : index
        %get3A_1505 = tpu.vector_load %arg11[%get3A_1503, %get3A_1504] {strides = array<i32>} : memref<128x32xf32, #tpu.memory_space<vmem>>, vector<16xf32>,
        %add3A_1506 = arith.addf %get3A_1505, %get3A_1403 : vector<16xf32>
        tpu.vector_store_idx %arg15[%select_n3A_1373, %select_n3A_1395, %broadcast_in_dim3A_1498], %add3A_1502 : memref<4x8x129xf32, #tpu.memory_space<vmem>>[vector<16xi32>, vector<16xi32>, vector<16xi32>], vector<16xf32>,
        tpu.vector_store_idx %arg15[%add3A_1398, %select_n3A_1395, %broadcast_in_dim3A_1498], %add3A_1506 : memref<4x8x129xf32, #tpu.memory_space<vmem>>[vector<16xi32>, vector<16xi32>, vector<16xi32>], vector<16xf32>,
      }
      %scan3A_1318 = arith.constant 16 : i32
      %dma_start3A_1319 = arith.constant 0 : i32
      %dma_start3A_1320 = arith.constant 0 : i32
      %dma_start3A_1321 = arith.constant 0 : i32
      %dma_start3A_1322 = tpu.memref_slice %arg15[%dma_start3A_1319, %dma_start3A_1320, %dma_start3A_1321] : memref<4x8x129xf32, #tpu.memory_space<vmem>> -> memref<4x8x128xf32, #tpu.memory_space<vmem>>
      %dma_start3A_1323 = arith.constant 0 : i32
      %dma_start3A_1324 = arith.constant 0 : i32
      %dma_start3A_1325 = arith.constant 0 : i32
      %dma_start3A_1326 = tpu.memref_slice %arg5[%add3A_1261, %dma_start3A_1323, %add3A, %dma_start3A_1324, %dma_start3A_1325] : memref<200x4x32x8x128xf32, #tpu.memory_space<hbm>> -> memref<1x4x1x8x128xf32, #tpu.memory_space<hbm>>
      %dma_start3A_1327 = tpu.memref_squeeze %dma_start3A_1326 : memref<1x4x1x8x128xf32, #tpu.memory_space<hbm>> -> memref<4x8x128xf32, #tpu.memory_space<hbm>>
      %dma_start3A_1328 = arith.constant 0 : i32
      %dma_start3A_1329 = arith.constant 0 : i32
      %dma_start3A_1330 = arith.constant 0 : i32
      %dma_start3A_1331 = tpu.memref_slice %arg5[%add3A_1261, %dma_start3A_1328, %add3A, %dma_start3A_1329, %dma_start3A_1330] : memref<200x4x32x8x128xf32, #tpu.memory_space<hbm>> -> memref<1x4x1x8x128xf32, #tpu.memory_space<hbm>>
      %dma_start3A_1332 = tpu.memref_squeeze %dma_start3A_1331 : memref<1x4x1x8x128xf32, #tpu.memory_space<hbm>> -> memref<4x8x128xf32, #tpu.memory_space<hbm>>
      %dma_start3A_1333 = arith.constant 0 : i32
      %dma_start3A_1334 = arith.constant 0 : i32
      %dma_start3A_1335 = arith.constant 0 : i32
      %dma_start3A_1336 = tpu.memref_slice %arg15[%dma_start3A_1333, %dma_start3A_1334, %dma_start3A_1335] : memref<4x8x129xf32, #tpu.memory_space<vmem>> -> memref<4x8x128xf32, #tpu.memory_space<vmem>>
      tpu.enqueue_dma source(%dma_start3A_1336 : memref<4x8x128xf32, #tpu.memory_space<vmem>>) target(%dma_start3A_1332 : memref<4x8x128xf32, #tpu.memory_space<hbm>>) target_semaphore(%arg23 : memref<!tpu.dma_semaphore, #tpu.memory_space<semaphore_mem>>)
      %lt3A_1337 = arith.constant 49 : i32
      %lt3A_1338 = arith.cmpi slt, %scan3A_1018, %lt3A_1337 : i32
      %convert_element_type3A_1339 = arith.extui %lt3A_1338 : i1 to i32
      %cond3A_1340 = arith.constant 0 : i32
      %cond3A_1341 = arith.cmpi ne, %convert_element_type3A_1339, %cond3A_1340 : i32
      scf.if %cond3A_1341 {
        %add3A_1342 = arith.constant 4 : i32
        %add3A_1343 = arith.addi %add3A_1261, %add3A_1342 : i32
        %jit3A_1344 = arith.constant 8 : i32
        %div3A_1345 = arith.divsi %add3A_1343, %jit3A_1344 : i32
        %sign3A_1346 = arith.constant 0 : i32
        %sign3A_1347 = arith.cmpi sgt, %add3A_1343, %sign3A_1346 : i32
        %sign3A_1348 = arith.extui %sign3A_1347 : i1 to i32
        %sign3A_1349 = arith.constant 0 : i32
        %sign3A_1350 = arith.cmpi slt, %add3A_1343, %sign3A_1349 : i32
        %sign3A_1351 = arith.extui %sign3A_1350 : i1 to i32
        %sign3A_1352 = arith.subi %sign3A_1348, %sign3A_1351 : i32
        %sign3A_1353 = arith.constant 0 : i32
        %sign3A_1354 = arith.cmpi sgt, %jit3A_1344, %sign3A_1353 : i32
        %sign3A_1355 = arith.extui %sign3A_1354 : i1 to i32
        %sign3A_1356 = arith.constant 0 : i32
        %sign3A_1357 = arith.cmpi slt, %jit3A_1344, %sign3A_1356 : i32
        %sign3A_1358 = arith.extui %sign3A_1357 : i1 to i32
        %sign3A_1359 = arith.subi %sign3A_1355, %sign3A_1358 : i32
        %ne3A_1360 = arith.cmpi ne, %sign3A_1352, %sign3A_1359 : i32
        %rem3A_1361 = arith.remsi %add3A_1343, %jit3A_1344 : i32
        %ne3A_1362 = arith.constant 0 : i32
        %ne3A_1363 = arith.cmpi ne, %rem3A_1361, %ne3A_1362 : i32
        %and3A_1364 = arith.andi %ne3A_1360, %ne3A_1363 : i1
        %sub3A_1365 = arith.constant 1 : i32
        %sub3A_1366 = arith.subi %div3A_1345, %sub3A_1365 : i32
        %select_n3A_1367 = arith.select %and3A_1364, %sub3A_1366, %div3A_1345 : i32
        %jit3A_1368 = arith.constant 8 : i32
        %eq3A_1369 = arith.constant 0 : i32
        %eq3A_1370 = arith.cmpi eq, %jit3A_1368, %eq3A_1369 : i32
        %jit3A_1371 = arith.constant 1 : i32
        %select_n3A_1372 = arith.select %eq3A_1370, %jit3A_1371, %jit3A_1368 : i32
        %rem3A_1373 = arith.remsi %add3A_1343, %select_n3A_1372 : i32
        %ne3A_1374 = arith.constant 0 : i32
        %ne3A_1375 = arith.cmpi ne, %rem3A_1373, %ne3A_1374 : i32
        %lt3A_1376 = arith.constant 0 : i32
        %lt3A_1377 = arith.cmpi slt, %rem3A_1373, %lt3A_1376 : i32
        %lt3A_1378 = arith.constant 0 : i32
        %lt3A_1379 = arith.cmpi slt, %select_n3A_1372, %lt3A_1378 : i32
        %ne3A_1380 = arith.xori %lt3A_1377, %lt3A_1379 : i1
        %and3A_1381 = arith.andi %ne3A_1380, %ne3A_1375 : i1
        %add3A_1382 = arith.addi %rem3A_1373, %select_n3A_1372 : i32
        %select_n3A_1383 = arith.select %and3A_1381, %add3A_1382, %rem3A_1373 : i32
        %dma_start3A_1384 = arith.constant 0 : i32
        %dma_start3A_1385 = tpu.memref_slice %arg6[%select_n3A_1367, %select_n3A_1383, %dma_start3A_1384] : memref<25x8x128xi32, #tpu.memory_space<vmem>> -> memref<1x1x128xi32, #tpu.memory_space<vmem>>
        %dma_start3A_1386 = tpu.memref_squeeze %dma_start3A_1385 : memref<1x1x128xi32, #tpu.memory_space<vmem>> -> memref<128xi32, #tpu.memory_space<vmem>>
        %dma_start3A_1387 = arith.constant 0 : i32
        %dma_start3A_1388 = arith.constant 0 : i32
        %dma_start3A_1389 = tpu.memref_slice %arg3[%dma_start3A_1387, %dma_start3A_1388] : memref<1015808x32xf32, #tpu.memory_space<hbm>> -> memref<1015808x32xf32, #tpu.memory_space<hbm>>
        tpu.enqueue_indirect_dma source(%dma_start3A_1389 : memref<1015808x32xf32, #tpu.memory_space<hbm>>) target(%arg11 : memref<128x32xf32, #tpu.memory_space<vmem>>) offsets(%dma_start3A_1386 : memref<128xi32, #tpu.memory_space<vmem>>) semaphore(%arg19 : memref<!tpu.dma_semaphore, #tpu.memory_space<semaphore_mem>>)
      } else {
      }
    }
    %scan3A_941 = arith.constant 50 : i32
    %dma_wait3A_942 = arith.constant 196 : i32
    %dma_wait3A_943 = arith.constant 0 : i32
    %dma_wait3A_944 = arith.constant 0 : i32
    %dma_wait3A_945 = arith.constant 0 : i32
    %dma_wait3A_946 = tpu.memref_slice %arg12[%dma_wait3A_943, %dma_wait3A_944, %dma_wait3A_945] : memref<4x8x129xf32, #tpu.memory_space<vmem>> -> memref<4x8x128xf32, #tpu.memory_space<vmem>>
    %dma_wait3A_947 = arith.constant 0 : i32
    %dma_wait3A_948 = arith.constant 0 : i32
    %dma_wait3A_949 = arith.constant 0 : i32
    %dma_wait3A_950 = tpu.memref_slice %arg5[%dma_wait3A_942, %dma_wait3A_947, %add3A, %dma_wait3A_948, %dma_wait3A_949] : memref<200x4x32x8x128xf32, #tpu.memory_space<hbm>> -> memref<1x4x1x8x128xf32, #tpu.memory_space<hbm>>
    %dma_wait3A_951 = tpu.memref_squeeze %dma_wait3A_950 : memref<1x4x1x8x128xf32, #tpu.memory_space<hbm>> -> memref<4x8x128xf32, #tpu.memory_space<hbm>>
    %dma_wait3A_952 = arith.constant 0 : i32
    %dma_wait3A_953 = arith.constant 0 : i32
    %dma_wait3A_954 = arith.constant 0 : i32
    %dma_wait3A_955 = tpu.memref_slice %arg5[%dma_wait3A_942, %dma_wait3A_952, %add3A, %dma_wait3A_953, %dma_wait3A_954] : memref<200x4x32x8x128xf32, #tpu.memory_space<hbm>> -> memref<1x4x1x8x128xf32, #tpu.memory_space<hbm>>
    %dma_wait3A_956 = tpu.memref_squeeze %dma_wait3A_955 : memref<1x4x1x8x128xf32, #tpu.memory_space<hbm>> -> memref<4x8x128xf32, #tpu.memory_space<hbm>>
    %dma_wait3A_957 = arith.constant 0 : i32
    %dma_wait3A_958 = arith.constant 0 : i32
    %dma_wait3A_959 = arith.constant 0 : i32
    %dma_wait3A_960 = tpu.memref_slice %arg12[%dma_wait3A_957, %dma_wait3A_958, %dma_wait3A_959] : memref<4x8x129xf32, #tpu.memory_space<vmem>> -> memref<4x8x128xf32, #tpu.memory_space<vmem>>
    tpu.wait_dma2 semaphore(%arg20 : memref<!tpu.dma_semaphore, #tpu.memory_space<semaphore_mem>>) src(%dma_wait3A_960 : memref<4x8x128xf32, #tpu.memory_space<vmem>>) dst(%dma_wait3A_956 : memref<4x8x128xf32, #tpu.memory_space<hbm>>)
    %dma_wait3A_961 = arith.constant 197 : i32
    %dma_wait3A_962 = arith.constant 0 : i32
    %dma_wait3A_963 = arith.constant 0 : i32
    %dma_wait3A_964 = arith.constant 0 : i32
    %dma_wait3A_965 = tpu.memref_slice %arg13[%dma_wait3A_962, %dma_wait3A_963, %dma_wait3A_964] : memref<4x8x129xf32, #tpu.memory_space<vmem>> -> memref<4x8x128xf32, #tpu.memory_space<vmem>>
    %dma_wait3A_966 = arith.constant 0 : i32
    %dma_wait3A_967 = arith.constant 0 : i32
    %dma_wait3A_968 = arith.constant 0 : i32
    %dma_wait3A_969 = tpu.memref_slice %arg5[%dma_wait3A_961, %dma_wait3A_966, %add3A, %dma_wait3A_967, %dma_wait3A_968] : memref<200x4x32x8x128xf32, #tpu.memory_space<hbm>> -> memref<1x4x1x8x128xf32, #tpu.memory_space<hbm>>
    %dma_wait3A_970 = tpu.memref_squeeze %dma_wait3A_969 : memref<1x4x1x8x128xf32, #tpu.memory_space<hbm>> -> memref<4x8x128xf32, #tpu.memory_space<hbm>>
    %dma_wait3A_971 = arith.constant 0 : i32
    %dma_wait3A_972 = arith.constant 0 : i32
    %dma_wait3A_973 = arith.constant 0 : i32
    %dma_wait3A_974 = tpu.memref_slice %arg5[%dma_wait3A_961, %dma_wait3A_971, %add3A, %dma_wait3A_972, %dma_wait3A_973] : memref<200x4x32x8x128xf32, #tpu.memory_space<hbm>> -> memref<1x4x1x8x128xf32, #tpu.memory_space<hbm>>
    %dma_wait3A_975 = tpu.memref_squeeze %dma_wait3A_974 : memref<1x4x1x8x128xf32, #tpu.memory_space<hbm>> -> memref<4x8x128xf32, #tpu.memory_space<hbm>>
    %dma_wait3A_976 = arith.constant 0 : i32
    %dma_wait3A_977 = arith.constant 0 : i32
    %dma_wait3A_978 = arith.constant 0 : i32
    %dma_wait3A_979 = tpu.memref_slice %arg13[%dma_wait3A_976, %dma_wait3A_977, %dma_wait3A_978] : memref<4x8x129xf32, #tpu.memory_space<vmem>> -> memref<4x8x128xf32, #tpu.memory_space<vmem>>
    tpu.wait_dma2 semaphore(%arg21 : memref<!tpu.dma_semaphore, #tpu.memory_space<semaphore_mem>>) src(%dma_wait3A_979 : memref<4x8x128xf32, #tpu.memory_space<vmem>>) dst(%dma_wait3A_975 : memref<4x8x128xf32, #tpu.memory_space<hbm>>)
    %dma_wait3A_980 = arith.constant 198 : i32
    %dma_wait3A_981 = arith.constant 0 : i32
    %dma_wait3A_982 = arith.constant 0 : i32
    %dma_wait3A_983 = arith.constant 0 : i32
    %dma_wait3A_984 = tpu.memref_slice %arg14[%dma_wait3A_981, %dma_wait3A_982, %dma_wait3A_983] : memref<4x8x129xf32, #tpu.memory_space<vmem>> -> memref<4x8x128xf32, #tpu.memory_space<vmem>>
    %dma_wait3A_985 = arith.constant 0 : i32
    %dma_wait3A_986 = arith.constant 0 : i32
    %dma_wait3A_987 = arith.constant 0 : i32
    %dma_wait3A_988 = tpu.memref_slice %arg5[%dma_wait3A_980, %dma_wait3A_985, %add3A, %dma_wait3A_986, %dma_wait3A_987] : memref<200x4x32x8x128xf32, #tpu.memory_space<hbm>> -> memref<1x4x1x8x128xf32, #tpu.memory_space<hbm>>
    %dma_wait3A_989 = tpu.memref_squeeze %dma_wait3A_988 : memref<1x4x1x8x128xf32, #tpu.memory_space<hbm>> -> memref<4x8x128xf32, #tpu.memory_space<hbm>>
    %dma_wait3A_990 = arith.constant 0 : i32
    %dma_wait3A_991 = arith.constant 0 : i32
    %dma_wait3A_992 = arith.constant 0 : i32
    %dma_wait3A_993 = tpu.memref_slice %arg5[%dma_wait3A_980, %dma_wait3A_990, %add3A, %dma_wait3A_991, %dma_wait3A_992] : memref<200x4x32x8x128xf32, #tpu.memory_space<hbm>> -> memref<1x4x1x8x128xf32, #tpu.memory_space<hbm>>
    %dma_wait3A_994 = tpu.memref_squeeze %dma_wait3A_993 : memref<1x4x1x8x128xf32, #tpu.memory_space<hbm>> -> memref<4x8x128xf32, #tpu.memory_space<hbm>>
    %dma_wait3A_995 = arith.constant 0 : i32
    %dma_wait3A_996 = arith.constant 0 : i32
    %dma_wait3A_997 = arith.constant 0 : i32
    %dma_wait3A_998 = tpu.memref_slice %arg14[%dma_wait3A_995, %dma_wait3A_996, %dma_wait3A_997] : memref<4x8x129xf32, #tpu.memory_space<vmem>> -> memref<4x8x128xf32, #tpu.memory_space<vmem>>
    tpu.wait_dma2 semaphore(%arg22 : memref<!tpu.dma_semaphore, #tpu.memory_space<semaphore_mem>>) src(%dma_wait3A_998 : memref<4x8x128xf32, #tpu.memory_space<vmem>>) dst(%dma_wait3A_994 : memref<4x8x128xf32, #tpu.memory_space<hbm>>)
    %dma_wait3A_999 = arith.constant 199 : i32
    %dma_wait3A_1000 = arith.constant 0 : i32
    %dma_wait3A_1001 = arith.constant 0 : i32
    %dma_wait3A_1002 = arith.constant 0 : i32
    %dma_wait3A_1003 = tpu.memref_slice %arg15[%dma_wait3A_1000, %dma_wait3A_1001, %dma_wait3A_1002] : memref<4x8x129xf32, #tpu.memory_space<vmem>> -> memref<4x8x128xf32, #tpu.memory_space<vmem>>
    %dma_wait3A_1004 = arith.constant 0 : i32
    %dma_wait3A_1005 = arith.constant 0 : i32
    %dma_wait3A_1006 = arith.constant 0 : i32
    %dma_wait3A_1007 = tpu.memref_slice %arg5[%dma_wait3A_999, %dma_wait3A_1004, %add3A, %dma_wait3A_1005, %dma_wait3A_1006] : memref<200x4x32x8x128xf32, #tpu.memory_space<hbm>> -> memref<1x4x1x8x128xf32, #tpu.memory_space<hbm>>
    %dma_wait3A_1008 = tpu.memref_squeeze %dma_wait3A_1007 : memref<1x4x1x8x128xf32, #tpu.memory_space<hbm>> -> memref<4x8x128xf32, #tpu.memory_space<hbm>>
    %dma_wait3A_1009 = arith.constant 0 : i32
    %dma_wait3A_1010 = arith.constant 0 : i32
    %dma_wait3A_1011 = arith.constant 0 : i32
    %dma_wait3A_1012 = tpu.memref_slice %arg5[%dma_wait3A_999, %dma_wait3A_1009, %add3A, %dma_wait3A_1010, %dma_wait3A_1011] : memref<200x4x32x8x128xf32, #tpu.memory_space<hbm>> -> memref<1x4x1x8x128xf32, #tpu.memory_space<hbm>>
    %dma_wait3A_1013 = tpu.memref_squeeze %dma_wait3A_1012 : memref<1x4x1x8x128xf32, #tpu.memory_space<hbm>> -> memref<4x8x128xf32, #tpu.memory_space<hbm>>
    %dma_wait3A_1014 = arith.constant 0 : i32
    %dma_wait3A_1015 = arith.constant 0 : i32
    %dma_wait3A_1016 = arith.constant 0 : i32
    %dma_wait3A_1017 = tpu.memref_slice %arg15[%dma_wait3A_1014, %dma_wait3A_1015, %dma_wait3A_1016] : memref<4x8x129xf32, #tpu.memory_space<vmem>> -> memref<4x8x128xf32, #tpu.memory_space<vmem>>
    tpu.wait_dma2 semaphore(%arg23 : memref<!tpu.dma_semaphore, #tpu.memory_space<semaphore_mem>>) src(%dma_wait3A_1017 : memref<4x8x128xf32, #tpu.memory_space<vmem>>) dst(%dma_wait3A_1013 : memref<4x8x128xf32, #tpu.memory_space<hbm>>)
    return
  }
}

module attributes {stable_mosaic.version = 14 : i64} {
  func.func @_tc_body(%arg0: i32, %arg1: memref<32x32768xf32, #tpu.memory_space<vmem>>, %arg2: memref<8192x128xf32, #tpu.memory_space<vmem>>) attributes {dimension_semantics = [#tpu.dimension_semantics<arbitrary>], iteration_bounds = array<i64: 31>, scalar_prefetch = 0 : i64, scratch_operands = 0 : i64, tpu.core_type = #tpu.core_type<tc>, window_params = [{transform_indices = @transform_0, window_bounds = array<i64: 32, 32768>}, {transform_indices = @transform_1, window_bounds = array<i64: 8192, 128>}]} {
    %iota3A = tpu.iota {dimensions = array<i32: 0>} : vector<32x32xi32>
    %iota3A_0 = tpu.iota {dimensions = array<i32: 1>} : vector<32x32xi32>
    %eq3A = arith.cmpi eq, %iota3A, %iota3A_0 : vector<32x32xi32>
    %convert_element_type3A = arith.extui %eq3A : vector<32x32xi1> to vector<32x32xi32>
    %convert_element_type3A_1 = arith.sitofp %convert_element_type3A : vector<32x32xi32> to vector<32x32xf32>
    %get3A = arith.constant 0 : index
    %get3A_2 = arith.constant 0 : index
    %get3A_3 = vector.load %arg1[%get3A, %get3A_2] : memref<32x32768xf32, #tpu.memory_space<vmem>>, vector<32x32768xf32>
    %dot_general3A = arith.constant dense<0.000000e+00> : vector<32768x32xf32>
    %dot_general3A_4 = tpu.matmul %get3A_3, %convert_element_type3A_1, %dot_general3A {dimension_numbers = #tpu.dot_dimension_numbers<[0], [0], [1], [1], [0, 1, 1, 1], [], []>, transpose_lhs_hint = false} : vector<32x32768xf32>, vector<32x32xf32>, vector<32768x32xf32> -> vector<32768x32xf32>
    %slice3A = vector.extract_strided_slice %dot_general3A_4 {offsets = [0, 0], sizes = [128, 32], strides = [1, 1]} : vector<32768x32xf32> to vector<128x32xf32>
    %swap3A = arith.constant 0 : index
    %swap3A_5 = arith.constant 0 : index
    %swap3A_6 = vector.load %arg2[%swap3A, %swap3A_5] : memref<8192x128xf32, #tpu.memory_space<vmem>>, vector<128x32xf32>
    tpu.vector_store %arg2[%swap3A, %swap3A_5], %slice3A {strides = array<i32>} : memref<8192x128xf32, #tpu.memory_space<vmem>>, vector<128x32xf32>,
    %slice3A_7 = vector.extract_strided_slice %dot_general3A_4 {offsets = [128, 0], sizes = [128, 32], strides = [1, 1]} : vector<32768x32xf32> to vector<128x32xf32>
    %swap3A_8 = arith.constant 0 : index
    %swap3A_9 = arith.constant 32 : index
    %swap3A_10 = vector.load %arg2[%swap3A_8, %swap3A_9] : memref<8192x128xf32, #tpu.memory_space<vmem>>, vector<128x32xf32>
    tpu.vector_store %arg2[%swap3A_8, %swap3A_9], %slice3A_7 {strides = array<i32>} : memref<8192x128xf32, #tpu.memory_space<vmem>>, vector<128x32xf32>,
    %slice3A_11 = vector.extract_strided_slice %dot_general3A_4 {offsets = [256, 0], sizes = [128, 32], strides = [1, 1]} : vector<32768x32xf32> to vector<128x32xf32>
    %swap3A_12 = arith.constant 0 : index
    %swap3A_13 = arith.constant 64 : index
    %swap3A_14 = vector.load %arg2[%swap3A_12, %swap3A_13] : memref<8192x128xf32, #tpu.memory_space<vmem>>, vector<128x32xf32>
    tpu.vector_store %arg2[%swap3A_12, %swap3A_13], %slice3A_11 {strides = array<i32>} : memref<8192x128xf32, #tpu.memory_space<vmem>>, vector<128x32xf32>,
    %slice3A_15 = vector.extract_strided_slice %dot_general3A_4 {offsets = [384, 0], sizes = [128, 32], strides = [1, 1]} : vector<32768x32xf32> to vector<128x32xf32>
    %swap3A_16 = arith.constant 0 : index
    %swap3A_17 = arith.constant 96 : index
    %swap3A_18 = vector.load %arg2[%swap3A_16, %swap3A_17] : memref<8192x128xf32, #tpu.memory_space<vmem>>, vector<128x32xf32>
    tpu.vector_store %arg2[%swap3A_16, %swap3A_17], %slice3A_15 {strides = array<i32>} : memref<8192x128xf32, #tpu.memory_space<vmem>>, vector<128x32xf32>,
    %slice3A_19 = vector.extract_strided_slice %dot_general3A_4 {offsets = [512, 0], sizes = [128, 32], strides = [1, 1]} : vector<32768x32xf32> to vector<128x32xf32>
    %swap3A_20 = arith.constant 128 : index
    %swap3A_21 = arith.constant 0 : index
    %swap3A_22 = vector.load %arg2[%swap3A_20, %swap3A_21] : memref<8192x128xf32, #tpu.memory_space<vmem>>, vector<128x32xf32>
    tpu.vector_store %arg2[%swap3A_20, %swap3A_21], %slice3A_19 {strides = array<i32>} : memref<8192x128xf32, #tpu.memory_space<vmem>>, vector<128x32xf32>,
    %slice3A_23 = vector.extract_strided_slice %dot_general3A_4 {offsets = [640, 0], sizes = [128, 32], strides = [1, 1]} : vector<32768x32xf32> to vector<128x32xf32>
    %swap3A_24 = arith.constant 128 : index
    %swap3A_25 = arith.constant 32 : index
    %swap3A_26 = vector.load %arg2[%swap3A_24, %swap3A_25] : memref<8192x128xf32, #tpu.memory_space<vmem>>, vector<128x32xf32>
    tpu.vector_store %arg2[%swap3A_24, %swap3A_25], %slice3A_23 {strides = array<i32>} : memref<8192x128xf32, #tpu.memory_space<vmem>>, vector<128x32xf32>,
    %slice3A_27 = vector.extract_strided_slice %dot_general3A_4 {offsets = [768, 0], sizes = [128, 32], strides = [1, 1]} : vector<32768x32xf32> to vector<128x32xf32>
    %swap3A_28 = arith.constant 128 : index
    %swap3A_29 = arith.constant 64 : index
    %swap3A_30 = vector.load %arg2[%swap3A_28, %swap3A_29] : memref<8192x128xf32, #tpu.memory_space<vmem>>, vector<128x32xf32>
    tpu.vector_store %arg2[%swap3A_28, %swap3A_29], %slice3A_27 {strides = array<i32>} : memref<8192x128xf32, #tpu.memory_space<vmem>>, vector<128x32xf32>,
    %slice3A_31 = vector.extract_strided_slice %dot_general3A_4 {offsets = [896, 0], sizes = [128, 32], strides = [1, 1]} : vector<32768x32xf32> to vector<128x32xf32>
    %swap3A_32 = arith.constant 128 : index
    %swap3A_33 = arith.constant 96 : index
    %swap3A_34 = vector.load %arg2[%swap3A_32, %swap3A_33] : memref<8192x128xf32, #tpu.memory_space<vmem>>, vector<128x32xf32>
    tpu.vector_store %arg2[%swap3A_32, %swap3A_33], %slice3A_31 {strides = array<i32>} : memref<8192x128xf32, #tpu.memory_space<vmem>>, vector<128x32xf32>,
    %slice3A_35 = vector.extract_strided_slice %dot_general3A_4 {offsets = [1024, 0], sizes = [128, 32], strides = [1, 1]} : vector<32768x32xf32> to vector<128x32xf32>
    %swap3A_36 = arith.constant 256 : index
    %swap3A_37 = arith.constant 0 : index
    %swap3A_38 = vector.load %arg2[%swap3A_36, %swap3A_37] : memref<8192x128xf32, #tpu.memory_space<vmem>>, vector<128x32xf32>
    tpu.vector_store %arg2[%swap3A_36, %swap3A_37], %slice3A_35 {strides = array<i32>} : memref<8192x128xf32, #tpu.memory_space<vmem>>, vector<128x32xf32>,
    %slice3A_39 = vector.extract_strided_slice %dot_general3A_4 {offsets = [1152, 0], sizes = [128, 32], strides = [1, 1]} : vector<32768x32xf32> to vector<128x32xf32>
    %swap3A_40 = arith.constant 256 : index
    %swap3A_41 = arith.constant 32 : index
    %swap3A_42 = vector.load %arg2[%swap3A_40, %swap3A_41] : memref<8192x128xf32, #tpu.memory_space<vmem>>, vector<128x32xf32>
    tpu.vector_store %arg2[%swap3A_40, %swap3A_41], %slice3A_39 {strides = array<i32>} : memref<8192x128xf32, #tpu.memory_space<vmem>>, vector<128x32xf32>,
    %slice3A_43 = vector.extract_strided_slice %dot_general3A_4 {offsets = [1280, 0], sizes = [128, 32], strides = [1, 1]} : vector<32768x32xf32> to vector<128x32xf32>
    %swap3A_44 = arith.constant 256 : index
    %swap3A_45 = arith.constant 64 : index
    %swap3A_46 = vector.load %arg2[%swap3A_44, %swap3A_45] : memref<8192x128xf32, #tpu.memory_space<vmem>>, vector<128x32xf32>
    tpu.vector_store %arg2[%swap3A_44, %swap3A_45], %slice3A_43 {strides = array<i32>} : memref<8192x128xf32, #tpu.memory_space<vmem>>, vector<128x32xf32>,
    %slice3A_47 = vector.extract_strided_slice %dot_general3A_4 {offsets = [1408, 0], sizes = [128, 32], strides = [1, 1]} : vector<32768x32xf32> to vector<128x32xf32>
    %swap3A_48 = arith.constant 256 : index
    %swap3A_49 = arith.constant 96 : index
    %swap3A_50 = vector.load %arg2[%swap3A_48, %swap3A_49] : memref<8192x128xf32, #tpu.memory_space<vmem>>, vector<128x32xf32>
    tpu.vector_store %arg2[%swap3A_48, %swap3A_49], %slice3A_47 {strides = array<i32>} : memref<8192x128xf32, #tpu.memory_space<vmem>>, vector<128x32xf32>,
    %slice3A_51 = vector.extract_strided_slice %dot_general3A_4 {offsets = [1536, 0], sizes = [128, 32], strides = [1, 1]} : vector<32768x32xf32> to vector<128x32xf32>
    %swap3A_52 = arith.constant 384 : index
    %swap3A_53 = arith.constant 0 : index
    %swap3A_54 = vector.load %arg2[%swap3A_52, %swap3A_53] : memref<8192x128xf32, #tpu.memory_space<vmem>>, vector<128x32xf32>
    tpu.vector_store %arg2[%swap3A_52, %swap3A_53], %slice3A_51 {strides = array<i32>} : memref<8192x128xf32, #tpu.memory_space<vmem>>, vector<128x32xf32>,
    %slice3A_55 = vector.extract_strided_slice %dot_general3A_4 {offsets = [1664, 0], sizes = [128, 32], strides = [1, 1]} : vector<32768x32xf32> to vector<128x32xf32>
    %swap3A_56 = arith.constant 384 : index
    %swap3A_57 = arith.constant 32 : index
    %swap3A_58 = vector.load %arg2[%swap3A_56, %swap3A_57] : memref<8192x128xf32, #tpu.memory_space<vmem>>, vector<128x32xf32>
    tpu.vector_store %arg2[%swap3A_56, %swap3A_57], %slice3A_55 {strides = array<i32>} : memref<8192x128xf32, #tpu.memory_space<vmem>>, vector<128x32xf32>,
    %slice3A_59 = vector.extract_strided_slice %dot_general3A_4 {offsets = [1792, 0], sizes = [128, 32], strides = [1, 1]} : vector<32768x32xf32> to vector<128x32xf32>
    %swap3A_60 = arith.constant 384 : index
    %swap3A_61 = arith.constant 64 : index
    %swap3A_62 = vector.load %arg2[%swap3A_60, %swap3A_61] : memref<8192x128xf32, #tpu.memory_space<vmem>>, vector<128x32xf32>
    tpu.vector_store %arg2[%swap3A_60, %swap3A_61], %slice3A_59 {strides = array<i32>} : memref<8192x128xf32, #tpu.memory_space<vmem>>, vector<128x32xf32>,
    %slice3A_63 = vector.extract_strided_slice %dot_general3A_4 {offsets = [1920, 0], sizes = [128, 32], strides = [1, 1]} : vector<32768x32xf32> to vector<128x32xf32>
    %swap3A_64 = arith.constant 384 : index
    %swap3A_65 = arith.constant 96 : index
    %swap3A_66 = vector.load %arg2[%swap3A_64, %swap3A_65] : memref<8192x128xf32, #tpu.memory_space<vmem>>, vector<128x32xf32>
    tpu.vector_store %arg2[%swap3A_64, %swap3A_65], %slice3A_63 {strides = array<i32>} : memref<8192x128xf32, #tpu.memory_space<vmem>>, vector<128x32xf32>,
    %slice3A_67 = vector.extract_strided_slice %dot_general3A_4 {offsets = [2048, 0], sizes = [128, 32], strides = [1, 1]} : vector<32768x32xf32> to vector<128x32xf32>
    %swap3A_68 = arith.constant 512 : index
    %swap3A_69 = arith.constant 0 : index
    %swap3A_70 = vector.load %arg2[%swap3A_68, %swap3A_69] : memref<8192x128xf32, #tpu.memory_space<vmem>>, vector<128x32xf32>
    tpu.vector_store %arg2[%swap3A_68, %swap3A_69], %slice3A_67 {strides = array<i32>} : memref<8192x128xf32, #tpu.memory_space<vmem>>, vector<128x32xf32>,
    %slice3A_71 = vector.extract_strided_slice %dot_general3A_4 {offsets = [2176, 0], sizes = [128, 32], strides = [1, 1]} : vector<32768x32xf32> to vector<128x32xf32>
    %swap3A_72 = arith.constant 512 : index
    %swap3A_73 = arith.constant 32 : index
    %swap3A_74 = vector.load %arg2[%swap3A_72, %swap3A_73] : memref<8192x128xf32, #tpu.memory_space<vmem>>, vector<128x32xf32>
    tpu.vector_store %arg2[%swap3A_72, %swap3A_73], %slice3A_71 {strides = array<i32>} : memref<8192x128xf32, #tpu.memory_space<vmem>>, vector<128x32xf32>,
    %slice3A_75 = vector.extract_strided_slice %dot_general3A_4 {offsets = [2304, 0], sizes = [128, 32], strides = [1, 1]} : vector<32768x32xf32> to vector<128x32xf32>
    %swap3A_76 = arith.constant 512 : index
    %swap3A_77 = arith.constant 64 : index
    %swap3A_78 = vector.load %arg2[%swap3A_76, %swap3A_77] : memref<8192x128xf32, #tpu.memory_space<vmem>>, vector<128x32xf32>
    tpu.vector_store %arg2[%swap3A_76, %swap3A_77], %slice3A_75 {strides = array<i32>} : memref<8192x128xf32, #tpu.memory_space<vmem>>, vector<128x32xf32>,
    %slice3A_79 = vector.extract_strided_slice %dot_general3A_4 {offsets = [2432, 0], sizes = [128, 32], strides = [1, 1]} : vector<32768x32xf32> to vector<128x32xf32>
    %swap3A_80 = arith.constant 512 : index
    %swap3A_81 = arith.constant 96 : index
    %swap3A_82 = vector.load %arg2[%swap3A_80, %swap3A_81] : memref<8192x128xf32, #tpu.memory_space<vmem>>, vector<128x32xf32>
    tpu.vector_store %arg2[%swap3A_80, %swap3A_81], %slice3A_79 {strides = array<i32>} : memref<8192x128xf32, #tpu.memory_space<vmem>>, vector<128x32xf32>,
    %slice3A_83 = vector.extract_strided_slice %dot_general3A_4 {offsets = [2560, 0], sizes = [128, 32], strides = [1, 1]} : vector<32768x32xf32> to vector<128x32xf32>
    %swap3A_84 = arith.constant 640 : index
    %swap3A_85 = arith.constant 0 : index
    %swap3A_86 = vector.load %arg2[%swap3A_84, %swap3A_85] : memref<8192x128xf32, #tpu.memory_space<vmem>>, vector<128x32xf32>
    tpu.vector_store %arg2[%swap3A_84, %swap3A_85], %slice3A_83 {strides = array<i32>} : memref<8192x128xf32, #tpu.memory_space<vmem>>, vector<128x32xf32>,
    %slice3A_87 = vector.extract_strided_slice %dot_general3A_4 {offsets = [2688, 0], sizes = [128, 32], strides = [1, 1]} : vector<32768x32xf32> to vector<128x32xf32>
    %swap3A_88 = arith.constant 640 : index
    %swap3A_89 = arith.constant 32 : index
    %swap3A_90 = vector.load %arg2[%swap3A_88, %swap3A_89] : memref<8192x128xf32, #tpu.memory_space<vmem>>, vector<128x32xf32>
    tpu.vector_store %arg2[%swap3A_88, %swap3A_89], %slice3A_87 {strides = array<i32>} : memref<8192x128xf32, #tpu.memory_space<vmem>>, vector<128x32xf32>,
    %slice3A_91 = vector.extract_strided_slice %dot_general3A_4 {offsets = [2816, 0], sizes = [128, 32], strides = [1, 1]} : vector<32768x32xf32> to vector<128x32xf32>
    %swap3A_92 = arith.constant 640 : index
    %swap3A_93 = arith.constant 64 : index
    %swap3A_94 = vector.load %arg2[%swap3A_92, %swap3A_93] : memref<8192x128xf32, #tpu.memory_space<vmem>>, vector<128x32xf32>
    tpu.vector_store %arg2[%swap3A_92, %swap3A_93], %slice3A_91 {strides = array<i32>} : memref<8192x128xf32, #tpu.memory_space<vmem>>, vector<128x32xf32>,
    %slice3A_95 = vector.extract_strided_slice %dot_general3A_4 {offsets = [2944, 0], sizes = [128, 32], strides = [1, 1]} : vector<32768x32xf32> to vector<128x32xf32>
    %swap3A_96 = arith.constant 640 : index
    %swap3A_97 = arith.constant 96 : index
    %swap3A_98 = vector.load %arg2[%swap3A_96, %swap3A_97] : memref<8192x128xf32, #tpu.memory_space<vmem>>, vector<128x32xf32>
    tpu.vector_store %arg2[%swap3A_96, %swap3A_97], %slice3A_95 {strides = array<i32>} : memref<8192x128xf32, #tpu.memory_space<vmem>>, vector<128x32xf32>,
    %slice3A_99 = vector.extract_strided_slice %dot_general3A_4 {offsets = [3072, 0], sizes = [128, 32], strides = [1, 1]} : vector<32768x32xf32> to vector<128x32xf32>
    %swap3A_100 = arith.constant 768 : index
    %swap3A_101 = arith.constant 0 : index
    %swap3A_102 = vector.load %arg2[%swap3A_100, %swap3A_101] : memref<8192x128xf32, #tpu.memory_space<vmem>>, vector<128x32xf32>
    tpu.vector_store %arg2[%swap3A_100, %swap3A_101], %slice3A_99 {strides = array<i32>} : memref<8192x128xf32, #tpu.memory_space<vmem>>, vector<128x32xf32>,
    %slice3A_103 = vector.extract_strided_slice %dot_general3A_4 {offsets = [3200, 0], sizes = [128, 32], strides = [1, 1]} : vector<32768x32xf32> to vector<128x32xf32>
    %swap3A_104 = arith.constant 768 : index
    %swap3A_105 = arith.constant 32 : index
    %swap3A_106 = vector.load %arg2[%swap3A_104, %swap3A_105] : memref<8192x128xf32, #tpu.memory_space<vmem>>, vector<128x32xf32>
    tpu.vector_store %arg2[%swap3A_104, %swap3A_105], %slice3A_103 {strides = array<i32>} : memref<8192x128xf32, #tpu.memory_space<vmem>>, vector<128x32xf32>,
    %slice3A_107 = vector.extract_strided_slice %dot_general3A_4 {offsets = [3328, 0], sizes = [128, 32], strides = [1, 1]} : vector<32768x32xf32> to vector<128x32xf32>
    %swap3A_108 = arith.constant 768 : index
    %swap3A_109 = arith.constant 64 : index
    %swap3A_110 = vector.load %arg2[%swap3A_108, %swap3A_109] : memref<8192x128xf32, #tpu.memory_space<vmem>>, vector<128x32xf32>
    tpu.vector_store %arg2[%swap3A_108, %swap3A_109], %slice3A_107 {strides = array<i32>} : memref<8192x128xf32, #tpu.memory_space<vmem>>, vector<128x32xf32>,
    %slice3A_111 = vector.extract_strided_slice %dot_general3A_4 {offsets = [3456, 0], sizes = [128, 32], strides = [1, 1]} : vector<32768x32xf32> to vector<128x32xf32>
    %swap3A_112 = arith.constant 768 : index
    %swap3A_113 = arith.constant 96 : index
    %swap3A_114 = vector.load %arg2[%swap3A_112, %swap3A_113] : memref<8192x128xf32, #tpu.memory_space<vmem>>, vector<128x32xf32>
    tpu.vector_store %arg2[%swap3A_112, %swap3A_113], %slice3A_111 {strides = array<i32>} : memref<8192x128xf32, #tpu.memory_space<vmem>>, vector<128x32xf32>,
    %slice3A_115 = vector.extract_strided_slice %dot_general3A_4 {offsets = [3584, 0], sizes = [128, 32], strides = [1, 1]} : vector<32768x32xf32> to vector<128x32xf32>
    %swap3A_116 = arith.constant 896 : index
    %swap3A_117 = arith.constant 0 : index
    %swap3A_118 = vector.load %arg2[%swap3A_116, %swap3A_117] : memref<8192x128xf32, #tpu.memory_space<vmem>>, vector<128x32xf32>
    tpu.vector_store %arg2[%swap3A_116, %swap3A_117], %slice3A_115 {strides = array<i32>} : memref<8192x128xf32, #tpu.memory_space<vmem>>, vector<128x32xf32>,
    %slice3A_119 = vector.extract_strided_slice %dot_general3A_4 {offsets = [3712, 0], sizes = [128, 32], strides = [1, 1]} : vector<32768x32xf32> to vector<128x32xf32>
    %swap3A_120 = arith.constant 896 : index
    %swap3A_121 = arith.constant 32 : index
    %swap3A_122 = vector.load %arg2[%swap3A_120, %swap3A_121] : memref<8192x128xf32, #tpu.memory_space<vmem>>, vector<128x32xf32>
    tpu.vector_store %arg2[%swap3A_120, %swap3A_121], %slice3A_119 {strides = array<i32>} : memref<8192x128xf32, #tpu.memory_space<vmem>>, vector<128x32xf32>,
    %slice3A_123 = vector.extract_strided_slice %dot_general3A_4 {offsets = [3840, 0], sizes = [128, 32], strides = [1, 1]} : vector<32768x32xf32> to vector<128x32xf32>
    %swap3A_124 = arith.constant 896 : index
    %swap3A_125 = arith.constant 64 : index
    %swap3A_126 = vector.load %arg2[%swap3A_124, %swap3A_125] : memref<8192x128xf32, #tpu.memory_space<vmem>>, vector<128x32xf32>
    tpu.vector_store %arg2[%swap3A_124, %swap3A_125], %slice3A_123 {strides = array<i32>} : memref<8192x128xf32, #tpu.memory_space<vmem>>, vector<128x32xf32>,
    %slice3A_127 = vector.extract_strided_slice %dot_general3A_4 {offsets = [3968, 0], sizes = [128, 32], strides = [1, 1]} : vector<32768x32xf32> to vector<128x32xf32>
    %swap3A_128 = arith.constant 896 : index
    %swap3A_129 = arith.constant 96 : index
    %swap3A_130 = vector.load %arg2[%swap3A_128, %swap3A_129] : memref<8192x128xf32, #tpu.memory_space<vmem>>, vector<128x32xf32>
    tpu.vector_store %arg2[%swap3A_128, %swap3A_129], %slice3A_127 {strides = array<i32>} : memref<8192x128xf32, #tpu.memory_space<vmem>>, vector<128x32xf32>,
    %slice3A_131 = vector.extract_strided_slice %dot_general3A_4 {offsets = [4096, 0], sizes = [128, 32], strides = [1, 1]} : vector<32768x32xf32> to vector<128x32xf32>
    %swap3A_132 = arith.constant 1024 : index
    %swap3A_133 = arith.constant 0 : index
    %swap3A_134 = vector.load %arg2[%swap3A_132, %swap3A_133] : memref<8192x128xf32, #tpu.memory_space<vmem>>, vector<128x32xf32>
    tpu.vector_store %arg2[%swap3A_132, %swap3A_133], %slice3A_131 {strides = array<i32>} : memref<8192x128xf32, #tpu.memory_space<vmem>>, vector<128x32xf32>,
    %slice3A_135 = vector.extract_strided_slice %dot_general3A_4 {offsets = [4224, 0], sizes = [128, 32], strides = [1, 1]} : vector<32768x32xf32> to vector<128x32xf32>
    %swap3A_136 = arith.constant 1024 : index
    %swap3A_137 = arith.constant 32 : index
    %swap3A_138 = vector.load %arg2[%swap3A_136, %swap3A_137] : memref<8192x128xf32, #tpu.memory_space<vmem>>, vector<128x32xf32>
    tpu.vector_store %arg2[%swap3A_136, %swap3A_137], %slice3A_135 {strides = array<i32>} : memref<8192x128xf32, #tpu.memory_space<vmem>>, vector<128x32xf32>,
    %slice3A_139 = vector.extract_strided_slice %dot_general3A_4 {offsets = [4352, 0], sizes = [128, 32], strides = [1, 1]} : vector<32768x32xf32> to vector<128x32xf32>
    %swap3A_140 = arith.constant 1024 : index
    %swap3A_141 = arith.constant 64 : index
    %swap3A_142 = vector.load %arg2[%swap3A_140, %swap3A_141] : memref<8192x128xf32, #tpu.memory_space<vmem>>, vector<128x32xf32>
    tpu.vector_store %arg2[%swap3A_140, %swap3A_141], %slice3A_139 {strides = array<i32>} : memref<8192x128xf32, #tpu.memory_space<vmem>>, vector<128x32xf32>,
    %slice3A_143 = vector.extract_strided_slice %dot_general3A_4 {offsets = [4480, 0], sizes = [128, 32], strides = [1, 1]} : vector<32768x32xf32> to vector<128x32xf32>
    %swap3A_144 = arith.constant 1024 : index
    %swap3A_145 = arith.constant 96 : index
    %swap3A_146 = vector.load %arg2[%swap3A_144, %swap3A_145] : memref<8192x128xf32, #tpu.memory_space<vmem>>, vector<128x32xf32>
    tpu.vector_store %arg2[%swap3A_144, %swap3A_145], %slice3A_143 {strides = array<i32>} : memref<8192x128xf32, #tpu.memory_space<vmem>>, vector<128x32xf32>,
    %slice3A_147 = vector.extract_strided_slice %dot_general3A_4 {offsets = [4608, 0], sizes = [128, 32], strides = [1, 1]} : vector<32768x32xf32> to vector<128x32xf32>
    %swap3A_148 = arith.constant 1152 : index
    %swap3A_149 = arith.constant 0 : index
    %swap3A_150 = vector.load %arg2[%swap3A_148, %swap3A_149] : memref<8192x128xf32, #tpu.memory_space<vmem>>, vector<128x32xf32>
    tpu.vector_store %arg2[%swap3A_148, %swap3A_149], %slice3A_147 {strides = array<i32>} : memref<8192x128xf32, #tpu.memory_space<vmem>>, vector<128x32xf32>,
    %slice3A_151 = vector.extract_strided_slice %dot_general3A_4 {offsets = [4736, 0], sizes = [128, 32], strides = [1, 1]} : vector<32768x32xf32> to vector<128x32xf32>
    %swap3A_152 = arith.constant 1152 : index
    %swap3A_153 = arith.constant 32 : index
    %swap3A_154 = vector.load %arg2[%swap3A_152, %swap3A_153] : memref<8192x128xf32, #tpu.memory_space<vmem>>, vector<128x32xf32>
    tpu.vector_store %arg2[%swap3A_152, %swap3A_153], %slice3A_151 {strides = array<i32>} : memref<8192x128xf32, #tpu.memory_space<vmem>>, vector<128x32xf32>,
    %slice3A_155 = vector.extract_strided_slice %dot_general3A_4 {offsets = [4864, 0], sizes = [128, 32], strides = [1, 1]} : vector<32768x32xf32> to vector<128x32xf32>
    %swap3A_156 = arith.constant 1152 : index
    %swap3A_157 = arith.constant 64 : index
    %swap3A_158 = vector.load %arg2[%swap3A_156, %swap3A_157] : memref<8192x128xf32, #tpu.memory_space<vmem>>, vector<128x32xf32>
    tpu.vector_store %arg2[%swap3A_156, %swap3A_157], %slice3A_155 {strides = array<i32>} : memref<8192x128xf32, #tpu.memory_space<vmem>>, vector<128x32xf32>,
    %slice3A_159 = vector.extract_strided_slice %dot_general3A_4 {offsets = [4992, 0], sizes = [128, 32], strides = [1, 1]} : vector<32768x32xf32> to vector<128x32xf32>
    %swap3A_160 = arith.constant 1152 : index
    %swap3A_161 = arith.constant 96 : index
    %swap3A_162 = vector.load %arg2[%swap3A_160, %swap3A_161] : memref<8192x128xf32, #tpu.memory_space<vmem>>, vector<128x32xf32>
    tpu.vector_store %arg2[%swap3A_160, %swap3A_161], %slice3A_159 {strides = array<i32>} : memref<8192x128xf32, #tpu.memory_space<vmem>>, vector<128x32xf32>,
    %slice3A_163 = vector.extract_strided_slice %dot_general3A_4 {offsets = [5120, 0], sizes = [128, 32], strides = [1, 1]} : vector<32768x32xf32> to vector<128x32xf32>
    %swap3A_164 = arith.constant 1280 : index
    %swap3A_165 = arith.constant 0 : index
    %swap3A_166 = vector.load %arg2[%swap3A_164, %swap3A_165] : memref<8192x128xf32, #tpu.memory_space<vmem>>, vector<128x32xf32>
    tpu.vector_store %arg2[%swap3A_164, %swap3A_165], %slice3A_163 {strides = array<i32>} : memref<8192x128xf32, #tpu.memory_space<vmem>>, vector<128x32xf32>,
    %slice3A_167 = vector.extract_strided_slice %dot_general3A_4 {offsets = [5248, 0], sizes = [128, 32], strides = [1, 1]} : vector<32768x32xf32> to vector<128x32xf32>
    %swap3A_168 = arith.constant 1280 : index
    %swap3A_169 = arith.constant 32 : index
    %swap3A_170 = vector.load %arg2[%swap3A_168, %swap3A_169] : memref<8192x128xf32, #tpu.memory_space<vmem>>, vector<128x32xf32>
    tpu.vector_store %arg2[%swap3A_168, %swap3A_169], %slice3A_167 {strides = array<i32>} : memref<8192x128xf32, #tpu.memory_space<vmem>>, vector<128x32xf32>,
    %slice3A_171 = vector.extract_strided_slice %dot_general3A_4 {offsets = [5376, 0], sizes = [128, 32], strides = [1, 1]} : vector<32768x32xf32> to vector<128x32xf32>
    %swap3A_172 = arith.constant 1280 : index
    %swap3A_173 = arith.constant 64 : index
    %swap3A_174 = vector.load %arg2[%swap3A_172, %swap3A_173] : memref<8192x128xf32, #tpu.memory_space<vmem>>, vector<128x32xf32>
    tpu.vector_store %arg2[%swap3A_172, %swap3A_173], %slice3A_171 {strides = array<i32>} : memref<8192x128xf32, #tpu.memory_space<vmem>>, vector<128x32xf32>,
    %slice3A_175 = vector.extract_strided_slice %dot_general3A_4 {offsets = [5504, 0], sizes = [128, 32], strides = [1, 1]} : vector<32768x32xf32> to vector<128x32xf32>
    %swap3A_176 = arith.constant 1280 : index
    %swap3A_177 = arith.constant 96 : index
    %swap3A_178 = vector.load %arg2[%swap3A_176, %swap3A_177] : memref<8192x128xf32, #tpu.memory_space<vmem>>, vector<128x32xf32>
    tpu.vector_store %arg2[%swap3A_176, %swap3A_177], %slice3A_175 {strides = array<i32>} : memref<8192x128xf32, #tpu.memory_space<vmem>>, vector<128x32xf32>,
    %slice3A_179 = vector.extract_strided_slice %dot_general3A_4 {offsets = [5632, 0], sizes = [128, 32], strides = [1, 1]} : vector<32768x32xf32> to vector<128x32xf32>
    %swap3A_180 = arith.constant 1408 : index
    %swap3A_181 = arith.constant 0 : index
    %swap3A_182 = vector.load %arg2[%swap3A_180, %swap3A_181] : memref<8192x128xf32, #tpu.memory_space<vmem>>, vector<128x32xf32>
    tpu.vector_store %arg2[%swap3A_180, %swap3A_181], %slice3A_179 {strides = array<i32>} : memref<8192x128xf32, #tpu.memory_space<vmem>>, vector<128x32xf32>,
    %slice3A_183 = vector.extract_strided_slice %dot_general3A_4 {offsets = [5760, 0], sizes = [128, 32], strides = [1, 1]} : vector<32768x32xf32> to vector<128x32xf32>
    %swap3A_184 = arith.constant 1408 : index
    %swap3A_185 = arith.constant 32 : index
    %swap3A_186 = vector.load %arg2[%swap3A_184, %swap3A_185] : memref<8192x128xf32, #tpu.memory_space<vmem>>, vector<128x32xf32>
    tpu.vector_store %arg2[%swap3A_184, %swap3A_185], %slice3A_183 {strides = array<i32>} : memref<8192x128xf32, #tpu.memory_space<vmem>>, vector<128x32xf32>,
    %slice3A_187 = vector.extract_strided_slice %dot_general3A_4 {offsets = [5888, 0], sizes = [128, 32], strides = [1, 1]} : vector<32768x32xf32> to vector<128x32xf32>
    %swap3A_188 = arith.constant 1408 : index
    %swap3A_189 = arith.constant 64 : index
    %swap3A_190 = vector.load %arg2[%swap3A_188, %swap3A_189] : memref<8192x128xf32, #tpu.memory_space<vmem>>, vector<128x32xf32>
    tpu.vector_store %arg2[%swap3A_188, %swap3A_189], %slice3A_187 {strides = array<i32>} : memref<8192x128xf32, #tpu.memory_space<vmem>>, vector<128x32xf32>,
    %slice3A_191 = vector.extract_strided_slice %dot_general3A_4 {offsets = [6016, 0], sizes = [128, 32], strides = [1, 1]} : vector<32768x32xf32> to vector<128x32xf32>
    %swap3A_192 = arith.constant 1408 : index
    %swap3A_193 = arith.constant 96 : index
    %swap3A_194 = vector.load %arg2[%swap3A_192, %swap3A_193] : memref<8192x128xf32, #tpu.memory_space<vmem>>, vector<128x32xf32>
    tpu.vector_store %arg2[%swap3A_192, %swap3A_193], %slice3A_191 {strides = array<i32>} : memref<8192x128xf32, #tpu.memory_space<vmem>>, vector<128x32xf32>,
    %slice3A_195 = vector.extract_strided_slice %dot_general3A_4 {offsets = [6144, 0], sizes = [128, 32], strides = [1, 1]} : vector<32768x32xf32> to vector<128x32xf32>
    %swap3A_196 = arith.constant 1536 : index
    %swap3A_197 = arith.constant 0 : index
    %swap3A_198 = vector.load %arg2[%swap3A_196, %swap3A_197] : memref<8192x128xf32, #tpu.memory_space<vmem>>, vector<128x32xf32>
    tpu.vector_store %arg2[%swap3A_196, %swap3A_197], %slice3A_195 {strides = array<i32>} : memref<8192x128xf32, #tpu.memory_space<vmem>>, vector<128x32xf32>,
    %slice3A_199 = vector.extract_strided_slice %dot_general3A_4 {offsets = [6272, 0], sizes = [128, 32], strides = [1, 1]} : vector<32768x32xf32> to vector<128x32xf32>
    %swap3A_200 = arith.constant 1536 : index
    %swap3A_201 = arith.constant 32 : index
    %swap3A_202 = vector.load %arg2[%swap3A_200, %swap3A_201] : memref<8192x128xf32, #tpu.memory_space<vmem>>, vector<128x32xf32>
    tpu.vector_store %arg2[%swap3A_200, %swap3A_201], %slice3A_199 {strides = array<i32>} : memref<8192x128xf32, #tpu.memory_space<vmem>>, vector<128x32xf32>,
    %slice3A_203 = vector.extract_strided_slice %dot_general3A_4 {offsets = [6400, 0], sizes = [128, 32], strides = [1, 1]} : vector<32768x32xf32> to vector<128x32xf32>
    %swap3A_204 = arith.constant 1536 : index
    %swap3A_205 = arith.constant 64 : index
    %swap3A_206 = vector.load %arg2[%swap3A_204, %swap3A_205] : memref<8192x128xf32, #tpu.memory_space<vmem>>, vector<128x32xf32>
    tpu.vector_store %arg2[%swap3A_204, %swap3A_205], %slice3A_203 {strides = array<i32>} : memref<8192x128xf32, #tpu.memory_space<vmem>>, vector<128x32xf32>,
    %slice3A_207 = vector.extract_strided_slice %dot_general3A_4 {offsets = [6528, 0], sizes = [128, 32], strides = [1, 1]} : vector<32768x32xf32> to vector<128x32xf32>
    %swap3A_208 = arith.constant 1536 : index
    %swap3A_209 = arith.constant 96 : index
    %swap3A_210 = vector.load %arg2[%swap3A_208, %swap3A_209] : memref<8192x128xf32, #tpu.memory_space<vmem>>, vector<128x32xf32>
    tpu.vector_store %arg2[%swap3A_208, %swap3A_209], %slice3A_207 {strides = array<i32>} : memref<8192x128xf32, #tpu.memory_space<vmem>>, vector<128x32xf32>,
    %slice3A_211 = vector.extract_strided_slice %dot_general3A_4 {offsets = [6656, 0], sizes = [128, 32], strides = [1, 1]} : vector<32768x32xf32> to vector<128x32xf32>
    %swap3A_212 = arith.constant 1664 : index
    %swap3A_213 = arith.constant 0 : index
    %swap3A_214 = vector.load %arg2[%swap3A_212, %swap3A_213] : memref<8192x128xf32, #tpu.memory_space<vmem>>, vector<128x32xf32>
    tpu.vector_store %arg2[%swap3A_212, %swap3A_213], %slice3A_211 {strides = array<i32>} : memref<8192x128xf32, #tpu.memory_space<vmem>>, vector<128x32xf32>,
    %slice3A_215 = vector.extract_strided_slice %dot_general3A_4 {offsets = [6784, 0], sizes = [128, 32], strides = [1, 1]} : vector<32768x32xf32> to vector<128x32xf32>
    %swap3A_216 = arith.constant 1664 : index
    %swap3A_217 = arith.constant 32 : index
    %swap3A_218 = vector.load %arg2[%swap3A_216, %swap3A_217] : memref<8192x128xf32, #tpu.memory_space<vmem>>, vector<128x32xf32>
    tpu.vector_store %arg2[%swap3A_216, %swap3A_217], %slice3A_215 {strides = array<i32>} : memref<8192x128xf32, #tpu.memory_space<vmem>>, vector<128x32xf32>,
    %slice3A_219 = vector.extract_strided_slice %dot_general3A_4 {offsets = [6912, 0], sizes = [128, 32], strides = [1, 1]} : vector<32768x32xf32> to vector<128x32xf32>
    %swap3A_220 = arith.constant 1664 : index
    %swap3A_221 = arith.constant 64 : index
    %swap3A_222 = vector.load %arg2[%swap3A_220, %swap3A_221] : memref<8192x128xf32, #tpu.memory_space<vmem>>, vector<128x32xf32>
    tpu.vector_store %arg2[%swap3A_220, %swap3A_221], %slice3A_219 {strides = array<i32>} : memref<8192x128xf32, #tpu.memory_space<vmem>>, vector<128x32xf32>,
    %slice3A_223 = vector.extract_strided_slice %dot_general3A_4 {offsets = [7040, 0], sizes = [128, 32], strides = [1, 1]} : vector<32768x32xf32> to vector<128x32xf32>
    %swap3A_224 = arith.constant 1664 : index
    %swap3A_225 = arith.constant 96 : index
    %swap3A_226 = vector.load %arg2[%swap3A_224, %swap3A_225] : memref<8192x128xf32, #tpu.memory_space<vmem>>, vector<128x32xf32>
    tpu.vector_store %arg2[%swap3A_224, %swap3A_225], %slice3A_223 {strides = array<i32>} : memref<8192x128xf32, #tpu.memory_space<vmem>>, vector<128x32xf32>,
    %slice3A_227 = vector.extract_strided_slice %dot_general3A_4 {offsets = [7168, 0], sizes = [128, 32], strides = [1, 1]} : vector<32768x32xf32> to vector<128x32xf32>
    %swap3A_228 = arith.constant 1792 : index
    %swap3A_229 = arith.constant 0 : index
    %swap3A_230 = vector.load %arg2[%swap3A_228, %swap3A_229] : memref<8192x128xf32, #tpu.memory_space<vmem>>, vector<128x32xf32>
    tpu.vector_store %arg2[%swap3A_228, %swap3A_229], %slice3A_227 {strides = array<i32>} : memref<8192x128xf32, #tpu.memory_space<vmem>>, vector<128x32xf32>,
    %slice3A_231 = vector.extract_strided_slice %dot_general3A_4 {offsets = [7296, 0], sizes = [128, 32], strides = [1, 1]} : vector<32768x32xf32> to vector<128x32xf32>
    %swap3A_232 = arith.constant 1792 : index
    %swap3A_233 = arith.constant 32 : index
    %swap3A_234 = vector.load %arg2[%swap3A_232, %swap3A_233] : memref<8192x128xf32, #tpu.memory_space<vmem>>, vector<128x32xf32>
    tpu.vector_store %arg2[%swap3A_232, %swap3A_233], %slice3A_231 {strides = array<i32>} : memref<8192x128xf32, #tpu.memory_space<vmem>>, vector<128x32xf32>,
    %slice3A_235 = vector.extract_strided_slice %dot_general3A_4 {offsets = [7424, 0], sizes = [128, 32], strides = [1, 1]} : vector<32768x32xf32> to vector<128x32xf32>
    %swap3A_236 = arith.constant 1792 : index
    %swap3A_237 = arith.constant 64 : index
    %swap3A_238 = vector.load %arg2[%swap3A_236, %swap3A_237] : memref<8192x128xf32, #tpu.memory_space<vmem>>, vector<128x32xf32>
    tpu.vector_store %arg2[%swap3A_236, %swap3A_237], %slice3A_235 {strides = array<i32>} : memref<8192x128xf32, #tpu.memory_space<vmem>>, vector<128x32xf32>,
    %slice3A_239 = vector.extract_strided_slice %dot_general3A_4 {offsets = [7552, 0], sizes = [128, 32], strides = [1, 1]} : vector<32768x32xf32> to vector<128x32xf32>
    %swap3A_240 = arith.constant 1792 : index
    %swap3A_241 = arith.constant 96 : index
    %swap3A_242 = vector.load %arg2[%swap3A_240, %swap3A_241] : memref<8192x128xf32, #tpu.memory_space<vmem>>, vector<128x32xf32>
    tpu.vector_store %arg2[%swap3A_240, %swap3A_241], %slice3A_239 {strides = array<i32>} : memref<8192x128xf32, #tpu.memory_space<vmem>>, vector<128x32xf32>,
    %slice3A_243 = vector.extract_strided_slice %dot_general3A_4 {offsets = [7680, 0], sizes = [128, 32], strides = [1, 1]} : vector<32768x32xf32> to vector<128x32xf32>
    %swap3A_244 = arith.constant 1920 : index
    %swap3A_245 = arith.constant 0 : index
    %swap3A_246 = vector.load %arg2[%swap3A_244, %swap3A_245] : memref<8192x128xf32, #tpu.memory_space<vmem>>, vector<128x32xf32>
    tpu.vector_store %arg2[%swap3A_244, %swap3A_245], %slice3A_243 {strides = array<i32>} : memref<8192x128xf32, #tpu.memory_space<vmem>>, vector<128x32xf32>,
    %slice3A_247 = vector.extract_strided_slice %dot_general3A_4 {offsets = [7808, 0], sizes = [128, 32], strides = [1, 1]} : vector<32768x32xf32> to vector<128x32xf32>
    %swap3A_248 = arith.constant 1920 : index
    %swap3A_249 = arith.constant 32 : index
    %swap3A_250 = vector.load %arg2[%swap3A_248, %swap3A_249] : memref<8192x128xf32, #tpu.memory_space<vmem>>, vector<128x32xf32>
    tpu.vector_store %arg2[%swap3A_248, %swap3A_249], %slice3A_247 {strides = array<i32>} : memref<8192x128xf32, #tpu.memory_space<vmem>>, vector<128x32xf32>,
    %slice3A_251 = vector.extract_strided_slice %dot_general3A_4 {offsets = [7936, 0], sizes = [128, 32], strides = [1, 1]} : vector<32768x32xf32> to vector<128x32xf32>
    %swap3A_252 = arith.constant 1920 : index
    %swap3A_253 = arith.constant 64 : index
    %swap3A_254 = vector.load %arg2[%swap3A_252, %swap3A_253] : memref<8192x128xf32, #tpu.memory_space<vmem>>, vector<128x32xf32>
    tpu.vector_store %arg2[%swap3A_252, %swap3A_253], %slice3A_251 {strides = array<i32>} : memref<8192x128xf32, #tpu.memory_space<vmem>>, vector<128x32xf32>,
    %slice3A_255 = vector.extract_strided_slice %dot_general3A_4 {offsets = [8064, 0], sizes = [128, 32], strides = [1, 1]} : vector<32768x32xf32> to vector<128x32xf32>
    %swap3A_256 = arith.constant 1920 : index
    %swap3A_257 = arith.constant 96 : index
    %swap3A_258 = vector.load %arg2[%swap3A_256, %swap3A_257] : memref<8192x128xf32, #tpu.memory_space<vmem>>, vector<128x32xf32>
    tpu.vector_store %arg2[%swap3A_256, %swap3A_257], %slice3A_255 {strides = array<i32>} : memref<8192x128xf32, #tpu.memory_space<vmem>>, vector<128x32xf32>,
    %slice3A_259 = vector.extract_strided_slice %dot_general3A_4 {offsets = [8192, 0], sizes = [128, 32], strides = [1, 1]} : vector<32768x32xf32> to vector<128x32xf32>
    %swap3A_260 = arith.constant 2048 : index
    %swap3A_261 = arith.constant 0 : index
    %swap3A_262 = vector.load %arg2[%swap3A_260, %swap3A_261] : memref<8192x128xf32, #tpu.memory_space<vmem>>, vector<128x32xf32>
    tpu.vector_store %arg2[%swap3A_260, %swap3A_261], %slice3A_259 {strides = array<i32>} : memref<8192x128xf32, #tpu.memory_space<vmem>>, vector<128x32xf32>,
    %slice3A_263 = vector.extract_strided_slice %dot_general3A_4 {offsets = [8320, 0], sizes = [128, 32], strides = [1, 1]} : vector<32768x32xf32> to vector<128x32xf32>
    %swap3A_264 = arith.constant 2048 : index
    %swap3A_265 = arith.constant 32 : index
    %swap3A_266 = vector.load %arg2[%swap3A_264, %swap3A_265] : memref<8192x128xf32, #tpu.memory_space<vmem>>, vector<128x32xf32>
    tpu.vector_store %arg2[%swap3A_264, %swap3A_265], %slice3A_263 {strides = array<i32>} : memref<8192x128xf32, #tpu.memory_space<vmem>>, vector<128x32xf32>,
    %slice3A_267 = vector.extract_strided_slice %dot_general3A_4 {offsets = [8448, 0], sizes = [128, 32], strides = [1, 1]} : vector<32768x32xf32> to vector<128x32xf32>
    %swap3A_268 = arith.constant 2048 : index
    %swap3A_269 = arith.constant 64 : index
    %swap3A_270 = vector.load %arg2[%swap3A_268, %swap3A_269] : memref<8192x128xf32, #tpu.memory_space<vmem>>, vector<128x32xf32>
    tpu.vector_store %arg2[%swap3A_268, %swap3A_269], %slice3A_267 {strides = array<i32>} : memref<8192x128xf32, #tpu.memory_space<vmem>>, vector<128x32xf32>,
    %slice3A_271 = vector.extract_strided_slice %dot_general3A_4 {offsets = [8576, 0], sizes = [128, 32], strides = [1, 1]} : vector<32768x32xf32> to vector<128x32xf32>
    %swap3A_272 = arith.constant 2048 : index
    %swap3A_273 = arith.constant 96 : index
    %swap3A_274 = vector.load %arg2[%swap3A_272, %swap3A_273] : memref<8192x128xf32, #tpu.memory_space<vmem>>, vector<128x32xf32>
    tpu.vector_store %arg2[%swap3A_272, %swap3A_273], %slice3A_271 {strides = array<i32>} : memref<8192x128xf32, #tpu.memory_space<vmem>>, vector<128x32xf32>,
    %slice3A_275 = vector.extract_strided_slice %dot_general3A_4 {offsets = [8704, 0], sizes = [128, 32], strides = [1, 1]} : vector<32768x32xf32> to vector<128x32xf32>
    %swap3A_276 = arith.constant 2176 : index
    %swap3A_277 = arith.constant 0 : index
    %swap3A_278 = vector.load %arg2[%swap3A_276, %swap3A_277] : memref<8192x128xf32, #tpu.memory_space<vmem>>, vector<128x32xf32>
    tpu.vector_store %arg2[%swap3A_276, %swap3A_277], %slice3A_275 {strides = array<i32>} : memref<8192x128xf32, #tpu.memory_space<vmem>>, vector<128x32xf32>,
    %slice3A_279 = vector.extract_strided_slice %dot_general3A_4 {offsets = [8832, 0], sizes = [128, 32], strides = [1, 1]} : vector<32768x32xf32> to vector<128x32xf32>
    %swap3A_280 = arith.constant 2176 : index
    %swap3A_281 = arith.constant 32 : index
    %swap3A_282 = vector.load %arg2[%swap3A_280, %swap3A_281] : memref<8192x128xf32, #tpu.memory_space<vmem>>, vector<128x32xf32>
    tpu.vector_store %arg2[%swap3A_280, %swap3A_281], %slice3A_279 {strides = array<i32>} : memref<8192x128xf32, #tpu.memory_space<vmem>>, vector<128x32xf32>,
    %slice3A_283 = vector.extract_strided_slice %dot_general3A_4 {offsets = [8960, 0], sizes = [128, 32], strides = [1, 1]} : vector<32768x32xf32> to vector<128x32xf32>
    %swap3A_284 = arith.constant 2176 : index
    %swap3A_285 = arith.constant 64 : index
    %swap3A_286 = vector.load %arg2[%swap3A_284, %swap3A_285] : memref<8192x128xf32, #tpu.memory_space<vmem>>, vector<128x32xf32>
    tpu.vector_store %arg2[%swap3A_284, %swap3A_285], %slice3A_283 {strides = array<i32>} : memref<8192x128xf32, #tpu.memory_space<vmem>>, vector<128x32xf32>,
    %slice3A_287 = vector.extract_strided_slice %dot_general3A_4 {offsets = [9088, 0], sizes = [128, 32], strides = [1, 1]} : vector<32768x32xf32> to vector<128x32xf32>
    %swap3A_288 = arith.constant 2176 : index
    %swap3A_289 = arith.constant 96 : index
    %swap3A_290 = vector.load %arg2[%swap3A_288, %swap3A_289] : memref<8192x128xf32, #tpu.memory_space<vmem>>, vector<128x32xf32>
    tpu.vector_store %arg2[%swap3A_288, %swap3A_289], %slice3A_287 {strides = array<i32>} : memref<8192x128xf32, #tpu.memory_space<vmem>>, vector<128x32xf32>,
    %slice3A_291 = vector.extract_strided_slice %dot_general3A_4 {offsets = [9216, 0], sizes = [128, 32], strides = [1, 1]} : vector<32768x32xf32> to vector<128x32xf32>
    %swap3A_292 = arith.constant 2304 : index
    %swap3A_293 = arith.constant 0 : index
    %swap3A_294 = vector.load %arg2[%swap3A_292, %swap3A_293] : memref<8192x128xf32, #tpu.memory_space<vmem>>, vector<128x32xf32>
    tpu.vector_store %arg2[%swap3A_292, %swap3A_293], %slice3A_291 {strides = array<i32>} : memref<8192x128xf32, #tpu.memory_space<vmem>>, vector<128x32xf32>,
    %slice3A_295 = vector.extract_strided_slice %dot_general3A_4 {offsets = [9344, 0], sizes = [128, 32], strides = [1, 1]} : vector<32768x32xf32> to vector<128x32xf32>
    %swap3A_296 = arith.constant 2304 : index
    %swap3A_297 = arith.constant 32 : index
    %swap3A_298 = vector.load %arg2[%swap3A_296, %swap3A_297] : memref<8192x128xf32, #tpu.memory_space<vmem>>, vector<128x32xf32>
    tpu.vector_store %arg2[%swap3A_296, %swap3A_297], %slice3A_295 {strides = array<i32>} : memref<8192x128xf32, #tpu.memory_space<vmem>>, vector<128x32xf32>,
    %slice3A_299 = vector.extract_strided_slice %dot_general3A_4 {offsets = [9472, 0], sizes = [128, 32], strides = [1, 1]} : vector<32768x32xf32> to vector<128x32xf32>
    %swap3A_300 = arith.constant 2304 : index
    %swap3A_301 = arith.constant 64 : index
    %swap3A_302 = vector.load %arg2[%swap3A_300, %swap3A_301] : memref<8192x128xf32, #tpu.memory_space<vmem>>, vector<128x32xf32>
    tpu.vector_store %arg2[%swap3A_300, %swap3A_301], %slice3A_299 {strides = array<i32>} : memref<8192x128xf32, #tpu.memory_space<vmem>>, vector<128x32xf32>,
    %slice3A_303 = vector.extract_strided_slice %dot_general3A_4 {offsets = [9600, 0], sizes = [128, 32], strides = [1, 1]} : vector<32768x32xf32> to vector<128x32xf32>
    %swap3A_304 = arith.constant 2304 : index
    %swap3A_305 = arith.constant 96 : index
    %swap3A_306 = vector.load %arg2[%swap3A_304, %swap3A_305] : memref<8192x128xf32, #tpu.memory_space<vmem>>, vector<128x32xf32>
    tpu.vector_store %arg2[%swap3A_304, %swap3A_305], %slice3A_303 {strides = array<i32>} : memref<8192x128xf32, #tpu.memory_space<vmem>>, vector<128x32xf32>,
    %slice3A_307 = vector.extract_strided_slice %dot_general3A_4 {offsets = [9728, 0], sizes = [128, 32], strides = [1, 1]} : vector<32768x32xf32> to vector<128x32xf32>
    %swap3A_308 = arith.constant 2432 : index
    %swap3A_309 = arith.constant 0 : index
    %swap3A_310 = vector.load %arg2[%swap3A_308, %swap3A_309] : memref<8192x128xf32, #tpu.memory_space<vmem>>, vector<128x32xf32>
    tpu.vector_store %arg2[%swap3A_308, %swap3A_309], %slice3A_307 {strides = array<i32>} : memref<8192x128xf32, #tpu.memory_space<vmem>>, vector<128x32xf32>,
    %slice3A_311 = vector.extract_strided_slice %dot_general3A_4 {offsets = [9856, 0], sizes = [128, 32], strides = [1, 1]} : vector<32768x32xf32> to vector<128x32xf32>
    %swap3A_312 = arith.constant 2432 : index
    %swap3A_313 = arith.constant 32 : index
    %swap3A_314 = vector.load %arg2[%swap3A_312, %swap3A_313] : memref<8192x128xf32, #tpu.memory_space<vmem>>, vector<128x32xf32>
    tpu.vector_store %arg2[%swap3A_312, %swap3A_313], %slice3A_311 {strides = array<i32>} : memref<8192x128xf32, #tpu.memory_space<vmem>>, vector<128x32xf32>,
    %slice3A_315 = vector.extract_strided_slice %dot_general3A_4 {offsets = [9984, 0], sizes = [128, 32], strides = [1, 1]} : vector<32768x32xf32> to vector<128x32xf32>
    %swap3A_316 = arith.constant 2432 : index
    %swap3A_317 = arith.constant 64 : index
    %swap3A_318 = vector.load %arg2[%swap3A_316, %swap3A_317] : memref<8192x128xf32, #tpu.memory_space<vmem>>, vector<128x32xf32>
    tpu.vector_store %arg2[%swap3A_316, %swap3A_317], %slice3A_315 {strides = array<i32>} : memref<8192x128xf32, #tpu.memory_space<vmem>>, vector<128x32xf32>,
    %slice3A_319 = vector.extract_strided_slice %dot_general3A_4 {offsets = [10112, 0], sizes = [128, 32], strides = [1, 1]} : vector<32768x32xf32> to vector<128x32xf32>
    %swap3A_320 = arith.constant 2432 : index
    %swap3A_321 = arith.constant 96 : index
    %swap3A_322 = vector.load %arg2[%swap3A_320, %swap3A_321] : memref<8192x128xf32, #tpu.memory_space<vmem>>, vector<128x32xf32>
    tpu.vector_store %arg2[%swap3A_320, %swap3A_321], %slice3A_319 {strides = array<i32>} : memref<8192x128xf32, #tpu.memory_space<vmem>>, vector<128x32xf32>,
    %slice3A_323 = vector.extract_strided_slice %dot_general3A_4 {offsets = [10240, 0], sizes = [128, 32], strides = [1, 1]} : vector<32768x32xf32> to vector<128x32xf32>
    %swap3A_324 = arith.constant 2560 : index
    %swap3A_325 = arith.constant 0 : index
    %swap3A_326 = vector.load %arg2[%swap3A_324, %swap3A_325] : memref<8192x128xf32, #tpu.memory_space<vmem>>, vector<128x32xf32>
    tpu.vector_store %arg2[%swap3A_324, %swap3A_325], %slice3A_323 {strides = array<i32>} : memref<8192x128xf32, #tpu.memory_space<vmem>>, vector<128x32xf32>,
    %slice3A_327 = vector.extract_strided_slice %dot_general3A_4 {offsets = [10368, 0], sizes = [128, 32], strides = [1, 1]} : vector<32768x32xf32> to vector<128x32xf32>
    %swap3A_328 = arith.constant 2560 : index
    %swap3A_329 = arith.constant 32 : index
    %swap3A_330 = vector.load %arg2[%swap3A_328, %swap3A_329] : memref<8192x128xf32, #tpu.memory_space<vmem>>, vector<128x32xf32>
    tpu.vector_store %arg2[%swap3A_328, %swap3A_329], %slice3A_327 {strides = array<i32>} : memref<8192x128xf32, #tpu.memory_space<vmem>>, vector<128x32xf32>,
    %slice3A_331 = vector.extract_strided_slice %dot_general3A_4 {offsets = [10496, 0], sizes = [128, 32], strides = [1, 1]} : vector<32768x32xf32> to vector<128x32xf32>
    %swap3A_332 = arith.constant 2560 : index
    %swap3A_333 = arith.constant 64 : index
    %swap3A_334 = vector.load %arg2[%swap3A_332, %swap3A_333] : memref<8192x128xf32, #tpu.memory_space<vmem>>, vector<128x32xf32>
    tpu.vector_store %arg2[%swap3A_332, %swap3A_333], %slice3A_331 {strides = array<i32>} : memref<8192x128xf32, #tpu.memory_space<vmem>>, vector<128x32xf32>,
    %slice3A_335 = vector.extract_strided_slice %dot_general3A_4 {offsets = [10624, 0], sizes = [128, 32], strides = [1, 1]} : vector<32768x32xf32> to vector<128x32xf32>
    %swap3A_336 = arith.constant 2560 : index
    %swap3A_337 = arith.constant 96 : index
    %swap3A_338 = vector.load %arg2[%swap3A_336, %swap3A_337] : memref<8192x128xf32, #tpu.memory_space<vmem>>, vector<128x32xf32>
    tpu.vector_store %arg2[%swap3A_336, %swap3A_337], %slice3A_335 {strides = array<i32>} : memref<8192x128xf32, #tpu.memory_space<vmem>>, vector<128x32xf32>,
    %slice3A_339 = vector.extract_strided_slice %dot_general3A_4 {offsets = [10752, 0], sizes = [128, 32], strides = [1, 1]} : vector<32768x32xf32> to vector<128x32xf32>
    %swap3A_340 = arith.constant 2688 : index
    %swap3A_341 = arith.constant 0 : index
    %swap3A_342 = vector.load %arg2[%swap3A_340, %swap3A_341] : memref<8192x128xf32, #tpu.memory_space<vmem>>, vector<128x32xf32>
    tpu.vector_store %arg2[%swap3A_340, %swap3A_341], %slice3A_339 {strides = array<i32>} : memref<8192x128xf32, #tpu.memory_space<vmem>>, vector<128x32xf32>,
    %slice3A_343 = vector.extract_strided_slice %dot_general3A_4 {offsets = [10880, 0], sizes = [128, 32], strides = [1, 1]} : vector<32768x32xf32> to vector<128x32xf32>
    %swap3A_344 = arith.constant 2688 : index
    %swap3A_345 = arith.constant 32 : index
    %swap3A_346 = vector.load %arg2[%swap3A_344, %swap3A_345] : memref<8192x128xf32, #tpu.memory_space<vmem>>, vector<128x32xf32>
    tpu.vector_store %arg2[%swap3A_344, %swap3A_345], %slice3A_343 {strides = array<i32>} : memref<8192x128xf32, #tpu.memory_space<vmem>>, vector<128x32xf32>,
    %slice3A_347 = vector.extract_strided_slice %dot_general3A_4 {offsets = [11008, 0], sizes = [128, 32], strides = [1, 1]} : vector<32768x32xf32> to vector<128x32xf32>
    %swap3A_348 = arith.constant 2688 : index
    %swap3A_349 = arith.constant 64 : index
    %swap3A_350 = vector.load %arg2[%swap3A_348, %swap3A_349] : memref<8192x128xf32, #tpu.memory_space<vmem>>, vector<128x32xf32>
    tpu.vector_store %arg2[%swap3A_348, %swap3A_349], %slice3A_347 {strides = array<i32>} : memref<8192x128xf32, #tpu.memory_space<vmem>>, vector<128x32xf32>,
    %slice3A_351 = vector.extract_strided_slice %dot_general3A_4 {offsets = [11136, 0], sizes = [128, 32], strides = [1, 1]} : vector<32768x32xf32> to vector<128x32xf32>
    %swap3A_352 = arith.constant 2688 : index
    %swap3A_353 = arith.constant 96 : index
    %swap3A_354 = vector.load %arg2[%swap3A_352, %swap3A_353] : memref<8192x128xf32, #tpu.memory_space<vmem>>, vector<128x32xf32>
    tpu.vector_store %arg2[%swap3A_352, %swap3A_353], %slice3A_351 {strides = array<i32>} : memref<8192x128xf32, #tpu.memory_space<vmem>>, vector<128x32xf32>,
    %slice3A_355 = vector.extract_strided_slice %dot_general3A_4 {offsets = [11264, 0], sizes = [128, 32], strides = [1, 1]} : vector<32768x32xf32> to vector<128x32xf32>
    %swap3A_356 = arith.constant 2816 : index
    %swap3A_357 = arith.constant 0 : index
    %swap3A_358 = vector.load %arg2[%swap3A_356, %swap3A_357] : memref<8192x128xf32, #tpu.memory_space<vmem>>, vector<128x32xf32>
    tpu.vector_store %arg2[%swap3A_356, %swap3A_357], %slice3A_355 {strides = array<i32>} : memref<8192x128xf32, #tpu.memory_space<vmem>>, vector<128x32xf32>,
    %slice3A_359 = vector.extract_strided_slice %dot_general3A_4 {offsets = [11392, 0], sizes = [128, 32], strides = [1, 1]} : vector<32768x32xf32> to vector<128x32xf32>
    %swap3A_360 = arith.constant 2816 : index
    %swap3A_361 = arith.constant 32 : index
    %swap3A_362 = vector.load %arg2[%swap3A_360, %swap3A_361] : memref<8192x128xf32, #tpu.memory_space<vmem>>, vector<128x32xf32>
    tpu.vector_store %arg2[%swap3A_360, %swap3A_361], %slice3A_359 {strides = array<i32>} : memref<8192x128xf32, #tpu.memory_space<vmem>>, vector<128x32xf32>,
    %slice3A_363 = vector.extract_strided_slice %dot_general3A_4 {offsets = [11520, 0], sizes = [128, 32], strides = [1, 1]} : vector<32768x32xf32> to vector<128x32xf32>
    %swap3A_364 = arith.constant 2816 : index
    %swap3A_365 = arith.constant 64 : index
    %swap3A_366 = vector.load %arg2[%swap3A_364, %swap3A_365] : memref<8192x128xf32, #tpu.memory_space<vmem>>, vector<128x32xf32>
    tpu.vector_store %arg2[%swap3A_364, %swap3A_365], %slice3A_363 {strides = array<i32>} : memref<8192x128xf32, #tpu.memory_space<vmem>>, vector<128x32xf32>,
    %slice3A_367 = vector.extract_strided_slice %dot_general3A_4 {offsets = [11648, 0], sizes = [128, 32], strides = [1, 1]} : vector<32768x32xf32> to vector<128x32xf32>
    %swap3A_368 = arith.constant 2816 : index
    %swap3A_369 = arith.constant 96 : index
    %swap3A_370 = vector.load %arg2[%swap3A_368, %swap3A_369] : memref<8192x128xf32, #tpu.memory_space<vmem>>, vector<128x32xf32>
    tpu.vector_store %arg2[%swap3A_368, %swap3A_369], %slice3A_367 {strides = array<i32>} : memref<8192x128xf32, #tpu.memory_space<vmem>>, vector<128x32xf32>,
    %slice3A_371 = vector.extract_strided_slice %dot_general3A_4 {offsets = [11776, 0], sizes = [128, 32], strides = [1, 1]} : vector<32768x32xf32> to vector<128x32xf32>
    %swap3A_372 = arith.constant 2944 : index
    %swap3A_373 = arith.constant 0 : index
    %swap3A_374 = vector.load %arg2[%swap3A_372, %swap3A_373] : memref<8192x128xf32, #tpu.memory_space<vmem>>, vector<128x32xf32>
    tpu.vector_store %arg2[%swap3A_372, %swap3A_373], %slice3A_371 {strides = array<i32>} : memref<8192x128xf32, #tpu.memory_space<vmem>>, vector<128x32xf32>,
    %slice3A_375 = vector.extract_strided_slice %dot_general3A_4 {offsets = [11904, 0], sizes = [128, 32], strides = [1, 1]} : vector<32768x32xf32> to vector<128x32xf32>
    %swap3A_376 = arith.constant 2944 : index
    %swap3A_377 = arith.constant 32 : index
    %swap3A_378 = vector.load %arg2[%swap3A_376, %swap3A_377] : memref<8192x128xf32, #tpu.memory_space<vmem>>, vector<128x32xf32>
    tpu.vector_store %arg2[%swap3A_376, %swap3A_377], %slice3A_375 {strides = array<i32>} : memref<8192x128xf32, #tpu.memory_space<vmem>>, vector<128x32xf32>,
    %slice3A_379 = vector.extract_strided_slice %dot_general3A_4 {offsets = [12032, 0], sizes = [128, 32], strides = [1, 1]} : vector<32768x32xf32> to vector<128x32xf32>
    %swap3A_380 = arith.constant 2944 : index
    %swap3A_381 = arith.constant 64 : index
    %swap3A_382 = vector.load %arg2[%swap3A_380, %swap3A_381] : memref<8192x128xf32, #tpu.memory_space<vmem>>, vector<128x32xf32>
    tpu.vector_store %arg2[%swap3A_380, %swap3A_381], %slice3A_379 {strides = array<i32>} : memref<8192x128xf32, #tpu.memory_space<vmem>>, vector<128x32xf32>,
    %slice3A_383 = vector.extract_strided_slice %dot_general3A_4 {offsets = [12160, 0], sizes = [128, 32], strides = [1, 1]} : vector<32768x32xf32> to vector<128x32xf32>
    %swap3A_384 = arith.constant 2944 : index
    %swap3A_385 = arith.constant 96 : index
    %swap3A_386 = vector.load %arg2[%swap3A_384, %swap3A_385] : memref<8192x128xf32, #tpu.memory_space<vmem>>, vector<128x32xf32>
    tpu.vector_store %arg2[%swap3A_384, %swap3A_385], %slice3A_383 {strides = array<i32>} : memref<8192x128xf32, #tpu.memory_space<vmem>>, vector<128x32xf32>,
    %slice3A_387 = vector.extract_strided_slice %dot_general3A_4 {offsets = [12288, 0], sizes = [128, 32], strides = [1, 1]} : vector<32768x32xf32> to vector<128x32xf32>
    %swap3A_388 = arith.constant 3072 : index
    %swap3A_389 = arith.constant 0 : index
    %swap3A_390 = vector.load %arg2[%swap3A_388, %swap3A_389] : memref<8192x128xf32, #tpu.memory_space<vmem>>, vector<128x32xf32>
    tpu.vector_store %arg2[%swap3A_388, %swap3A_389], %slice3A_387 {strides = array<i32>} : memref<8192x128xf32, #tpu.memory_space<vmem>>, vector<128x32xf32>,
    %slice3A_391 = vector.extract_strided_slice %dot_general3A_4 {offsets = [12416, 0], sizes = [128, 32], strides = [1, 1]} : vector<32768x32xf32> to vector<128x32xf32>
    %swap3A_392 = arith.constant 3072 : index
    %swap3A_393 = arith.constant 32 : index
    %swap3A_394 = vector.load %arg2[%swap3A_392, %swap3A_393] : memref<8192x128xf32, #tpu.memory_space<vmem>>, vector<128x32xf32>
    tpu.vector_store %arg2[%swap3A_392, %swap3A_393], %slice3A_391 {strides = array<i32>} : memref<8192x128xf32, #tpu.memory_space<vmem>>, vector<128x32xf32>,
    %slice3A_395 = vector.extract_strided_slice %dot_general3A_4 {offsets = [12544, 0], sizes = [128, 32], strides = [1, 1]} : vector<32768x32xf32> to vector<128x32xf32>
    %swap3A_396 = arith.constant 3072 : index
    %swap3A_397 = arith.constant 64 : index
    %swap3A_398 = vector.load %arg2[%swap3A_396, %swap3A_397] : memref<8192x128xf32, #tpu.memory_space<vmem>>, vector<128x32xf32>
    tpu.vector_store %arg2[%swap3A_396, %swap3A_397], %slice3A_395 {strides = array<i32>} : memref<8192x128xf32, #tpu.memory_space<vmem>>, vector<128x32xf32>,
    %slice3A_399 = vector.extract_strided_slice %dot_general3A_4 {offsets = [12672, 0], sizes = [128, 32], strides = [1, 1]} : vector<32768x32xf32> to vector<128x32xf32>
    %swap3A_400 = arith.constant 3072 : index
    %swap3A_401 = arith.constant 96 : index
    %swap3A_402 = vector.load %arg2[%swap3A_400, %swap3A_401] : memref<8192x128xf32, #tpu.memory_space<vmem>>, vector<128x32xf32>
    tpu.vector_store %arg2[%swap3A_400, %swap3A_401], %slice3A_399 {strides = array<i32>} : memref<8192x128xf32, #tpu.memory_space<vmem>>, vector<128x32xf32>,
    %slice3A_403 = vector.extract_strided_slice %dot_general3A_4 {offsets = [12800, 0], sizes = [128, 32], strides = [1, 1]} : vector<32768x32xf32> to vector<128x32xf32>
    %swap3A_404 = arith.constant 3200 : index
    %swap3A_405 = arith.constant 0 : index
    %swap3A_406 = vector.load %arg2[%swap3A_404, %swap3A_405] : memref<8192x128xf32, #tpu.memory_space<vmem>>, vector<128x32xf32>
    tpu.vector_store %arg2[%swap3A_404, %swap3A_405], %slice3A_403 {strides = array<i32>} : memref<8192x128xf32, #tpu.memory_space<vmem>>, vector<128x32xf32>,
    %slice3A_407 = vector.extract_strided_slice %dot_general3A_4 {offsets = [12928, 0], sizes = [128, 32], strides = [1, 1]} : vector<32768x32xf32> to vector<128x32xf32>
    %swap3A_408 = arith.constant 3200 : index
    %swap3A_409 = arith.constant 32 : index
    %swap3A_410 = vector.load %arg2[%swap3A_408, %swap3A_409] : memref<8192x128xf32, #tpu.memory_space<vmem>>, vector<128x32xf32>
    tpu.vector_store %arg2[%swap3A_408, %swap3A_409], %slice3A_407 {strides = array<i32>} : memref<8192x128xf32, #tpu.memory_space<vmem>>, vector<128x32xf32>,
    %slice3A_411 = vector.extract_strided_slice %dot_general3A_4 {offsets = [13056, 0], sizes = [128, 32], strides = [1, 1]} : vector<32768x32xf32> to vector<128x32xf32>
    %swap3A_412 = arith.constant 3200 : index
    %swap3A_413 = arith.constant 64 : index
    %swap3A_414 = vector.load %arg2[%swap3A_412, %swap3A_413] : memref<8192x128xf32, #tpu.memory_space<vmem>>, vector<128x32xf32>
    tpu.vector_store %arg2[%swap3A_412, %swap3A_413], %slice3A_411 {strides = array<i32>} : memref<8192x128xf32, #tpu.memory_space<vmem>>, vector<128x32xf32>,
    %slice3A_415 = vector.extract_strided_slice %dot_general3A_4 {offsets = [13184, 0], sizes = [128, 32], strides = [1, 1]} : vector<32768x32xf32> to vector<128x32xf32>
    %swap3A_416 = arith.constant 3200 : index
    %swap3A_417 = arith.constant 96 : index
    %swap3A_418 = vector.load %arg2[%swap3A_416, %swap3A_417] : memref<8192x128xf32, #tpu.memory_space<vmem>>, vector<128x32xf32>
    tpu.vector_store %arg2[%swap3A_416, %swap3A_417], %slice3A_415 {strides = array<i32>} : memref<8192x128xf32, #tpu.memory_space<vmem>>, vector<128x32xf32>,
    %slice3A_419 = vector.extract_strided_slice %dot_general3A_4 {offsets = [13312, 0], sizes = [128, 32], strides = [1, 1]} : vector<32768x32xf32> to vector<128x32xf32>
    %swap3A_420 = arith.constant 3328 : index
    %swap3A_421 = arith.constant 0 : index
    %swap3A_422 = vector.load %arg2[%swap3A_420, %swap3A_421] : memref<8192x128xf32, #tpu.memory_space<vmem>>, vector<128x32xf32>
    tpu.vector_store %arg2[%swap3A_420, %swap3A_421], %slice3A_419 {strides = array<i32>} : memref<8192x128xf32, #tpu.memory_space<vmem>>, vector<128x32xf32>,
    %slice3A_423 = vector.extract_strided_slice %dot_general3A_4 {offsets = [13440, 0], sizes = [128, 32], strides = [1, 1]} : vector<32768x32xf32> to vector<128x32xf32>
    %swap3A_424 = arith.constant 3328 : index
    %swap3A_425 = arith.constant 32 : index
    %swap3A_426 = vector.load %arg2[%swap3A_424, %swap3A_425] : memref<8192x128xf32, #tpu.memory_space<vmem>>, vector<128x32xf32>
    tpu.vector_store %arg2[%swap3A_424, %swap3A_425], %slice3A_423 {strides = array<i32>} : memref<8192x128xf32, #tpu.memory_space<vmem>>, vector<128x32xf32>,
    %slice3A_427 = vector.extract_strided_slice %dot_general3A_4 {offsets = [13568, 0], sizes = [128, 32], strides = [1, 1]} : vector<32768x32xf32> to vector<128x32xf32>
    %swap3A_428 = arith.constant 3328 : index
    %swap3A_429 = arith.constant 64 : index
    %swap3A_430 = vector.load %arg2[%swap3A_428, %swap3A_429] : memref<8192x128xf32, #tpu.memory_space<vmem>>, vector<128x32xf32>
    tpu.vector_store %arg2[%swap3A_428, %swap3A_429], %slice3A_427 {strides = array<i32>} : memref<8192x128xf32, #tpu.memory_space<vmem>>, vector<128x32xf32>,
    %slice3A_431 = vector.extract_strided_slice %dot_general3A_4 {offsets = [13696, 0], sizes = [128, 32], strides = [1, 1]} : vector<32768x32xf32> to vector<128x32xf32>
    %swap3A_432 = arith.constant 3328 : index
    %swap3A_433 = arith.constant 96 : index
    %swap3A_434 = vector.load %arg2[%swap3A_432, %swap3A_433] : memref<8192x128xf32, #tpu.memory_space<vmem>>, vector<128x32xf32>
    tpu.vector_store %arg2[%swap3A_432, %swap3A_433], %slice3A_431 {strides = array<i32>} : memref<8192x128xf32, #tpu.memory_space<vmem>>, vector<128x32xf32>,
    %slice3A_435 = vector.extract_strided_slice %dot_general3A_4 {offsets = [13824, 0], sizes = [128, 32], strides = [1, 1]} : vector<32768x32xf32> to vector<128x32xf32>
    %swap3A_436 = arith.constant 3456 : index
    %swap3A_437 = arith.constant 0 : index
    %swap3A_438 = vector.load %arg2[%swap3A_436, %swap3A_437] : memref<8192x128xf32, #tpu.memory_space<vmem>>, vector<128x32xf32>
    tpu.vector_store %arg2[%swap3A_436, %swap3A_437], %slice3A_435 {strides = array<i32>} : memref<8192x128xf32, #tpu.memory_space<vmem>>, vector<128x32xf32>,
    %slice3A_439 = vector.extract_strided_slice %dot_general3A_4 {offsets = [13952, 0], sizes = [128, 32], strides = [1, 1]} : vector<32768x32xf32> to vector<128x32xf32>
    %swap3A_440 = arith.constant 3456 : index
    %swap3A_441 = arith.constant 32 : index
    %swap3A_442 = vector.load %arg2[%swap3A_440, %swap3A_441] : memref<8192x128xf32, #tpu.memory_space<vmem>>, vector<128x32xf32>
    tpu.vector_store %arg2[%swap3A_440, %swap3A_441], %slice3A_439 {strides = array<i32>} : memref<8192x128xf32, #tpu.memory_space<vmem>>, vector<128x32xf32>,
    %slice3A_443 = vector.extract_strided_slice %dot_general3A_4 {offsets = [14080, 0], sizes = [128, 32], strides = [1, 1]} : vector<32768x32xf32> to vector<128x32xf32>
    %swap3A_444 = arith.constant 3456 : index
    %swap3A_445 = arith.constant 64 : index
    %swap3A_446 = vector.load %arg2[%swap3A_444, %swap3A_445] : memref<8192x128xf32, #tpu.memory_space<vmem>>, vector<128x32xf32>
    tpu.vector_store %arg2[%swap3A_444, %swap3A_445], %slice3A_443 {strides = array<i32>} : memref<8192x128xf32, #tpu.memory_space<vmem>>, vector<128x32xf32>,
    %slice3A_447 = vector.extract_strided_slice %dot_general3A_4 {offsets = [14208, 0], sizes = [128, 32], strides = [1, 1]} : vector<32768x32xf32> to vector<128x32xf32>
    %swap3A_448 = arith.constant 3456 : index
    %swap3A_449 = arith.constant 96 : index
    %swap3A_450 = vector.load %arg2[%swap3A_448, %swap3A_449] : memref<8192x128xf32, #tpu.memory_space<vmem>>, vector<128x32xf32>
    tpu.vector_store %arg2[%swap3A_448, %swap3A_449], %slice3A_447 {strides = array<i32>} : memref<8192x128xf32, #tpu.memory_space<vmem>>, vector<128x32xf32>,
    %slice3A_451 = vector.extract_strided_slice %dot_general3A_4 {offsets = [14336, 0], sizes = [128, 32], strides = [1, 1]} : vector<32768x32xf32> to vector<128x32xf32>
    %swap3A_452 = arith.constant 3584 : index
    %swap3A_453 = arith.constant 0 : index
    %swap3A_454 = vector.load %arg2[%swap3A_452, %swap3A_453] : memref<8192x128xf32, #tpu.memory_space<vmem>>, vector<128x32xf32>
    tpu.vector_store %arg2[%swap3A_452, %swap3A_453], %slice3A_451 {strides = array<i32>} : memref<8192x128xf32, #tpu.memory_space<vmem>>, vector<128x32xf32>,
    %slice3A_455 = vector.extract_strided_slice %dot_general3A_4 {offsets = [14464, 0], sizes = [128, 32], strides = [1, 1]} : vector<32768x32xf32> to vector<128x32xf32>
    %swap3A_456 = arith.constant 3584 : index
    %swap3A_457 = arith.constant 32 : index
    %swap3A_458 = vector.load %arg2[%swap3A_456, %swap3A_457] : memref<8192x128xf32, #tpu.memory_space<vmem>>, vector<128x32xf32>
    tpu.vector_store %arg2[%swap3A_456, %swap3A_457], %slice3A_455 {strides = array<i32>} : memref<8192x128xf32, #tpu.memory_space<vmem>>, vector<128x32xf32>,
    %slice3A_459 = vector.extract_strided_slice %dot_general3A_4 {offsets = [14592, 0], sizes = [128, 32], strides = [1, 1]} : vector<32768x32xf32> to vector<128x32xf32>
    %swap3A_460 = arith.constant 3584 : index
    %swap3A_461 = arith.constant 64 : index
    %swap3A_462 = vector.load %arg2[%swap3A_460, %swap3A_461] : memref<8192x128xf32, #tpu.memory_space<vmem>>, vector<128x32xf32>
    tpu.vector_store %arg2[%swap3A_460, %swap3A_461], %slice3A_459 {strides = array<i32>} : memref<8192x128xf32, #tpu.memory_space<vmem>>, vector<128x32xf32>,
    %slice3A_463 = vector.extract_strided_slice %dot_general3A_4 {offsets = [14720, 0], sizes = [128, 32], strides = [1, 1]} : vector<32768x32xf32> to vector<128x32xf32>
    %swap3A_464 = arith.constant 3584 : index
    %swap3A_465 = arith.constant 96 : index
    %swap3A_466 = vector.load %arg2[%swap3A_464, %swap3A_465] : memref<8192x128xf32, #tpu.memory_space<vmem>>, vector<128x32xf32>
    tpu.vector_store %arg2[%swap3A_464, %swap3A_465], %slice3A_463 {strides = array<i32>} : memref<8192x128xf32, #tpu.memory_space<vmem>>, vector<128x32xf32>,
    %slice3A_467 = vector.extract_strided_slice %dot_general3A_4 {offsets = [14848, 0], sizes = [128, 32], strides = [1, 1]} : vector<32768x32xf32> to vector<128x32xf32>
    %swap3A_468 = arith.constant 3712 : index
    %swap3A_469 = arith.constant 0 : index
    %swap3A_470 = vector.load %arg2[%swap3A_468, %swap3A_469] : memref<8192x128xf32, #tpu.memory_space<vmem>>, vector<128x32xf32>
    tpu.vector_store %arg2[%swap3A_468, %swap3A_469], %slice3A_467 {strides = array<i32>} : memref<8192x128xf32, #tpu.memory_space<vmem>>, vector<128x32xf32>,
    %slice3A_471 = vector.extract_strided_slice %dot_general3A_4 {offsets = [14976, 0], sizes = [128, 32], strides = [1, 1]} : vector<32768x32xf32> to vector<128x32xf32>
    %swap3A_472 = arith.constant 3712 : index
    %swap3A_473 = arith.constant 32 : index
    %swap3A_474 = vector.load %arg2[%swap3A_472, %swap3A_473] : memref<8192x128xf32, #tpu.memory_space<vmem>>, vector<128x32xf32>
    tpu.vector_store %arg2[%swap3A_472, %swap3A_473], %slice3A_471 {strides = array<i32>} : memref<8192x128xf32, #tpu.memory_space<vmem>>, vector<128x32xf32>,
    %slice3A_475 = vector.extract_strided_slice %dot_general3A_4 {offsets = [15104, 0], sizes = [128, 32], strides = [1, 1]} : vector<32768x32xf32> to vector<128x32xf32>
    %swap3A_476 = arith.constant 3712 : index
    %swap3A_477 = arith.constant 64 : index
    %swap3A_478 = vector.load %arg2[%swap3A_476, %swap3A_477] : memref<8192x128xf32, #tpu.memory_space<vmem>>, vector<128x32xf32>
    tpu.vector_store %arg2[%swap3A_476, %swap3A_477], %slice3A_475 {strides = array<i32>} : memref<8192x128xf32, #tpu.memory_space<vmem>>, vector<128x32xf32>,
    %slice3A_479 = vector.extract_strided_slice %dot_general3A_4 {offsets = [15232, 0], sizes = [128, 32], strides = [1, 1]} : vector<32768x32xf32> to vector<128x32xf32>
    %swap3A_480 = arith.constant 3712 : index
    %swap3A_481 = arith.constant 96 : index
    %swap3A_482 = vector.load %arg2[%swap3A_480, %swap3A_481] : memref<8192x128xf32, #tpu.memory_space<vmem>>, vector<128x32xf32>
    tpu.vector_store %arg2[%swap3A_480, %swap3A_481], %slice3A_479 {strides = array<i32>} : memref<8192x128xf32, #tpu.memory_space<vmem>>, vector<128x32xf32>,
    %slice3A_483 = vector.extract_strided_slice %dot_general3A_4 {offsets = [15360, 0], sizes = [128, 32], strides = [1, 1]} : vector<32768x32xf32> to vector<128x32xf32>
    %swap3A_484 = arith.constant 3840 : index
    %swap3A_485 = arith.constant 0 : index
    %swap3A_486 = vector.load %arg2[%swap3A_484, %swap3A_485] : memref<8192x128xf32, #tpu.memory_space<vmem>>, vector<128x32xf32>
    tpu.vector_store %arg2[%swap3A_484, %swap3A_485], %slice3A_483 {strides = array<i32>} : memref<8192x128xf32, #tpu.memory_space<vmem>>, vector<128x32xf32>,
    %slice3A_487 = vector.extract_strided_slice %dot_general3A_4 {offsets = [15488, 0], sizes = [128, 32], strides = [1, 1]} : vector<32768x32xf32> to vector<128x32xf32>
    %swap3A_488 = arith.constant 3840 : index
    %swap3A_489 = arith.constant 32 : index
    %swap3A_490 = vector.load %arg2[%swap3A_488, %swap3A_489] : memref<8192x128xf32, #tpu.memory_space<vmem>>, vector<128x32xf32>
    tpu.vector_store %arg2[%swap3A_488, %swap3A_489], %slice3A_487 {strides = array<i32>} : memref<8192x128xf32, #tpu.memory_space<vmem>>, vector<128x32xf32>,
    %slice3A_491 = vector.extract_strided_slice %dot_general3A_4 {offsets = [15616, 0], sizes = [128, 32], strides = [1, 1]} : vector<32768x32xf32> to vector<128x32xf32>
    %swap3A_492 = arith.constant 3840 : index
    %swap3A_493 = arith.constant 64 : index
    %swap3A_494 = vector.load %arg2[%swap3A_492, %swap3A_493] : memref<8192x128xf32, #tpu.memory_space<vmem>>, vector<128x32xf32>
    tpu.vector_store %arg2[%swap3A_492, %swap3A_493], %slice3A_491 {strides = array<i32>} : memref<8192x128xf32, #tpu.memory_space<vmem>>, vector<128x32xf32>,
    %slice3A_495 = vector.extract_strided_slice %dot_general3A_4 {offsets = [15744, 0], sizes = [128, 32], strides = [1, 1]} : vector<32768x32xf32> to vector<128x32xf32>
    %swap3A_496 = arith.constant 3840 : index
    %swap3A_497 = arith.constant 96 : index
    %swap3A_498 = vector.load %arg2[%swap3A_496, %swap3A_497] : memref<8192x128xf32, #tpu.memory_space<vmem>>, vector<128x32xf32>
    tpu.vector_store %arg2[%swap3A_496, %swap3A_497], %slice3A_495 {strides = array<i32>} : memref<8192x128xf32, #tpu.memory_space<vmem>>, vector<128x32xf32>,
    %slice3A_499 = vector.extract_strided_slice %dot_general3A_4 {offsets = [15872, 0], sizes = [128, 32], strides = [1, 1]} : vector<32768x32xf32> to vector<128x32xf32>
    %swap3A_500 = arith.constant 3968 : index
    %swap3A_501 = arith.constant 0 : index
    %swap3A_502 = vector.load %arg2[%swap3A_500, %swap3A_501] : memref<8192x128xf32, #tpu.memory_space<vmem>>, vector<128x32xf32>
    tpu.vector_store %arg2[%swap3A_500, %swap3A_501], %slice3A_499 {strides = array<i32>} : memref<8192x128xf32, #tpu.memory_space<vmem>>, vector<128x32xf32>,
    %slice3A_503 = vector.extract_strided_slice %dot_general3A_4 {offsets = [16000, 0], sizes = [128, 32], strides = [1, 1]} : vector<32768x32xf32> to vector<128x32xf32>
    %swap3A_504 = arith.constant 3968 : index
    %swap3A_505 = arith.constant 32 : index
    %swap3A_506 = vector.load %arg2[%swap3A_504, %swap3A_505] : memref<8192x128xf32, #tpu.memory_space<vmem>>, vector<128x32xf32>
    tpu.vector_store %arg2[%swap3A_504, %swap3A_505], %slice3A_503 {strides = array<i32>} : memref<8192x128xf32, #tpu.memory_space<vmem>>, vector<128x32xf32>,
    %slice3A_507 = vector.extract_strided_slice %dot_general3A_4 {offsets = [16128, 0], sizes = [128, 32], strides = [1, 1]} : vector<32768x32xf32> to vector<128x32xf32>
    %swap3A_508 = arith.constant 3968 : index
    %swap3A_509 = arith.constant 64 : index
    %swap3A_510 = vector.load %arg2[%swap3A_508, %swap3A_509] : memref<8192x128xf32, #tpu.memory_space<vmem>>, vector<128x32xf32>
    tpu.vector_store %arg2[%swap3A_508, %swap3A_509], %slice3A_507 {strides = array<i32>} : memref<8192x128xf32, #tpu.memory_space<vmem>>, vector<128x32xf32>,
    %slice3A_511 = vector.extract_strided_slice %dot_general3A_4 {offsets = [16256, 0], sizes = [128, 32], strides = [1, 1]} : vector<32768x32xf32> to vector<128x32xf32>
    %swap3A_512 = arith.constant 3968 : index
    %swap3A_513 = arith.constant 96 : index
    %swap3A_514 = vector.load %arg2[%swap3A_512, %swap3A_513] : memref<8192x128xf32, #tpu.memory_space<vmem>>, vector<128x32xf32>
    tpu.vector_store %arg2[%swap3A_512, %swap3A_513], %slice3A_511 {strides = array<i32>} : memref<8192x128xf32, #tpu.memory_space<vmem>>, vector<128x32xf32>,
    %slice3A_515 = vector.extract_strided_slice %dot_general3A_4 {offsets = [16384, 0], sizes = [128, 32], strides = [1, 1]} : vector<32768x32xf32> to vector<128x32xf32>
    %swap3A_516 = arith.constant 4096 : index
    %swap3A_517 = arith.constant 0 : index
    %swap3A_518 = vector.load %arg2[%swap3A_516, %swap3A_517] : memref<8192x128xf32, #tpu.memory_space<vmem>>, vector<128x32xf32>
    tpu.vector_store %arg2[%swap3A_516, %swap3A_517], %slice3A_515 {strides = array<i32>} : memref<8192x128xf32, #tpu.memory_space<vmem>>, vector<128x32xf32>,
    %slice3A_519 = vector.extract_strided_slice %dot_general3A_4 {offsets = [16512, 0], sizes = [128, 32], strides = [1, 1]} : vector<32768x32xf32> to vector<128x32xf32>
    %swap3A_520 = arith.constant 4096 : index
    %swap3A_521 = arith.constant 32 : index
    %swap3A_522 = vector.load %arg2[%swap3A_520, %swap3A_521] : memref<8192x128xf32, #tpu.memory_space<vmem>>, vector<128x32xf32>
    tpu.vector_store %arg2[%swap3A_520, %swap3A_521], %slice3A_519 {strides = array<i32>} : memref<8192x128xf32, #tpu.memory_space<vmem>>, vector<128x32xf32>,
    %slice3A_523 = vector.extract_strided_slice %dot_general3A_4 {offsets = [16640, 0], sizes = [128, 32], strides = [1, 1]} : vector<32768x32xf32> to vector<128x32xf32>
    %swap3A_524 = arith.constant 4096 : index
    %swap3A_525 = arith.constant 64 : index
    %swap3A_526 = vector.load %arg2[%swap3A_524, %swap3A_525] : memref<8192x128xf32, #tpu.memory_space<vmem>>, vector<128x32xf32>
    tpu.vector_store %arg2[%swap3A_524, %swap3A_525], %slice3A_523 {strides = array<i32>} : memref<8192x128xf32, #tpu.memory_space<vmem>>, vector<128x32xf32>,
    %slice3A_527 = vector.extract_strided_slice %dot_general3A_4 {offsets = [16768, 0], sizes = [128, 32], strides = [1, 1]} : vector<32768x32xf32> to vector<128x32xf32>
    %swap3A_528 = arith.constant 4096 : index
    %swap3A_529 = arith.constant 96 : index
    %swap3A_530 = vector.load %arg2[%swap3A_528, %swap3A_529] : memref<8192x128xf32, #tpu.memory_space<vmem>>, vector<128x32xf32>
    tpu.vector_store %arg2[%swap3A_528, %swap3A_529], %slice3A_527 {strides = array<i32>} : memref<8192x128xf32, #tpu.memory_space<vmem>>, vector<128x32xf32>,
    %slice3A_531 = vector.extract_strided_slice %dot_general3A_4 {offsets = [16896, 0], sizes = [128, 32], strides = [1, 1]} : vector<32768x32xf32> to vector<128x32xf32>
    %swap3A_532 = arith.constant 4224 : index
    %swap3A_533 = arith.constant 0 : index
    %swap3A_534 = vector.load %arg2[%swap3A_532, %swap3A_533] : memref<8192x128xf32, #tpu.memory_space<vmem>>, vector<128x32xf32>
    tpu.vector_store %arg2[%swap3A_532, %swap3A_533], %slice3A_531 {strides = array<i32>} : memref<8192x128xf32, #tpu.memory_space<vmem>>, vector<128x32xf32>,
    %slice3A_535 = vector.extract_strided_slice %dot_general3A_4 {offsets = [17024, 0], sizes = [128, 32], strides = [1, 1]} : vector<32768x32xf32> to vector<128x32xf32>
    %swap3A_536 = arith.constant 4224 : index
    %swap3A_537 = arith.constant 32 : index
    %swap3A_538 = vector.load %arg2[%swap3A_536, %swap3A_537] : memref<8192x128xf32, #tpu.memory_space<vmem>>, vector<128x32xf32>
    tpu.vector_store %arg2[%swap3A_536, %swap3A_537], %slice3A_535 {strides = array<i32>} : memref<8192x128xf32, #tpu.memory_space<vmem>>, vector<128x32xf32>,
    %slice3A_539 = vector.extract_strided_slice %dot_general3A_4 {offsets = [17152, 0], sizes = [128, 32], strides = [1, 1]} : vector<32768x32xf32> to vector<128x32xf32>
    %swap3A_540 = arith.constant 4224 : index
    %swap3A_541 = arith.constant 64 : index
    %swap3A_542 = vector.load %arg2[%swap3A_540, %swap3A_541] : memref<8192x128xf32, #tpu.memory_space<vmem>>, vector<128x32xf32>
    tpu.vector_store %arg2[%swap3A_540, %swap3A_541], %slice3A_539 {strides = array<i32>} : memref<8192x128xf32, #tpu.memory_space<vmem>>, vector<128x32xf32>,
    %slice3A_543 = vector.extract_strided_slice %dot_general3A_4 {offsets = [17280, 0], sizes = [128, 32], strides = [1, 1]} : vector<32768x32xf32> to vector<128x32xf32>
    %swap3A_544 = arith.constant 4224 : index
    %swap3A_545 = arith.constant 96 : index
    %swap3A_546 = vector.load %arg2[%swap3A_544, %swap3A_545] : memref<8192x128xf32, #tpu.memory_space<vmem>>, vector<128x32xf32>
    tpu.vector_store %arg2[%swap3A_544, %swap3A_545], %slice3A_543 {strides = array<i32>} : memref<8192x128xf32, #tpu.memory_space<vmem>>, vector<128x32xf32>,
    %slice3A_547 = vector.extract_strided_slice %dot_general3A_4 {offsets = [17408, 0], sizes = [128, 32], strides = [1, 1]} : vector<32768x32xf32> to vector<128x32xf32>
    %swap3A_548 = arith.constant 4352 : index
    %swap3A_549 = arith.constant 0 : index
    %swap3A_550 = vector.load %arg2[%swap3A_548, %swap3A_549] : memref<8192x128xf32, #tpu.memory_space<vmem>>, vector<128x32xf32>
    tpu.vector_store %arg2[%swap3A_548, %swap3A_549], %slice3A_547 {strides = array<i32>} : memref<8192x128xf32, #tpu.memory_space<vmem>>, vector<128x32xf32>,
    %slice3A_551 = vector.extract_strided_slice %dot_general3A_4 {offsets = [17536, 0], sizes = [128, 32], strides = [1, 1]} : vector<32768x32xf32> to vector<128x32xf32>
    %swap3A_552 = arith.constant 4352 : index
    %swap3A_553 = arith.constant 32 : index
    %swap3A_554 = vector.load %arg2[%swap3A_552, %swap3A_553] : memref<8192x128xf32, #tpu.memory_space<vmem>>, vector<128x32xf32>
    tpu.vector_store %arg2[%swap3A_552, %swap3A_553], %slice3A_551 {strides = array<i32>} : memref<8192x128xf32, #tpu.memory_space<vmem>>, vector<128x32xf32>,
    %slice3A_555 = vector.extract_strided_slice %dot_general3A_4 {offsets = [17664, 0], sizes = [128, 32], strides = [1, 1]} : vector<32768x32xf32> to vector<128x32xf32>
    %swap3A_556 = arith.constant 4352 : index
    %swap3A_557 = arith.constant 64 : index
    %swap3A_558 = vector.load %arg2[%swap3A_556, %swap3A_557] : memref<8192x128xf32, #tpu.memory_space<vmem>>, vector<128x32xf32>
    tpu.vector_store %arg2[%swap3A_556, %swap3A_557], %slice3A_555 {strides = array<i32>} : memref<8192x128xf32, #tpu.memory_space<vmem>>, vector<128x32xf32>,
    %slice3A_559 = vector.extract_strided_slice %dot_general3A_4 {offsets = [17792, 0], sizes = [128, 32], strides = [1, 1]} : vector<32768x32xf32> to vector<128x32xf32>
    %swap3A_560 = arith.constant 4352 : index
    %swap3A_561 = arith.constant 96 : index
    %swap3A_562 = vector.load %arg2[%swap3A_560, %swap3A_561] : memref<8192x128xf32, #tpu.memory_space<vmem>>, vector<128x32xf32>
    tpu.vector_store %arg2[%swap3A_560, %swap3A_561], %slice3A_559 {strides = array<i32>} : memref<8192x128xf32, #tpu.memory_space<vmem>>, vector<128x32xf32>,
    %slice3A_563 = vector.extract_strided_slice %dot_general3A_4 {offsets = [17920, 0], sizes = [128, 32], strides = [1, 1]} : vector<32768x32xf32> to vector<128x32xf32>
    %swap3A_564 = arith.constant 4480 : index
    %swap3A_565 = arith.constant 0 : index
    %swap3A_566 = vector.load %arg2[%swap3A_564, %swap3A_565] : memref<8192x128xf32, #tpu.memory_space<vmem>>, vector<128x32xf32>
    tpu.vector_store %arg2[%swap3A_564, %swap3A_565], %slice3A_563 {strides = array<i32>} : memref<8192x128xf32, #tpu.memory_space<vmem>>, vector<128x32xf32>,
    %slice3A_567 = vector.extract_strided_slice %dot_general3A_4 {offsets = [18048, 0], sizes = [128, 32], strides = [1, 1]} : vector<32768x32xf32> to vector<128x32xf32>
    %swap3A_568 = arith.constant 4480 : index
    %swap3A_569 = arith.constant 32 : index
    %swap3A_570 = vector.load %arg2[%swap3A_568, %swap3A_569] : memref<8192x128xf32, #tpu.memory_space<vmem>>, vector<128x32xf32>
    tpu.vector_store %arg2[%swap3A_568, %swap3A_569], %slice3A_567 {strides = array<i32>} : memref<8192x128xf32, #tpu.memory_space<vmem>>, vector<128x32xf32>,
    %slice3A_571 = vector.extract_strided_slice %dot_general3A_4 {offsets = [18176, 0], sizes = [128, 32], strides = [1, 1]} : vector<32768x32xf32> to vector<128x32xf32>
    %swap3A_572 = arith.constant 4480 : index
    %swap3A_573 = arith.constant 64 : index
    %swap3A_574 = vector.load %arg2[%swap3A_572, %swap3A_573] : memref<8192x128xf32, #tpu.memory_space<vmem>>, vector<128x32xf32>
    tpu.vector_store %arg2[%swap3A_572, %swap3A_573], %slice3A_571 {strides = array<i32>} : memref<8192x128xf32, #tpu.memory_space<vmem>>, vector<128x32xf32>,
    %slice3A_575 = vector.extract_strided_slice %dot_general3A_4 {offsets = [18304, 0], sizes = [128, 32], strides = [1, 1]} : vector<32768x32xf32> to vector<128x32xf32>
    %swap3A_576 = arith.constant 4480 : index
    %swap3A_577 = arith.constant 96 : index
    %swap3A_578 = vector.load %arg2[%swap3A_576, %swap3A_577] : memref<8192x128xf32, #tpu.memory_space<vmem>>, vector<128x32xf32>
    tpu.vector_store %arg2[%swap3A_576, %swap3A_577], %slice3A_575 {strides = array<i32>} : memref<8192x128xf32, #tpu.memory_space<vmem>>, vector<128x32xf32>,
    %slice3A_579 = vector.extract_strided_slice %dot_general3A_4 {offsets = [18432, 0], sizes = [128, 32], strides = [1, 1]} : vector<32768x32xf32> to vector<128x32xf32>
    %swap3A_580 = arith.constant 4608 : index
    %swap3A_581 = arith.constant 0 : index
    %swap3A_582 = vector.load %arg2[%swap3A_580, %swap3A_581] : memref<8192x128xf32, #tpu.memory_space<vmem>>, vector<128x32xf32>
    tpu.vector_store %arg2[%swap3A_580, %swap3A_581], %slice3A_579 {strides = array<i32>} : memref<8192x128xf32, #tpu.memory_space<vmem>>, vector<128x32xf32>,
    %slice3A_583 = vector.extract_strided_slice %dot_general3A_4 {offsets = [18560, 0], sizes = [128, 32], strides = [1, 1]} : vector<32768x32xf32> to vector<128x32xf32>
    %swap3A_584 = arith.constant 4608 : index
    %swap3A_585 = arith.constant 32 : index
    %swap3A_586 = vector.load %arg2[%swap3A_584, %swap3A_585] : memref<8192x128xf32, #tpu.memory_space<vmem>>, vector<128x32xf32>
    tpu.vector_store %arg2[%swap3A_584, %swap3A_585], %slice3A_583 {strides = array<i32>} : memref<8192x128xf32, #tpu.memory_space<vmem>>, vector<128x32xf32>,
    %slice3A_587 = vector.extract_strided_slice %dot_general3A_4 {offsets = [18688, 0], sizes = [128, 32], strides = [1, 1]} : vector<32768x32xf32> to vector<128x32xf32>
    %swap3A_588 = arith.constant 4608 : index
    %swap3A_589 = arith.constant 64 : index
    %swap3A_590 = vector.load %arg2[%swap3A_588, %swap3A_589] : memref<8192x128xf32, #tpu.memory_space<vmem>>, vector<128x32xf32>
    tpu.vector_store %arg2[%swap3A_588, %swap3A_589], %slice3A_587 {strides = array<i32>} : memref<8192x128xf32, #tpu.memory_space<vmem>>, vector<128x32xf32>,
    %slice3A_591 = vector.extract_strided_slice %dot_general3A_4 {offsets = [18816, 0], sizes = [128, 32], strides = [1, 1]} : vector<32768x32xf32> to vector<128x32xf32>
    %swap3A_592 = arith.constant 4608 : index
    %swap3A_593 = arith.constant 96 : index
    %swap3A_594 = vector.load %arg2[%swap3A_592, %swap3A_593] : memref<8192x128xf32, #tpu.memory_space<vmem>>, vector<128x32xf32>
    tpu.vector_store %arg2[%swap3A_592, %swap3A_593], %slice3A_591 {strides = array<i32>} : memref<8192x128xf32, #tpu.memory_space<vmem>>, vector<128x32xf32>,
    %slice3A_595 = vector.extract_strided_slice %dot_general3A_4 {offsets = [18944, 0], sizes = [128, 32], strides = [1, 1]} : vector<32768x32xf32> to vector<128x32xf32>
    %swap3A_596 = arith.constant 4736 : index
    %swap3A_597 = arith.constant 0 : index
    %swap3A_598 = vector.load %arg2[%swap3A_596, %swap3A_597] : memref<8192x128xf32, #tpu.memory_space<vmem>>, vector<128x32xf32>
    tpu.vector_store %arg2[%swap3A_596, %swap3A_597], %slice3A_595 {strides = array<i32>} : memref<8192x128xf32, #tpu.memory_space<vmem>>, vector<128x32xf32>,
    %slice3A_599 = vector.extract_strided_slice %dot_general3A_4 {offsets = [19072, 0], sizes = [128, 32], strides = [1, 1]} : vector<32768x32xf32> to vector<128x32xf32>
    %swap3A_600 = arith.constant 4736 : index
    %swap3A_601 = arith.constant 32 : index
    %swap3A_602 = vector.load %arg2[%swap3A_600, %swap3A_601] : memref<8192x128xf32, #tpu.memory_space<vmem>>, vector<128x32xf32>
    tpu.vector_store %arg2[%swap3A_600, %swap3A_601], %slice3A_599 {strides = array<i32>} : memref<8192x128xf32, #tpu.memory_space<vmem>>, vector<128x32xf32>,
    %slice3A_603 = vector.extract_strided_slice %dot_general3A_4 {offsets = [19200, 0], sizes = [128, 32], strides = [1, 1]} : vector<32768x32xf32> to vector<128x32xf32>
    %swap3A_604 = arith.constant 4736 : index
    %swap3A_605 = arith.constant 64 : index
    %swap3A_606 = vector.load %arg2[%swap3A_604, %swap3A_605] : memref<8192x128xf32, #tpu.memory_space<vmem>>, vector<128x32xf32>
    tpu.vector_store %arg2[%swap3A_604, %swap3A_605], %slice3A_603 {strides = array<i32>} : memref<8192x128xf32, #tpu.memory_space<vmem>>, vector<128x32xf32>,
    %slice3A_607 = vector.extract_strided_slice %dot_general3A_4 {offsets = [19328, 0], sizes = [128, 32], strides = [1, 1]} : vector<32768x32xf32> to vector<128x32xf32>
    %swap3A_608 = arith.constant 4736 : index
    %swap3A_609 = arith.constant 96 : index
    %swap3A_610 = vector.load %arg2[%swap3A_608, %swap3A_609] : memref<8192x128xf32, #tpu.memory_space<vmem>>, vector<128x32xf32>
    tpu.vector_store %arg2[%swap3A_608, %swap3A_609], %slice3A_607 {strides = array<i32>} : memref<8192x128xf32, #tpu.memory_space<vmem>>, vector<128x32xf32>,
    %slice3A_611 = vector.extract_strided_slice %dot_general3A_4 {offsets = [19456, 0], sizes = [128, 32], strides = [1, 1]} : vector<32768x32xf32> to vector<128x32xf32>
    %swap3A_612 = arith.constant 4864 : index
    %swap3A_613 = arith.constant 0 : index
    %swap3A_614 = vector.load %arg2[%swap3A_612, %swap3A_613] : memref<8192x128xf32, #tpu.memory_space<vmem>>, vector<128x32xf32>
    tpu.vector_store %arg2[%swap3A_612, %swap3A_613], %slice3A_611 {strides = array<i32>} : memref<8192x128xf32, #tpu.memory_space<vmem>>, vector<128x32xf32>,
    %slice3A_615 = vector.extract_strided_slice %dot_general3A_4 {offsets = [19584, 0], sizes = [128, 32], strides = [1, 1]} : vector<32768x32xf32> to vector<128x32xf32>
    %swap3A_616 = arith.constant 4864 : index
    %swap3A_617 = arith.constant 32 : index
    %swap3A_618 = vector.load %arg2[%swap3A_616, %swap3A_617] : memref<8192x128xf32, #tpu.memory_space<vmem>>, vector<128x32xf32>
    tpu.vector_store %arg2[%swap3A_616, %swap3A_617], %slice3A_615 {strides = array<i32>} : memref<8192x128xf32, #tpu.memory_space<vmem>>, vector<128x32xf32>,
    %slice3A_619 = vector.extract_strided_slice %dot_general3A_4 {offsets = [19712, 0], sizes = [128, 32], strides = [1, 1]} : vector<32768x32xf32> to vector<128x32xf32>
    %swap3A_620 = arith.constant 4864 : index
    %swap3A_621 = arith.constant 64 : index
    %swap3A_622 = vector.load %arg2[%swap3A_620, %swap3A_621] : memref<8192x128xf32, #tpu.memory_space<vmem>>, vector<128x32xf32>
    tpu.vector_store %arg2[%swap3A_620, %swap3A_621], %slice3A_619 {strides = array<i32>} : memref<8192x128xf32, #tpu.memory_space<vmem>>, vector<128x32xf32>,
    %slice3A_623 = vector.extract_strided_slice %dot_general3A_4 {offsets = [19840, 0], sizes = [128, 32], strides = [1, 1]} : vector<32768x32xf32> to vector<128x32xf32>
    %swap3A_624 = arith.constant 4864 : index
    %swap3A_625 = arith.constant 96 : index
    %swap3A_626 = vector.load %arg2[%swap3A_624, %swap3A_625] : memref<8192x128xf32, #tpu.memory_space<vmem>>, vector<128x32xf32>
    tpu.vector_store %arg2[%swap3A_624, %swap3A_625], %slice3A_623 {strides = array<i32>} : memref<8192x128xf32, #tpu.memory_space<vmem>>, vector<128x32xf32>,
    %slice3A_627 = vector.extract_strided_slice %dot_general3A_4 {offsets = [19968, 0], sizes = [128, 32], strides = [1, 1]} : vector<32768x32xf32> to vector<128x32xf32>
    %swap3A_628 = arith.constant 4992 : index
    %swap3A_629 = arith.constant 0 : index
    %swap3A_630 = vector.load %arg2[%swap3A_628, %swap3A_629] : memref<8192x128xf32, #tpu.memory_space<vmem>>, vector<128x32xf32>
    tpu.vector_store %arg2[%swap3A_628, %swap3A_629], %slice3A_627 {strides = array<i32>} : memref<8192x128xf32, #tpu.memory_space<vmem>>, vector<128x32xf32>,
    %slice3A_631 = vector.extract_strided_slice %dot_general3A_4 {offsets = [20096, 0], sizes = [128, 32], strides = [1, 1]} : vector<32768x32xf32> to vector<128x32xf32>
    %swap3A_632 = arith.constant 4992 : index
    %swap3A_633 = arith.constant 32 : index
    %swap3A_634 = vector.load %arg2[%swap3A_632, %swap3A_633] : memref<8192x128xf32, #tpu.memory_space<vmem>>, vector<128x32xf32>
    tpu.vector_store %arg2[%swap3A_632, %swap3A_633], %slice3A_631 {strides = array<i32>} : memref<8192x128xf32, #tpu.memory_space<vmem>>, vector<128x32xf32>,
    %slice3A_635 = vector.extract_strided_slice %dot_general3A_4 {offsets = [20224, 0], sizes = [128, 32], strides = [1, 1]} : vector<32768x32xf32> to vector<128x32xf32>
    %swap3A_636 = arith.constant 4992 : index
    %swap3A_637 = arith.constant 64 : index
    %swap3A_638 = vector.load %arg2[%swap3A_636, %swap3A_637] : memref<8192x128xf32, #tpu.memory_space<vmem>>, vector<128x32xf32>
    tpu.vector_store %arg2[%swap3A_636, %swap3A_637], %slice3A_635 {strides = array<i32>} : memref<8192x128xf32, #tpu.memory_space<vmem>>, vector<128x32xf32>,
    %slice3A_639 = vector.extract_strided_slice %dot_general3A_4 {offsets = [20352, 0], sizes = [128, 32], strides = [1, 1]} : vector<32768x32xf32> to vector<128x32xf32>
    %swap3A_640 = arith.constant 4992 : index
    %swap3A_641 = arith.constant 96 : index
    %swap3A_642 = vector.load %arg2[%swap3A_640, %swap3A_641] : memref<8192x128xf32, #tpu.memory_space<vmem>>, vector<128x32xf32>
    tpu.vector_store %arg2[%swap3A_640, %swap3A_641], %slice3A_639 {strides = array<i32>} : memref<8192x128xf32, #tpu.memory_space<vmem>>, vector<128x32xf32>,
    %slice3A_643 = vector.extract_strided_slice %dot_general3A_4 {offsets = [20480, 0], sizes = [128, 32], strides = [1, 1]} : vector<32768x32xf32> to vector<128x32xf32>
    %swap3A_644 = arith.constant 5120 : index
    %swap3A_645 = arith.constant 0 : index
    %swap3A_646 = vector.load %arg2[%swap3A_644, %swap3A_645] : memref<8192x128xf32, #tpu.memory_space<vmem>>, vector<128x32xf32>
    tpu.vector_store %arg2[%swap3A_644, %swap3A_645], %slice3A_643 {strides = array<i32>} : memref<8192x128xf32, #tpu.memory_space<vmem>>, vector<128x32xf32>,
    %slice3A_647 = vector.extract_strided_slice %dot_general3A_4 {offsets = [20608, 0], sizes = [128, 32], strides = [1, 1]} : vector<32768x32xf32> to vector<128x32xf32>
    %swap3A_648 = arith.constant 5120 : index
    %swap3A_649 = arith.constant 32 : index
    %swap3A_650 = vector.load %arg2[%swap3A_648, %swap3A_649] : memref<8192x128xf32, #tpu.memory_space<vmem>>, vector<128x32xf32>
    tpu.vector_store %arg2[%swap3A_648, %swap3A_649], %slice3A_647 {strides = array<i32>} : memref<8192x128xf32, #tpu.memory_space<vmem>>, vector<128x32xf32>,
    %slice3A_651 = vector.extract_strided_slice %dot_general3A_4 {offsets = [20736, 0], sizes = [128, 32], strides = [1, 1]} : vector<32768x32xf32> to vector<128x32xf32>
    %swap3A_652 = arith.constant 5120 : index
    %swap3A_653 = arith.constant 64 : index
    %swap3A_654 = vector.load %arg2[%swap3A_652, %swap3A_653] : memref<8192x128xf32, #tpu.memory_space<vmem>>, vector<128x32xf32>
    tpu.vector_store %arg2[%swap3A_652, %swap3A_653], %slice3A_651 {strides = array<i32>} : memref<8192x128xf32, #tpu.memory_space<vmem>>, vector<128x32xf32>,
    %slice3A_655 = vector.extract_strided_slice %dot_general3A_4 {offsets = [20864, 0], sizes = [128, 32], strides = [1, 1]} : vector<32768x32xf32> to vector<128x32xf32>
    %swap3A_656 = arith.constant 5120 : index
    %swap3A_657 = arith.constant 96 : index
    %swap3A_658 = vector.load %arg2[%swap3A_656, %swap3A_657] : memref<8192x128xf32, #tpu.memory_space<vmem>>, vector<128x32xf32>
    tpu.vector_store %arg2[%swap3A_656, %swap3A_657], %slice3A_655 {strides = array<i32>} : memref<8192x128xf32, #tpu.memory_space<vmem>>, vector<128x32xf32>,
    %slice3A_659 = vector.extract_strided_slice %dot_general3A_4 {offsets = [20992, 0], sizes = [128, 32], strides = [1, 1]} : vector<32768x32xf32> to vector<128x32xf32>
    %swap3A_660 = arith.constant 5248 : index
    %swap3A_661 = arith.constant 0 : index
    %swap3A_662 = vector.load %arg2[%swap3A_660, %swap3A_661] : memref<8192x128xf32, #tpu.memory_space<vmem>>, vector<128x32xf32>
    tpu.vector_store %arg2[%swap3A_660, %swap3A_661], %slice3A_659 {strides = array<i32>} : memref<8192x128xf32, #tpu.memory_space<vmem>>, vector<128x32xf32>,
    %slice3A_663 = vector.extract_strided_slice %dot_general3A_4 {offsets = [21120, 0], sizes = [128, 32], strides = [1, 1]} : vector<32768x32xf32> to vector<128x32xf32>
    %swap3A_664 = arith.constant 5248 : index
    %swap3A_665 = arith.constant 32 : index
    %swap3A_666 = vector.load %arg2[%swap3A_664, %swap3A_665] : memref<8192x128xf32, #tpu.memory_space<vmem>>, vector<128x32xf32>
    tpu.vector_store %arg2[%swap3A_664, %swap3A_665], %slice3A_663 {strides = array<i32>} : memref<8192x128xf32, #tpu.memory_space<vmem>>, vector<128x32xf32>,
    %slice3A_667 = vector.extract_strided_slice %dot_general3A_4 {offsets = [21248, 0], sizes = [128, 32], strides = [1, 1]} : vector<32768x32xf32> to vector<128x32xf32>
    %swap3A_668 = arith.constant 5248 : index
    %swap3A_669 = arith.constant 64 : index
    %swap3A_670 = vector.load %arg2[%swap3A_668, %swap3A_669] : memref<8192x128xf32, #tpu.memory_space<vmem>>, vector<128x32xf32>
    tpu.vector_store %arg2[%swap3A_668, %swap3A_669], %slice3A_667 {strides = array<i32>} : memref<8192x128xf32, #tpu.memory_space<vmem>>, vector<128x32xf32>,
    %slice3A_671 = vector.extract_strided_slice %dot_general3A_4 {offsets = [21376, 0], sizes = [128, 32], strides = [1, 1]} : vector<32768x32xf32> to vector<128x32xf32>
    %swap3A_672 = arith.constant 5248 : index
    %swap3A_673 = arith.constant 96 : index
    %swap3A_674 = vector.load %arg2[%swap3A_672, %swap3A_673] : memref<8192x128xf32, #tpu.memory_space<vmem>>, vector<128x32xf32>
    tpu.vector_store %arg2[%swap3A_672, %swap3A_673], %slice3A_671 {strides = array<i32>} : memref<8192x128xf32, #tpu.memory_space<vmem>>, vector<128x32xf32>,
    %slice3A_675 = vector.extract_strided_slice %dot_general3A_4 {offsets = [21504, 0], sizes = [128, 32], strides = [1, 1]} : vector<32768x32xf32> to vector<128x32xf32>
    %swap3A_676 = arith.constant 5376 : index
    %swap3A_677 = arith.constant 0 : index
    %swap3A_678 = vector.load %arg2[%swap3A_676, %swap3A_677] : memref<8192x128xf32, #tpu.memory_space<vmem>>, vector<128x32xf32>
    tpu.vector_store %arg2[%swap3A_676, %swap3A_677], %slice3A_675 {strides = array<i32>} : memref<8192x128xf32, #tpu.memory_space<vmem>>, vector<128x32xf32>,
    %slice3A_679 = vector.extract_strided_slice %dot_general3A_4 {offsets = [21632, 0], sizes = [128, 32], strides = [1, 1]} : vector<32768x32xf32> to vector<128x32xf32>
    %swap3A_680 = arith.constant 5376 : index
    %swap3A_681 = arith.constant 32 : index
    %swap3A_682 = vector.load %arg2[%swap3A_680, %swap3A_681] : memref<8192x128xf32, #tpu.memory_space<vmem>>, vector<128x32xf32>
    tpu.vector_store %arg2[%swap3A_680, %swap3A_681], %slice3A_679 {strides = array<i32>} : memref<8192x128xf32, #tpu.memory_space<vmem>>, vector<128x32xf32>,
    %slice3A_683 = vector.extract_strided_slice %dot_general3A_4 {offsets = [21760, 0], sizes = [128, 32], strides = [1, 1]} : vector<32768x32xf32> to vector<128x32xf32>
    %swap3A_684 = arith.constant 5376 : index
    %swap3A_685 = arith.constant 64 : index
    %swap3A_686 = vector.load %arg2[%swap3A_684, %swap3A_685] : memref<8192x128xf32, #tpu.memory_space<vmem>>, vector<128x32xf32>
    tpu.vector_store %arg2[%swap3A_684, %swap3A_685], %slice3A_683 {strides = array<i32>} : memref<8192x128xf32, #tpu.memory_space<vmem>>, vector<128x32xf32>,
    %slice3A_687 = vector.extract_strided_slice %dot_general3A_4 {offsets = [21888, 0], sizes = [128, 32], strides = [1, 1]} : vector<32768x32xf32> to vector<128x32xf32>
    %swap3A_688 = arith.constant 5376 : index
    %swap3A_689 = arith.constant 96 : index
    %swap3A_690 = vector.load %arg2[%swap3A_688, %swap3A_689] : memref<8192x128xf32, #tpu.memory_space<vmem>>, vector<128x32xf32>
    tpu.vector_store %arg2[%swap3A_688, %swap3A_689], %slice3A_687 {strides = array<i32>} : memref<8192x128xf32, #tpu.memory_space<vmem>>, vector<128x32xf32>,
    %slice3A_691 = vector.extract_strided_slice %dot_general3A_4 {offsets = [22016, 0], sizes = [128, 32], strides = [1, 1]} : vector<32768x32xf32> to vector<128x32xf32>
    %swap3A_692 = arith.constant 5504 : index
    %swap3A_693 = arith.constant 0 : index
    %swap3A_694 = vector.load %arg2[%swap3A_692, %swap3A_693] : memref<8192x128xf32, #tpu.memory_space<vmem>>, vector<128x32xf32>
    tpu.vector_store %arg2[%swap3A_692, %swap3A_693], %slice3A_691 {strides = array<i32>} : memref<8192x128xf32, #tpu.memory_space<vmem>>, vector<128x32xf32>,
    %slice3A_695 = vector.extract_strided_slice %dot_general3A_4 {offsets = [22144, 0], sizes = [128, 32], strides = [1, 1]} : vector<32768x32xf32> to vector<128x32xf32>
    %swap3A_696 = arith.constant 5504 : index
    %swap3A_697 = arith.constant 32 : index
    %swap3A_698 = vector.load %arg2[%swap3A_696, %swap3A_697] : memref<8192x128xf32, #tpu.memory_space<vmem>>, vector<128x32xf32>
    tpu.vector_store %arg2[%swap3A_696, %swap3A_697], %slice3A_695 {strides = array<i32>} : memref<8192x128xf32, #tpu.memory_space<vmem>>, vector<128x32xf32>,
    %slice3A_699 = vector.extract_strided_slice %dot_general3A_4 {offsets = [22272, 0], sizes = [128, 32], strides = [1, 1]} : vector<32768x32xf32> to vector<128x32xf32>
    %swap3A_700 = arith.constant 5504 : index
    %swap3A_701 = arith.constant 64 : index
    %swap3A_702 = vector.load %arg2[%swap3A_700, %swap3A_701] : memref<8192x128xf32, #tpu.memory_space<vmem>>, vector<128x32xf32>
    tpu.vector_store %arg2[%swap3A_700, %swap3A_701], %slice3A_699 {strides = array<i32>} : memref<8192x128xf32, #tpu.memory_space<vmem>>, vector<128x32xf32>,
    %slice3A_703 = vector.extract_strided_slice %dot_general3A_4 {offsets = [22400, 0], sizes = [128, 32], strides = [1, 1]} : vector<32768x32xf32> to vector<128x32xf32>
    %swap3A_704 = arith.constant 5504 : index
    %swap3A_705 = arith.constant 96 : index
    %swap3A_706 = vector.load %arg2[%swap3A_704, %swap3A_705] : memref<8192x128xf32, #tpu.memory_space<vmem>>, vector<128x32xf32>
    tpu.vector_store %arg2[%swap3A_704, %swap3A_705], %slice3A_703 {strides = array<i32>} : memref<8192x128xf32, #tpu.memory_space<vmem>>, vector<128x32xf32>,
    %slice3A_707 = vector.extract_strided_slice %dot_general3A_4 {offsets = [22528, 0], sizes = [128, 32], strides = [1, 1]} : vector<32768x32xf32> to vector<128x32xf32>
    %swap3A_708 = arith.constant 5632 : index
    %swap3A_709 = arith.constant 0 : index
    %swap3A_710 = vector.load %arg2[%swap3A_708, %swap3A_709] : memref<8192x128xf32, #tpu.memory_space<vmem>>, vector<128x32xf32>
    tpu.vector_store %arg2[%swap3A_708, %swap3A_709], %slice3A_707 {strides = array<i32>} : memref<8192x128xf32, #tpu.memory_space<vmem>>, vector<128x32xf32>,
    %slice3A_711 = vector.extract_strided_slice %dot_general3A_4 {offsets = [22656, 0], sizes = [128, 32], strides = [1, 1]} : vector<32768x32xf32> to vector<128x32xf32>
    %swap3A_712 = arith.constant 5632 : index
    %swap3A_713 = arith.constant 32 : index
    %swap3A_714 = vector.load %arg2[%swap3A_712, %swap3A_713] : memref<8192x128xf32, #tpu.memory_space<vmem>>, vector<128x32xf32>
    tpu.vector_store %arg2[%swap3A_712, %swap3A_713], %slice3A_711 {strides = array<i32>} : memref<8192x128xf32, #tpu.memory_space<vmem>>, vector<128x32xf32>,
    %slice3A_715 = vector.extract_strided_slice %dot_general3A_4 {offsets = [22784, 0], sizes = [128, 32], strides = [1, 1]} : vector<32768x32xf32> to vector<128x32xf32>
    %swap3A_716 = arith.constant 5632 : index
    %swap3A_717 = arith.constant 64 : index
    %swap3A_718 = vector.load %arg2[%swap3A_716, %swap3A_717] : memref<8192x128xf32, #tpu.memory_space<vmem>>, vector<128x32xf32>
    tpu.vector_store %arg2[%swap3A_716, %swap3A_717], %slice3A_715 {strides = array<i32>} : memref<8192x128xf32, #tpu.memory_space<vmem>>, vector<128x32xf32>,
    %slice3A_719 = vector.extract_strided_slice %dot_general3A_4 {offsets = [22912, 0], sizes = [128, 32], strides = [1, 1]} : vector<32768x32xf32> to vector<128x32xf32>
    %swap3A_720 = arith.constant 5632 : index
    %swap3A_721 = arith.constant 96 : index
    %swap3A_722 = vector.load %arg2[%swap3A_720, %swap3A_721] : memref<8192x128xf32, #tpu.memory_space<vmem>>, vector<128x32xf32>
    tpu.vector_store %arg2[%swap3A_720, %swap3A_721], %slice3A_719 {strides = array<i32>} : memref<8192x128xf32, #tpu.memory_space<vmem>>, vector<128x32xf32>,
    %slice3A_723 = vector.extract_strided_slice %dot_general3A_4 {offsets = [23040, 0], sizes = [128, 32], strides = [1, 1]} : vector<32768x32xf32> to vector<128x32xf32>
    %swap3A_724 = arith.constant 5760 : index
    %swap3A_725 = arith.constant 0 : index
    %swap3A_726 = vector.load %arg2[%swap3A_724, %swap3A_725] : memref<8192x128xf32, #tpu.memory_space<vmem>>, vector<128x32xf32>
    tpu.vector_store %arg2[%swap3A_724, %swap3A_725], %slice3A_723 {strides = array<i32>} : memref<8192x128xf32, #tpu.memory_space<vmem>>, vector<128x32xf32>,
    %slice3A_727 = vector.extract_strided_slice %dot_general3A_4 {offsets = [23168, 0], sizes = [128, 32], strides = [1, 1]} : vector<32768x32xf32> to vector<128x32xf32>
    %swap3A_728 = arith.constant 5760 : index
    %swap3A_729 = arith.constant 32 : index
    %swap3A_730 = vector.load %arg2[%swap3A_728, %swap3A_729] : memref<8192x128xf32, #tpu.memory_space<vmem>>, vector<128x32xf32>
    tpu.vector_store %arg2[%swap3A_728, %swap3A_729], %slice3A_727 {strides = array<i32>} : memref<8192x128xf32, #tpu.memory_space<vmem>>, vector<128x32xf32>,
    %slice3A_731 = vector.extract_strided_slice %dot_general3A_4 {offsets = [23296, 0], sizes = [128, 32], strides = [1, 1]} : vector<32768x32xf32> to vector<128x32xf32>
    %swap3A_732 = arith.constant 5760 : index
    %swap3A_733 = arith.constant 64 : index
    %swap3A_734 = vector.load %arg2[%swap3A_732, %swap3A_733] : memref<8192x128xf32, #tpu.memory_space<vmem>>, vector<128x32xf32>
    tpu.vector_store %arg2[%swap3A_732, %swap3A_733], %slice3A_731 {strides = array<i32>} : memref<8192x128xf32, #tpu.memory_space<vmem>>, vector<128x32xf32>,
    %slice3A_735 = vector.extract_strided_slice %dot_general3A_4 {offsets = [23424, 0], sizes = [128, 32], strides = [1, 1]} : vector<32768x32xf32> to vector<128x32xf32>
    %swap3A_736 = arith.constant 5760 : index
    %swap3A_737 = arith.constant 96 : index
    %swap3A_738 = vector.load %arg2[%swap3A_736, %swap3A_737] : memref<8192x128xf32, #tpu.memory_space<vmem>>, vector<128x32xf32>
    tpu.vector_store %arg2[%swap3A_736, %swap3A_737], %slice3A_735 {strides = array<i32>} : memref<8192x128xf32, #tpu.memory_space<vmem>>, vector<128x32xf32>,
    %slice3A_739 = vector.extract_strided_slice %dot_general3A_4 {offsets = [23552, 0], sizes = [128, 32], strides = [1, 1]} : vector<32768x32xf32> to vector<128x32xf32>
    %swap3A_740 = arith.constant 5888 : index
    %swap3A_741 = arith.constant 0 : index
    %swap3A_742 = vector.load %arg2[%swap3A_740, %swap3A_741] : memref<8192x128xf32, #tpu.memory_space<vmem>>, vector<128x32xf32>
    tpu.vector_store %arg2[%swap3A_740, %swap3A_741], %slice3A_739 {strides = array<i32>} : memref<8192x128xf32, #tpu.memory_space<vmem>>, vector<128x32xf32>,
    %slice3A_743 = vector.extract_strided_slice %dot_general3A_4 {offsets = [23680, 0], sizes = [128, 32], strides = [1, 1]} : vector<32768x32xf32> to vector<128x32xf32>
    %swap3A_744 = arith.constant 5888 : index
    %swap3A_745 = arith.constant 32 : index
    %swap3A_746 = vector.load %arg2[%swap3A_744, %swap3A_745] : memref<8192x128xf32, #tpu.memory_space<vmem>>, vector<128x32xf32>
    tpu.vector_store %arg2[%swap3A_744, %swap3A_745], %slice3A_743 {strides = array<i32>} : memref<8192x128xf32, #tpu.memory_space<vmem>>, vector<128x32xf32>,
    %slice3A_747 = vector.extract_strided_slice %dot_general3A_4 {offsets = [23808, 0], sizes = [128, 32], strides = [1, 1]} : vector<32768x32xf32> to vector<128x32xf32>
    %swap3A_748 = arith.constant 5888 : index
    %swap3A_749 = arith.constant 64 : index
    %swap3A_750 = vector.load %arg2[%swap3A_748, %swap3A_749] : memref<8192x128xf32, #tpu.memory_space<vmem>>, vector<128x32xf32>
    tpu.vector_store %arg2[%swap3A_748, %swap3A_749], %slice3A_747 {strides = array<i32>} : memref<8192x128xf32, #tpu.memory_space<vmem>>, vector<128x32xf32>,
    %slice3A_751 = vector.extract_strided_slice %dot_general3A_4 {offsets = [23936, 0], sizes = [128, 32], strides = [1, 1]} : vector<32768x32xf32> to vector<128x32xf32>
    %swap3A_752 = arith.constant 5888 : index
    %swap3A_753 = arith.constant 96 : index
    %swap3A_754 = vector.load %arg2[%swap3A_752, %swap3A_753] : memref<8192x128xf32, #tpu.memory_space<vmem>>, vector<128x32xf32>
    tpu.vector_store %arg2[%swap3A_752, %swap3A_753], %slice3A_751 {strides = array<i32>} : memref<8192x128xf32, #tpu.memory_space<vmem>>, vector<128x32xf32>,
    %slice3A_755 = vector.extract_strided_slice %dot_general3A_4 {offsets = [24064, 0], sizes = [128, 32], strides = [1, 1]} : vector<32768x32xf32> to vector<128x32xf32>
    %swap3A_756 = arith.constant 6016 : index
    %swap3A_757 = arith.constant 0 : index
    %swap3A_758 = vector.load %arg2[%swap3A_756, %swap3A_757] : memref<8192x128xf32, #tpu.memory_space<vmem>>, vector<128x32xf32>
    tpu.vector_store %arg2[%swap3A_756, %swap3A_757], %slice3A_755 {strides = array<i32>} : memref<8192x128xf32, #tpu.memory_space<vmem>>, vector<128x32xf32>,
    %slice3A_759 = vector.extract_strided_slice %dot_general3A_4 {offsets = [24192, 0], sizes = [128, 32], strides = [1, 1]} : vector<32768x32xf32> to vector<128x32xf32>
    %swap3A_760 = arith.constant 6016 : index
    %swap3A_761 = arith.constant 32 : index
    %swap3A_762 = vector.load %arg2[%swap3A_760, %swap3A_761] : memref<8192x128xf32, #tpu.memory_space<vmem>>, vector<128x32xf32>
    tpu.vector_store %arg2[%swap3A_760, %swap3A_761], %slice3A_759 {strides = array<i32>} : memref<8192x128xf32, #tpu.memory_space<vmem>>, vector<128x32xf32>,
    %slice3A_763 = vector.extract_strided_slice %dot_general3A_4 {offsets = [24320, 0], sizes = [128, 32], strides = [1, 1]} : vector<32768x32xf32> to vector<128x32xf32>
    %swap3A_764 = arith.constant 6016 : index
    %swap3A_765 = arith.constant 64 : index
    %swap3A_766 = vector.load %arg2[%swap3A_764, %swap3A_765] : memref<8192x128xf32, #tpu.memory_space<vmem>>, vector<128x32xf32>
    tpu.vector_store %arg2[%swap3A_764, %swap3A_765], %slice3A_763 {strides = array<i32>} : memref<8192x128xf32, #tpu.memory_space<vmem>>, vector<128x32xf32>,
    %slice3A_767 = vector.extract_strided_slice %dot_general3A_4 {offsets = [24448, 0], sizes = [128, 32], strides = [1, 1]} : vector<32768x32xf32> to vector<128x32xf32>
    %swap3A_768 = arith.constant 6016 : index
    %swap3A_769 = arith.constant 96 : index
    %swap3A_770 = vector.load %arg2[%swap3A_768, %swap3A_769] : memref<8192x128xf32, #tpu.memory_space<vmem>>, vector<128x32xf32>
    tpu.vector_store %arg2[%swap3A_768, %swap3A_769], %slice3A_767 {strides = array<i32>} : memref<8192x128xf32, #tpu.memory_space<vmem>>, vector<128x32xf32>,
    %slice3A_771 = vector.extract_strided_slice %dot_general3A_4 {offsets = [24576, 0], sizes = [128, 32], strides = [1, 1]} : vector<32768x32xf32> to vector<128x32xf32>
    %swap3A_772 = arith.constant 6144 : index
    %swap3A_773 = arith.constant 0 : index
    %swap3A_774 = vector.load %arg2[%swap3A_772, %swap3A_773] : memref<8192x128xf32, #tpu.memory_space<vmem>>, vector<128x32xf32>
    tpu.vector_store %arg2[%swap3A_772, %swap3A_773], %slice3A_771 {strides = array<i32>} : memref<8192x128xf32, #tpu.memory_space<vmem>>, vector<128x32xf32>,
    %slice3A_775 = vector.extract_strided_slice %dot_general3A_4 {offsets = [24704, 0], sizes = [128, 32], strides = [1, 1]} : vector<32768x32xf32> to vector<128x32xf32>
    %swap3A_776 = arith.constant 6144 : index
    %swap3A_777 = arith.constant 32 : index
    %swap3A_778 = vector.load %arg2[%swap3A_776, %swap3A_777] : memref<8192x128xf32, #tpu.memory_space<vmem>>, vector<128x32xf32>
    tpu.vector_store %arg2[%swap3A_776, %swap3A_777], %slice3A_775 {strides = array<i32>} : memref<8192x128xf32, #tpu.memory_space<vmem>>, vector<128x32xf32>,
    %slice3A_779 = vector.extract_strided_slice %dot_general3A_4 {offsets = [24832, 0], sizes = [128, 32], strides = [1, 1]} : vector<32768x32xf32> to vector<128x32xf32>
    %swap3A_780 = arith.constant 6144 : index
    %swap3A_781 = arith.constant 64 : index
    %swap3A_782 = vector.load %arg2[%swap3A_780, %swap3A_781] : memref<8192x128xf32, #tpu.memory_space<vmem>>, vector<128x32xf32>
    tpu.vector_store %arg2[%swap3A_780, %swap3A_781], %slice3A_779 {strides = array<i32>} : memref<8192x128xf32, #tpu.memory_space<vmem>>, vector<128x32xf32>,
    %slice3A_783 = vector.extract_strided_slice %dot_general3A_4 {offsets = [24960, 0], sizes = [128, 32], strides = [1, 1]} : vector<32768x32xf32> to vector<128x32xf32>
    %swap3A_784 = arith.constant 6144 : index
    %swap3A_785 = arith.constant 96 : index
    %swap3A_786 = vector.load %arg2[%swap3A_784, %swap3A_785] : memref<8192x128xf32, #tpu.memory_space<vmem>>, vector<128x32xf32>
    tpu.vector_store %arg2[%swap3A_784, %swap3A_785], %slice3A_783 {strides = array<i32>} : memref<8192x128xf32, #tpu.memory_space<vmem>>, vector<128x32xf32>,
    %slice3A_787 = vector.extract_strided_slice %dot_general3A_4 {offsets = [25088, 0], sizes = [128, 32], strides = [1, 1]} : vector<32768x32xf32> to vector<128x32xf32>
    %swap3A_788 = arith.constant 6272 : index
    %swap3A_789 = arith.constant 0 : index
    %swap3A_790 = vector.load %arg2[%swap3A_788, %swap3A_789] : memref<8192x128xf32, #tpu.memory_space<vmem>>, vector<128x32xf32>
    tpu.vector_store %arg2[%swap3A_788, %swap3A_789], %slice3A_787 {strides = array<i32>} : memref<8192x128xf32, #tpu.memory_space<vmem>>, vector<128x32xf32>,
    %slice3A_791 = vector.extract_strided_slice %dot_general3A_4 {offsets = [25216, 0], sizes = [128, 32], strides = [1, 1]} : vector<32768x32xf32> to vector<128x32xf32>
    %swap3A_792 = arith.constant 6272 : index
    %swap3A_793 = arith.constant 32 : index
    %swap3A_794 = vector.load %arg2[%swap3A_792, %swap3A_793] : memref<8192x128xf32, #tpu.memory_space<vmem>>, vector<128x32xf32>
    tpu.vector_store %arg2[%swap3A_792, %swap3A_793], %slice3A_791 {strides = array<i32>} : memref<8192x128xf32, #tpu.memory_space<vmem>>, vector<128x32xf32>,
    %slice3A_795 = vector.extract_strided_slice %dot_general3A_4 {offsets = [25344, 0], sizes = [128, 32], strides = [1, 1]} : vector<32768x32xf32> to vector<128x32xf32>
    %swap3A_796 = arith.constant 6272 : index
    %swap3A_797 = arith.constant 64 : index
    %swap3A_798 = vector.load %arg2[%swap3A_796, %swap3A_797] : memref<8192x128xf32, #tpu.memory_space<vmem>>, vector<128x32xf32>
    tpu.vector_store %arg2[%swap3A_796, %swap3A_797], %slice3A_795 {strides = array<i32>} : memref<8192x128xf32, #tpu.memory_space<vmem>>, vector<128x32xf32>,
    %slice3A_799 = vector.extract_strided_slice %dot_general3A_4 {offsets = [25472, 0], sizes = [128, 32], strides = [1, 1]} : vector<32768x32xf32> to vector<128x32xf32>
    %swap3A_800 = arith.constant 6272 : index
    %swap3A_801 = arith.constant 96 : index
    %swap3A_802 = vector.load %arg2[%swap3A_800, %swap3A_801] : memref<8192x128xf32, #tpu.memory_space<vmem>>, vector<128x32xf32>
    tpu.vector_store %arg2[%swap3A_800, %swap3A_801], %slice3A_799 {strides = array<i32>} : memref<8192x128xf32, #tpu.memory_space<vmem>>, vector<128x32xf32>,
    %slice3A_803 = vector.extract_strided_slice %dot_general3A_4 {offsets = [25600, 0], sizes = [128, 32], strides = [1, 1]} : vector<32768x32xf32> to vector<128x32xf32>
    %swap3A_804 = arith.constant 6400 : index
    %swap3A_805 = arith.constant 0 : index
    %swap3A_806 = vector.load %arg2[%swap3A_804, %swap3A_805] : memref<8192x128xf32, #tpu.memory_space<vmem>>, vector<128x32xf32>
    tpu.vector_store %arg2[%swap3A_804, %swap3A_805], %slice3A_803 {strides = array<i32>} : memref<8192x128xf32, #tpu.memory_space<vmem>>, vector<128x32xf32>,
    %slice3A_807 = vector.extract_strided_slice %dot_general3A_4 {offsets = [25728, 0], sizes = [128, 32], strides = [1, 1]} : vector<32768x32xf32> to vector<128x32xf32>
    %swap3A_808 = arith.constant 6400 : index
    %swap3A_809 = arith.constant 32 : index
    %swap3A_810 = vector.load %arg2[%swap3A_808, %swap3A_809] : memref<8192x128xf32, #tpu.memory_space<vmem>>, vector<128x32xf32>
    tpu.vector_store %arg2[%swap3A_808, %swap3A_809], %slice3A_807 {strides = array<i32>} : memref<8192x128xf32, #tpu.memory_space<vmem>>, vector<128x32xf32>,
    %slice3A_811 = vector.extract_strided_slice %dot_general3A_4 {offsets = [25856, 0], sizes = [128, 32], strides = [1, 1]} : vector<32768x32xf32> to vector<128x32xf32>
    %swap3A_812 = arith.constant 6400 : index
    %swap3A_813 = arith.constant 64 : index
    %swap3A_814 = vector.load %arg2[%swap3A_812, %swap3A_813] : memref<8192x128xf32, #tpu.memory_space<vmem>>, vector<128x32xf32>
    tpu.vector_store %arg2[%swap3A_812, %swap3A_813], %slice3A_811 {strides = array<i32>} : memref<8192x128xf32, #tpu.memory_space<vmem>>, vector<128x32xf32>,
    %slice3A_815 = vector.extract_strided_slice %dot_general3A_4 {offsets = [25984, 0], sizes = [128, 32], strides = [1, 1]} : vector<32768x32xf32> to vector<128x32xf32>
    %swap3A_816 = arith.constant 6400 : index
    %swap3A_817 = arith.constant 96 : index
    %swap3A_818 = vector.load %arg2[%swap3A_816, %swap3A_817] : memref<8192x128xf32, #tpu.memory_space<vmem>>, vector<128x32xf32>
    tpu.vector_store %arg2[%swap3A_816, %swap3A_817], %slice3A_815 {strides = array<i32>} : memref<8192x128xf32, #tpu.memory_space<vmem>>, vector<128x32xf32>,
    %slice3A_819 = vector.extract_strided_slice %dot_general3A_4 {offsets = [26112, 0], sizes = [128, 32], strides = [1, 1]} : vector<32768x32xf32> to vector<128x32xf32>
    %swap3A_820 = arith.constant 6528 : index
    %swap3A_821 = arith.constant 0 : index
    %swap3A_822 = vector.load %arg2[%swap3A_820, %swap3A_821] : memref<8192x128xf32, #tpu.memory_space<vmem>>, vector<128x32xf32>
    tpu.vector_store %arg2[%swap3A_820, %swap3A_821], %slice3A_819 {strides = array<i32>} : memref<8192x128xf32, #tpu.memory_space<vmem>>, vector<128x32xf32>,
    %slice3A_823 = vector.extract_strided_slice %dot_general3A_4 {offsets = [26240, 0], sizes = [128, 32], strides = [1, 1]} : vector<32768x32xf32> to vector<128x32xf32>
    %swap3A_824 = arith.constant 6528 : index
    %swap3A_825 = arith.constant 32 : index
    %swap3A_826 = vector.load %arg2[%swap3A_824, %swap3A_825] : memref<8192x128xf32, #tpu.memory_space<vmem>>, vector<128x32xf32>
    tpu.vector_store %arg2[%swap3A_824, %swap3A_825], %slice3A_823 {strides = array<i32>} : memref<8192x128xf32, #tpu.memory_space<vmem>>, vector<128x32xf32>,
    %slice3A_827 = vector.extract_strided_slice %dot_general3A_4 {offsets = [26368, 0], sizes = [128, 32], strides = [1, 1]} : vector<32768x32xf32> to vector<128x32xf32>
    %swap3A_828 = arith.constant 6528 : index
    %swap3A_829 = arith.constant 64 : index
    %swap3A_830 = vector.load %arg2[%swap3A_828, %swap3A_829] : memref<8192x128xf32, #tpu.memory_space<vmem>>, vector<128x32xf32>
    tpu.vector_store %arg2[%swap3A_828, %swap3A_829], %slice3A_827 {strides = array<i32>} : memref<8192x128xf32, #tpu.memory_space<vmem>>, vector<128x32xf32>,
    %slice3A_831 = vector.extract_strided_slice %dot_general3A_4 {offsets = [26496, 0], sizes = [128, 32], strides = [1, 1]} : vector<32768x32xf32> to vector<128x32xf32>
    %swap3A_832 = arith.constant 6528 : index
    %swap3A_833 = arith.constant 96 : index
    %swap3A_834 = vector.load %arg2[%swap3A_832, %swap3A_833] : memref<8192x128xf32, #tpu.memory_space<vmem>>, vector<128x32xf32>
    tpu.vector_store %arg2[%swap3A_832, %swap3A_833], %slice3A_831 {strides = array<i32>} : memref<8192x128xf32, #tpu.memory_space<vmem>>, vector<128x32xf32>,
    %slice3A_835 = vector.extract_strided_slice %dot_general3A_4 {offsets = [26624, 0], sizes = [128, 32], strides = [1, 1]} : vector<32768x32xf32> to vector<128x32xf32>
    %swap3A_836 = arith.constant 6656 : index
    %swap3A_837 = arith.constant 0 : index
    %swap3A_838 = vector.load %arg2[%swap3A_836, %swap3A_837] : memref<8192x128xf32, #tpu.memory_space<vmem>>, vector<128x32xf32>
    tpu.vector_store %arg2[%swap3A_836, %swap3A_837], %slice3A_835 {strides = array<i32>} : memref<8192x128xf32, #tpu.memory_space<vmem>>, vector<128x32xf32>,
    %slice3A_839 = vector.extract_strided_slice %dot_general3A_4 {offsets = [26752, 0], sizes = [128, 32], strides = [1, 1]} : vector<32768x32xf32> to vector<128x32xf32>
    %swap3A_840 = arith.constant 6656 : index
    %swap3A_841 = arith.constant 32 : index
    %swap3A_842 = vector.load %arg2[%swap3A_840, %swap3A_841] : memref<8192x128xf32, #tpu.memory_space<vmem>>, vector<128x32xf32>
    tpu.vector_store %arg2[%swap3A_840, %swap3A_841], %slice3A_839 {strides = array<i32>} : memref<8192x128xf32, #tpu.memory_space<vmem>>, vector<128x32xf32>,
    %slice3A_843 = vector.extract_strided_slice %dot_general3A_4 {offsets = [26880, 0], sizes = [128, 32], strides = [1, 1]} : vector<32768x32xf32> to vector<128x32xf32>
    %swap3A_844 = arith.constant 6656 : index
    %swap3A_845 = arith.constant 64 : index
    %swap3A_846 = vector.load %arg2[%swap3A_844, %swap3A_845] : memref<8192x128xf32, #tpu.memory_space<vmem>>, vector<128x32xf32>
    tpu.vector_store %arg2[%swap3A_844, %swap3A_845], %slice3A_843 {strides = array<i32>} : memref<8192x128xf32, #tpu.memory_space<vmem>>, vector<128x32xf32>,
    %slice3A_847 = vector.extract_strided_slice %dot_general3A_4 {offsets = [27008, 0], sizes = [128, 32], strides = [1, 1]} : vector<32768x32xf32> to vector<128x32xf32>
    %swap3A_848 = arith.constant 6656 : index
    %swap3A_849 = arith.constant 96 : index
    %swap3A_850 = vector.load %arg2[%swap3A_848, %swap3A_849] : memref<8192x128xf32, #tpu.memory_space<vmem>>, vector<128x32xf32>
    tpu.vector_store %arg2[%swap3A_848, %swap3A_849], %slice3A_847 {strides = array<i32>} : memref<8192x128xf32, #tpu.memory_space<vmem>>, vector<128x32xf32>,
    %slice3A_851 = vector.extract_strided_slice %dot_general3A_4 {offsets = [27136, 0], sizes = [128, 32], strides = [1, 1]} : vector<32768x32xf32> to vector<128x32xf32>
    %swap3A_852 = arith.constant 6784 : index
    %swap3A_853 = arith.constant 0 : index
    %swap3A_854 = vector.load %arg2[%swap3A_852, %swap3A_853] : memref<8192x128xf32, #tpu.memory_space<vmem>>, vector<128x32xf32>
    tpu.vector_store %arg2[%swap3A_852, %swap3A_853], %slice3A_851 {strides = array<i32>} : memref<8192x128xf32, #tpu.memory_space<vmem>>, vector<128x32xf32>,
    %slice3A_855 = vector.extract_strided_slice %dot_general3A_4 {offsets = [27264, 0], sizes = [128, 32], strides = [1, 1]} : vector<32768x32xf32> to vector<128x32xf32>
    %swap3A_856 = arith.constant 6784 : index
    %swap3A_857 = arith.constant 32 : index
    %swap3A_858 = vector.load %arg2[%swap3A_856, %swap3A_857] : memref<8192x128xf32, #tpu.memory_space<vmem>>, vector<128x32xf32>
    tpu.vector_store %arg2[%swap3A_856, %swap3A_857], %slice3A_855 {strides = array<i32>} : memref<8192x128xf32, #tpu.memory_space<vmem>>, vector<128x32xf32>,
    %slice3A_859 = vector.extract_strided_slice %dot_general3A_4 {offsets = [27392, 0], sizes = [128, 32], strides = [1, 1]} : vector<32768x32xf32> to vector<128x32xf32>
    %swap3A_860 = arith.constant 6784 : index
    %swap3A_861 = arith.constant 64 : index
    %swap3A_862 = vector.load %arg2[%swap3A_860, %swap3A_861] : memref<8192x128xf32, #tpu.memory_space<vmem>>, vector<128x32xf32>
    tpu.vector_store %arg2[%swap3A_860, %swap3A_861], %slice3A_859 {strides = array<i32>} : memref<8192x128xf32, #tpu.memory_space<vmem>>, vector<128x32xf32>,
    %slice3A_863 = vector.extract_strided_slice %dot_general3A_4 {offsets = [27520, 0], sizes = [128, 32], strides = [1, 1]} : vector<32768x32xf32> to vector<128x32xf32>
    %swap3A_864 = arith.constant 6784 : index
    %swap3A_865 = arith.constant 96 : index
    %swap3A_866 = vector.load %arg2[%swap3A_864, %swap3A_865] : memref<8192x128xf32, #tpu.memory_space<vmem>>, vector<128x32xf32>
    tpu.vector_store %arg2[%swap3A_864, %swap3A_865], %slice3A_863 {strides = array<i32>} : memref<8192x128xf32, #tpu.memory_space<vmem>>, vector<128x32xf32>,
    %slice3A_867 = vector.extract_strided_slice %dot_general3A_4 {offsets = [27648, 0], sizes = [128, 32], strides = [1, 1]} : vector<32768x32xf32> to vector<128x32xf32>
    %swap3A_868 = arith.constant 6912 : index
    %swap3A_869 = arith.constant 0 : index
    %swap3A_870 = vector.load %arg2[%swap3A_868, %swap3A_869] : memref<8192x128xf32, #tpu.memory_space<vmem>>, vector<128x32xf32>
    tpu.vector_store %arg2[%swap3A_868, %swap3A_869], %slice3A_867 {strides = array<i32>} : memref<8192x128xf32, #tpu.memory_space<vmem>>, vector<128x32xf32>,
    %slice3A_871 = vector.extract_strided_slice %dot_general3A_4 {offsets = [27776, 0], sizes = [128, 32], strides = [1, 1]} : vector<32768x32xf32> to vector<128x32xf32>
    %swap3A_872 = arith.constant 6912 : index
    %swap3A_873 = arith.constant 32 : index
    %swap3A_874 = vector.load %arg2[%swap3A_872, %swap3A_873] : memref<8192x128xf32, #tpu.memory_space<vmem>>, vector<128x32xf32>
    tpu.vector_store %arg2[%swap3A_872, %swap3A_873], %slice3A_871 {strides = array<i32>} : memref<8192x128xf32, #tpu.memory_space<vmem>>, vector<128x32xf32>,
    %slice3A_875 = vector.extract_strided_slice %dot_general3A_4 {offsets = [27904, 0], sizes = [128, 32], strides = [1, 1]} : vector<32768x32xf32> to vector<128x32xf32>
    %swap3A_876 = arith.constant 6912 : index
    %swap3A_877 = arith.constant 64 : index
    %swap3A_878 = vector.load %arg2[%swap3A_876, %swap3A_877] : memref<8192x128xf32, #tpu.memory_space<vmem>>, vector<128x32xf32>
    tpu.vector_store %arg2[%swap3A_876, %swap3A_877], %slice3A_875 {strides = array<i32>} : memref<8192x128xf32, #tpu.memory_space<vmem>>, vector<128x32xf32>,
    %slice3A_879 = vector.extract_strided_slice %dot_general3A_4 {offsets = [28032, 0], sizes = [128, 32], strides = [1, 1]} : vector<32768x32xf32> to vector<128x32xf32>
    %swap3A_880 = arith.constant 6912 : index
    %swap3A_881 = arith.constant 96 : index
    %swap3A_882 = vector.load %arg2[%swap3A_880, %swap3A_881] : memref<8192x128xf32, #tpu.memory_space<vmem>>, vector<128x32xf32>
    tpu.vector_store %arg2[%swap3A_880, %swap3A_881], %slice3A_879 {strides = array<i32>} : memref<8192x128xf32, #tpu.memory_space<vmem>>, vector<128x32xf32>,
    %slice3A_883 = vector.extract_strided_slice %dot_general3A_4 {offsets = [28160, 0], sizes = [128, 32], strides = [1, 1]} : vector<32768x32xf32> to vector<128x32xf32>
    %swap3A_884 = arith.constant 7040 : index
    %swap3A_885 = arith.constant 0 : index
    %swap3A_886 = vector.load %arg2[%swap3A_884, %swap3A_885] : memref<8192x128xf32, #tpu.memory_space<vmem>>, vector<128x32xf32>
    tpu.vector_store %arg2[%swap3A_884, %swap3A_885], %slice3A_883 {strides = array<i32>} : memref<8192x128xf32, #tpu.memory_space<vmem>>, vector<128x32xf32>,
    %slice3A_887 = vector.extract_strided_slice %dot_general3A_4 {offsets = [28288, 0], sizes = [128, 32], strides = [1, 1]} : vector<32768x32xf32> to vector<128x32xf32>
    %swap3A_888 = arith.constant 7040 : index
    %swap3A_889 = arith.constant 32 : index
    %swap3A_890 = vector.load %arg2[%swap3A_888, %swap3A_889] : memref<8192x128xf32, #tpu.memory_space<vmem>>, vector<128x32xf32>
    tpu.vector_store %arg2[%swap3A_888, %swap3A_889], %slice3A_887 {strides = array<i32>} : memref<8192x128xf32, #tpu.memory_space<vmem>>, vector<128x32xf32>,
    %slice3A_891 = vector.extract_strided_slice %dot_general3A_4 {offsets = [28416, 0], sizes = [128, 32], strides = [1, 1]} : vector<32768x32xf32> to vector<128x32xf32>
    %swap3A_892 = arith.constant 7040 : index
    %swap3A_893 = arith.constant 64 : index
    %swap3A_894 = vector.load %arg2[%swap3A_892, %swap3A_893] : memref<8192x128xf32, #tpu.memory_space<vmem>>, vector<128x32xf32>
    tpu.vector_store %arg2[%swap3A_892, %swap3A_893], %slice3A_891 {strides = array<i32>} : memref<8192x128xf32, #tpu.memory_space<vmem>>, vector<128x32xf32>,
    %slice3A_895 = vector.extract_strided_slice %dot_general3A_4 {offsets = [28544, 0], sizes = [128, 32], strides = [1, 1]} : vector<32768x32xf32> to vector<128x32xf32>
    %swap3A_896 = arith.constant 7040 : index
    %swap3A_897 = arith.constant 96 : index
    %swap3A_898 = vector.load %arg2[%swap3A_896, %swap3A_897] : memref<8192x128xf32, #tpu.memory_space<vmem>>, vector<128x32xf32>
    tpu.vector_store %arg2[%swap3A_896, %swap3A_897], %slice3A_895 {strides = array<i32>} : memref<8192x128xf32, #tpu.memory_space<vmem>>, vector<128x32xf32>,
    %slice3A_899 = vector.extract_strided_slice %dot_general3A_4 {offsets = [28672, 0], sizes = [128, 32], strides = [1, 1]} : vector<32768x32xf32> to vector<128x32xf32>
    %swap3A_900 = arith.constant 7168 : index
    %swap3A_901 = arith.constant 0 : index
    %swap3A_902 = vector.load %arg2[%swap3A_900, %swap3A_901] : memref<8192x128xf32, #tpu.memory_space<vmem>>, vector<128x32xf32>
    tpu.vector_store %arg2[%swap3A_900, %swap3A_901], %slice3A_899 {strides = array<i32>} : memref<8192x128xf32, #tpu.memory_space<vmem>>, vector<128x32xf32>,
    %slice3A_903 = vector.extract_strided_slice %dot_general3A_4 {offsets = [28800, 0], sizes = [128, 32], strides = [1, 1]} : vector<32768x32xf32> to vector<128x32xf32>
    %swap3A_904 = arith.constant 7168 : index
    %swap3A_905 = arith.constant 32 : index
    %swap3A_906 = vector.load %arg2[%swap3A_904, %swap3A_905] : memref<8192x128xf32, #tpu.memory_space<vmem>>, vector<128x32xf32>
    tpu.vector_store %arg2[%swap3A_904, %swap3A_905], %slice3A_903 {strides = array<i32>} : memref<8192x128xf32, #tpu.memory_space<vmem>>, vector<128x32xf32>,
    %slice3A_907 = vector.extract_strided_slice %dot_general3A_4 {offsets = [28928, 0], sizes = [128, 32], strides = [1, 1]} : vector<32768x32xf32> to vector<128x32xf32>
    %swap3A_908 = arith.constant 7168 : index
    %swap3A_909 = arith.constant 64 : index
    %swap3A_910 = vector.load %arg2[%swap3A_908, %swap3A_909] : memref<8192x128xf32, #tpu.memory_space<vmem>>, vector<128x32xf32>
    tpu.vector_store %arg2[%swap3A_908, %swap3A_909], %slice3A_907 {strides = array<i32>} : memref<8192x128xf32, #tpu.memory_space<vmem>>, vector<128x32xf32>,
    %slice3A_911 = vector.extract_strided_slice %dot_general3A_4 {offsets = [29056, 0], sizes = [128, 32], strides = [1, 1]} : vector<32768x32xf32> to vector<128x32xf32>
    %swap3A_912 = arith.constant 7168 : index
    %swap3A_913 = arith.constant 96 : index
    %swap3A_914 = vector.load %arg2[%swap3A_912, %swap3A_913] : memref<8192x128xf32, #tpu.memory_space<vmem>>, vector<128x32xf32>
    tpu.vector_store %arg2[%swap3A_912, %swap3A_913], %slice3A_911 {strides = array<i32>} : memref<8192x128xf32, #tpu.memory_space<vmem>>, vector<128x32xf32>,
    %slice3A_915 = vector.extract_strided_slice %dot_general3A_4 {offsets = [29184, 0], sizes = [128, 32], strides = [1, 1]} : vector<32768x32xf32> to vector<128x32xf32>
    %swap3A_916 = arith.constant 7296 : index
    %swap3A_917 = arith.constant 0 : index
    %swap3A_918 = vector.load %arg2[%swap3A_916, %swap3A_917] : memref<8192x128xf32, #tpu.memory_space<vmem>>, vector<128x32xf32>
    tpu.vector_store %arg2[%swap3A_916, %swap3A_917], %slice3A_915 {strides = array<i32>} : memref<8192x128xf32, #tpu.memory_space<vmem>>, vector<128x32xf32>,
    %slice3A_919 = vector.extract_strided_slice %dot_general3A_4 {offsets = [29312, 0], sizes = [128, 32], strides = [1, 1]} : vector<32768x32xf32> to vector<128x32xf32>
    %swap3A_920 = arith.constant 7296 : index
    %swap3A_921 = arith.constant 32 : index
    %swap3A_922 = vector.load %arg2[%swap3A_920, %swap3A_921] : memref<8192x128xf32, #tpu.memory_space<vmem>>, vector<128x32xf32>
    tpu.vector_store %arg2[%swap3A_920, %swap3A_921], %slice3A_919 {strides = array<i32>} : memref<8192x128xf32, #tpu.memory_space<vmem>>, vector<128x32xf32>,
    %slice3A_923 = vector.extract_strided_slice %dot_general3A_4 {offsets = [29440, 0], sizes = [128, 32], strides = [1, 1]} : vector<32768x32xf32> to vector<128x32xf32>
    %swap3A_924 = arith.constant 7296 : index
    %swap3A_925 = arith.constant 64 : index
    %swap3A_926 = vector.load %arg2[%swap3A_924, %swap3A_925] : memref<8192x128xf32, #tpu.memory_space<vmem>>, vector<128x32xf32>
    tpu.vector_store %arg2[%swap3A_924, %swap3A_925], %slice3A_923 {strides = array<i32>} : memref<8192x128xf32, #tpu.memory_space<vmem>>, vector<128x32xf32>,
    %slice3A_927 = vector.extract_strided_slice %dot_general3A_4 {offsets = [29568, 0], sizes = [128, 32], strides = [1, 1]} : vector<32768x32xf32> to vector<128x32xf32>
    %swap3A_928 = arith.constant 7296 : index
    %swap3A_929 = arith.constant 96 : index
    %swap3A_930 = vector.load %arg2[%swap3A_928, %swap3A_929] : memref<8192x128xf32, #tpu.memory_space<vmem>>, vector<128x32xf32>
    tpu.vector_store %arg2[%swap3A_928, %swap3A_929], %slice3A_927 {strides = array<i32>} : memref<8192x128xf32, #tpu.memory_space<vmem>>, vector<128x32xf32>,
    %slice3A_931 = vector.extract_strided_slice %dot_general3A_4 {offsets = [29696, 0], sizes = [128, 32], strides = [1, 1]} : vector<32768x32xf32> to vector<128x32xf32>
    %swap3A_932 = arith.constant 7424 : index
    %swap3A_933 = arith.constant 0 : index
    %swap3A_934 = vector.load %arg2[%swap3A_932, %swap3A_933] : memref<8192x128xf32, #tpu.memory_space<vmem>>, vector<128x32xf32>
    tpu.vector_store %arg2[%swap3A_932, %swap3A_933], %slice3A_931 {strides = array<i32>} : memref<8192x128xf32, #tpu.memory_space<vmem>>, vector<128x32xf32>,
    %slice3A_935 = vector.extract_strided_slice %dot_general3A_4 {offsets = [29824, 0], sizes = [128, 32], strides = [1, 1]} : vector<32768x32xf32> to vector<128x32xf32>
    %swap3A_936 = arith.constant 7424 : index
    %swap3A_937 = arith.constant 32 : index
    %swap3A_938 = vector.load %arg2[%swap3A_936, %swap3A_937] : memref<8192x128xf32, #tpu.memory_space<vmem>>, vector<128x32xf32>
    tpu.vector_store %arg2[%swap3A_936, %swap3A_937], %slice3A_935 {strides = array<i32>} : memref<8192x128xf32, #tpu.memory_space<vmem>>, vector<128x32xf32>,
    %slice3A_939 = vector.extract_strided_slice %dot_general3A_4 {offsets = [29952, 0], sizes = [128, 32], strides = [1, 1]} : vector<32768x32xf32> to vector<128x32xf32>
    %swap3A_940 = arith.constant 7424 : index
    %swap3A_941 = arith.constant 64 : index
    %swap3A_942 = vector.load %arg2[%swap3A_940, %swap3A_941] : memref<8192x128xf32, #tpu.memory_space<vmem>>, vector<128x32xf32>
    tpu.vector_store %arg2[%swap3A_940, %swap3A_941], %slice3A_939 {strides = array<i32>} : memref<8192x128xf32, #tpu.memory_space<vmem>>, vector<128x32xf32>,
    %slice3A_943 = vector.extract_strided_slice %dot_general3A_4 {offsets = [30080, 0], sizes = [128, 32], strides = [1, 1]} : vector<32768x32xf32> to vector<128x32xf32>
    %swap3A_944 = arith.constant 7424 : index
    %swap3A_945 = arith.constant 96 : index
    %swap3A_946 = vector.load %arg2[%swap3A_944, %swap3A_945] : memref<8192x128xf32, #tpu.memory_space<vmem>>, vector<128x32xf32>
    tpu.vector_store %arg2[%swap3A_944, %swap3A_945], %slice3A_943 {strides = array<i32>} : memref<8192x128xf32, #tpu.memory_space<vmem>>, vector<128x32xf32>,
    %slice3A_947 = vector.extract_strided_slice %dot_general3A_4 {offsets = [30208, 0], sizes = [128, 32], strides = [1, 1]} : vector<32768x32xf32> to vector<128x32xf32>
    %swap3A_948 = arith.constant 7552 : index
    %swap3A_949 = arith.constant 0 : index
    %swap3A_950 = vector.load %arg2[%swap3A_948, %swap3A_949] : memref<8192x128xf32, #tpu.memory_space<vmem>>, vector<128x32xf32>
    tpu.vector_store %arg2[%swap3A_948, %swap3A_949], %slice3A_947 {strides = array<i32>} : memref<8192x128xf32, #tpu.memory_space<vmem>>, vector<128x32xf32>,
    %slice3A_951 = vector.extract_strided_slice %dot_general3A_4 {offsets = [30336, 0], sizes = [128, 32], strides = [1, 1]} : vector<32768x32xf32> to vector<128x32xf32>
    %swap3A_952 = arith.constant 7552 : index
    %swap3A_953 = arith.constant 32 : index
    %swap3A_954 = vector.load %arg2[%swap3A_952, %swap3A_953] : memref<8192x128xf32, #tpu.memory_space<vmem>>, vector<128x32xf32>
    tpu.vector_store %arg2[%swap3A_952, %swap3A_953], %slice3A_951 {strides = array<i32>} : memref<8192x128xf32, #tpu.memory_space<vmem>>, vector<128x32xf32>,
    %slice3A_955 = vector.extract_strided_slice %dot_general3A_4 {offsets = [30464, 0], sizes = [128, 32], strides = [1, 1]} : vector<32768x32xf32> to vector<128x32xf32>
    %swap3A_956 = arith.constant 7552 : index
    %swap3A_957 = arith.constant 64 : index
    %swap3A_958 = vector.load %arg2[%swap3A_956, %swap3A_957] : memref<8192x128xf32, #tpu.memory_space<vmem>>, vector<128x32xf32>
    tpu.vector_store %arg2[%swap3A_956, %swap3A_957], %slice3A_955 {strides = array<i32>} : memref<8192x128xf32, #tpu.memory_space<vmem>>, vector<128x32xf32>,
    %slice3A_959 = vector.extract_strided_slice %dot_general3A_4 {offsets = [30592, 0], sizes = [128, 32], strides = [1, 1]} : vector<32768x32xf32> to vector<128x32xf32>
    %swap3A_960 = arith.constant 7552 : index
    %swap3A_961 = arith.constant 96 : index
    %swap3A_962 = vector.load %arg2[%swap3A_960, %swap3A_961] : memref<8192x128xf32, #tpu.memory_space<vmem>>, vector<128x32xf32>
    tpu.vector_store %arg2[%swap3A_960, %swap3A_961], %slice3A_959 {strides = array<i32>} : memref<8192x128xf32, #tpu.memory_space<vmem>>, vector<128x32xf32>,
    %slice3A_963 = vector.extract_strided_slice %dot_general3A_4 {offsets = [30720, 0], sizes = [128, 32], strides = [1, 1]} : vector<32768x32xf32> to vector<128x32xf32>
    %swap3A_964 = arith.constant 7680 : index
    %swap3A_965 = arith.constant 0 : index
    %swap3A_966 = vector.load %arg2[%swap3A_964, %swap3A_965] : memref<8192x128xf32, #tpu.memory_space<vmem>>, vector<128x32xf32>
    tpu.vector_store %arg2[%swap3A_964, %swap3A_965], %slice3A_963 {strides = array<i32>} : memref<8192x128xf32, #tpu.memory_space<vmem>>, vector<128x32xf32>,
    %slice3A_967 = vector.extract_strided_slice %dot_general3A_4 {offsets = [30848, 0], sizes = [128, 32], strides = [1, 1]} : vector<32768x32xf32> to vector<128x32xf32>
    %swap3A_968 = arith.constant 7680 : index
    %swap3A_969 = arith.constant 32 : index
    %swap3A_970 = vector.load %arg2[%swap3A_968, %swap3A_969] : memref<8192x128xf32, #tpu.memory_space<vmem>>, vector<128x32xf32>
    tpu.vector_store %arg2[%swap3A_968, %swap3A_969], %slice3A_967 {strides = array<i32>} : memref<8192x128xf32, #tpu.memory_space<vmem>>, vector<128x32xf32>,
    %slice3A_971 = vector.extract_strided_slice %dot_general3A_4 {offsets = [30976, 0], sizes = [128, 32], strides = [1, 1]} : vector<32768x32xf32> to vector<128x32xf32>
    %swap3A_972 = arith.constant 7680 : index
    %swap3A_973 = arith.constant 64 : index
    %swap3A_974 = vector.load %arg2[%swap3A_972, %swap3A_973] : memref<8192x128xf32, #tpu.memory_space<vmem>>, vector<128x32xf32>
    tpu.vector_store %arg2[%swap3A_972, %swap3A_973], %slice3A_971 {strides = array<i32>} : memref<8192x128xf32, #tpu.memory_space<vmem>>, vector<128x32xf32>,
    %slice3A_975 = vector.extract_strided_slice %dot_general3A_4 {offsets = [31104, 0], sizes = [128, 32], strides = [1, 1]} : vector<32768x32xf32> to vector<128x32xf32>
    %swap3A_976 = arith.constant 7680 : index
    %swap3A_977 = arith.constant 96 : index
    %swap3A_978 = vector.load %arg2[%swap3A_976, %swap3A_977] : memref<8192x128xf32, #tpu.memory_space<vmem>>, vector<128x32xf32>
    tpu.vector_store %arg2[%swap3A_976, %swap3A_977], %slice3A_975 {strides = array<i32>} : memref<8192x128xf32, #tpu.memory_space<vmem>>, vector<128x32xf32>,
    %slice3A_979 = vector.extract_strided_slice %dot_general3A_4 {offsets = [31232, 0], sizes = [128, 32], strides = [1, 1]} : vector<32768x32xf32> to vector<128x32xf32>
    %swap3A_980 = arith.constant 7808 : index
    %swap3A_981 = arith.constant 0 : index
    %swap3A_982 = vector.load %arg2[%swap3A_980, %swap3A_981] : memref<8192x128xf32, #tpu.memory_space<vmem>>, vector<128x32xf32>
    tpu.vector_store %arg2[%swap3A_980, %swap3A_981], %slice3A_979 {strides = array<i32>} : memref<8192x128xf32, #tpu.memory_space<vmem>>, vector<128x32xf32>,
    %slice3A_983 = vector.extract_strided_slice %dot_general3A_4 {offsets = [31360, 0], sizes = [128, 32], strides = [1, 1]} : vector<32768x32xf32> to vector<128x32xf32>
    %swap3A_984 = arith.constant 7808 : index
    %swap3A_985 = arith.constant 32 : index
    %swap3A_986 = vector.load %arg2[%swap3A_984, %swap3A_985] : memref<8192x128xf32, #tpu.memory_space<vmem>>, vector<128x32xf32>
    tpu.vector_store %arg2[%swap3A_984, %swap3A_985], %slice3A_983 {strides = array<i32>} : memref<8192x128xf32, #tpu.memory_space<vmem>>, vector<128x32xf32>,
    %slice3A_987 = vector.extract_strided_slice %dot_general3A_4 {offsets = [31488, 0], sizes = [128, 32], strides = [1, 1]} : vector<32768x32xf32> to vector<128x32xf32>
    %swap3A_988 = arith.constant 7808 : index
    %swap3A_989 = arith.constant 64 : index
    %swap3A_990 = vector.load %arg2[%swap3A_988, %swap3A_989] : memref<8192x128xf32, #tpu.memory_space<vmem>>, vector<128x32xf32>
    tpu.vector_store %arg2[%swap3A_988, %swap3A_989], %slice3A_987 {strides = array<i32>} : memref<8192x128xf32, #tpu.memory_space<vmem>>, vector<128x32xf32>,
    %slice3A_991 = vector.extract_strided_slice %dot_general3A_4 {offsets = [31616, 0], sizes = [128, 32], strides = [1, 1]} : vector<32768x32xf32> to vector<128x32xf32>
    %swap3A_992 = arith.constant 7808 : index
    %swap3A_993 = arith.constant 96 : index
    %swap3A_994 = vector.load %arg2[%swap3A_992, %swap3A_993] : memref<8192x128xf32, #tpu.memory_space<vmem>>, vector<128x32xf32>
    tpu.vector_store %arg2[%swap3A_992, %swap3A_993], %slice3A_991 {strides = array<i32>} : memref<8192x128xf32, #tpu.memory_space<vmem>>, vector<128x32xf32>,
    %slice3A_995 = vector.extract_strided_slice %dot_general3A_4 {offsets = [31744, 0], sizes = [128, 32], strides = [1, 1]} : vector<32768x32xf32> to vector<128x32xf32>
    %swap3A_996 = arith.constant 7936 : index
    %swap3A_997 = arith.constant 0 : index
    %swap3A_998 = vector.load %arg2[%swap3A_996, %swap3A_997] : memref<8192x128xf32, #tpu.memory_space<vmem>>, vector<128x32xf32>
    tpu.vector_store %arg2[%swap3A_996, %swap3A_997], %slice3A_995 {strides = array<i32>} : memref<8192x128xf32, #tpu.memory_space<vmem>>, vector<128x32xf32>,
    %slice3A_999 = vector.extract_strided_slice %dot_general3A_4 {offsets = [31872, 0], sizes = [128, 32], strides = [1, 1]} : vector<32768x32xf32> to vector<128x32xf32>
    %swap3A_1000 = arith.constant 7936 : index
    %swap3A_1001 = arith.constant 32 : index
    %swap3A_1002 = vector.load %arg2[%swap3A_1000, %swap3A_1001] : memref<8192x128xf32, #tpu.memory_space<vmem>>, vector<128x32xf32>
    tpu.vector_store %arg2[%swap3A_1000, %swap3A_1001], %slice3A_999 {strides = array<i32>} : memref<8192x128xf32, #tpu.memory_space<vmem>>, vector<128x32xf32>,
    %slice3A_1003 = vector.extract_strided_slice %dot_general3A_4 {offsets = [32000, 0], sizes = [128, 32], strides = [1, 1]} : vector<32768x32xf32> to vector<128x32xf32>
    %swap3A_1004 = arith.constant 7936 : index
    %swap3A_1005 = arith.constant 64 : index
    %swap3A_1006 = vector.load %arg2[%swap3A_1004, %swap3A_1005] : memref<8192x128xf32, #tpu.memory_space<vmem>>, vector<128x32xf32>
    tpu.vector_store %arg2[%swap3A_1004, %swap3A_1005], %slice3A_1003 {strides = array<i32>} : memref<8192x128xf32, #tpu.memory_space<vmem>>, vector<128x32xf32>,
    %slice3A_1007 = vector.extract_strided_slice %dot_general3A_4 {offsets = [32128, 0], sizes = [128, 32], strides = [1, 1]} : vector<32768x32xf32> to vector<128x32xf32>
    %swap3A_1008 = arith.constant 7936 : index
    %swap3A_1009 = arith.constant 96 : index
    %swap3A_1010 = vector.load %arg2[%swap3A_1008, %swap3A_1009] : memref<8192x128xf32, #tpu.memory_space<vmem>>, vector<128x32xf32>
    tpu.vector_store %arg2[%swap3A_1008, %swap3A_1009], %slice3A_1007 {strides = array<i32>} : memref<8192x128xf32, #tpu.memory_space<vmem>>, vector<128x32xf32>,
    %slice3A_1011 = vector.extract_strided_slice %dot_general3A_4 {offsets = [32256, 0], sizes = [128, 32], strides = [1, 1]} : vector<32768x32xf32> to vector<128x32xf32>
    %swap3A_1012 = arith.constant 8064 : index
    %swap3A_1013 = arith.constant 0 : index
    %swap3A_1014 = vector.load %arg2[%swap3A_1012, %swap3A_1013] : memref<8192x128xf32, #tpu.memory_space<vmem>>, vector<128x32xf32>
    tpu.vector_store %arg2[%swap3A_1012, %swap3A_1013], %slice3A_1011 {strides = array<i32>} : memref<8192x128xf32, #tpu.memory_space<vmem>>, vector<128x32xf32>,
    %slice3A_1015 = vector.extract_strided_slice %dot_general3A_4 {offsets = [32384, 0], sizes = [128, 32], strides = [1, 1]} : vector<32768x32xf32> to vector<128x32xf32>
    %swap3A_1016 = arith.constant 8064 : index
    %swap3A_1017 = arith.constant 32 : index
    %swap3A_1018 = vector.load %arg2[%swap3A_1016, %swap3A_1017] : memref<8192x128xf32, #tpu.memory_space<vmem>>, vector<128x32xf32>
    tpu.vector_store %arg2[%swap3A_1016, %swap3A_1017], %slice3A_1015 {strides = array<i32>} : memref<8192x128xf32, #tpu.memory_space<vmem>>, vector<128x32xf32>,
    %slice3A_1019 = vector.extract_strided_slice %dot_general3A_4 {offsets = [32512, 0], sizes = [128, 32], strides = [1, 1]} : vector<32768x32xf32> to vector<128x32xf32>
    %swap3A_1020 = arith.constant 8064 : index
    %swap3A_1021 = arith.constant 64 : index
    %swap3A_1022 = vector.load %arg2[%swap3A_1020, %swap3A_1021] : memref<8192x128xf32, #tpu.memory_space<vmem>>, vector<128x32xf32>
    tpu.vector_store %arg2[%swap3A_1020, %swap3A_1021], %slice3A_1019 {strides = array<i32>} : memref<8192x128xf32, #tpu.memory_space<vmem>>, vector<128x32xf32>,
    %slice3A_1023 = vector.extract_strided_slice %dot_general3A_4 {offsets = [32640, 0], sizes = [128, 32], strides = [1, 1]} : vector<32768x32xf32> to vector<128x32xf32>
    %swap3A_1024 = arith.constant 8064 : index
    %swap3A_1025 = arith.constant 96 : index
    %swap3A_1026 = vector.load %arg2[%swap3A_1024, %swap3A_1025] : memref<8192x128xf32, #tpu.memory_space<vmem>>, vector<128x32xf32>
    tpu.vector_store %arg2[%swap3A_1024, %swap3A_1025], %slice3A_1023 {strides = array<i32>} : memref<8192x128xf32, #tpu.memory_space<vmem>>, vector<128x32xf32>,
    return
  }
  func.func @transform_0(%arg0: i32) -> (i32, i32) {
    %c0_i32 = arith.constant 0 : i32
    %c0_i32_0 = arith.constant 0 : i32
    return %c0_i32, %arg0 : i32, i32
  }
  func.func @transform_1(%arg0: i32) -> (i32, i32) {
    %c0_i32 = arith.constant 0 : i32
    %c0_i32_0 = arith.constant 0 : i32
    return %arg0, %c0_i32 : i32, i32
  }
}

</mosaic_0001>

<sc_bundles>
// kernel: kernel.4.cloned.1.call-start
scs
__scs_entry_jumppad:
0x0: {  	(pc) =	sbr.rel $0x88, $3  }
0x1: {  	(tag) =	ssettag $0x0;
	lr =	simm.s32 $0x1  }
0x2: {  	[smem:$0x3F9E] =	sst lr;
	_ =	strace $0xD0000000  }
0x3: {  	_ = 	snop  }
0x4: {  	_ = 	snop  }
0x5: {  	_ = 	snop  }
0x6: {  	_ = 	snop  }
0x7: {  	_ = 	snop  }
__scs_overlays_trampoline_lowered:
0x8: {  	[smem:$0x3FAD] =	sst s0  }
0x9: {  	[smem:$0x3FAE] =	sst s1  }
0xa: {  	[smem:$0x3FAF] =	sst s2  }
0xb: {  	[smem:$0x3FB0] =	sst s3  }
0xc: {  	[smem:$0x3FB1] =	sst s4  }
0xd: {  	[smem:$0x3FB2] =	sst s5  }
0xe: {  	[smem:$0x3FB3] =	sst s6  }
0xf: {  	[smem:$0x3FB4] =	sst s7  }
0x10: {  	[smem:$0x3FB5] =	sst s8  }
0x11: {  	[smem:$0x3FB6] =	sst s9;
	s0 =	simm.s32 @!p0 $0x0  }
0x12: {  	s1 =	sld [smem:$0x3F9C];
	s0 =	simm.s32 @p0 $0x1  }
0x13: {  	[smem:$0x3FB7] =	sst s0;
	s0 =	simm.s32 @!p1 $0x0  }
0x14: {  	s2 =	sld [smem:$0x3F9B];
	s0 =	simm.s32 @p1 $0x1  }
0x15: {  	[smem:$0x3FB8] =	sst s0;
	s0 =	simm.s32 @!p2 $0x0  }
0x16: {  	s3 =	sld [smem:$0x3FDB];
	s0 =	simm.s32 @p2 $0x1  }
0x17: {  	s4 =	simm.s32 $0x1BF5;
	[smem:$0x3FBA] =	sst s0  }
0x18: {  	s0 =	sld [smem:$0x3F9D];
	_ =	swait.ge [sflag:s4], $0x0  }
0x19: {  	s7 =	sld [smem:$0x3F9E]  }
0x1a: {  	s8 =	sadd.s32 $0xFFFFE003, lr  }
0x1b: {  	s9 =	sadd.s32 $0xFFFFFEF7, lr;
	s5 =	simm.s32 $0xFFFFFFFF;
	p2 =	slt.u32 s8, $0xFFFFF086  }
0x1c: {  	p1 =	slt.u32 s9, $0xF7A;
	s5 =	simm.s32 @!p2 $0x0  }
0x1d: {  	s5 =	simm.s32 @p1 $0x1;
	p0 =	seq.s32 s7, s2  }
0x1e: {  	s7 =	smul.u32 @!p0 $0xF7A, s2;
	p2 =	seq.s32 @!p0 s5, $0x0  }
0x1f: {  	s9 =	smul.u32 $0xF7A, s1;
	s8 =	simm.s32 @!p0 $0x1BF5;
	p2 =	por !p2, p0  }
0x20: {  	[sflag:s8] =	ssyncset.s32 @!p0 $0xFFFFF086;
	s6 =	sadd.s32 @!p0 s3, s7;
	s7 =	simm.s32 @!p0 $0x108  }
0x21: {  	s3 =	sadd.s32 s3, s9;
	s6 =	sadd.s32 @!p0 $0x88, s6;
	s7 =	simm.s32 @p2 $0x1082  }
0x22: {  	[simem:s7], [sflag:s8] =	dma.local @!p0 [hbm:s6], $0xF7A  }
0x23: {  	s9 =	sor.u32 $0xD0000000, s2;
	s6 =	simm.s32 $0x108;
	_ =	swait.ge @!p0 [sflag:s8], $0x0  }
0x24: {  	s3 =	sadd.s32 $0x88, s3;
	s6 =	simm.s32 @!p1 $0x1082;
	[sflag:s4] =	ssyncset.s32 $0xFFFFF086  }
0x25: {  	[simem:s6], [sflag:s4] =	dma.local [hbm:s3], $0xF7A  }
0x26: {  	[smem:$0x3F9E] =	sst s1;
	(tag) =	ssettag s2;
	_ =	strace s9  }
0x27: {  	s1 =	sld [smem:$0x3FAE]  }
0x28: {  	s2 =	sld [smem:$0x3FAF]  }
0x29: {  	s4 =	sld [smem:$0x3FB1]  }
0x2a: {  	p0 =	seq.s32 s5, $0x0;
	s5 =	sld [smem:$0x3FB2]  }
0x2b: {  	s6 =	sld [smem:$0x3FB3]  }
0x2c: {  	s7 =	sld [smem:$0x3FB4]  }
0x2d: {  	s3 =	simm.s32 $0x108;
	s8 =	sld [smem:$0x3FB5]  }
0x2e: {  	s3 =	simm.s32 @!p0 $0x1082;
	s9 =	sld [smem:$0x3FB6]  }
0x2f: {  	lr =	sadd.s32 s0, s3;
	s0 =	sld [smem:$0x3FAD]  }
0x30: {  	s3 =	sld [smem:$0x3FB0]  }
0x31: {  	[smem:$0x3FB9] =	sst s10  }
0x32: {  	s10 =	sld [smem:$0x3FB7];
	_ =	sdelay $0x3  }
0x33: {  	p0 =	seq.s32 s10, $0x1;
	s10 =	sld [smem:$0x3FB9];
	_ =	sdelay $0x3  }
0x34: {  	[smem:$0x3FB9] =	sst s10  }
0x35: {  	s10 =	sld [smem:$0x3FB8];
	_ =	sdelay $0x3  }
0x36: {  	p1 =	seq.s32 s10, $0x1;
	s10 =	sld [smem:$0x3FB9];
	_ =	sdelay $0x3  }
0x37: {  	[smem:$0x3FB9] =	sst s10  }
0x38: {  	s10 =	sld [smem:$0x3FBA]  }
0x39: {  	_ = 	snop;
	(pc) =	sbr.ind lr, $3  }
0x3a: {  	_ = 	snop  }
0x3b: {  	_ = 	snop  }
0x3c: {  	p2 =	seq.s32 s10, $0x1;
	s10 =	sld [smem:$0x3FB9]  }
0x3d: {  	_ =	shalt  }
0x3e: {  	_ =	shalt  }
0x3f: {  	_ =	shalt  }
0x40: {  	_ =	shalt  }
0x41: {  	_ =	shalt  }
0x42: {  	_ =	shalt  }
0x43: {  	_ =	shalt  }
0x44: {  	_ =	shalt  }
0x45: {  	_ =	shalt  }
0x46: {  	_ =	shalt  }
0x47: {  	_ =	shalt  }
0x48: {  	_ =	shalt  }
0x49: {  	_ =	shalt  }
0x4a: {  	_ =	shalt  }
0x4b: {  	_ =	shalt  }
0x4c: {  	_ =	shalt  }
0x4d: {  	_ =	shalt  }
0x4e: {  	_ =	shalt  }
0x4f: {  	_ =	shalt  }
0x50: {  	_ =	shalt  }
0x51: {  	_ =	shalt  }
0x52: {  	_ =	shalt  }
0x53: {  	_ =	shalt  }
0x54: {  	_ =	shalt  }
0x55: {  	_ =	shalt  }
0x56: {  	_ =	shalt  }
0x57: {  	_ =	shalt  }
0x58: {  	_ =	shalt  }
0x59: {  	_ =	shalt  }
0x5a: {  	_ =	shalt  }
0x5b: {  	_ =	shalt  }
0x5c: {  	_ =	shalt  }
0x5d: {  	_ =	shalt  }
0x5e: {  	_ =	shalt  }
0x5f: {  	_ =	shalt  }
0x60: {  	_ =	shalt  }
0x61: {  	_ =	shalt  }
0x62: {  	_ =	shalt  }
0x63: {  	_ =	shalt  }
0x64: {  	_ =	shalt  }
0x65: {  	_ =	shalt  }
0x66: {  	_ =	shalt  }
0x67: {  	_ =	shalt  }
0x68: {  	_ =	shalt  }
0x69: {  	_ =	shalt  }
0x6a: {  	_ =	shalt  }
0x6b: {  	_ =	shalt  }
0x6c: {  	_ =	shalt  }
0x6d: {  	_ =	shalt  }
0x6e: {  	_ =	shalt  }
0x6f: {  	_ =	shalt  }
0x70: {  	_ =	shalt  }
0x71: {  	_ =	shalt  }
0x72: {  	_ =	shalt  }
0x73: {  	_ =	shalt  }
0x74: {  	_ =	shalt  }
0x75: {  	_ =	shalt  }
0x76: {  	_ =	shalt  }
0x77: {  	_ =	shalt  }
0x78: {  	_ =	shalt  }
0x79: {  	_ =	shalt  }
0x7a: {  	_ =	shalt  }
0x7b: {  	_ =	shalt  }
0x7c: {  	_ =	shalt  }
0x7d: {  	_ =	shalt  }
0x7e: {  	_ =	shalt  }
0x7f: {  	_ =	shalt  }
0x80: {  	_ =	shalt  }
0x81: {  	_ =	shalt  }
0x82: {  	_ =	shalt  }
0x83: {  	_ =	shalt  }
0x84: {  	_ =	shalt  }
0x85: {  	_ =	shalt  }
0x86: {  	_ =	shalt  }
0x87: {  	_ =	shalt  }
.Lfunc_end0:
.L_simem_size_0:
called_computation_lowered:
.L_overlay_start_0:
0x88: {  	s2 =	sld [smem:$0x3FD9]  }
0x89: {  	s3 =	sld [smem:$0x3FFE];
	_ =	sdelay $0x1  }
0x8a: {  	s1 =	srdreg.scid  }
0x8b: {  	s0 =	sand.u32 $0x1, s1  }
0x8c: {  	s17 =	sshll.u32 s0, $0xA;
	s2 =	sadd.s32 s3, s2  }
0x8d: {  	s2 =	sadd.s32 s2, s17  }
0x8e: {  	[smem:$0x3FC5] =	sst s2  }
0x8f: {  	_ = 	snop  }
0x90: {  	s2 =	sld [smem:$0x3FC9]  }
0x91: {  	s18 =	sld [smem:$0x3FD0];
	(tm) =	ssettm $0x1  }
0x92: {  	s4 =	sld [smem:$0x3FFB];
	_ =	sdelay $0x3  }
0x93: {  	_ =	strace s4  }
0x94: {  	s4 =	sld [smem:$0x3FFC];
	_ =	sdelay $0x3  }
0x95: {  	_ =	strace s4  }
0x96: {  	s4 =	sld [smem:$0x3FFD];
	_ =	sdelay $0x3  }
0x97: {  	_ =	strace s4  }
0x98: {  	_ =	strace $0x8FFFFFFF  }
0x99: {  	s19 =	sld [smem:$0x3FDB];
	_ =	sdelay $0x1  }
0x9a: {  	s5 =	simm.s32 $_scs_section_size  }
0x9b: {  	s6 =	simm.s32 $_size__tile_overlayer_lowered;
	s7 =	simm.s32 $_tile_overlayer_lowered  }
0x9c: {  	s22 =	simm.s32 $0x1BFF;
	s21 =	sshll.u32 s7, $0x1;
	s4 =	sadd.s32 s5, s19  }
0x9d: {  	s8 =	simm.s32 $0x0;
	s20 =	sshll.u32 s6, $0x1;
	s6 =	sadd.s32 s21, s4  }
0x9e: {  	[timem:s8], [sflag:s22] =	dma.local [hbm:s6], s20  }
0x9f: {  	_ =	swait.ge [sflag:s22], s20  }
0xa0: {  	s5 =	ssub.s32 $0x0, s20;
	[sflag:s22] =	ssyncset.done $0x0  }
0xa1: {  	[sflag:s22] =	ssyncadd.s32 s5;
	_ =	sdelay $0x1  }
0xa2: {  	s23 =	simm.s32 $0x1B8B  }
0xa3: {  	_ =	swait.ge [sflag:s23], $0x1  }
0xa4: {  	[sflag:s23] =	ssyncset.done $0x0  }
0xa5: {  	s25 =	simm.s32 $0x1B8E;
	s24 =	sld [smem:$0x3FFE];
	[sflag:s23] =	ssyncadd.s32 $0xFFFFFFFF  }
0xa6: {  	s26 =	simm.s32 $execute0_lowered;
	[smem:$0x3FD2] =	sst s25  }
0xa7: {  	s6 =	sshll.u32 s26, $0x1;
	_ =	strace $0x80000046;
	[dreg:$0x1] =	wrdreg $0xFFFFFFFF  }
0xa8: {  	s28 =	simm.s32 $_size_execute0_lowered;
	s4 =	sadd.s32 s4, s6;
	[dreg:$0x0] =	wrdreg $0x0  }
0xa9: {  	s6 =	sshll.u32 s28, $0x1;
	[dreg:$0x2] =	wrdreg s4  }
0xaa: {  	[dreg:$0x3] =	wrdreg s6  }
0xab: {  	[dreg:$0x4] =	wrdreg $0xC0  }
0xac: {  	_ =	task [dreg:s8], $0x5FFFF  }
0xad: {  	[dreg:$0x1] =	wrdreg $0xFFFFFFFF  }
0xae: {  	[dreg:$0x0] =	wrdreg $0x60  }
0xaf: {  	[dreg:$0x2] =	wrdreg s2  }
0xb0: {  	[dreg:$0x3] =	wrdreg s24  }
0xb1: {  	[dreg:$0x4] =	wrdreg s18  }
0xb2: {  	[dreg:$0x5] =	wrdreg $0x9  }
0xb3: {  	_ =	task.clear_ibuf [dreg:s8], $0x6FFFF;
	_ =	strace $0x90000046  }
0xb4: {  	s29 =	simm.s32 $0x9;
	_ =	strace $0x80000048  }
0xb5: {  	_ =	swait.ge [sflag:s29], $0x1  }
0xb6: {  	[sflag:s29] =	ssyncadd.s32 $0xFFFFFFFF  }
0xb7: {  	_ =	strace $0x90000048  }
0xb8: {  	_ =	sfence  }
0xb9: {  	s30 =	sld [smem:$0x0];
	_ =	sdelay $0x2  }
0xba: {  	s31 =	sshll.u32 s1, $0xD;
	s1 =	sshrl.u32 s1, $0x2  }
0xbb: {  	s3 =	sand.u32 $0x4000, s31;
	s1 =	sadd.s32 s1, s30  }
0xbc: {  	s0 =	sor.u32 s3, s0;
	s1 =	sshll.u32 s1, $0x11  }
0xbd: {  	s0 =	sor.u32 s1, s0  }
0xbe: {  	s0 =	sadd.s32 $0x8F2B, s0  }
0xbf: {  	[sflag:s0] =	ssyncadd.remote.s32 $0x1  }
0xc0: {  	_ =	sfence.sel $0xFFFF  }
0xc1: {  	[dreg:$0x0] =	wrdreg $0xFFFFFFFF;
	(pc) =	sbr.abs _section_cstart, $3  }
0xc2: {  	[dreg:$0x1] =	wrdreg $0xFFFFFFFF  }
0xc3: {  	_ =	task.clear_ibuf [dreg:s8], $0x2FFFF;
	_ =	strace $0x9FFFFFFF  }
0xc4: {  	(tm) =	ssettm $0x7FFFFFFF  }
0xc5: {  	_ =	shalt  }
tec
execute0_lowered:
.L_overlay_start_1:
0x0: {  	(tag) =	ssettag $0x1  }
0x1: {  	s0 =	rddreg [dreg:$0x0]  }
0x2: {  	s1 =	rddreg [dreg:$0x1]  }
0x3: {  	s2 =	rddreg [dreg:$0x2];
	s4 =	srdreg.scid;
	s3 =	simm.s32 $0x0  }
0x4: {  	s5 =	stileid.u32;
	s4 =	sand.u32 $0x1, s4;
	[smem:$0x7FF] =	sst s3  }
0x5: {  	s5 =	sshll.u32 s5, $0xB;
	s6 =	sshll.u32 s4, $0xA;
	s7 =	ssub.s32 $0x2, s4  }
0x6: {  	_ =	strace $0x80000047;
	s4 =	sor.u32 s6, s5;
	s31 =	sshrl.u32 s7, $0x1  }
0x7: {  	s5 =	sadd.s32 $0x800, s1;
	s1 =	sadd.s32 $0x400, s1;
	s7 =	ssub.s32 s7, s31  }
0x8: {  	s8 =	sshrl.u32 s4, $0x3;
	[dreg:$0x4] =	wrdreg s1;
	s1 =	smax.u32 s7, $0x1  }
0x9: {  	s0 =	sadd.s32 s0, s8;
	[dreg:$0x17] =	wrdreg s1  }
0xa: {  	s8 =	sadd.s32 $0x1000, s0;
	[dreg:$0x5] =	wrdreg s0  }
0xb: {  	s9 =	sadd.s32 $0x2000, s0;
	[dreg:$0x6] =	wrdreg s8  }
0xc: {  	s10 =	sadd.s32 $0x3000, s0;
	[dreg:$0x7] =	wrdreg s9  }
0xd: {  	s11 =	sadd.s32 $0x4000, s0;
	[dreg:$0x8] =	wrdreg s10  }
0xe: {  	s12 =	sadd.s32 $0x5000, s0;
	[dreg:$0x9] =	wrdreg s11  }
0xf: {  	s13 =	sadd.s32 $0x6000, s0;
	[dreg:$0xa] =	wrdreg s12  }
0x10: {  	s14 =	sadd.s32 $0x7000, s0;
	[dreg:$0xb] =	wrdreg s13  }
0x11: {  	s15 =	sadd.s32 $0x8000, s0;
	[dreg:$0xc] =	wrdreg s14  }
0x12: {  	s16 =	sadd.s32 $0x9000, s0;
	[dreg:$0xd] =	wrdreg s15  }
0x13: {  	s17 =	sadd.s32 $0xA000, s0;
	[dreg:$0xe] =	wrdreg s16  }
0x14: {  	s18 =	sadd.s32 $0xB000, s0;
	[dreg:$0xf] =	wrdreg s17  }
0x15: {  	s19 =	sadd.s32 $0xC000, s0;
	[dreg:$0x10] =	wrdreg s18  }
0x16: {  	s20 =	sadd.s32 $0xD000, s0;
	[dreg:$0x11] =	wrdreg s19  }
0x17: {  	s21 =	sadd.s32 $0xE000, s0;
	[dreg:$0x12] =	wrdreg s20  }
0x18: {  	s22 =	sadd.s32 $0xF000, s0;
	[dreg:$0x13] =	wrdreg s21  }
0x19: {  	s23 =	sadd.s32 $0x10000, s0;
	[dreg:$0x14] =	wrdreg s22  }
0x1a: {  	s24 =	sadd.s32 $0x11000, s0;
	[dreg:$0x15] =	wrdreg s23  }
0x1b: {  	s25 =	sadd.s32 $0x12000, s0;
	[dreg:$0x16] =	wrdreg s24  }
0x1c: {  	s26 =	sadd.s32 $0x13000, s0;
	[dreg:$0x18] =	wrdreg s25  }
0x1d: {  	s28 =	sadd.s32 $0x14000, s0;
	[dreg:$0x19] =	wrdreg s26  }
0x1e: {  	s29 =	sadd.s32 $0x15000, s0;
	[dreg:$0x1a] =	wrdreg s28  }
0x1f: {  	s30 =	sadd.s32 $0x16000, s0;
	[dreg:$0x1b] =	wrdreg s29  }
0x20: {  	v0 =	vlaneseq.u32;
	s6 =	simm.s32 $0x9;
	s31 =	sadd.s32 $0x17000, s0;
	[dreg:$0x1c] =	wrdreg s30  }
0x21: {  	v1 =	vimm.s32 $0x0;
	vm0 =	vcmask $0x300;
	v0 =	vmul.u32 $0x88, v0;
	s7 =	simm.s32 $0xDF00;
	s0 =	sadd.s32 $0x18000, s0;
	[dreg:$0x1d] =	wrdreg s31  }
0x22: {  	v1 =	vsel vm0, $0x3, v1;
	s1 =	simm.s32 $0x3;
	[dreg:$0x1e] =	wrdreg s0;
	s8 =	simm.s32 $0x80  }
.Ltmp0:
0x23: {  	v2 =	vadd.s32 $0x880, v0;
	v3 =	vor.u32 $0x1, v0;
	v4 =	vadd.s32 $0x881, v0;
	s10 =	simm.s32 $0x1;
	s11 =	simm.s32 $0xBD00;
	(pc) =	sbr.rel .LBB2_1-.Ltmp0, $4  }
0x24: {  	v5 =	vor.u32 $0x2, v0;
	v6 =	vadd.s32 $0x882, v0;
	v7 =	vor.u32 $0x3, v0;
	s20 =	simm.s32 $0x2;
	s21 =	simm.s32 $0xCE00;
	s25 =	simm.s32 $0x4  }
0x25: {  	v8 =	vadd.s32 $0x883, v0;
	v9 =	vor.u32 $0x4, v0;
	v10 =	vadd.s32 $0x884, v0;
	s26 =	simm.s32 $0xF000;
	s16 =	simm.s32 $0xFEE0;
	s17 =	simm.s32 $0xFF68  }
0x26: {  	v11 =	vor.u32 $0x5, v0;
	v12 =	vadd.s32 $0x885, v0;
	v13 =	vor.u32 $0x6, v0;
	s18 =	simm.s32 $0xFFF0;
	s19 =	simm.s32 $0x10078;
	s22 =	simm.s32 $0x6  }
0x27: {  	v14 =	vadd.s32 $0x886, v0;
	v15 =	vor.u32 $0x7, v0;
	v16 =	vadd.s32 $0x887, v0;
	s23 =	simm.s32 $0x7;
	s24 =	simm.s32 $0x8;
	s9 =	simm.s32 $0x0  }
.LBB2_20:
0x28: {  	s0 =	simm.s32 $0x5  }
0x29: {  	_ =	swait.ge [sflag:s0], $0x1000  }
0x2a: {  	[sflag:s0] =	ssyncset.done $0x0  }
0x2b: {  	[sflag:s0] =	ssyncadd.s32 $0xFFFFF000  }
0x2c: {  	_ =	swait.ge [sflag:s22], $0x1000  }
0x2d: {  	[sflag:s22] =	ssyncset.done $0x0  }
0x2e: {  	[sflag:s22] =	ssyncadd.s32 $0xFFFFF000  }
0x2f: {  	_ =	swait.ge [sflag:s23], $0x1000  }
0x30: {  	[sflag:s23] =	ssyncset.done $0x0  }
0x31: {  	[sflag:s23] =	ssyncadd.s32 $0xFFFFF000  }
0x32: {  	_ =	swait.ge [sflag:s24], $0x1000  }
0x33: {  	s9 =	rddreg [dreg:$0x1f]  }
0x34: {  	s31 =	rddreg [dreg:$0x17];
	s9 =	sadd.s32 $0x1, s9  }
0x35: {  	p0 =	sne.s32 s9, s31  }
.Ltmp1:
0x36: {  	_ = 	snop;
	(pc) =	sbr.rel @!p0 .LBB2_21-.Ltmp1, $3  }
0x37: {  	_ =	sdelay $0x1  }
0x38: {  	[sflag:s24] =	ssyncset.done $0x0  }
0x39: {  	[sflag:s24] =	ssyncadd.s32 $0xFFFFF000  }
.LBB2_1:
0x3a: {  	[dreg:$0x1f] =	wrdreg s9  }
0x3b: {  	s0 =	rddreg [dreg:$0x5]  }
0x3c: {  	[tilespmem:s3], [sflag:$0x9] =	stream.linear.gather [hbm4b:s0+s3], $0x400, $0x38;
	[tilespmem:$0x10100] =	vst v63  }
0x3d: {  	s30 =	rddreg [dreg:$0x6];
	s31 =	simm.s32 $0x400  }
0x3e: {  	[tilespmem:s31], [sflag:$0x9] =	stream.linear.gather [hbm4b:s30+s3], $0x400, $0x38;
	[tilespmem:$0x10100] =	vst v63  }
0x3f: {  	s12 =	rddreg [dreg:$0x7];
	s13 =	simm.s32 $0x800  }
0x40: {  	[tilespmem:s13], [sflag:$0x9] =	stream.linear.gather [hbm4b:s12+s3], $0x400, $0x38;
	[tilespmem:$0x10100] =	vst v63  }
0x41: {  	s14 =	rddreg [dreg:$0x8];
	s15 =	simm.s32 $0xC00  }
0x42: {  	[tilespmem:s15], [sflag:$0x9] =	stream.linear.gather [hbm4b:s14+s3], $0x400, $0x38;
	[tilespmem:$0x10100] =	vst v63  }
0x43: {  	s28 =	rddreg [dreg:$0x9];
	s29 =	simm.s32 $0x1000  }
0x44: {  	[tilespmem:s29], [sflag:$0x9] =	stream.linear.gather [hbm4b:s28+s3], $0x400, $0x38;
	[tilespmem:$0x10100] =	vst v63  }
0x45: {  	s30 =	rddreg [dreg:$0xa];
	s31 =	simm.s32 $0x1400  }
0x46: {  	[tilespmem:s31], [sflag:$0x9] =	stream.linear.gather [hbm4b:s30+s3], $0x400, $0x38;
	[tilespmem:$0x10100] =	vst v63  }
0x47: {  	s12 =	rddreg [dreg:$0xb];
	s13 =	simm.s32 $0x1800  }
0x48: {  	[tilespmem:s13], [sflag:$0x9] =	stream.linear.gather [hbm4b:s12+s3], $0x400, $0x38;
	[tilespmem:$0x10100] =	vst v63  }
0x49: {  	s14 =	rddreg [dreg:$0xc];
	s15 =	simm.s32 $0x1C00  }
0x4a: {  	[tilespmem:s15], [sflag:$0x9] =	stream.linear.gather [hbm4b:s14+s3], $0x400, $0x38;
	[tilespmem:$0x10100] =	vst v63  }
0x4b: {  	s28 =	rddreg [dreg:$0xd];
	s29 =	simm.s32 $0x2000  }
0x4c: {  	[tilespmem:s29], [sflag:$0x9] =	stream.linear.gather [hbm4b:s28+s3], $0x400, $0x38;
	[tilespmem:$0x10100] =	vst v63  }
0x4d: {  	s30 =	rddreg [dreg:$0xe];
	s31 =	simm.s32 $0x2400  }
0x4e: {  	[tilespmem:s31], [sflag:$0x9] =	stream.linear.gather [hbm4b:s30+s3], $0x400, $0x38;
	[tilespmem:$0x10100] =	vst v63  }
0x4f: {  	s12 =	rddreg [dreg:$0xf];
	s13 =	simm.s32 $0x2800  }
0x50: {  	[tilespmem:s13], [sflag:$0x9] =	stream.linear.gather [hbm4b:s12+s3], $0x400, $0x38;
	[tilespmem:$0x10100] =	vst v63  }
0x51: {  	s14 =	rddreg [dreg:$0x10];
	s15 =	simm.s32 $0x2C00  }
0x52: {  	[tilespmem:s15], [sflag:$0x9] =	stream.linear.gather [hbm4b:s14+s3], $0x400, $0x38;
	[tilespmem:$0x10100] =	vst v63  }
0x53: {  	s28 =	rddreg [dreg:$0x11];
	s29 =	simm.s32 $0x3000  }
0x54: {  	[tilespmem:s29], [sflag:$0x9] =	stream.linear.gather [hbm4b:s28+s3], $0x400, $0x38;
	[tilespmem:$0x10100] =	vst v63  }
0x55: {  	s30 =	rddreg [dreg:$0x12];
	s31 =	simm.s32 $0x3400  }
0x56: {  	[tilespmem:s31], [sflag:$0x9] =	stream.linear.gather [hbm4b:s30+s3], $0x400, $0x38;
	[tilespmem:$0x10100] =	vst v63  }
0x57: {  	s12 =	rddreg [dreg:$0x13];
	s13 =	simm.s32 $0x3800  }
0x58: {  	[tilespmem:s13], [sflag:$0x9] =	stream.linear.gather [hbm4b:s12+s3], $0x400, $0x38;
	[tilespmem:$0x10100] =	vst v63  }
0x59: {  	s14 =	rddreg [dreg:$0x14];
	s15 =	simm.s32 $0x3C00  }
0x5a: {  	[tilespmem:s15], [sflag:$0x9] =	stream.linear.gather [hbm4b:s14+s3], $0x400, $0x38;
	[tilespmem:$0x10100] =	vst v63  }
0x5b: {  	s28 =	rddreg [dreg:$0x15];
	s29 =	simm.s32 $0x4000  }
0x5c: {  	[tilespmem:s29], [sflag:$0x9] =	stream.linear.gather [hbm4b:s28+s3], $0x400, $0x38;
	[tilespmem:$0x10100] =	vst v63  }
0x5d: {  	s30 =	rddreg [dreg:$0x16];
	s31 =	simm.s32 $0x4400  }
0x5e: {  	[tilespmem:s31], [sflag:$0x9] =	stream.linear.gather [hbm4b:s30+s3], $0x400, $0x38;
	[tilespmem:$0x10100] =	vst v63  }
0x5f: {  	s12 =	rddreg [dreg:$0x18];
	s13 =	simm.s32 $0x4800  }
0x60: {  	[tilespmem:s13], [sflag:$0x9] =	stream.linear.gather [hbm4b:s12+s3], $0x400, $0x38;
	[tilespmem:$0x10100] =	vst v63  }
0x61: {  	s14 =	rddreg [dreg:$0x19];
	s15 =	simm.s32 $0x4C00  }
0x62: {  	[tilespmem:s15], [sflag:$0x9] =	stream.linear.gather [hbm4b:s14+s3], $0x400, $0x38;
	[tilespmem:$0x10100] =	vst v63  }
0x63: {  	s28 =	rddreg [dreg:$0x1a];
	s29 =	simm.s32 $0x5000  }
0x64: {  	[tilespmem:s29], [sflag:$0x9] =	stream.linear.gather [hbm4b:s28+s3], $0x400, $0x38;
	[tilespmem:$0x10100] =	vst v63  }
0x65: {  	s30 =	rddreg [dreg:$0x1b];
	s31 =	simm.s32 $0x5400  }
0x66: {  	[tilespmem:s31], [sflag:$0x9] =	stream.linear.gather [hbm4b:s30+s3], $0x400, $0x38;
	[tilespmem:$0x10100] =	vst v63  }
0x67: {  	s12 =	rddreg [dreg:$0x1c];
	s13 =	simm.s32 $0x5800  }
0x68: {  	[tilespmem:s13], [sflag:$0x9] =	stream.linear.gather [hbm4b:s12+s3], $0x400, $0x38;
	[tilespmem:$0x10100] =	vst v63  }
0x69: {  	s14 =	rddreg [dreg:$0x1d];
	s15 =	simm.s32 $0x5C00  }
0x6a: {  	[tilespmem:s15], [sflag:$0x9] =	stream.linear.gather [hbm4b:s14+s3], $0x400, $0x38;
	[tilespmem:$0x10100] =	vst v63  }
0x6b: {  	s28 =	rddreg [dreg:$0x1e];
	s29 =	simm.s32 $0x6000  }
0x6c: {  	[tilespmem:s29], [sflag:$0x9] =	stream.linear.gather [hbm4b:s28+s3], $0x400, $0x38;
	[tilespmem:$0x10100] =	vst v63  }
0x6d: {  	s30 =	rddreg [dreg:$0x4];
	s31 =	simm.s32 $0x6400  }
0x6e: {  	[tilespmem:s31], [sflag:$0x9] =	stream.linear.gather [hbm4b:s30+s3], $0x1900, $0x38;
	[tilespmem:$0x10100] =	vst v63  }
0x6f: {  	_ =	swait.ge [sflag:s6], $0x400  }
0x70: {  	[sflag:s6] =	ssyncset.done $0x0  }
0x71: {  	[sflag:s6] =	ssyncadd.s32 $0xFFFFFC00  }
0x72: {  	_ =	swait.ge [sflag:s6], $0x400  }
0x73: {  	[sflag:s6] =	ssyncset.done $0x0  }
0x74: {  	[sflag:s6] =	ssyncadd.s32 $0xFFFFFC00  }
0x75: {  	_ =	swait.ge [sflag:s6], $0x400  }
0x76: {  	[sflag:s6] =	ssyncset.done $0x0  }
0x77: {  	[sflag:s6] =	ssyncadd.s32 $0xFFFFFC00  }
0x78: {  	_ =	swait.ge [sflag:s6], $0x400  }
0x79: {  	[sflag:s6] =	ssyncset.done $0x0  }
0x7a: {  	[sflag:s6] =	ssyncadd.s32 $0xFFFFFC00  }
0x7b: {  	_ =	swait.ge [sflag:s6], $0x400  }
0x7c: {  	[sflag:s6] =	ssyncset.done $0x0  }
0x7d: {  	[sflag:s6] =	ssyncadd.s32 $0xFFFFFC00  }
0x7e: {  	_ =	swait.ge [sflag:s6], $0x400  }
0x7f: {  	[sflag:s6] =	ssyncset.done $0x0  }
0x80: {  	[sflag:s6] =	ssyncadd.s32 $0xFFFFFC00  }
0x81: {  	_ =	swait.ge [sflag:s6], $0x400  }
0x82: {  	[sflag:s6] =	ssyncset.done $0x0  }
0x83: {  	[sflag:s6] =	ssyncadd.s32 $0xFFFFFC00  }
0x84: {  	_ =	swait.ge [sflag:s6], $0x400  }
0x85: {  	[sflag:s6] =	ssyncset.done $0x0  }
0x86: {  	[sflag:s6] =	ssyncadd.s32 $0xFFFFFC00  }
0x87: {  	_ =	swait.ge [sflag:s6], $0x400  }
0x88: {  	[sflag:s6] =	ssyncset.done $0x0  }
0x89: {  	[sflag:s6] =	ssyncadd.s32 $0xFFFFFC00  }
0x8a: {  	_ =	swait.ge [sflag:s6], $0x400  }
0x8b: {  	[sflag:s6] =	ssyncset.done $0x0  }
0x8c: {  	[sflag:s6] =	ssyncadd.s32 $0xFFFFFC00  }
0x8d: {  	_ =	swait.ge [sflag:s6], $0x400  }
0x8e: {  	[sflag:s6] =	ssyncset.done $0x0  }
0x8f: {  	[sflag:s6] =	ssyncadd.s32 $0xFFFFFC00  }
0x90: {  	_ =	swait.ge [sflag:s6], $0x400  }
0x91: {  	[sflag:s6] =	ssyncset.done $0x0  }
0x92: {  	[sflag:s6] =	ssyncadd.s32 $0xFFFFFC00  }
0x93: {  	_ =	swait.ge [sflag:s6], $0x400  }
0x94: {  	[sflag:s6] =	ssyncset.done $0x0  }
0x95: {  	[sflag:s6] =	ssyncadd.s32 $0xFFFFFC00  }
0x96: {  	_ =	swait.ge [sflag:s6], $0x400  }
0x97: {  	[sflag:s6] =	ssyncset.done $0x0  }
0x98: {  	[sflag:s6] =	ssyncadd.s32 $0xFFFFFC00  }
0x99: {  	_ =	swait.ge [sflag:s6], $0x400  }
0x9a: {  	[sflag:s6] =	ssyncset.done $0x0  }
0x9b: {  	[sflag:s6] =	ssyncadd.s32 $0xFFFFFC00  }
0x9c: {  	_ =	swait.ge [sflag:s6], $0x400  }
0x9d: {  	[sflag:s6] =	ssyncset.done $0x0  }
0x9e: {  	[sflag:s6] =	ssyncadd.s32 $0xFFFFFC00  }
0x9f: {  	_ =	swait.ge [sflag:s6], $0x400  }
0xa0: {  	[sflag:s6] =	ssyncset.done $0x0  }
0xa1: {  	[sflag:s6] =	ssyncadd.s32 $0xFFFFFC00  }
0xa2: {  	_ =	swait.ge [sflag:s6], $0x400  }
0xa3: {  	[sflag:s6] =	ssyncset.done $0x0  }
0xa4: {  	[sflag:s6] =	ssyncadd.s32 $0xFFFFFC00  }
0xa5: {  	_ =	swait.ge [sflag:s6], $0x400  }
0xa6: {  	[sflag:s6] =	ssyncset.done $0x0  }
0xa7: {  	[sflag:s6] =	ssyncadd.s32 $0xFFFFFC00  }
0xa8: {  	_ =	swait.ge [sflag:s6], $0x400  }
0xa9: {  	[sflag:s6] =	ssyncset.done $0x0  }
0xaa: {  	[sflag:s6] =	ssyncadd.s32 $0xFFFFFC00  }
0xab: {  	_ =	swait.ge [sflag:s6], $0x400  }
0xac: {  	[sflag:s6] =	ssyncset.done $0x0  }
0xad: {  	[sflag:s6] =	ssyncadd.s32 $0xFFFFFC00  }
0xae: {  	_ =	swait.ge [sflag:s6], $0x400  }
0xaf: {  	[sflag:s6] =	ssyncset.done $0x0  }
0xb0: {  	[sflag:s6] =	ssyncadd.s32 $0xFFFFFC00  }
0xb1: {  	_ =	swait.ge [sflag:s6], $0x400  }
0xb2: {  	[sflag:s6] =	ssyncset.done $0x0  }
0xb3: {  	[sflag:s6] =	ssyncadd.s32 $0xFFFFFC00  }
0xb4: {  	_ =	swait.ge [sflag:s6], $0x400  }
0xb5: {  	[sflag:s6] =	ssyncset.done $0x0  }
0xb6: {  	[sflag:s6] =	ssyncadd.s32 $0xFFFFFC00  }
0xb7: {  	_ =	swait.ge [sflag:s6], $0x400  }
0xb8: {  	[sflag:s6] =	ssyncset.done $0x0  }
0xb9: {  	[sflag:s6] =	ssyncadd.s32 $0xFFFFFC00  }
0xba: {  	_ =	swait.ge [sflag:s6], $0x1900  }
0xbb: {  	[sflag:s6] =	ssyncset.done $0x0  }
0xbc: {  	s0 =	simm.s32 $0x0;
	[sflag:s6] =	ssyncadd.s32 $0xFFFFE700  }
0xbd: {  	v17 =	vld [tilespmem:s0+$0x0]  }
0xbe: {  	v18 =	vld [tilespmem:s0+$0x10]  }
0xbf: {  	v22 =	vld [tilespmem:s0+$0x30];
	_ =	sdelay $0x2  }
0xc0: {  	v19 =	vshll.u32 v17, $0x2  }
0xc1: {  	v20 =	vld [tilespmem:s0+$0x20];
	v21 =	vand.u32 $0xFFFFFE00, v17;
	v17 =	vshrl.u32 v17, $0x7;
	v23 =	vand.u32 $0xFFFFFE00, v18  }
0xc2: {  	v24 =	vshll.u32 v22, $0x2;
	v26 =	vand.u32 $0xFFFFFE00, v22;
	v22 =	vshrl.u32 v22, $0x7  }
0xc3: {  	v19 =	vand.u32 $0x1FC, v19;
	v17 =	vand.u32 $0x3, v17;
	v24 =	vand.u32 $0x1FC, v24  }
0xc4: {  	v25 =	vld [tilespmem:s0+$0x40];
	v19 =	vor.u32 v21, v19;
	v21 =	vshll.u32 v18, $0x2;
	v18 =	vshrl.u32 v18, $0x7  }
0xc5: {  	v24 =	vor.u32 v26, v24;
	v26 =	vand.u32 $0x3, v22;
	v21 =	vand.u32 $0x1FC, v21  }
0xc6: {  	v22 =	vld [tilespmem:s0+$0x50];
	v17 =	vor.u32 v17, v19;
	v19 =	vor.u32 v23, v21;
	v23 =	vshll.u32 v20, $0x2  }
0xc7: {  	v21 =	vand.u32 $0xFFFFFE00, v20;
	v20 =	vshrl.u32 v20, $0x7;
	v23 =	vand.u32 $0x1FC, v23  }
0xc8: {  	v18 =	vand.u32 $0x3, v18;
	v20 =	vand.u32 $0x3, v20;
	v23 =	vor.u32 v21, v23  }
0xc9: {  	v21 =	vor.u32 v18, v19;
	v18 =	vor.u32 v26, v24;
	v19 =	vld [tilespmem:s0+$0x60];
	v24 =	vshll.u32 v25, $0x2  }
0xca: {  	s9 =	simm.s32 $0x200;
	v20 =	vor.u32 v20, v23;
	v23 =	vand.u32 $0xFFFFFE00, v25;
	v25 =	vshrl.u32 v25, $0x7  }
.LBB2_2:
0xcb: {  	p0 =	sne.s32 s9, $0x18E00;
	v24 =	vand.u32 $0x1FC, v24;
	v25 =	vand.u32 $0x3, v25;
	v26 =	vshll.u32 v22, $0x2;
	v27 =	vld [tilespmem:s0+$0x70]  }
0xcc: {  	v28 =	vand.u32 $0xFFFFFE00, v22;
	v22 =	vshrl.u32 v22, $0x7;
	v26 =	vand.u32 $0x1FC, v26  }
0xcd: {  	s12 =	sshra.s32 s9, $0x2;
	v22 =	vand.u32 $0x3, v22;
	[tilespmem:s0+$0x0] =	vst v17;
	v17 =	vor.u32 v23, v24;
	v23 =	vor.u32 v28, v26  }
0xce: {  	v24 =	vld [tilespmem:s12+$0x0];
	[tilespmem:s0+$0x10] =	vst v21;
	v17 =	vor.u32 v25, v17;
	v21 =	vor.u32 v22, v23;
	v22 =	vshll.u32 v19, $0x2  }
0xcf: {  	[tilespmem:s0+$0x20] =	vst v20;
	v20 =	vand.u32 $0xFFFFFE00, v19;
	v22 =	vand.u32 $0x1FC, v22;
	v19 =	vshrl.u32 v19, $0x7  }
0xd0: {  	v23 =	vld [tilespmem:s12+$0x10];
	[tilespmem:s0+$0x30] =	vst v18;
	v18 =	vor.u32 v20, v22;
	v19 =	vand.u32 $0x3, v19;
	v20 =	vshll.u32 v27, $0x2  }
0xd1: {  	v22 =	vshrl.u32 v27, $0x7;
	[tilespmem:s0+$0x40] =	vst v17;
	v17 =	vand.u32 $0xFFFFFE00, v27;
	v20 =	vand.u32 $0x1FC, v20  }
0xd2: {  	v18 =	vor.u32 v19, v18;
	v19 =	vand.u32 $0x3, v22;
	[tilespmem:s0+$0x50] =	vst v21;
	v17 =	vor.u32 v17, v20  }
0xd3: {  	v20 =	vshll.u32 v24, $0x2;
	v21 =	vld [tilespmem:s12+$0x20];
	[tilespmem:s0+$0x60] =	vst v18;
	v17 =	vor.u32 v19, v17  }
0xd4: {  	v18 =	vand.u32 $0xFFFFFE00, v24;
	v19 =	vand.u32 $0x1FC, v20;
	v20 =	vshrl.u32 v24, $0x7;
	v24 =	vld [tilespmem:s12+$0x30];
	[tilespmem:s0+$0x70] =	vst v17;
	s0 =	smov.u32 s12  }
0xd5: {  	v17 =	vor.u32 v18, v19;
	v18 =	vand.u32 $0x3, v20;
	v19 =	vshll.u32 v23, $0x2  }
0xd6: {  	v20 =	vand.u32 $0xFFFFFE00, v23;
	v22 =	vshrl.u32 v23, $0x7;
	v19 =	vand.u32 $0x1FC, v19  }
0xd7: {  	v17 =	vor.u32 v18, v17;
	v18 =	vor.u32 v20, v19;
	v19 =	vand.u32 $0x3, v22  }
0xd8: {  	v20 =	vand.u32 $0xFFFFFE00, v21;
	v22 =	vshll.u32 v21, $0x2;
	v21 =	vshrl.u32 v21, $0x7;
	v25 =	vld [tilespmem:s0+$0x40]  }
.Ltmp2:
0xd9: {  	v23 =	vand.u32 $0x1FC, v22;
	v26 =	vand.u32 $0x3, v21;
	v21 =	vshll.u32 v24, $0x2;
	v22 =	vld [tilespmem:s0+$0x50];
	(pc) =	sbr.rel @p0 .LBB2_2-.Ltmp2, $4  }
0xda: {  	v27 =	vand.u32 $0xFFFFFE00, v24;
	v24 =	vshrl.u32 v24, $0x7;
	v21 =	vand.u32 $0x1FC, v21  }
0xdb: {  	v20 =	vor.u32 v20, v23;
	v24 =	vand.u32 $0x3, v24;
	v23 =	vor.u32 v27, v21  }
0xdc: {  	v21 =	vor.u32 v19, v18;
	v20 =	vor.u32 v26, v20;
	v18 =	vor.u32 v24, v23;
	v19 =	vld [tilespmem:s0+$0x60]  }
0xdd: {  	s9 =	sadd.s32 $0x200, s9;
	v23 =	vand.u32 $0xFFFFFE00, v25;
	v24 =	vshll.u32 v25, $0x2;
	v25 =	vshrl.u32 v25, $0x7  }
0xde: {  	v24 =	vand.u32 $0x1FC, v24;
	v25 =	vand.u32 $0x3, v25;
	v26 =	vshll.u32 v22, $0x2;
	v27 =	vld [tilespmem:s0+$0x70]  }
0xdf: {  	v28 =	vand.u32 $0xFFFFFE00, v22;
	v57 =	vshrl.u32 v22, $0x7;
	v26 =	vand.u32 $0x1FC, v26  }
0xe0: {  	[tilespmem:s0+$0x0] =	vst v17;
	v17 =	vor.u32 v23, v24;
	v22 =	vand.u32 $0x3, v57;
	v58 =	vor.u32 v28, v26  }
0xe1: {  	[tilespmem:s0+$0x10] =	vst v21;
	v17 =	vor.u32 v25, v17;
	v59 =	vor.u32 v22, v58;
	v60 =	vshll.u32 v19, $0x2  }
0xe2: {  	[tilespmem:s0+$0x20] =	vst v20;
	v61 =	vand.u32 $0xFFFFFE00, v19;
	v19 =	vshrl.u32 v19, $0x7;
	v22 =	vand.u32 $0x1FC, v60  }
0xe3: {  	[tilespmem:s0+$0x30] =	vst v18;
	v19 =	vand.u32 $0x3, v19;
	v18 =	vor.u32 v61, v22;
	v62 =	vshll.u32 v27, $0x2  }
0xe4: {  	[tilespmem:s0+$0x40] =	vst v17;
	v17 =	vand.u32 $0xFFFFFE00, v27;
	v63 =	vshrl.u32 v27, $0x7;
	v20 =	vand.u32 $0x1FC, v62  }
0xe5: {  	[tilespmem:s0+$0x50] =	vst v59;
	v18 =	vor.u32 v19, v18;
	v19 =	vand.u32 $0x3, v63;
	v17 =	vor.u32 v17, v20  }
0xe6: {  	[tilespmem:s0+$0x60] =	vst v18;
	v17 =	vor.u32 v19, v17  }
0xe7: {  	s28 =	simm.s32 $0x0;
	s14 =	simm.s32 $0x7D00;
	[tilespmem:s0+$0x70] =	vst v17  }
0xe8: {  	[tilespmem:s14], [sflag:$0x1] =	stream.indirect.gather [hbm4b:s5+s8], $0x20, s28, s8, $0xb8;
	[tilespmem:$0x10100] =	vst v63  }
0xe9: {  	s15 =	simm.s32 $0x8D00  }
0xea: {  	[tilespmem:s15], [sflag:$0x2] =	stream.indirect.gather [hbm4b:s5+s8], $0x20, s8, s8, $0xb8;
	[tilespmem:$0x10100] =	vst v63  }
0xeb: {  	s29 =	simm.s32 $0x100;
	s9 =	simm.s32 $0x9D00  }
0xec: {  	[tilespmem:s9], [sflag:$0x3] =	stream.indirect.gather [hbm4b:s5+s8], $0x20, s29, s8, $0xb8;
	[tilespmem:$0x10100] =	vst v63  }
0xed: {  	s30 =	simm.s32 $0x180;
	s31 =	simm.s32 $0xAD00  }
0xee: {  	[tilespmem:s31], [sflag:$0x4] =	stream.indirect.gather [hbm4b:s5+s8], $0x20, s30, s8, $0xb8;
	[tilespmem:$0x10100] =	vst v63  }
.LBB2_4:
0xef: {  	p0 =	seq.s32 s28, $0x0  }
0xf0: {  	s0 =	simm.s32 @!p0 $0x5  }
0xf1: {  	_ =	swait.ge @!p0 [sflag:s0], $0x1000  }
0xf2: {  	[sflag:s0] =	ssyncset.done @!p0 $0x0  }
0xf3: {  	[sflag:s0] =	ssyncadd.s32 @!p0 $0xFFFFF000  }
0xf4: {  	_ =	swait.ge [sflag:s10], $0x1000  }
0xf5: {  	s9 =	simm.s32 $0x0;
	[sflag:s10] =	ssyncset.done $0x0  }
0xf6: {  	s12 =	sshll.u32 s28, $0x7;
	v17 =	vmov s9;
	s0 =	simm.s32 $0x7D80;
	[sflag:s10] =	ssyncadd.s32 $0xFFFFF000  }
0xf7: {  	s30 =	sand.u32 $0x3FFFFF80, s12;
	v17 =	vshrl.u32 v17, $0x3;
	v18 =	vld [tilespmem:s0+$0xFFFFFF90]  }
0xf8: {  	v17 =	vshll.u32 v17, v1;
	v19 =	vld [tilespmem:s30+$0x6400]  }
0xf9: {  	v17 =	vbroadcast v17, $0x0;
	v20 =	vld [tilespmem:s0+$0xFFFFFF80]  }
0xfa: {  	v21 =	vld [tilespmem:s30+$0x6410]  }
0xfb: {  	v22 =	vadd.s32 v0, v17  }
0xfc: {  	v17 =	vadd.s32 v2, v17;
	_ =	sdelay $0x1  }
0xfd: {  	s15 =	simm.s32 $0x1;
	v20 =	vadd.f32 v20, v19  }
0xfe: {  	v23 =	vmov s15;
	v18 =	vadd.f32 v18, v21  }
0xff: {  	[tilespmem:v22+s11+$0x0] =	vst.idx.msk $0xffff, v20;
	v20 =	vshrl.u32 v23, $0x3  }
0x100: {  	[tilespmem:v17+s11+$0x0] =	vst.idx.msk $0xffff, v18;
	v17 =	vshll.u32 v20, v1  }
0x101: {  	v18 =	vld [tilespmem:s0+$0xFFFFFFA0];
	v17 =	vbroadcast v17, $0x0  }
0x102: {  	v20 =	vld [tilespmem:s0+$0xFFFFFFB0]  }
0x103: {  	v51 =	vadd.s32 v3, v17  }
0x104: {  	v17 =	vadd.s32 v4, v17;
	_ =	sdelay $0x1  }
0x105: {  	s31 =	simm.s32 $0x2;
	v18 =	vadd.f32 v18, v19  }
0x106: {  	v52 =	vmov s31;
	v20 =	vadd.f32 v20, v21  }
0x107: {  	[tilespmem:v51+s11+$0x0] =	vst.idx.msk $0xffff, v18;
	v18 =	vshrl.u32 v52, $0x3  }
0x108: {  	[tilespmem:v17+s11+$0x0] =	vst.idx.msk $0xffff, v20;
	v17 =	vshll.u32 v18, v1  }
0x109: {  	v18 =	vld [tilespmem:s0+$0xFFFFFFC0];
	v17 =	vbroadcast v17, $0x0  }
0x10a: {  	v20 =	vld [tilespmem:s0+$0xFFFFFFD0]  }
0x10b: {  	v53 =	vadd.s32 v5, v17  }
0x10c: {  	v17 =	vadd.s32 v6, v17;
	_ =	sdelay $0x1  }
0x10d: {  	s12 =	simm.s32 $0x3;
	v18 =	vadd.f32 v18, v19  }
0x10e: {  	v54 =	vmov s12;
	v20 =	vadd.f32 v20, v21  }
0x10f: {  	[tilespmem:v53+s11+$0x0] =	vst.idx.msk $0xffff, v18;
	v18 =	vshrl.u32 v54, $0x3  }
0x110: {  	[tilespmem:v17+s11+$0x0] =	vst.idx.msk $0xffff, v20;
	v17 =	vshll.u32 v18, v1  }
0x111: {  	v18 =	vld [tilespmem:s0+$0xFFFFFFE0];
	v17 =	vbroadcast v17, $0x0  }
0x112: {  	v20 =	vld [tilespmem:s0+$0xFFFFFFF0]  }
0x113: {  	v55 =	vadd.s32 v7, v17  }
0x114: {  	v17 =	vadd.s32 v8, v17;
	_ =	sdelay $0x1  }
0x115: {  	s13 =	simm.s32 $0x4;
	v18 =	vadd.f32 v18, v19  }
0x116: {  	v56 =	vmov s13;
	v20 =	vadd.f32 v20, v21  }
0x117: {  	[tilespmem:v55+s11+$0x0] =	vst.idx.msk $0xffff, v18;
	v18 =	vshrl.u32 v56, $0x3  }
0x118: {  	[tilespmem:v17+s11+$0x0] =	vst.idx.msk $0xffff, v20;
	v17 =	vshll.u32 v18, v1  }
0x119: {  	v18 =	vld [tilespmem:s0+$0x0];
	v17 =	vbroadcast v17, $0x0  }
0x11a: {  	v20 =	vld [tilespmem:s0+$0x10]  }
0x11b: {  	v57 =	vadd.s32 v9, v17  }
0x11c: {  	v17 =	vadd.s32 v10, v17;
	_ =	sdelay $0x1  }
0x11d: {  	s14 =	simm.s32 $0x5;
	v18 =	vadd.f32 v18, v19  }
0x11e: {  	v58 =	vmov s14;
	v20 =	vadd.f32 v20, v21  }
0x11f: {  	[tilespmem:v57+s11+$0x0] =	vst.idx.msk $0xffff, v18;
	v18 =	vshrl.u32 v58, $0x3  }
0x120: {  	[tilespmem:v17+s11+$0x0] =	vst.idx.msk $0xffff, v20;
	v17 =	vshll.u32 v18, v1  }
0x121: {  	v18 =	vld [tilespmem:s0+$0x20];
	v17 =	vbroadcast v17, $0x0  }
0x122: {  	v20 =	vld [tilespmem:s0+$0x30]  }
0x123: {  	v59 =	vadd.s32 v11, v17  }
0x124: {  	v17 =	vadd.s32 v12, v17;
	_ =	sdelay $0x1  }
0x125: {  	s15 =	simm.s32 $0x6;
	v18 =	vadd.f32 v18, v19  }
0x126: {  	v60 =	vmov s15;
	v20 =	vadd.f32 v20, v21  }
0x127: {  	[tilespmem:v59+s11+$0x0] =	vst.idx.msk $0xffff, v18;
	v18 =	vshrl.u32 v60, $0x3  }
0x128: {  	[tilespmem:v17+s11+$0x0] =	vst.idx.msk $0xffff, v20;
	v17 =	vshll.u32 v18, v1  }
0x129: {  	v18 =	vld [tilespmem:s0+$0x40];
	v17 =	vbroadcast v17, $0x0  }
0x12a: {  	v20 =	vld [tilespmem:s0+$0x50]  }
0x12b: {  	v61 =	vadd.s32 v13, v17  }
0x12c: {  	v17 =	vadd.s32 v14, v17;
	_ =	sdelay $0x1  }
0x12d: {  	v18 =	vadd.f32 v18, v19  }
0x12e: {  	s31 =	simm.s32 $0x7;
	v20 =	vadd.f32 v20, v21  }
0x12f: {  	v62 =	vmov s31;
	[tilespmem:v61+s11+$0x0] =	vst.idx.msk $0xffff, v18  }
0x130: {  	v18 =	vshrl.u32 v62, $0x3;
	[tilespmem:v17+s11+$0x0] =	vst.idx.msk $0xffff, v20  }
0x131: {  	v17 =	vshll.u32 v18, v1;
	v18 =	vld [tilespmem:s0+$0x60]  }
0x132: {  	v17 =	vbroadcast v17, $0x0;
	_ =	sdelay $0x1  }
0x133: {  	v20 =	vld [tilespmem:s0+$0x70];
	v63 =	vadd.s32 v15, v17;
	_ =	sdelay $0x1  }
0x134: {  	v18 =	vadd.f32 v18, v19;
	v19 =	vadd.s32 v16, v17;
	_ =	sdelay $0x1  }
0x135: {  	s29 =	sshll.u32 s28, $0x2  }
0x136: {  	s9 =	simm.s32 $0xF;
	s13 =	simm.s32 $0x8;
	s12 =	simm.s32 $0x17;
	v17 =	vadd.f32 v20, v21;
	[tilespmem:v63+s11+$0x0] =	vst.idx.msk $0xffff, v18  }
.LBB2_5:
0x137: {  	p0 =	sne.s32 s12, $0x7F  }
0x138: {  	v18 =	vmov s13;
	[tilespmem:v19+s11+$0x0] =	vst.idx.msk $0xffff, v17;
	s0 =	sadd.s32 $0x100, s0;
	s13 =	smov.u32 s12;
	s12 =	sadd.s32 $0x8, s12  }
0x139: {  	v19 =	vld [tilespmem:s0+$0xFFFFFF90];
	v18 =	vshrl.u32 v18, $0x3  }
0x13a: {  	v17 =	vld [tilespmem:s30+$0x6400];
	v18 =	vshll.u32 v18, v1  }
0x13b: {  	v20 =	vld [tilespmem:s0+$0xFFFFFF80];
	v21 =	vbroadcast v18, $0x0  }
0x13c: {  	v18 =	vld [tilespmem:s30+$0x6410]  }
0x13d: {  	v22 =	vadd.s32 v0, v21  }
0x13e: {  	v21 =	vadd.s32 v2, v21;
	_ =	sdelay $0x1  }
0x13f: {  	s14 =	sadd.s32 $0xFFFFFFFA, s9;
	v20 =	vadd.f32 v20, v17  }
0x140: {  	v23 =	vmov s14;
	v19 =	vadd.f32 v19, v18  }
0x141: {  	[tilespmem:v22+s11+$0x0] =	vst.idx.msk $0xffff, v20;
	v20 =	vshrl.u32 v23, $0x3  }
0x142: {  	[tilespmem:v21+s11+$0x0] =	vst.idx.msk $0xffff, v19;
	v19 =	vshll.u32 v20, v1  }
0x143: {  	v20 =	vld [tilespmem:s0+$0xFFFFFFA0];
	v19 =	vbroadcast v19, $0x0  }
0x144: {  	v21 =	vld [tilespmem:s0+$0xFFFFFFB0]  }
0x145: {  	v22 =	vadd.s32 v3, v19  }
0x146: {  	v19 =	vadd.s32 v4, v19;
	_ =	sdelay $0x1  }
0x147: {  	s14 =	sadd.s32 $0xFFFFFFFB, s9;
	v20 =	vadd.f32 v20, v17  }
0x148: {  	v23 =	vmov s14;
	v21 =	vadd.f32 v21, v18  }
0x149: {  	[tilespmem:v22+s11+$0x0] =	vst.idx.msk $0xffff, v20;
	v20 =	vshrl.u32 v23, $0x3  }
0x14a: {  	[tilespmem:v19+s11+$0x0] =	vst.idx.msk $0xffff, v21;
	v19 =	vshll.u32 v20, v1  }
0x14b: {  	v20 =	vld [tilespmem:s0+$0xFFFFFFC0];
	v19 =	vbroadcast v19, $0x0  }
0x14c: {  	v21 =	vld [tilespmem:s0+$0xFFFFFFD0]  }
0x14d: {  	v22 =	vadd.s32 v5, v19  }
0x14e: {  	v19 =	vadd.s32 v6, v19;
	_ =	sdelay $0x1  }
0x14f: {  	s14 =	sadd.s32 $0xFFFFFFFC, s9;
	v20 =	vadd.f32 v20, v17  }
0x150: {  	v23 =	vmov s14;
	v21 =	vadd.f32 v21, v18  }
0x151: {  	[tilespmem:v22+s11+$0x0] =	vst.idx.msk $0xffff, v20;
	v20 =	vshrl.u32 v23, $0x3  }
0x152: {  	[tilespmem:v19+s11+$0x0] =	vst.idx.msk $0xffff, v21;
	v19 =	vshll.u32 v20, v1  }
0x153: {  	v20 =	vld [tilespmem:s0+$0xFFFFFFE0];
	v19 =	vbroadcast v19, $0x0  }
0x154: {  	v21 =	vld [tilespmem:s0+$0xFFFFFFF0]  }
0x155: {  	v22 =	vadd.s32 v7, v19  }
0x156: {  	v19 =	vadd.s32 v8, v19;
	_ =	sdelay $0x1  }
0x157: {  	s14 =	sadd.s32 $0xFFFFFFFD, s9;
	v20 =	vadd.f32 v20, v17  }
0x158: {  	v23 =	vmov s14;
	v21 =	vadd.f32 v21, v18  }
0x159: {  	[tilespmem:v22+s11+$0x0] =	vst.idx.msk $0xffff, v20;
	v20 =	vshrl.u32 v23, $0x3  }
0x15a: {  	[tilespmem:v19+s11+$0x0] =	vst.idx.msk $0xffff, v21;
	v19 =	vshll.u32 v20, v1  }
0x15b: {  	v20 =	vld [tilespmem:s0+$0x0];
	v19 =	vbroadcast v19, $0x0  }
0x15c: {  	v21 =	vld [tilespmem:s0+$0x10]  }
0x15d: {  	v22 =	vadd.s32 v9, v19  }
0x15e: {  	v19 =	vadd.s32 v10, v19;
	_ =	sdelay $0x1  }
0x15f: {  	s14 =	sadd.s32 $0xFFFFFFFE, s9;
	v20 =	vadd.f32 v20, v17  }
0x160: {  	v23 =	vmov s14;
	v21 =	vadd.f32 v21, v18  }
0x161: {  	[tilespmem:v22+s11+$0x0] =	vst.idx.msk $0xffff, v20;
	v20 =	vshrl.u32 v23, $0x3  }
0x162: {  	[tilespmem:v19+s11+$0x0] =	vst.idx.msk $0xffff, v21;
	v19 =	vshll.u32 v20, v1  }
0x163: {  	v20 =	vld [tilespmem:s0+$0x20];
	v19 =	vbroadcast v19, $0x0  }
0x164: {  	v21 =	vld [tilespmem:s0+$0x30]  }
0x165: {  	v22 =	vadd.s32 v11, v19  }
0x166: {  	v19 =	vadd.s32 v12, v19;
	_ =	sdelay $0x1  }
0x167: {  	s14 =	sadd.s32 $0xFFFFFFFF, s9;
	v20 =	vadd.f32 v20, v17  }
0x168: {  	v23 =	vmov s14;
	v21 =	vadd.f32 v21, v18  }
0x169: {  	[tilespmem:v22+s11+$0x0] =	vst.idx.msk $0xffff, v20;
	v20 =	vshrl.u32 v23, $0x3  }
0x16a: {  	[tilespmem:v19+s11+$0x0] =	vst.idx.msk $0xffff, v21;
	v19 =	vshll.u32 v20, v1  }
0x16b: {  	v20 =	vld [tilespmem:s0+$0x40];
	v19 =	vbroadcast v19, $0x0  }
0x16c: {  	v21 =	vld [tilespmem:s0+$0x50]  }
0x16d: {  	v22 =	vadd.s32 v13, v19  }
0x16e: {  	v19 =	vadd.s32 v14, v19;
	_ =	sdelay $0x1  }
0x16f: {  	v20 =	vadd.f32 v20, v17  }
0x170: {  	v23 =	vmov s9;
	s9 =	smov.u32 s13;
	v21 =	vadd.f32 v21, v18  }
0x171: {  	[tilespmem:v22+s11+$0x0] =	vst.idx.msk $0xffff, v20;
	v20 =	vshrl.u32 v23, $0x3  }
0x172: {  	[tilespmem:v19+s11+$0x0] =	vst.idx.msk $0xffff, v21;
	v19 =	vshll.u32 v20, v1  }
0x173: {  	v20 =	vld [tilespmem:s0+$0x60];
	v19 =	vbroadcast v19, $0x0  }
0x174: {  	v21 =	vld [tilespmem:s0+$0x70]  }
0x175: {  	v22 =	vadd.s32 v15, v19  }
.Ltmp3:
0x176: {  	v19 =	vadd.s32 v16, v19;
	(pc) =	sbr.rel @p0 .LBB2_5-.Ltmp3, $4  }
0x177: {  	_ = 	snop  }
0x178: {  	v20 =	vadd.f32 v20, v17  }
0x179: {  	v17 =	vadd.f32 v21, v18  }
0x17a: {  	s13 =	sadd.s32 $0xFFFFFFF9, s9;
	[tilespmem:v22+s11+$0x0] =	vst.idx.msk $0xffff, v20  }
0x17b: {  	_ =	sdelay $0x3  }
0x17c: {  	v18 =	vmov s13;
	[tilespmem:v19+s11+$0x0] =	vst.idx.msk $0xffff, v17;
	s0 =	sadd.s32 $0x100, s0  }
0x17d: {  	v17 =	vld [tilespmem:s0+$0xFFFFFF90];
	v18 =	vshrl.u32 v18, $0x3  }
0x17e: {  	v19 =	vld [tilespmem:s30+$0x6400];
	v18 =	vshll.u32 v18, v1  }
0x17f: {  	v20 =	vld [tilespmem:s0+$0xFFFFFF80];
	v18 =	vbroadcast v18, $0x0  }
0x180: {  	v21 =	vld [tilespmem:s30+$0x6410]  }
0x181: {  	v22 =	vadd.s32 v0, v18  }
0x182: {  	v18 =	vadd.s32 v2, v18;
	_ =	sdelay $0x1  }
0x183: {  	s12 =	sadd.s32 $0xFFFFFFFA, s9;
	v20 =	vadd.f32 v20, v19  }
0x184: {  	v23 =	vmov s12;
	v17 =	vadd.f32 v17, v21  }
0x185: {  	v49 =	vshrl.u32 v23, $0x3;
	[tilespmem:v22+s11+$0x0] =	vst.idx.msk $0xffff, v20  }
0x186: {  	[tilespmem:v18+s11+$0x0] =	vst.idx.msk $0xffff, v17;
	v17 =	vshll.u32 v49, v1  }
0x187: {  	v18 =	vld [tilespmem:s0+$0xFFFFFFA0];
	v17 =	vbroadcast v17, $0x0  }
0x188: {  	v50 =	vld [tilespmem:s0+$0xFFFFFFB0]  }
0x189: {  	v51 =	vadd.s32 v3, v17  }
0x18a: {  	v17 =	vadd.s32 v4, v17;
	_ =	sdelay $0x1  }
0x18b: {  	s14 =	sadd.s32 $0xFFFFFFFB, s9;
	v18 =	vadd.f32 v18, v19  }
0x18c: {  	v52 =	vmov s14;
	v20 =	vadd.f32 v50, v21  }
0x18d: {  	[tilespmem:v51+s11+$0x0] =	vst.idx.msk $0xffff, v18;
	v18 =	vshrl.u32 v52, $0x3  }
0x18e: {  	[tilespmem:v17+s11+$0x0] =	vst.idx.msk $0xffff, v20;
	v17 =	vshll.u32 v18, v1  }
0x18f: {  	v18 =	vld [tilespmem:s0+$0xFFFFFFC0];
	v17 =	vbroadcast v17, $0x0  }
0x190: {  	v20 =	vld [tilespmem:s0+$0xFFFFFFD0]  }
0x191: {  	v53 =	vadd.s32 v5, v17  }
0x192: {  	v17 =	vadd.s32 v6, v17;
	_ =	sdelay $0x1  }
0x193: {  	s15 =	sadd.s32 $0xFFFFFFFC, s9;
	v18 =	vadd.f32 v18, v19  }
0x194: {  	v54 =	vmov s15;
	v20 =	vadd.f32 v20, v21  }
0x195: {  	[tilespmem:v53+s11+$0x0] =	vst.idx.msk $0xffff, v18;
	v18 =	vshrl.u32 v54, $0x3  }
0x196: {  	[tilespmem:v17+s11+$0x0] =	vst.idx.msk $0xffff, v20;
	v17 =	vshll.u32 v18, v1  }
0x197: {  	v18 =	vld [tilespmem:s0+$0xFFFFFFE0];
	v17 =	vbroadcast v17, $0x0  }
0x198: {  	v20 =	vld [tilespmem:s0+$0xFFFFFFF0]  }
0x199: {  	v55 =	vadd.s32 v7, v17  }
0x19a: {  	v17 =	vadd.s32 v8, v17;
	_ =	sdelay $0x1  }
0x19b: {  	s13 =	sadd.s32 $0xFFFFFFFD, s9;
	v18 =	vadd.f32 v18, v19  }
0x19c: {  	v56 =	vmov s13;
	v20 =	vadd.f32 v20, v21  }
0x19d: {  	[tilespmem:v55+s11+$0x0] =	vst.idx.msk $0xffff, v18;
	v18 =	vshrl.u32 v56, $0x3  }
0x19e: {  	[tilespmem:v17+s11+$0x0] =	vst.idx.msk $0xffff, v20;
	v17 =	vshll.u32 v18, v1  }
0x19f: {  	v18 =	vld [tilespmem:s0+$0x0];
	v17 =	vbroadcast v17, $0x0  }
0x1a0: {  	v20 =	vld [tilespmem:s0+$0x10]  }
0x1a1: {  	v57 =	vadd.s32 v9, v17  }
0x1a2: {  	v17 =	vadd.s32 v10, v17;
	_ =	sdelay $0x1  }
0x1a3: {  	s14 =	sadd.s32 $0xFFFFFFFE, s9;
	v18 =	vadd.f32 v18, v19  }
0x1a4: {  	v58 =	vmov s14;
	v20 =	vadd.f32 v20, v21  }
0x1a5: {  	[tilespmem:v57+s11+$0x0] =	vst.idx.msk $0xffff, v18;
	v18 =	vshrl.u32 v58, $0x3  }
0x1a6: {  	[tilespmem:v17+s11+$0x0] =	vst.idx.msk $0xffff, v20;
	v17 =	vshll.u32 v18, v1  }
0x1a7: {  	v18 =	vld [tilespmem:s0+$0x20];
	v17 =	vbroadcast v17, $0x0  }
0x1a8: {  	v20 =	vld [tilespmem:s0+$0x30]  }
0x1a9: {  	v59 =	vadd.s32 v11, v17  }
0x1aa: {  	v17 =	vadd.s32 v12, v17;
	_ =	sdelay $0x1  }
0x1ab: {  	s15 =	sadd.s32 $0xFFFFFFFF, s9;
	v18 =	vadd.f32 v18, v19  }
0x1ac: {  	v60 =	vmov s15;
	v20 =	vadd.f32 v20, v21  }
0x1ad: {  	[tilespmem:v59+s11+$0x0] =	vst.idx.msk $0xffff, v18;
	v18 =	vshrl.u32 v60, $0x3  }
0x1ae: {  	[tilespmem:v17+s11+$0x0] =	vst.idx.msk $0xffff, v20;
	v17 =	vshll.u32 v18, v1  }
0x1af: {  	v18 =	vld [tilespmem:s0+$0x40];
	v17 =	vbroadcast v17, $0x0  }
0x1b0: {  	v20 =	vld [tilespmem:s0+$0x50]  }
0x1b1: {  	v61 =	vadd.s32 v13, v17  }
0x1b2: {  	v17 =	vadd.s32 v14, v17;
	_ =	sdelay $0x1  }
0x1b3: {  	v18 =	vadd.f32 v18, v19  }
0x1b4: {  	v62 =	vmov s9;
	v20 =	vadd.f32 v20, v21  }
0x1b5: {  	[tilespmem:v61+s11+$0x0] =	vst.idx.msk $0xffff, v18;
	v18 =	vshrl.u32 v62, $0x3  }
0x1b6: {  	[tilespmem:v17+s11+$0x0] =	vst.idx.msk $0xffff, v20;
	v17 =	vshll.u32 v18, v1  }
0x1b7: {  	v18 =	vld [tilespmem:s0+$0x60];
	v17 =	vbroadcast v17, $0x0  }
0x1b8: {  	v20 =	vld [tilespmem:s0+$0x70]  }
0x1b9: {  	v63 =	vadd.s32 v15, v17  }
0x1ba: {  	v17 =	vadd.s32 v16, v17;
	_ =	sdelay $0x1  }
0x1bb: {  	s13 =	sshll.u32 s28, $0x13;
	v18 =	vadd.f32 v18, v19  }
0x1bc: {  	s0 =	sor.u32 s4, s13;
	v19 =	vadd.f32 v20, v21  }
0x1bd: {  	s0 =	sshrl.u32 s0, $0x3;
	[tilespmem:v63+s11+$0x0] =	vst.idx.msk $0xffff, v18  }
0x1be: {  	s0 =	sadd.s32 s2, s0;
	[tilespmem:v17+s11+$0x0] =	vst.idx.msk $0xffff, v19  }
0x1bf: {  	[hbm4b:s0+s3] =	stream.linear.scatter [tilespmem:s11], [sflag:$0x5], $0x80, $0x38;
	[tilespmem:$0x10100] =	vst v63  }
0x1c0: {  	s15 =	simm.s32 $0xBD88;
	s14 =	sadd.s32 $0x10, s0  }
0x1c1: {  	[hbm4b:s14+s3] =	stream.linear.scatter [tilespmem:s15], [sflag:$0x5], $0x80, $0x38;
	[tilespmem:$0x10100] =	vst v63  }
0x1c2: {  	s13 =	simm.s32 $0xBE10;
	s12 =	sadd.s32 $0x20, s0  }
0x1c3: {  	[hbm4b:s12+s3] =	stream.linear.scatter [tilespmem:s13], [sflag:$0x5], $0x80, $0x38;
	[tilespmem:$0x10100] =	vst v63  }
0x1c4: {  	s14 =	sadd.s32 $0x30, s0;
	s15 =	simm.s32 $0xBE98  }
0x1c5: {  	[hbm4b:s14+s3] =	stream.linear.scatter [tilespmem:s15], [sflag:$0x5], $0x80, $0x38;
	[tilespmem:$0x10100] =	vst v63  }
0x1c6: {  	s12 =	sadd.s32 $0x40, s0;
	s13 =	simm.s32 $0xBF20  }
0x1c7: {  	[hbm4b:s12+s3] =	stream.linear.scatter [tilespmem:s13], [sflag:$0x5], $0x80, $0x38;
	[tilespmem:$0x10100] =	vst v63  }
0x1c8: {  	s14 =	sadd.s32 $0x50, s0;
	s15 =	simm.s32 $0xBFA8  }
0x1c9: {  	[hbm4b:s14+s3] =	stream.linear.scatter [tilespmem:s15], [sflag:$0x5], $0x80, $0x38;
	[tilespmem:$0x10100] =	vst v63  }
0x1ca: {  	s12 =	sadd.s32 $0x60, s0;
	s13 =	simm.s32 $0xC030  }
0x1cb: {  	[hbm4b:s12+s3] =	stream.linear.scatter [tilespmem:s13], [sflag:$0x5], $0x80, $0x38;
	[tilespmem:$0x10100] =	vst v63  }
0x1cc: {  	s14 =	sadd.s32 $0x70, s0;
	s15 =	simm.s32 $0xC0B8  }
0x1cd: {  	[hbm4b:s14+s3] =	stream.linear.scatter [tilespmem:s15], [sflag:$0x5], $0x80, $0x38;
	[tilespmem:$0x10100] =	vst v63  }
0x1ce: {  	s12 =	sadd.s32 $0x1000, s0;
	s13 =	simm.s32 $0xC140  }
0x1cf: {  	[hbm4b:s12+s3] =	stream.linear.scatter [tilespmem:s13], [sflag:$0x5], $0x80, $0x38;
	[tilespmem:$0x10100] =	vst v63  }
0x1d0: {  	s14 =	sadd.s32 $0x1010, s0;
	s15 =	simm.s32 $0xC1C8  }
0x1d1: {  	[hbm4b:s14+s3] =	stream.linear.scatter [tilespmem:s15], [sflag:$0x5], $0x80, $0x38;
	[tilespmem:$0x10100] =	vst v63  }
0x1d2: {  	s12 =	sadd.s32 $0x1020, s0;
	s13 =	simm.s32 $0xC250  }
0x1d3: {  	[hbm4b:s12+s3] =	stream.linear.scatter [tilespmem:s13], [sflag:$0x5], $0x80, $0x38;
	[tilespmem:$0x10100] =	vst v63  }
0x1d4: {  	s14 =	sadd.s32 $0x1030, s0;
	s15 =	simm.s32 $0xC2D8  }
0x1d5: {  	[hbm4b:s14+s3] =	stream.linear.scatter [tilespmem:s15], [sflag:$0x5], $0x80, $0x38;
	[tilespmem:$0x10100] =	vst v63  }
0x1d6: {  	s12 =	sadd.s32 $0x1040, s0;
	s13 =	simm.s32 $0xC360  }
0x1d7: {  	[hbm4b:s12+s3] =	stream.linear.scatter [tilespmem:s13], [sflag:$0x5], $0x80, $0x38;
	[tilespmem:$0x10100] =	vst v63  }
0x1d8: {  	s14 =	sadd.s32 $0x1050, s0;
	s15 =	simm.s32 $0xC3E8  }
0x1d9: {  	[hbm4b:s14+s3] =	stream.linear.scatter [tilespmem:s15], [sflag:$0x5], $0x80, $0x38;
	[tilespmem:$0x10100] =	vst v63  }
0x1da: {  	s12 =	sadd.s32 $0x1060, s0;
	s13 =	simm.s32 $0xC470  }
0x1db: {  	[hbm4b:s12+s3] =	stream.linear.scatter [tilespmem:s13], [sflag:$0x5], $0x80, $0x38;
	[tilespmem:$0x10100] =	vst v63  }
0x1dc: {  	s14 =	sadd.s32 $0x1070, s0;
	s15 =	simm.s32 $0xC4F8  }
0x1dd: {  	[hbm4b:s14+s3] =	stream.linear.scatter [tilespmem:s15], [sflag:$0x5], $0x80, $0x38;
	[tilespmem:$0x10100] =	vst v63  }
0x1de: {  	s12 =	sadd.s32 $0x2000, s0;
	s13 =	simm.s32 $0xC580  }
0x1df: {  	[hbm4b:s12+s3] =	stream.linear.scatter [tilespmem:s13], [sflag:$0x5], $0x80, $0x38;
	[tilespmem:$0x10100] =	vst v63  }
0x1e0: {  	s14 =	sadd.s32 $0x2010, s0;
	s15 =	simm.s32 $0xC608  }
0x1e1: {  	[hbm4b:s14+s3] =	stream.linear.scatter [tilespmem:s15], [sflag:$0x5], $0x80, $0x38;
	[tilespmem:$0x10100] =	vst v63  }
0x1e2: {  	s12 =	sadd.s32 $0x2020, s0;
	s13 =	simm.s32 $0xC690  }
0x1e3: {  	[hbm4b:s12+s3] =	stream.linear.scatter [tilespmem:s13], [sflag:$0x5], $0x80, $0x38;
	[tilespmem:$0x10100] =	vst v63  }
0x1e4: {  	s14 =	sadd.s32 $0x2030, s0;
	s15 =	simm.s32 $0xC718  }
0x1e5: {  	[hbm4b:s14+s3] =	stream.linear.scatter [tilespmem:s15], [sflag:$0x5], $0x80, $0x38;
	[tilespmem:$0x10100] =	vst v63  }
0x1e6: {  	s12 =	sadd.s32 $0x2040, s0;
	s13 =	simm.s32 $0xC7A0  }
0x1e7: {  	[hbm4b:s12+s3] =	stream.linear.scatter [tilespmem:s13], [sflag:$0x5], $0x80, $0x38;
	[tilespmem:$0x10100] =	vst v63  }
0x1e8: {  	s14 =	sadd.s32 $0x2050, s0;
	s15 =	simm.s32 $0xC828  }
0x1e9: {  	[hbm4b:s14+s3] =	stream.linear.scatter [tilespmem:s15], [sflag:$0x5], $0x80, $0x38;
	[tilespmem:$0x10100] =	vst v63  }
0x1ea: {  	s12 =	sadd.s32 $0x2060, s0;
	s13 =	simm.s32 $0xC8B0  }
0x1eb: {  	[hbm4b:s12+s3] =	stream.linear.scatter [tilespmem:s13], [sflag:$0x5], $0x80, $0x38;
	[tilespmem:$0x10100] =	vst v63  }
0x1ec: {  	s14 =	sadd.s32 $0x2070, s0;
	s15 =	simm.s32 $0xC938  }
0x1ed: {  	[hbm4b:s14+s3] =	stream.linear.scatter [tilespmem:s15], [sflag:$0x5], $0x80, $0x38;
	[tilespmem:$0x10100] =	vst v63  }
0x1ee: {  	s12 =	sadd.s32 $0x3000, s0;
	s13 =	simm.s32 $0xC9C0  }
0x1ef: {  	[hbm4b:s12+s3] =	stream.linear.scatter [tilespmem:s13], [sflag:$0x5], $0x80, $0x38;
	[tilespmem:$0x10100] =	vst v63  }
0x1f0: {  	s14 =	sadd.s32 $0x3010, s0;
	s15 =	simm.s32 $0xCA48  }
0x1f1: {  	[hbm4b:s14+s3] =	stream.linear.scatter [tilespmem:s15], [sflag:$0x5], $0x80, $0x38;
	[tilespmem:$0x10100] =	vst v63  }
0x1f2: {  	s12 =	sadd.s32 $0x3020, s0;
	s13 =	simm.s32 $0xCAD0  }
0x1f3: {  	[hbm4b:s12+s3] =	stream.linear.scatter [tilespmem:s13], [sflag:$0x5], $0x80, $0x38;
	[tilespmem:$0x10100] =	vst v63  }
0x1f4: {  	p0 =	seq.s32 s28, $0x31;
	s14 =	sadd.s32 $0x3030, s0;
	s15 =	simm.s32 $0xCB58  }
0x1f5: {  	[hbm4b:s14+s3] =	stream.linear.scatter [tilespmem:s15], [sflag:$0x5], $0x80, $0x38;
	[tilespmem:$0x10100] =	vst v63  }
0x1f6: {  	s30 =	sshll.u32 @!p0 s29, $0x7;
	s12 =	sadd.s32 $0x3040, s0;
	s13 =	simm.s32 $0xCBE0  }
0x1f7: {  	[hbm4b:s12+s3] =	stream.linear.scatter [tilespmem:s13], [sflag:$0x5], $0x80, $0x38;
	[tilespmem:$0x10100] =	vst v63  }
0x1f8: {  	p1 =	seq.s32 @!p0 s28, $0x0;
	s14 =	sadd.s32 $0x3050, s0;
	s15 =	simm.s32 $0xCC68  }
0x1f9: {  	[hbm4b:s14+s3] =	stream.linear.scatter [tilespmem:s15], [sflag:$0x5], $0x80, $0x38;
	[tilespmem:$0x10100] =	vst v63  }
0x1fa: {  	p1 =	por p0, !p1;
	s13 =	sadd.s32 $0x3060, s0;
	s14 =	simm.s32 $0xCCF0  }
0x1fb: {  	[hbm4b:s13+s3] =	stream.linear.scatter [tilespmem:s14], [sflag:$0x5], $0x80, $0x38;
	[tilespmem:$0x10100] =	vst v63  }
.Ltmp4:
0x1fc: {  	s0 =	sadd.s32 $0x3070, s0;
	s15 =	simm.s32 $0xCD78;
	(pc) =	sbr.rel @!p1 .LBB2_8-.Ltmp4, $4  }
0x1fd: {  	[hbm4b:s0+s3] =	stream.linear.scatter [tilespmem:s15], [sflag:$0x5], $0x80, $0x38;
	[tilespmem:$0x10100] =	vst v63  }
0x1fe: {  	s9 =	simm.s32 @!p0 $0x80;
	s0 =	sadd.s32 @!p0 $0x200, s30  }
0x1ff: {  	s31 =	sor.u32 @!p0 $0x1, s29;
	s12 =	simm.s32 @!p0 $0x7D00;
	s0 =	sand.u32 @!p0 $0xFE00, s0  }
0x200: {  	[tilespmem:s12], [sflag:$0x1] =	stream.indirect.gather @!p0 [hbm4b:s5+s9], $0x20, s0, s9, $0xb8;
	[tilespmem:$0x10100] =	vst v63  }
0x201: {  	_ =	swait.ge [sflag:s22], $0x1000  }
0x202: {  	[sflag:s22] =	ssyncset.done $0x0  }
0x203: {  	s31 =	simm.s32 @p0 $0xC5;
	[sflag:s22] =	ssyncadd.s32 $0xFFFFF000  }
.LBB2_8:
0x204: {  	_ =	swait.ge [sflag:s20], $0x1000  }
0x205: {  	s0 =	simm.s32 $0x0;
	[sflag:s20] =	ssyncset.done $0x0  }
0x206: {  	s12 =	sshll.u32 s31, $0x7;
	s9 =	simm.s32 $0x8D80;
	v17 =	vmov s0;
	[sflag:s20] =	ssyncadd.s32 $0xFFFFF000  }
0x207: {  	s0 =	sshra.s32 s12, $0x2;
	v17 =	vshrl.u32 v17, $0x3;
	v18 =	vld [tilespmem:s9+$0xFFFFFF90]  }
0x208: {  	v19 =	vld [tilespmem:s0+$0x6400];
	v17 =	vshll.u32 v17, v1  }
0x209: {  	v20 =	vld [tilespmem:s9+$0xFFFFFF80];
	v17 =	vbroadcast v17, $0x0  }
0x20a: {  	v21 =	vld [tilespmem:s0+$0x6410]  }
0x20b: {  	v22 =	vadd.s32 v0, v17  }
0x20c: {  	v17 =	vadd.s32 v2, v17;
	_ =	sdelay $0x1  }
0x20d: {  	s15 =	simm.s32 $0x1;
	v20 =	vadd.f32 v20, v19  }
0x20e: {  	v23 =	vmov s15;
	v18 =	vadd.f32 v18, v21  }
0x20f: {  	[tilespmem:v22+s21+$0x0] =	vst.idx.msk $0xffff, v20;
	v20 =	vshrl.u32 v23, $0x3  }
0x210: {  	[tilespmem:v17+s21+$0x0] =	vst.idx.msk $0xffff, v18;
	v17 =	vshll.u32 v20, v1  }
0x211: {  	v18 =	vld [tilespmem:s9+$0xFFFFFFA0];
	v17 =	vbroadcast v17, $0x0  }
0x212: {  	v20 =	vld [tilespmem:s9+$0xFFFFFFB0]  }
0x213: {  	v51 =	vadd.s32 v3, v17  }
0x214: {  	v17 =	vadd.s32 v4, v17;
	_ =	sdelay $0x1  }
0x215: {  	s13 =	simm.s32 $0x2;
	v18 =	vadd.f32 v18, v19  }
0x216: {  	v52 =	vmov s13;
	v20 =	vadd.f32 v20, v21  }
0x217: {  	[tilespmem:v51+s21+$0x0] =	vst.idx.msk $0xffff, v18;
	v18 =	vshrl.u32 v52, $0x3  }
0x218: {  	[tilespmem:v17+s21+$0x0] =	vst.idx.msk $0xffff, v20;
	v17 =	vshll.u32 v18, v1  }
0x219: {  	v18 =	vld [tilespmem:s9+$0xFFFFFFC0];
	v17 =	vbroadcast v17, $0x0  }
0x21a: {  	v20 =	vld [tilespmem:s9+$0xFFFFFFD0]  }
0x21b: {  	v53 =	vadd.s32 v5, v17  }
0x21c: {  	v17 =	vadd.s32 v6, v17;
	_ =	sdelay $0x1  }
0x21d: {  	s14 =	simm.s32 $0x3;
	v18 =	vadd.f32 v18, v19  }
0x21e: {  	v54 =	vmov s14;
	v20 =	vadd.f32 v20, v21  }
0x21f: {  	[tilespmem:v53+s21+$0x0] =	vst.idx.msk $0xffff, v18;
	v18 =	vshrl.u32 v54, $0x3  }
0x220: {  	[tilespmem:v17+s21+$0x0] =	vst.idx.msk $0xffff, v20;
	v17 =	vshll.u32 v18, v1  }
0x221: {  	v18 =	vld [tilespmem:s9+$0xFFFFFFE0];
	v17 =	vbroadcast v17, $0x0  }
0x222: {  	v20 =	vld [tilespmem:s9+$0xFFFFFFF0]  }
0x223: {  	v55 =	vadd.s32 v7, v17  }
0x224: {  	v17 =	vadd.s32 v8, v17;
	_ =	sdelay $0x1  }
0x225: {  	s15 =	simm.s32 $0x4;
	v18 =	vadd.f32 v18, v19  }
0x226: {  	v56 =	vmov s15;
	v20 =	vadd.f32 v20, v21  }
0x227: {  	[tilespmem:v55+s21+$0x0] =	vst.idx.msk $0xffff, v18;
	v18 =	vshrl.u32 v56, $0x3  }
0x228: {  	[tilespmem:v17+s21+$0x0] =	vst.idx.msk $0xffff, v20;
	v17 =	vshll.u32 v18, v1  }
0x229: {  	v18 =	vld [tilespmem:s9+$0x0];
	v17 =	vbroadcast v17, $0x0  }
0x22a: {  	v20 =	vld [tilespmem:s9+$0x10]  }
0x22b: {  	v57 =	vadd.s32 v9, v17  }
0x22c: {  	v17 =	vadd.s32 v10, v17;
	_ =	sdelay $0x1  }
0x22d: {  	s13 =	simm.s32 $0x5;
	v18 =	vadd.f32 v18, v19  }
0x22e: {  	v58 =	vmov s13;
	v20 =	vadd.f32 v20, v21  }
0x22f: {  	[tilespmem:v57+s21+$0x0] =	vst.idx.msk $0xffff, v18;
	v18 =	vshrl.u32 v58, $0x3  }
0x230: {  	[tilespmem:v17+s21+$0x0] =	vst.idx.msk $0xffff, v20;
	v17 =	vshll.u32 v18, v1  }
0x231: {  	v18 =	vld [tilespmem:s9+$0x20];
	v17 =	vbroadcast v17, $0x0  }
0x232: {  	v20 =	vld [tilespmem:s9+$0x30]  }
0x233: {  	v59 =	vadd.s32 v11, v17  }
0x234: {  	v17 =	vadd.s32 v12, v17;
	_ =	sdelay $0x1  }
0x235: {  	s14 =	simm.s32 $0x6;
	v18 =	vadd.f32 v18, v19  }
0x236: {  	v60 =	vmov s14;
	v20 =	vadd.f32 v20, v21  }
0x237: {  	[tilespmem:v59+s21+$0x0] =	vst.idx.msk $0xffff, v18;
	v18 =	vshrl.u32 v60, $0x3  }
0x238: {  	[tilespmem:v17+s21+$0x0] =	vst.idx.msk $0xffff, v20;
	v17 =	vshll.u32 v18, v1  }
0x239: {  	v18 =	vld [tilespmem:s9+$0x40];
	v17 =	vbroadcast v17, $0x0  }
0x23a: {  	v20 =	vld [tilespmem:s9+$0x50]  }
0x23b: {  	v61 =	vadd.s32 v13, v17  }
0x23c: {  	v17 =	vadd.s32 v14, v17;
	_ =	sdelay $0x1  }
0x23d: {  	v18 =	vadd.f32 v18, v19  }
0x23e: {  	s15 =	simm.s32 $0x7;
	v20 =	vadd.f32 v20, v21  }
0x23f: {  	v62 =	vmov s15;
	[tilespmem:v61+s21+$0x0] =	vst.idx.msk $0xffff, v18  }
0x240: {  	v18 =	vshrl.u32 v62, $0x3;
	[tilespmem:v17+s21+$0x0] =	vst.idx.msk $0xffff, v20  }
0x241: {  	v17 =	vshll.u32 v18, v1;
	v18 =	vld [tilespmem:s9+$0x60]  }
0x242: {  	v17 =	vbroadcast v17, $0x0;
	_ =	sdelay $0x1  }
0x243: {  	v20 =	vld [tilespmem:s9+$0x70];
	v63 =	vadd.s32 v15, v17;
	_ =	sdelay $0x1  }
0x244: {  	v18 =	vadd.f32 v18, v19;
	v19 =	vadd.s32 v16, v17;
	_ =	sdelay $0x2  }
0x245: {  	s12 =	simm.s32 $0xF;
	s13 =	simm.s32 $0x17;
	s14 =	simm.s32 $0x8;
	v17 =	vadd.f32 v20, v21;
	[tilespmem:v63+s21+$0x0] =	vst.idx.msk $0xffff, v18  }
.LBB2_9:
0x246: {  	p2 =	sne.s32 s13, $0x7F  }
0x247: {  	v18 =	vmov s14;
	[tilespmem:v19+s21+$0x0] =	vst.idx.msk $0xffff, v17;
	s9 =	sadd.s32 $0x100, s9;
	s14 =	smov.u32 s13;
	s13 =	sadd.s32 $0x8, s13  }
0x248: {  	v19 =	vld [tilespmem:s9+$0xFFFFFF90];
	v18 =	vshrl.u32 v18, $0x3  }
0x249: {  	v17 =	vld [tilespmem:s0+$0x6400];
	v18 =	vshll.u32 v18, v1  }
0x24a: {  	v20 =	vld [tilespmem:s9+$0xFFFFFF80];
	v21 =	vbroadcast v18, $0x0  }
0x24b: {  	v18 =	vld [tilespmem:s0+$0x6410]  }
0x24c: {  	v22 =	vadd.s32 v0, v21  }
0x24d: {  	v21 =	vadd.s32 v2, v21;
	_ =	sdelay $0x1  }
0x24e: {  	s15 =	sadd.s32 $0xFFFFFFFA, s12;
	v20 =	vadd.f32 v20, v17  }
0x24f: {  	v23 =	vmov s15;
	v19 =	vadd.f32 v19, v18  }
0x250: {  	[tilespmem:v22+s21+$0x0] =	vst.idx.msk $0xffff, v20;
	v20 =	vshrl.u32 v23, $0x3  }
0x251: {  	[tilespmem:v21+s21+$0x0] =	vst.idx.msk $0xffff, v19;
	v19 =	vshll.u32 v20, v1  }
0x252: {  	v20 =	vld [tilespmem:s9+$0xFFFFFFA0];
	v19 =	vbroadcast v19, $0x0  }
0x253: {  	v21 =	vld [tilespmem:s9+$0xFFFFFFB0]  }
0x254: {  	v22 =	vadd.s32 v3, v19  }
0x255: {  	v19 =	vadd.s32 v4, v19;
	_ =	sdelay $0x1  }
0x256: {  	s15 =	sadd.s32 $0xFFFFFFFB, s12;
	v20 =	vadd.f32 v20, v17  }
0x257: {  	v23 =	vmov s15;
	v21 =	vadd.f32 v21, v18  }
0x258: {  	[tilespmem:v22+s21+$0x0] =	vst.idx.msk $0xffff, v20;
	v20 =	vshrl.u32 v23, $0x3  }
0x259: {  	[tilespmem:v19+s21+$0x0] =	vst.idx.msk $0xffff, v21;
	v19 =	vshll.u32 v20, v1  }
0x25a: {  	v20 =	vld [tilespmem:s9+$0xFFFFFFC0];
	v19 =	vbroadcast v19, $0x0  }
0x25b: {  	v21 =	vld [tilespmem:s9+$0xFFFFFFD0]  }
0x25c: {  	v22 =	vadd.s32 v5, v19  }
0x25d: {  	v19 =	vadd.s32 v6, v19;
	_ =	sdelay $0x1  }
0x25e: {  	s15 =	sadd.s32 $0xFFFFFFFC, s12;
	v20 =	vadd.f32 v20, v17  }
0x25f: {  	v23 =	vmov s15;
	v21 =	vadd.f32 v21, v18  }
0x260: {  	[tilespmem:v22+s21+$0x0] =	vst.idx.msk $0xffff, v20;
	v20 =	vshrl.u32 v23, $0x3  }
0x261: {  	[tilespmem:v19+s21+$0x0] =	vst.idx.msk $0xffff, v21;
	v19 =	vshll.u32 v20, v1  }
0x262: {  	v20 =	vld [tilespmem:s9+$0xFFFFFFE0];
	v19 =	vbroadcast v19, $0x0  }
0x263: {  	v21 =	vld [tilespmem:s9+$0xFFFFFFF0]  }
0x264: {  	v22 =	vadd.s32 v7, v19  }
0x265: {  	v19 =	vadd.s32 v8, v19;
	_ =	sdelay $0x1  }
0x266: {  	s15 =	sadd.s32 $0xFFFFFFFD, s12;
	v20 =	vadd.f32 v20, v17  }
0x267: {  	v23 =	vmov s15;
	v21 =	vadd.f32 v21, v18  }
0x268: {  	[tilespmem:v22+s21+$0x0] =	vst.idx.msk $0xffff, v20;
	v20 =	vshrl.u32 v23, $0x3  }
0x269: {  	[tilespmem:v19+s21+$0x0] =	vst.idx.msk $0xffff, v21;
	v19 =	vshll.u32 v20, v1  }
0x26a: {  	v20 =	vld [tilespmem:s9+$0x0];
	v19 =	vbroadcast v19, $0x0  }
0x26b: {  	v21 =	vld [tilespmem:s9+$0x10]  }
0x26c: {  	v22 =	vadd.s32 v9, v19  }
0x26d: {  	v19 =	vadd.s32 v10, v19;
	_ =	sdelay $0x1  }
0x26e: {  	s15 =	sadd.s32 $0xFFFFFFFE, s12;
	v20 =	vadd.f32 v20, v17  }
0x26f: {  	v23 =	vmov s15;
	v21 =	vadd.f32 v21, v18  }
0x270: {  	[tilespmem:v22+s21+$0x0] =	vst.idx.msk $0xffff, v20;
	v20 =	vshrl.u32 v23, $0x3  }
0x271: {  	[tilespmem:v19+s21+$0x0] =	vst.idx.msk $0xffff, v21;
	v19 =	vshll.u32 v20, v1  }
0x272: {  	v20 =	vld [tilespmem:s9+$0x20];
	v19 =	vbroadcast v19, $0x0  }
0x273: {  	v21 =	vld [tilespmem:s9+$0x30]  }
0x274: {  	v22 =	vadd.s32 v11, v19  }
0x275: {  	v19 =	vadd.s32 v12, v19;
	_ =	sdelay $0x1  }
0x276: {  	s15 =	sadd.s32 $0xFFFFFFFF, s12;
	v20 =	vadd.f32 v20, v17  }
0x277: {  	v23 =	vmov s15;
	v21 =	vadd.f32 v21, v18  }
0x278: {  	[tilespmem:v22+s21+$0x0] =	vst.idx.msk $0xffff, v20;
	v20 =	vshrl.u32 v23, $0x3  }
0x279: {  	[tilespmem:v19+s21+$0x0] =	vst.idx.msk $0xffff, v21;
	v19 =	vshll.u32 v20, v1  }
0x27a: {  	v20 =	vld [tilespmem:s9+$0x40];
	v19 =	vbroadcast v19, $0x0  }
0x27b: {  	v21 =	vld [tilespmem:s9+$0x50]  }
0x27c: {  	v22 =	vadd.s32 v13, v19  }
0x27d: {  	v19 =	vadd.s32 v14, v19;
	_ =	sdelay $0x1  }
0x27e: {  	v20 =	vadd.f32 v20, v17  }
0x27f: {  	v23 =	vmov s12;
	s12 =	smov.u32 s14;
	v21 =	vadd.f32 v21, v18  }
0x280: {  	[tilespmem:v22+s21+$0x0] =	vst.idx.msk $0xffff, v20;
	v20 =	vshrl.u32 v23, $0x3  }
0x281: {  	[tilespmem:v19+s21+$0x0] =	vst.idx.msk $0xffff, v21;
	v19 =	vshll.u32 v20, v1  }
0x282: {  	v20 =	vld [tilespmem:s9+$0x60];
	v19 =	vbroadcast v19, $0x0  }
0x283: {  	v21 =	vld [tilespmem:s9+$0x70]  }
0x284: {  	v22 =	vadd.s32 v15, v19  }
.Ltmp5:
0x285: {  	v19 =	vadd.s32 v16, v19;
	(pc) =	sbr.rel @p2 .LBB2_9-.Ltmp5, $4  }
0x286: {  	_ = 	snop  }
0x287: {  	v20 =	vadd.f32 v20, v17  }
0x288: {  	v17 =	vadd.f32 v21, v18  }
0x289: {  	s14 =	sadd.s32 $0xFFFFFFF9, s12;
	[tilespmem:v22+s21+$0x0] =	vst.idx.msk $0xffff, v20  }
0x28a: {  	_ =	sdelay $0x3  }
0x28b: {  	v18 =	vmov s14;
	[tilespmem:v19+s21+$0x0] =	vst.idx.msk $0xffff, v17;
	s9 =	sadd.s32 $0x100, s9  }
0x28c: {  	v17 =	vld [tilespmem:s9+$0xFFFFFF90];
	v18 =	vshrl.u32 v18, $0x3  }
0x28d: {  	v19 =	vld [tilespmem:s0+$0x6400];
	v18 =	vshll.u32 v18, v1  }
0x28e: {  	v20 =	vld [tilespmem:s9+$0xFFFFFF80];
	v18 =	vbroadcast v18, $0x0  }
0x28f: {  	v21 =	vld [tilespmem:s0+$0x6410]  }
0x290: {  	v22 =	vadd.s32 v0, v18  }
0x291: {  	v18 =	vadd.s32 v2, v18;
	_ =	sdelay $0x1  }
0x292: {  	s13 =	sadd.s32 $0xFFFFFFFA, s12;
	v20 =	vadd.f32 v20, v19  }
0x293: {  	v23 =	vmov s13;
	v17 =	vadd.f32 v17, v21  }
0x294: {  	v49 =	vshrl.u32 v23, $0x3;
	[tilespmem:v22+s21+$0x0] =	vst.idx.msk $0xffff, v20  }
0x295: {  	[tilespmem:v18+s21+$0x0] =	vst.idx.msk $0xffff, v17;
	v17 =	vshll.u32 v49, v1  }
0x296: {  	v18 =	vld [tilespmem:s9+$0xFFFFFFA0];
	v17 =	vbroadcast v17, $0x0  }
0x297: {  	v50 =	vld [tilespmem:s9+$0xFFFFFFB0]  }
0x298: {  	v51 =	vadd.s32 v3, v17  }
0x299: {  	v17 =	vadd.s32 v4, v17;
	_ =	sdelay $0x1  }
0x29a: {  	s14 =	sadd.s32 $0xFFFFFFFB, s12;
	v18 =	vadd.f32 v18, v19  }
0x29b: {  	v52 =	vmov s14;
	v20 =	vadd.f32 v50, v21  }
0x29c: {  	[tilespmem:v51+s21+$0x0] =	vst.idx.msk $0xffff, v18;
	v18 =	vshrl.u32 v52, $0x3  }
0x29d: {  	[tilespmem:v17+s21+$0x0] =	vst.idx.msk $0xffff, v20;
	v17 =	vshll.u32 v18, v1  }
0x29e: {  	v18 =	vld [tilespmem:s9+$0xFFFFFFC0];
	v17 =	vbroadcast v17, $0x0  }
0x29f: {  	v20 =	vld [tilespmem:s9+$0xFFFFFFD0]  }
0x2a0: {  	v53 =	vadd.s32 v5, v17  }
0x2a1: {  	v17 =	vadd.s32 v6, v17;
	_ =	sdelay $0x1  }
0x2a2: {  	s15 =	sadd.s32 $0xFFFFFFFC, s12;
	v18 =	vadd.f32 v18, v19  }
0x2a3: {  	v54 =	vmov s15;
	v20 =	vadd.f32 v20, v21  }
0x2a4: {  	[tilespmem:v53+s21+$0x0] =	vst.idx.msk $0xffff, v18;
	v18 =	vshrl.u32 v54, $0x3  }
0x2a5: {  	[tilespmem:v17+s21+$0x0] =	vst.idx.msk $0xffff, v20;
	v17 =	vshll.u32 v18, v1  }
0x2a6: {  	v18 =	vld [tilespmem:s9+$0xFFFFFFE0];
	v17 =	vbroadcast v17, $0x0  }
0x2a7: {  	v20 =	vld [tilespmem:s9+$0xFFFFFFF0]  }
0x2a8: {  	v55 =	vadd.s32 v7, v17  }
0x2a9: {  	v17 =	vadd.s32 v8, v17;
	_ =	sdelay $0x1  }
0x2aa: {  	s13 =	sadd.s32 $0xFFFFFFFD, s12;
	v18 =	vadd.f32 v18, v19  }
0x2ab: {  	v56 =	vmov s13;
	v20 =	vadd.f32 v20, v21  }
0x2ac: {  	[tilespmem:v55+s21+$0x0] =	vst.idx.msk $0xffff, v18;
	v18 =	vshrl.u32 v56, $0x3  }
0x2ad: {  	[tilespmem:v17+s21+$0x0] =	vst.idx.msk $0xffff, v20;
	v17 =	vshll.u32 v18, v1  }
0x2ae: {  	v18 =	vld [tilespmem:s9+$0x0];
	v17 =	vbroadcast v17, $0x0  }
0x2af: {  	v20 =	vld [tilespmem:s9+$0x10]  }
0x2b0: {  	v57 =	vadd.s32 v9, v17  }
0x2b1: {  	v17 =	vadd.s32 v10, v17;
	_ =	sdelay $0x1  }
0x2b2: {  	s14 =	sadd.s32 $0xFFFFFFFE, s12;
	v18 =	vadd.f32 v18, v19  }
0x2b3: {  	v58 =	vmov s14;
	v20 =	vadd.f32 v20, v21  }
0x2b4: {  	[tilespmem:v57+s21+$0x0] =	vst.idx.msk $0xffff, v18;
	v18 =	vshrl.u32 v58, $0x3  }
0x2b5: {  	[tilespmem:v17+s21+$0x0] =	vst.idx.msk $0xffff, v20;
	v17 =	vshll.u32 v18, v1  }
0x2b6: {  	v18 =	vld [tilespmem:s9+$0x20];
	v17 =	vbroadcast v17, $0x0  }
0x2b7: {  	v20 =	vld [tilespmem:s9+$0x30]  }
0x2b8: {  	v59 =	vadd.s32 v11, v17  }
0x2b9: {  	v17 =	vadd.s32 v12, v17;
	_ =	sdelay $0x1  }
0x2ba: {  	s15 =	sadd.s32 $0xFFFFFFFF, s12;
	v18 =	vadd.f32 v18, v19  }
0x2bb: {  	v60 =	vmov s15;
	v20 =	vadd.f32 v20, v21  }
0x2bc: {  	[tilespmem:v59+s21+$0x0] =	vst.idx.msk $0xffff, v18;
	v18 =	vshrl.u32 v60, $0x3  }
0x2bd: {  	[tilespmem:v17+s21+$0x0] =	vst.idx.msk $0xffff, v20;
	v17 =	vshll.u32 v18, v1  }
0x2be: {  	v18 =	vld [tilespmem:s9+$0x40];
	v17 =	vbroadcast v17, $0x0  }
0x2bf: {  	v20 =	vld [tilespmem:s9+$0x50]  }
0x2c0: {  	v61 =	vadd.s32 v13, v17  }
0x2c1: {  	v17 =	vadd.s32 v14, v17;
	_ =	sdelay $0x1  }
0x2c2: {  	v18 =	vadd.f32 v18, v19  }
0x2c3: {  	v62 =	vmov s12;
	v20 =	vadd.f32 v20, v21  }
0x2c4: {  	[tilespmem:v61+s21+$0x0] =	vst.idx.msk $0xffff, v18;
	v18 =	vshrl.u32 v62, $0x3  }
0x2c5: {  	[tilespmem:v17+s21+$0x0] =	vst.idx.msk $0xffff, v20;
	v17 =	vshll.u32 v18, v1  }
0x2c6: {  	v18 =	vld [tilespmem:s9+$0x60];
	v17 =	vbroadcast v17, $0x0  }
0x2c7: {  	v20 =	vld [tilespmem:s9+$0x70]  }
0x2c8: {  	v63 =	vadd.s32 v15, v17  }
0x2c9: {  	v17 =	vadd.s32 v16, v17;
	_ =	sdelay $0x1  }
0x2ca: {  	s13 =	sshll.u32 s31, $0x11;
	v18 =	vadd.f32 v18, v19  }
0x2cb: {  	s0 =	sor.u32 s4, s13;
	v19 =	vadd.f32 v20, v21  }
0x2cc: {  	s0 =	sshrl.u32 s0, $0x3;
	[tilespmem:v63+s21+$0x0] =	vst.idx.msk $0xffff, v18  }
0x2cd: {  	s0 =	sadd.s32 s2, s0;
	[tilespmem:v17+s21+$0x0] =	vst.idx.msk $0xffff, v19  }
0x2ce: {  	[hbm4b:s0+s3] =	stream.linear.scatter [tilespmem:s21], [sflag:$0x6], $0x80, $0x38;
	[tilespmem:$0x10100] =	vst v63  }
0x2cf: {  	s15 =	simm.s32 $0xCE88;
	s14 =	sadd.s32 $0x10, s0  }
0x2d0: {  	[hbm4b:s14+s3] =	stream.linear.scatter [tilespmem:s15], [sflag:$0x6], $0x80, $0x38;
	[tilespmem:$0x10100] =	vst v63  }
0x2d1: {  	s13 =	simm.s32 $0xCF10;
	s12 =	sadd.s32 $0x20, s0  }
0x2d2: {  	[hbm4b:s12+s3] =	stream.linear.scatter [tilespmem:s13], [sflag:$0x6], $0x80, $0x38;
	[tilespmem:$0x10100] =	vst v63  }
0x2d3: {  	s14 =	sadd.s32 $0x30, s0;
	s15 =	simm.s32 $0xCF98  }
0x2d4: {  	[hbm4b:s14+s3] =	stream.linear.scatter [tilespmem:s15], [sflag:$0x6], $0x80, $0x38;
	[tilespmem:$0x10100] =	vst v63  }
0x2d5: {  	s12 =	sadd.s32 $0x40, s0;
	s13 =	simm.s32 $0xD020  }
0x2d6: {  	[hbm4b:s12+s3] =	stream.linear.scatter [tilespmem:s13], [sflag:$0x6], $0x80, $0x38;
	[tilespmem:$0x10100] =	vst v63  }
0x2d7: {  	s14 =	sadd.s32 $0x50, s0;
	s15 =	simm.s32 $0xD0A8  }
0x2d8: {  	[hbm4b:s14+s3] =	stream.linear.scatter [tilespmem:s15], [sflag:$0x6], $0x80, $0x38;
	[tilespmem:$0x10100] =	vst v63  }
0x2d9: {  	s12 =	sadd.s32 $0x60, s0;
	s13 =	simm.s32 $0xD130  }
0x2da: {  	[hbm4b:s12+s3] =	stream.linear.scatter [tilespmem:s13], [sflag:$0x6], $0x80, $0x38;
	[tilespmem:$0x10100] =	vst v63  }
0x2db: {  	s14 =	sadd.s32 $0x70, s0;
	s15 =	simm.s32 $0xD1B8  }
0x2dc: {  	[hbm4b:s14+s3] =	stream.linear.scatter [tilespmem:s15], [sflag:$0x6], $0x80, $0x38;
	[tilespmem:$0x10100] =	vst v63  }
0x2dd: {  	s12 =	sadd.s32 $0x1000, s0;
	s13 =	simm.s32 $0xD240  }
0x2de: {  	[hbm4b:s12+s3] =	stream.linear.scatter [tilespmem:s13], [sflag:$0x6], $0x80, $0x38;
	[tilespmem:$0x10100] =	vst v63  }
0x2df: {  	s14 =	sadd.s32 $0x1010, s0;
	s15 =	simm.s32 $0xD2C8  }
0x2e0: {  	[hbm4b:s14+s3] =	stream.linear.scatter [tilespmem:s15], [sflag:$0x6], $0x80, $0x38;
	[tilespmem:$0x10100] =	vst v63  }
0x2e1: {  	s12 =	sadd.s32 $0x1020, s0;
	s13 =	simm.s32 $0xD350  }
0x2e2: {  	[hbm4b:s12+s3] =	stream.linear.scatter [tilespmem:s13], [sflag:$0x6], $0x80, $0x38;
	[tilespmem:$0x10100] =	vst v63  }
0x2e3: {  	s14 =	sadd.s32 $0x1030, s0;
	s15 =	simm.s32 $0xD3D8  }
0x2e4: {  	[hbm4b:s14+s3] =	stream.linear.scatter [tilespmem:s15], [sflag:$0x6], $0x80, $0x38;
	[tilespmem:$0x10100] =	vst v63  }
0x2e5: {  	s12 =	sadd.s32 $0x1040, s0;
	s13 =	simm.s32 $0xD460  }
0x2e6: {  	[hbm4b:s12+s3] =	stream.linear.scatter [tilespmem:s13], [sflag:$0x6], $0x80, $0x38;
	[tilespmem:$0x10100] =	vst v63  }
0x2e7: {  	s14 =	sadd.s32 $0x1050, s0;
	s15 =	simm.s32 $0xD4E8  }
0x2e8: {  	[hbm4b:s14+s3] =	stream.linear.scatter [tilespmem:s15], [sflag:$0x6], $0x80, $0x38;
	[tilespmem:$0x10100] =	vst v63  }
0x2e9: {  	s12 =	sadd.s32 $0x1060, s0;
	s13 =	simm.s32 $0xD570  }
0x2ea: {  	[hbm4b:s12+s3] =	stream.linear.scatter [tilespmem:s13], [sflag:$0x6], $0x80, $0x38;
	[tilespmem:$0x10100] =	vst v63  }
0x2eb: {  	s14 =	sadd.s32 $0x1070, s0;
	s15 =	simm.s32 $0xD5F8  }
0x2ec: {  	[hbm4b:s14+s3] =	stream.linear.scatter [tilespmem:s15], [sflag:$0x6], $0x80, $0x38;
	[tilespmem:$0x10100] =	vst v63  }
0x2ed: {  	s12 =	sadd.s32 $0x2000, s0;
	s13 =	simm.s32 $0xD680  }
0x2ee: {  	[hbm4b:s12+s3] =	stream.linear.scatter [tilespmem:s13], [sflag:$0x6], $0x80, $0x38;
	[tilespmem:$0x10100] =	vst v63  }
0x2ef: {  	s14 =	sadd.s32 $0x2010, s0;
	s15 =	simm.s32 $0xD708  }
0x2f0: {  	[hbm4b:s14+s3] =	stream.linear.scatter [tilespmem:s15], [sflag:$0x6], $0x80, $0x38;
	[tilespmem:$0x10100] =	vst v63  }
0x2f1: {  	s12 =	sadd.s32 $0x2020, s0;
	s13 =	simm.s32 $0xD790  }
0x2f2: {  	[hbm4b:s12+s3] =	stream.linear.scatter [tilespmem:s13], [sflag:$0x6], $0x80, $0x38;
	[tilespmem:$0x10100] =	vst v63  }
0x2f3: {  	s14 =	sadd.s32 $0x2030, s0;
	s15 =	simm.s32 $0xD818  }
0x2f4: {  	[hbm4b:s14+s3] =	stream.linear.scatter [tilespmem:s15], [sflag:$0x6], $0x80, $0x38;
	[tilespmem:$0x10100] =	vst v63  }
0x2f5: {  	s12 =	sadd.s32 $0x2040, s0;
	s13 =	simm.s32 $0xD8A0  }
0x2f6: {  	[hbm4b:s12+s3] =	stream.linear.scatter [tilespmem:s13], [sflag:$0x6], $0x80, $0x38;
	[tilespmem:$0x10100] =	vst v63  }
0x2f7: {  	s14 =	sadd.s32 $0x2050, s0;
	s15 =	simm.s32 $0xD928  }
0x2f8: {  	[hbm4b:s14+s3] =	stream.linear.scatter [tilespmem:s15], [sflag:$0x6], $0x80, $0x38;
	[tilespmem:$0x10100] =	vst v63  }
0x2f9: {  	s12 =	sadd.s32 $0x2060, s0;
	s13 =	simm.s32 $0xD9B0  }
0x2fa: {  	[hbm4b:s12+s3] =	stream.linear.scatter [tilespmem:s13], [sflag:$0x6], $0x80, $0x38;
	[tilespmem:$0x10100] =	vst v63  }
0x2fb: {  	s14 =	sadd.s32 $0x2070, s0;
	s15 =	simm.s32 $0xDA38  }
0x2fc: {  	[hbm4b:s14+s3] =	stream.linear.scatter [tilespmem:s15], [sflag:$0x6], $0x80, $0x38;
	[tilespmem:$0x10100] =	vst v63  }
0x2fd: {  	s12 =	sadd.s32 $0x3000, s0;
	s13 =	simm.s32 $0xDAC0  }
0x2fe: {  	[hbm4b:s12+s3] =	stream.linear.scatter [tilespmem:s13], [sflag:$0x6], $0x80, $0x38;
	[tilespmem:$0x10100] =	vst v63  }
0x2ff: {  	s14 =	sadd.s32 $0x3010, s0;
	s15 =	simm.s32 $0xDB48  }
0x300: {  	[hbm4b:s14+s3] =	stream.linear.scatter [tilespmem:s15], [sflag:$0x6], $0x80, $0x38;
	[tilespmem:$0x10100] =	vst v63  }
0x301: {  	s12 =	sadd.s32 $0x3020, s0;
	s13 =	simm.s32 $0xDBD0  }
0x302: {  	[hbm4b:s12+s3] =	stream.linear.scatter [tilespmem:s13], [sflag:$0x6], $0x80, $0x38;
	[tilespmem:$0x10100] =	vst v63  }
0x303: {  	s14 =	sadd.s32 $0x3030, s0;
	s15 =	simm.s32 $0xDC58  }
0x304: {  	[hbm4b:s14+s3] =	stream.linear.scatter [tilespmem:s15], [sflag:$0x6], $0x80, $0x38;
	[tilespmem:$0x10100] =	vst v63  }
0x305: {  	s12 =	sadd.s32 $0x3040, s0;
	s13 =	simm.s32 $0xDCE0  }
0x306: {  	[hbm4b:s12+s3] =	stream.linear.scatter [tilespmem:s13], [sflag:$0x6], $0x80, $0x38;
	[tilespmem:$0x10100] =	vst v63  }
0x307: {  	s14 =	sadd.s32 $0x3050, s0;
	s15 =	simm.s32 $0xDD68  }
0x308: {  	[hbm4b:s14+s3] =	stream.linear.scatter [tilespmem:s15], [sflag:$0x6], $0x80, $0x38;
	[tilespmem:$0x10100] =	vst v63  }
0x309: {  	s13 =	sadd.s32 $0x3060, s0;
	s14 =	simm.s32 $0xDDF0  }
0x30a: {  	[hbm4b:s13+s3] =	stream.linear.scatter [tilespmem:s14], [sflag:$0x6], $0x80, $0x38;
	[tilespmem:$0x10100] =	vst v63  }
.Ltmp6:
0x30b: {  	s0 =	sadd.s32 $0x3070, s0;
	s15 =	simm.s32 $0xDE78;
	(pc) =	sbr.rel @!p1 .LBB2_12-.Ltmp6, $4  }
0x30c: {  	[hbm4b:s0+s3] =	stream.linear.scatter [tilespmem:s15], [sflag:$0x6], $0x80, $0x38;
	[tilespmem:$0x10100] =	vst v63  }
0x30d: {  	s31 =	sor.u32 @!p0 $0x2, s29;
	s0 =	sadd.s32 @!p0 $0x280, s30  }
0x30e: {  	s9 =	simm.s32 @!p0 $0x80;
	s12 =	simm.s32 @!p0 $0x8D00;
	s0 =	sand.u32 @!p0 $0xFE80, s0  }
0x30f: {  	[tilespmem:s12], [sflag:$0x2] =	stream.indirect.gather @!p0 [hbm4b:s5+s9], $0x20, s0, s9, $0xb8;
	[tilespmem:$0x10100] =	vst v63  }
0x310: {  	_ =	swait.ge [sflag:s23], $0x1000  }
0x311: {  	[sflag:s23] =	ssyncset.done $0x0  }
0x312: {  	s31 =	simm.s32 @p0 $0xC6;
	[sflag:s23] =	ssyncadd.s32 $0xFFFFF000  }
.LBB2_12:
0x313: {  	_ =	swait.ge [sflag:s1], $0x1000  }
0x314: {  	s0 =	simm.s32 $0x0;
	[sflag:s1] =	ssyncset.done $0x0  }
0x315: {  	s12 =	sshll.u32 s31, $0x7;
	s9 =	simm.s32 $0x9D80;
	v17 =	vmov s0;
	[sflag:s1] =	ssyncadd.s32 $0xFFFFF000  }
0x316: {  	s0 =	sshra.s32 s12, $0x2;
	v17 =	vshrl.u32 v17, $0x3;
	v18 =	vld [tilespmem:s9+$0xFFFFFF90]  }
0x317: {  	v19 =	vld [tilespmem:s0+$0x6400];
	v17 =	vshll.u32 v17, v1  }
0x318: {  	v20 =	vld [tilespmem:s9+$0xFFFFFF80];
	v17 =	vbroadcast v17, $0x0  }
0x319: {  	v21 =	vld [tilespmem:s0+$0x6410]  }
0x31a: {  	v22 =	vadd.s32 v0, v17  }
0x31b: {  	v17 =	vadd.s32 v2, v17;
	_ =	sdelay $0x1  }
0x31c: {  	s15 =	simm.s32 $0x1;
	v20 =	vadd.f32 v20, v19  }
0x31d: {  	v23 =	vmov s15;
	v18 =	vadd.f32 v18, v21  }
0x31e: {  	[tilespmem:v22+s7+$0x0] =	vst.idx.msk $0xffff, v20;
	v20 =	vshrl.u32 v23, $0x3  }
0x31f: {  	[tilespmem:v17+s7+$0x0] =	vst.idx.msk $0xffff, v18;
	v17 =	vshll.u32 v20, v1  }
0x320: {  	v18 =	vld [tilespmem:s9+$0xFFFFFFA0];
	v17 =	vbroadcast v17, $0x0  }
0x321: {  	v20 =	vld [tilespmem:s9+$0xFFFFFFB0]  }
0x322: {  	v51 =	vadd.s32 v3, v17  }
0x323: {  	v17 =	vadd.s32 v4, v17;
	_ =	sdelay $0x1  }
0x324: {  	s13 =	simm.s32 $0x2;
	v18 =	vadd.f32 v18, v19  }
0x325: {  	v52 =	vmov s13;
	v20 =	vadd.f32 v20, v21  }
0x326: {  	[tilespmem:v51+s7+$0x0] =	vst.idx.msk $0xffff, v18;
	v18 =	vshrl.u32 v52, $0x3  }
0x327: {  	[tilespmem:v17+s7+$0x0] =	vst.idx.msk $0xffff, v20;
	v17 =	vshll.u32 v18, v1  }
0x328: {  	v18 =	vld [tilespmem:s9+$0xFFFFFFC0];
	v17 =	vbroadcast v17, $0x0  }
0x329: {  	v20 =	vld [tilespmem:s9+$0xFFFFFFD0]  }
0x32a: {  	v53 =	vadd.s32 v5, v17  }
0x32b: {  	v17 =	vadd.s32 v6, v17;
	_ =	sdelay $0x1  }
0x32c: {  	s14 =	simm.s32 $0x3;
	v18 =	vadd.f32 v18, v19  }
0x32d: {  	v54 =	vmov s14;
	v20 =	vadd.f32 v20, v21  }
0x32e: {  	[tilespmem:v53+s7+$0x0] =	vst.idx.msk $0xffff, v18;
	v18 =	vshrl.u32 v54, $0x3  }
0x32f: {  	[tilespmem:v17+s7+$0x0] =	vst.idx.msk $0xffff, v20;
	v17 =	vshll.u32 v18, v1  }
0x330: {  	v18 =	vld [tilespmem:s9+$0xFFFFFFE0];
	v17 =	vbroadcast v17, $0x0  }
0x331: {  	v20 =	vld [tilespmem:s9+$0xFFFFFFF0]  }
0x332: {  	v55 =	vadd.s32 v7, v17  }
0x333: {  	v17 =	vadd.s32 v8, v17;
	_ =	sdelay $0x1  }
0x334: {  	s15 =	simm.s32 $0x4;
	v18 =	vadd.f32 v18, v19  }
0x335: {  	v56 =	vmov s15;
	v20 =	vadd.f32 v20, v21  }
0x336: {  	[tilespmem:v55+s7+$0x0] =	vst.idx.msk $0xffff, v18;
	v18 =	vshrl.u32 v56, $0x3  }
0x337: {  	[tilespmem:v17+s7+$0x0] =	vst.idx.msk $0xffff, v20;
	v17 =	vshll.u32 v18, v1  }
0x338: {  	v18 =	vld [tilespmem:s9+$0x0];
	v17 =	vbroadcast v17, $0x0  }
0x339: {  	v20 =	vld [tilespmem:s9+$0x10]  }
0x33a: {  	v57 =	vadd.s32 v9, v17  }
0x33b: {  	v17 =	vadd.s32 v10, v17;
	_ =	sdelay $0x1  }
0x33c: {  	s13 =	simm.s32 $0x5;
	v18 =	vadd.f32 v18, v19  }
0x33d: {  	v58 =	vmov s13;
	v20 =	vadd.f32 v20, v21  }
0x33e: {  	[tilespmem:v57+s7+$0x0] =	vst.idx.msk $0xffff, v18;
	v18 =	vshrl.u32 v58, $0x3  }
0x33f: {  	[tilespmem:v17+s7+$0x0] =	vst.idx.msk $0xffff, v20;
	v17 =	vshll.u32 v18, v1  }
0x340: {  	v18 =	vld [tilespmem:s9+$0x20];
	v17 =	vbroadcast v17, $0x0  }
0x341: {  	v20 =	vld [tilespmem:s9+$0x30]  }
0x342: {  	v59 =	vadd.s32 v11, v17  }
0x343: {  	v17 =	vadd.s32 v12, v17;
	_ =	sdelay $0x1  }
0x344: {  	s14 =	simm.s32 $0x6;
	v18 =	vadd.f32 v18, v19  }
0x345: {  	v60 =	vmov s14;
	v20 =	vadd.f32 v20, v21  }
0x346: {  	[tilespmem:v59+s7+$0x0] =	vst.idx.msk $0xffff, v18;
	v18 =	vshrl.u32 v60, $0x3  }
0x347: {  	[tilespmem:v17+s7+$0x0] =	vst.idx.msk $0xffff, v20;
	v17 =	vshll.u32 v18, v1  }
0x348: {  	v18 =	vld [tilespmem:s9+$0x40];
	v17 =	vbroadcast v17, $0x0  }
0x349: {  	v20 =	vld [tilespmem:s9+$0x50]  }
0x34a: {  	v61 =	vadd.s32 v13, v17  }
0x34b: {  	v17 =	vadd.s32 v14, v17;
	_ =	sdelay $0x1  }
0x34c: {  	v18 =	vadd.f32 v18, v19  }
0x34d: {  	s15 =	simm.s32 $0x7;
	v20 =	vadd.f32 v20, v21  }
0x34e: {  	v62 =	vmov s15;
	[tilespmem:v61+s7+$0x0] =	vst.idx.msk $0xffff, v18  }
0x34f: {  	v18 =	vshrl.u32 v62, $0x3;
	[tilespmem:v17+s7+$0x0] =	vst.idx.msk $0xffff, v20  }
0x350: {  	v17 =	vshll.u32 v18, v1;
	v18 =	vld [tilespmem:s9+$0x60]  }
0x351: {  	v17 =	vbroadcast v17, $0x0;
	_ =	sdelay $0x1  }
0x352: {  	v20 =	vld [tilespmem:s9+$0x70];
	v63 =	vadd.s32 v15, v17;
	_ =	sdelay $0x1  }
0x353: {  	v18 =	vadd.f32 v18, v19;
	v19 =	vadd.s32 v16, v17;
	_ =	sdelay $0x2  }
0x354: {  	s12 =	simm.s32 $0xF;
	s13 =	simm.s32 $0x17;
	s14 =	simm.s32 $0x8;
	v17 =	vadd.f32 v20, v21;
	[tilespmem:v63+s7+$0x0] =	vst.idx.msk $0xffff, v18  }
.LBB2_13:
0x355: {  	p2 =	sne.s32 s13, $0x7F  }
0x356: {  	v18 =	vmov s14;
	[tilespmem:v19+s7+$0x0] =	vst.idx.msk $0xffff, v17;
	s9 =	sadd.s32 $0x100, s9;
	s14 =	smov.u32 s13;
	s13 =	sadd.s32 $0x8, s13  }
0x357: {  	v19 =	vld [tilespmem:s9+$0xFFFFFF90];
	v18 =	vshrl.u32 v18, $0x3  }
0x358: {  	v17 =	vld [tilespmem:s0+$0x6400];
	v18 =	vshll.u32 v18, v1  }
0x359: {  	v20 =	vld [tilespmem:s9+$0xFFFFFF80];
	v21 =	vbroadcast v18, $0x0  }
0x35a: {  	v18 =	vld [tilespmem:s0+$0x6410]  }
0x35b: {  	v22 =	vadd.s32 v0, v21  }
0x35c: {  	v21 =	vadd.s32 v2, v21;
	_ =	sdelay $0x1  }
0x35d: {  	s15 =	sadd.s32 $0xFFFFFFFA, s12;
	v20 =	vadd.f32 v20, v17  }
0x35e: {  	v23 =	vmov s15;
	v19 =	vadd.f32 v19, v18  }
0x35f: {  	[tilespmem:v22+s7+$0x0] =	vst.idx.msk $0xffff, v20;
	v20 =	vshrl.u32 v23, $0x3  }
0x360: {  	[tilespmem:v21+s7+$0x0] =	vst.idx.msk $0xffff, v19;
	v19 =	vshll.u32 v20, v1  }
0x361: {  	v20 =	vld [tilespmem:s9+$0xFFFFFFA0];
	v19 =	vbroadcast v19, $0x0  }
0x362: {  	v21 =	vld [tilespmem:s9+$0xFFFFFFB0]  }
0x363: {  	v22 =	vadd.s32 v3, v19  }
0x364: {  	v19 =	vadd.s32 v4, v19;
	_ =	sdelay $0x1  }
0x365: {  	s15 =	sadd.s32 $0xFFFFFFFB, s12;
	v20 =	vadd.f32 v20, v17  }
0x366: {  	v23 =	vmov s15;
	v21 =	vadd.f32 v21, v18  }
0x367: {  	[tilespmem:v22+s7+$0x0] =	vst.idx.msk $0xffff, v20;
	v20 =	vshrl.u32 v23, $0x3  }
0x368: {  	[tilespmem:v19+s7+$0x0] =	vst.idx.msk $0xffff, v21;
	v19 =	vshll.u32 v20, v1  }
0x369: {  	v20 =	vld [tilespmem:s9+$0xFFFFFFC0];
	v19 =	vbroadcast v19, $0x0  }
0x36a: {  	v21 =	vld [tilespmem:s9+$0xFFFFFFD0]  }
0x36b: {  	v22 =	vadd.s32 v5, v19  }
0x36c: {  	v19 =	vadd.s32 v6, v19;
	_ =	sdelay $0x1  }
0x36d: {  	s15 =	sadd.s32 $0xFFFFFFFC, s12;
	v20 =	vadd.f32 v20, v17  }
0x36e: {  	v23 =	vmov s15;
	v21 =	vadd.f32 v21, v18  }
0x36f: {  	[tilespmem:v22+s7+$0x0] =	vst.idx.msk $0xffff, v20;
	v20 =	vshrl.u32 v23, $0x3  }
0x370: {  	[tilespmem:v19+s7+$0x0] =	vst.idx.msk $0xffff, v21;
	v19 =	vshll.u32 v20, v1  }
0x371: {  	v20 =	vld [tilespmem:s9+$0xFFFFFFE0];
	v19 =	vbroadcast v19, $0x0  }
0x372: {  	v21 =	vld [tilespmem:s9+$0xFFFFFFF0]  }
0x373: {  	v22 =	vadd.s32 v7, v19  }
0x374: {  	v19 =	vadd.s32 v8, v19;
	_ =	sdelay $0x1  }
0x375: {  	s15 =	sadd.s32 $0xFFFFFFFD, s12;
	v20 =	vadd.f32 v20, v17  }
0x376: {  	v23 =	vmov s15;
	v21 =	vadd.f32 v21, v18  }
0x377: {  	[tilespmem:v22+s7+$0x0] =	vst.idx.msk $0xffff, v20;
	v20 =	vshrl.u32 v23, $0x3  }
0x378: {  	[tilespmem:v19+s7+$0x0] =	vst.idx.msk $0xffff, v21;
	v19 =	vshll.u32 v20, v1  }
0x379: {  	v20 =	vld [tilespmem:s9+$0x0];
	v19 =	vbroadcast v19, $0x0  }
0x37a: {  	v21 =	vld [tilespmem:s9+$0x10]  }
0x37b: {  	v22 =	vadd.s32 v9, v19  }
0x37c: {  	v19 =	vadd.s32 v10, v19;
	_ =	sdelay $0x1  }
0x37d: {  	s15 =	sadd.s32 $0xFFFFFFFE, s12;
	v20 =	vadd.f32 v20, v17  }
0x37e: {  	v23 =	vmov s15;
	v21 =	vadd.f32 v21, v18  }
0x37f: {  	[tilespmem:v22+s7+$0x0] =	vst.idx.msk $0xffff, v20;
	v20 =	vshrl.u32 v23, $0x3  }
0x380: {  	[tilespmem:v19+s7+$0x0] =	vst.idx.msk $0xffff, v21;
	v19 =	vshll.u32 v20, v1  }
0x381: {  	v20 =	vld [tilespmem:s9+$0x20];
	v19 =	vbroadcast v19, $0x0  }
0x382: {  	v21 =	vld [tilespmem:s9+$0x30]  }
0x383: {  	v22 =	vadd.s32 v11, v19  }
0x384: {  	v19 =	vadd.s32 v12, v19;
	_ =	sdelay $0x1  }
0x385: {  	s15 =	sadd.s32 $0xFFFFFFFF, s12;
	v20 =	vadd.f32 v20, v17  }
0x386: {  	v23 =	vmov s15;
	v21 =	vadd.f32 v21, v18  }
0x387: {  	[tilespmem:v22+s7+$0x0] =	vst.idx.msk $0xffff, v20;
	v20 =	vshrl.u32 v23, $0x3  }
0x388: {  	[tilespmem:v19+s7+$0x0] =	vst.idx.msk $0xffff, v21;
	v19 =	vshll.u32 v20, v1  }
0x389: {  	v20 =	vld [tilespmem:s9+$0x40];
	v19 =	vbroadcast v19, $0x0  }
0x38a: {  	v21 =	vld [tilespmem:s9+$0x50]  }
0x38b: {  	v22 =	vadd.s32 v13, v19  }
0x38c: {  	v19 =	vadd.s32 v14, v19;
	_ =	sdelay $0x1  }
0x38d: {  	v20 =	vadd.f32 v20, v17  }
0x38e: {  	v23 =	vmov s12;
	s12 =	smov.u32 s14;
	v21 =	vadd.f32 v21, v18  }
0x38f: {  	[tilespmem:v22+s7+$0x0] =	vst.idx.msk $0xffff, v20;
	v20 =	vshrl.u32 v23, $0x3  }
0x390: {  	[tilespmem:v19+s7+$0x0] =	vst.idx.msk $0xffff, v21;
	v19 =	vshll.u32 v20, v1  }
0x391: {  	v20 =	vld [tilespmem:s9+$0x60];
	v19 =	vbroadcast v19, $0x0  }
0x392: {  	v21 =	vld [tilespmem:s9+$0x70]  }
0x393: {  	v22 =	vadd.s32 v15, v19  }
.Ltmp7:
0x394: {  	v19 =	vadd.s32 v16, v19;
	(pc) =	sbr.rel @p2 .LBB2_13-.Ltmp7, $4  }
0x395: {  	_ = 	snop  }
0x396: {  	v20 =	vadd.f32 v20, v17  }
0x397: {  	v17 =	vadd.f32 v21, v18  }
0x398: {  	s14 =	sadd.s32 $0xFFFFFFF9, s12;
	[tilespmem:v22+s7+$0x0] =	vst.idx.msk $0xffff, v20  }
0x399: {  	_ =	sdelay $0x3  }
0x39a: {  	v18 =	vmov s14;
	[tilespmem:v19+s7+$0x0] =	vst.idx.msk $0xffff, v17;
	s9 =	sadd.s32 $0x100, s9  }
0x39b: {  	v17 =	vld [tilespmem:s9+$0xFFFFFF90];
	v18 =	vshrl.u32 v18, $0x3  }
0x39c: {  	v19 =	vld [tilespmem:s0+$0x6400];
	v18 =	vshll.u32 v18, v1  }
0x39d: {  	v20 =	vld [tilespmem:s9+$0xFFFFFF80];
	v18 =	vbroadcast v18, $0x0  }
0x39e: {  	v21 =	vld [tilespmem:s0+$0x6410]  }
0x39f: {  	v22 =	vadd.s32 v0, v18  }
0x3a0: {  	v18 =	vadd.s32 v2, v18;
	_ =	sdelay $0x1  }
0x3a1: {  	s13 =	sadd.s32 $0xFFFFFFFA, s12;
	v20 =	vadd.f32 v20, v19  }
0x3a2: {  	v23 =	vmov s13;
	v17 =	vadd.f32 v17, v21  }
0x3a3: {  	v49 =	vshrl.u32 v23, $0x3;
	[tilespmem:v22+s7+$0x0] =	vst.idx.msk $0xffff, v20  }
0x3a4: {  	[tilespmem:v18+s7+$0x0] =	vst.idx.msk $0xffff, v17;
	v17 =	vshll.u32 v49, v1  }
0x3a5: {  	v18 =	vld [tilespmem:s9+$0xFFFFFFA0];
	v17 =	vbroadcast v17, $0x0  }
0x3a6: {  	v50 =	vld [tilespmem:s9+$0xFFFFFFB0]  }
0x3a7: {  	v51 =	vadd.s32 v3, v17  }
0x3a8: {  	v17 =	vadd.s32 v4, v17;
	_ =	sdelay $0x1  }
0x3a9: {  	s14 =	sadd.s32 $0xFFFFFFFB, s12;
	v18 =	vadd.f32 v18, v19  }
0x3aa: {  	v52 =	vmov s14;
	v20 =	vadd.f32 v50, v21  }
0x3ab: {  	[tilespmem:v51+s7+$0x0] =	vst.idx.msk $0xffff, v18;
	v18 =	vshrl.u32 v52, $0x3  }
0x3ac: {  	[tilespmem:v17+s7+$0x0] =	vst.idx.msk $0xffff, v20;
	v17 =	vshll.u32 v18, v1  }
0x3ad: {  	v18 =	vld [tilespmem:s9+$0xFFFFFFC0];
	v17 =	vbroadcast v17, $0x0  }
0x3ae: {  	v20 =	vld [tilespmem:s9+$0xFFFFFFD0]  }
0x3af: {  	v53 =	vadd.s32 v5, v17  }
0x3b0: {  	v17 =	vadd.s32 v6, v17;
	_ =	sdelay $0x1  }
0x3b1: {  	s15 =	sadd.s32 $0xFFFFFFFC, s12;
	v18 =	vadd.f32 v18, v19  }
0x3b2: {  	v54 =	vmov s15;
	v20 =	vadd.f32 v20, v21  }
0x3b3: {  	[tilespmem:v53+s7+$0x0] =	vst.idx.msk $0xffff, v18;
	v18 =	vshrl.u32 v54, $0x3  }
0x3b4: {  	[tilespmem:v17+s7+$0x0] =	vst.idx.msk $0xffff, v20;
	v17 =	vshll.u32 v18, v1  }
0x3b5: {  	v18 =	vld [tilespmem:s9+$0xFFFFFFE0];
	v17 =	vbroadcast v17, $0x0  }
0x3b6: {  	v20 =	vld [tilespmem:s9+$0xFFFFFFF0]  }
0x3b7: {  	v55 =	vadd.s32 v7, v17  }
0x3b8: {  	v17 =	vadd.s32 v8, v17;
	_ =	sdelay $0x1  }
0x3b9: {  	s13 =	sadd.s32 $0xFFFFFFFD, s12;
	v18 =	vadd.f32 v18, v19  }
0x3ba: {  	v56 =	vmov s13;
	v20 =	vadd.f32 v20, v21  }
0x3bb: {  	[tilespmem:v55+s7+$0x0] =	vst.idx.msk $0xffff, v18;
	v18 =	vshrl.u32 v56, $0x3  }
0x3bc: {  	[tilespmem:v17+s7+$0x0] =	vst.idx.msk $0xffff, v20;
	v17 =	vshll.u32 v18, v1  }
0x3bd: {  	v18 =	vld [tilespmem:s9+$0x0];
	v17 =	vbroadcast v17, $0x0  }
0x3be: {  	v20 =	vld [tilespmem:s9+$0x10]  }
0x3bf: {  	v57 =	vadd.s32 v9, v17  }
0x3c0: {  	v17 =	vadd.s32 v10, v17;
	_ =	sdelay $0x1  }
0x3c1: {  	s14 =	sadd.s32 $0xFFFFFFFE, s12;
	v18 =	vadd.f32 v18, v19  }
0x3c2: {  	v58 =	vmov s14;
	v20 =	vadd.f32 v20, v21  }
0x3c3: {  	[tilespmem:v57+s7+$0x0] =	vst.idx.msk $0xffff, v18;
	v18 =	vshrl.u32 v58, $0x3  }
0x3c4: {  	[tilespmem:v17+s7+$0x0] =	vst.idx.msk $0xffff, v20;
	v17 =	vshll.u32 v18, v1  }
0x3c5: {  	v18 =	vld [tilespmem:s9+$0x20];
	v17 =	vbroadcast v17, $0x0  }
0x3c6: {  	v20 =	vld [tilespmem:s9+$0x30]  }
0x3c7: {  	v59 =	vadd.s32 v11, v17  }
0x3c8: {  	v17 =	vadd.s32 v12, v17;
	_ =	sdelay $0x1  }
0x3c9: {  	s15 =	sadd.s32 $0xFFFFFFFF, s12;
	v18 =	vadd.f32 v18, v19  }
0x3ca: {  	v60 =	vmov s15;
	v20 =	vadd.f32 v20, v21  }
0x3cb: {  	[tilespmem:v59+s7+$0x0] =	vst.idx.msk $0xffff, v18;
	v18 =	vshrl.u32 v60, $0x3  }
0x3cc: {  	[tilespmem:v17+s7+$0x0] =	vst.idx.msk $0xffff, v20;
	v17 =	vshll.u32 v18, v1  }
0x3cd: {  	v18 =	vld [tilespmem:s9+$0x40];
	v17 =	vbroadcast v17, $0x0  }
0x3ce: {  	v20 =	vld [tilespmem:s9+$0x50]  }
0x3cf: {  	v61 =	vadd.s32 v13, v17  }
0x3d0: {  	v17 =	vadd.s32 v14, v17;
	_ =	sdelay $0x1  }
0x3d1: {  	v18 =	vadd.f32 v18, v19  }
0x3d2: {  	v62 =	vmov s12;
	v20 =	vadd.f32 v20, v21  }
0x3d3: {  	[tilespmem:v61+s7+$0x0] =	vst.idx.msk $0xffff, v18;
	v18 =	vshrl.u32 v62, $0x3  }
0x3d4: {  	[tilespmem:v17+s7+$0x0] =	vst.idx.msk $0xffff, v20;
	v17 =	vshll.u32 v18, v1  }
0x3d5: {  	v18 =	vld [tilespmem:s9+$0x60];
	v17 =	vbroadcast v17, $0x0  }
0x3d6: {  	v20 =	vld [tilespmem:s9+$0x70]  }
0x3d7: {  	v63 =	vadd.s32 v15, v17  }
0x3d8: {  	v17 =	vadd.s32 v16, v17;
	_ =	sdelay $0x1  }
0x3d9: {  	s12 =	sshll.u32 s31, $0x11;
	v18 =	vadd.f32 v18, v19  }
0x3da: {  	s0 =	sor.u32 s4, s12;
	v19 =	vadd.f32 v20, v21  }
0x3db: {  	s0 =	sshrl.u32 s0, $0x3;
	[tilespmem:v63+s7+$0x0] =	vst.idx.msk $0xffff, v18  }
0x3dc: {  	s0 =	sadd.s32 s2, s0;
	[tilespmem:v17+s7+$0x0] =	vst.idx.msk $0xffff, v19  }
0x3dd: {  	[hbm4b:s0+s3] =	stream.linear.scatter [tilespmem:s7], [sflag:$0x7], $0x80, $0x38;
	[tilespmem:$0x10100] =	vst v63  }
0x3de: {  	s14 =	simm.s32 $0xDF88;
	s13 =	sadd.s32 $0x10, s0  }
0x3df: {  	[hbm4b:s13+s3] =	stream.linear.scatter [tilespmem:s14], [sflag:$0x7], $0x80, $0x38;
	[tilespmem:$0x10100] =	vst v63  }
0x3e0: {  	s31 =	simm.s32 $0xE010;
	s15 =	sadd.s32 $0x20, s0  }
0x3e1: {  	[hbm4b:s15+s3] =	stream.linear.scatter [tilespmem:s31], [sflag:$0x7], $0x80, $0x38;
	[tilespmem:$0x10100] =	vst v63  }
0x3e2: {  	s13 =	sadd.s32 $0x30, s0;
	s14 =	simm.s32 $0xE098  }
0x3e3: {  	[hbm4b:s13+s3] =	stream.linear.scatter [tilespmem:s14], [sflag:$0x7], $0x80, $0x38;
	[tilespmem:$0x10100] =	vst v63  }
0x3e4: {  	s15 =	sadd.s32 $0x40, s0;
	s31 =	simm.s32 $0xE120  }
0x3e5: {  	[hbm4b:s15+s3] =	stream.linear.scatter [tilespmem:s31], [sflag:$0x7], $0x80, $0x38;
	[tilespmem:$0x10100] =	vst v63  }
0x3e6: {  	s13 =	sadd.s32 $0x50, s0;
	s14 =	simm.s32 $0xE1A8  }
0x3e7: {  	[hbm4b:s13+s3] =	stream.linear.scatter [tilespmem:s14], [sflag:$0x7], $0x80, $0x38;
	[tilespmem:$0x10100] =	vst v63  }
0x3e8: {  	s15 =	sadd.s32 $0x60, s0;
	s31 =	simm.s32 $0xE230  }
0x3e9: {  	[hbm4b:s15+s3] =	stream.linear.scatter [tilespmem:s31], [sflag:$0x7], $0x80, $0x38;
	[tilespmem:$0x10100] =	vst v63  }
0x3ea: {  	s13 =	sadd.s32 $0x70, s0;
	s14 =	simm.s32 $0xE2B8  }
0x3eb: {  	[hbm4b:s13+s3] =	stream.linear.scatter [tilespmem:s14], [sflag:$0x7], $0x80, $0x38;
	[tilespmem:$0x10100] =	vst v63  }
0x3ec: {  	s15 =	sadd.s32 $0x1000, s0;
	s31 =	simm.s32 $0xE340  }
0x3ed: {  	[hbm4b:s15+s3] =	stream.linear.scatter [tilespmem:s31], [sflag:$0x7], $0x80, $0x38;
	[tilespmem:$0x10100] =	vst v63  }
0x3ee: {  	s13 =	sadd.s32 $0x1010, s0;
	s14 =	simm.s32 $0xE3C8  }
0x3ef: {  	[hbm4b:s13+s3] =	stream.linear.scatter [tilespmem:s14], [sflag:$0x7], $0x80, $0x38;
	[tilespmem:$0x10100] =	vst v63  }
0x3f0: {  	s15 =	sadd.s32 $0x1020, s0;
	s31 =	simm.s32 $0xE450  }
0x3f1: {  	[hbm4b:s15+s3] =	stream.linear.scatter [tilespmem:s31], [sflag:$0x7], $0x80, $0x38;
	[tilespmem:$0x10100] =	vst v63  }
0x3f2: {  	s13 =	sadd.s32 $0x1030, s0;
	s14 =	simm.s32 $0xE4D8  }
0x3f3: {  	[hbm4b:s13+s3] =	stream.linear.scatter [tilespmem:s14], [sflag:$0x7], $0x80, $0x38;
	[tilespmem:$0x10100] =	vst v63  }
0x3f4: {  	s15 =	sadd.s32 $0x1040, s0;
	s31 =	simm.s32 $0xE560  }
0x3f5: {  	[hbm4b:s15+s3] =	stream.linear.scatter [tilespmem:s31], [sflag:$0x7], $0x80, $0x38;
	[tilespmem:$0x10100] =	vst v63  }
0x3f6: {  	s13 =	sadd.s32 $0x1050, s0;
	s14 =	simm.s32 $0xE5E8  }
0x3f7: {  	[hbm4b:s13+s3] =	stream.linear.scatter [tilespmem:s14], [sflag:$0x7], $0x80, $0x38;
	[tilespmem:$0x10100] =	vst v63  }
0x3f8: {  	s15 =	sadd.s32 $0x1060, s0;
	s31 =	simm.s32 $0xE670  }
0x3f9: {  	[hbm4b:s15+s3] =	stream.linear.scatter [tilespmem:s31], [sflag:$0x7], $0x80, $0x38;
	[tilespmem:$0x10100] =	vst v63  }
0x3fa: {  	s13 =	sadd.s32 $0x1070, s0;
	s14 =	simm.s32 $0xE6F8  }
0x3fb: {  	[hbm4b:s13+s3] =	stream.linear.scatter [tilespmem:s14], [sflag:$0x7], $0x80, $0x38;
	[tilespmem:$0x10100] =	vst v63  }
0x3fc: {  	s15 =	sadd.s32 $0x2000, s0;
	s31 =	simm.s32 $0xE780  }
0x3fd: {  	[hbm4b:s15+s3] =	stream.linear.scatter [tilespmem:s31], [sflag:$0x7], $0x80, $0x38;
	[tilespmem:$0x10100] =	vst v63  }
0x3fe: {  	s13 =	sadd.s32 $0x2010, s0;
	s14 =	simm.s32 $0xE808  }
0x3ff: {  	[hbm4b:s13+s3] =	stream.linear.scatter [tilespmem:s14], [sflag:$0x7], $0x80, $0x38;
	[tilespmem:$0x10100] =	vst v63  }
0x400: {  	s15 =	sadd.s32 $0x2020, s0;
	s31 =	simm.s32 $0xE890  }
0x401: {  	[hbm4b:s15+s3] =	stream.linear.scatter [tilespmem:s31], [sflag:$0x7], $0x80, $0x38;
	[tilespmem:$0x10100] =	vst v63  }
0x402: {  	s13 =	sadd.s32 $0x2030, s0;
	s14 =	simm.s32 $0xE918  }
0x403: {  	[hbm4b:s13+s3] =	stream.linear.scatter [tilespmem:s14], [sflag:$0x7], $0x80, $0x38;
	[tilespmem:$0x10100] =	vst v63  }
0x404: {  	s15 =	sadd.s32 $0x2040, s0;
	s31 =	simm.s32 $0xE9A0  }
0x405: {  	[hbm4b:s15+s3] =	stream.linear.scatter [tilespmem:s31], [sflag:$0x7], $0x80, $0x38;
	[tilespmem:$0x10100] =	vst v63  }
0x406: {  	s13 =	sadd.s32 $0x2050, s0;
	s14 =	simm.s32 $0xEA28  }
0x407: {  	[hbm4b:s13+s3] =	stream.linear.scatter [tilespmem:s14], [sflag:$0x7], $0x80, $0x38;
	[tilespmem:$0x10100] =	vst v63  }
0x408: {  	s15 =	sadd.s32 $0x2060, s0;
	s31 =	simm.s32 $0xEAB0  }
0x409: {  	[hbm4b:s15+s3] =	stream.linear.scatter [tilespmem:s31], [sflag:$0x7], $0x80, $0x38;
	[tilespmem:$0x10100] =	vst v63  }
0x40a: {  	s13 =	sadd.s32 $0x2070, s0;
	s14 =	simm.s32 $0xEB38  }
0x40b: {  	[hbm4b:s13+s3] =	stream.linear.scatter [tilespmem:s14], [sflag:$0x7], $0x80, $0x38;
	[tilespmem:$0x10100] =	vst v63  }
0x40c: {  	s15 =	sadd.s32 $0x3000, s0;
	s31 =	simm.s32 $0xEBC0  }
0x40d: {  	[hbm4b:s15+s3] =	stream.linear.scatter [tilespmem:s31], [sflag:$0x7], $0x80, $0x38;
	[tilespmem:$0x10100] =	vst v63  }
0x40e: {  	s13 =	sadd.s32 $0x3010, s0;
	s14 =	simm.s32 $0xEC48  }
0x40f: {  	[hbm4b:s13+s3] =	stream.linear.scatter [tilespmem:s14], [sflag:$0x7], $0x80, $0x38;
	[tilespmem:$0x10100] =	vst v63  }
0x410: {  	s15 =	sadd.s32 $0x3020, s0;
	s31 =	simm.s32 $0xECD0  }
0x411: {  	[hbm4b:s15+s3] =	stream.linear.scatter [tilespmem:s31], [sflag:$0x7], $0x80, $0x38;
	[tilespmem:$0x10100] =	vst v63  }
0x412: {  	s13 =	sadd.s32 $0x3030, s0;
	s14 =	simm.s32 $0xED58  }
0x413: {  	[hbm4b:s13+s3] =	stream.linear.scatter [tilespmem:s14], [sflag:$0x7], $0x80, $0x38;
	[tilespmem:$0x10100] =	vst v63  }
0x414: {  	s15 =	sadd.s32 $0x3040, s0;
	s31 =	simm.s32 $0xEDE0  }
0x415: {  	[hbm4b:s15+s3] =	stream.linear.scatter [tilespmem:s31], [sflag:$0x7], $0x80, $0x38;
	[tilespmem:$0x10100] =	vst v63  }
0x416: {  	s12 =	sadd.s32 $0x3050, s0;
	s13 =	simm.s32 $0xEE68  }
0x417: {  	[hbm4b:s12+s3] =	stream.linear.scatter [tilespmem:s13], [sflag:$0x7], $0x80, $0x38;
	[tilespmem:$0x10100] =	vst v63  }
0x418: {  	s14 =	sadd.s32 $0x3060, s0;
	s15 =	simm.s32 $0xEEF0  }
0x419: {  	[hbm4b:s14+s3] =	stream.linear.scatter [tilespmem:s15], [sflag:$0x7], $0x80, $0x38;
	[tilespmem:$0x10100] =	vst v63  }
.Ltmp8:
0x41a: {  	s0 =	sadd.s32 $0x3070, s0;
	s31 =	simm.s32 $0xEF78;
	(pc) =	sbr.rel @!p1 .LBB2_16-.Ltmp8, $4  }
0x41b: {  	[hbm4b:s0+s3] =	stream.linear.scatter [tilespmem:s31], [sflag:$0x7], $0x80, $0x38;
	[tilespmem:$0x10100] =	vst v63  }
0x41c: {  	s9 =	simm.s32 @!p0 $0x80;
	s0 =	sadd.s32 @!p0 $0x300, s30  }
0x41d: {  	s12 =	simm.s32 @!p0 $0x9D00;
	s30 =	sor.u32 @!p0 $0x3, s29;
	s0 =	sand.u32 @!p0 $0xFF00, s0  }
0x41e: {  	[tilespmem:s12], [sflag:$0x3] =	stream.indirect.gather @!p0 [hbm4b:s5+s9], $0x20, s0, s9, $0xb8;
	[tilespmem:$0x10100] =	vst v63  }
0x41f: {  	_ =	swait.ge [sflag:s24], $0x1000  }
0x420: {  	[sflag:s24] =	ssyncset.done $0x0  }
0x421: {  	s30 =	simm.s32 @p0 $0xC7;
	[sflag:s24] =	ssyncadd.s32 $0xFFFFF000  }
.LBB2_16:
0x422: {  	_ =	swait.ge [sflag:s25], $0x1000  }
0x423: {  	s0 =	simm.s32 $0x0;
	[sflag:s25] =	ssyncset.done $0x0  }
0x424: {  	s12 =	sshll.u32 s30, $0x7;
	s9 =	simm.s32 $0xAD80;
	v17 =	vmov s0;
	[sflag:s25] =	ssyncadd.s32 $0xFFFFF000  }
0x425: {  	s0 =	sshra.s32 s12, $0x2;
	v17 =	vshrl.u32 v17, $0x3;
	v18 =	vld [tilespmem:s9+$0xFFFFFF90]  }
0x426: {  	v19 =	vld [tilespmem:s0+$0x6400];
	v17 =	vshll.u32 v17, v1  }
0x427: {  	v20 =	vld [tilespmem:s9+$0xFFFFFF80];
	v17 =	vbroadcast v17, $0x0  }
0x428: {  	v21 =	vld [tilespmem:s0+$0x6410]  }
0x429: {  	v22 =	vadd.s32 v0, v17  }
0x42a: {  	v17 =	vadd.s32 v2, v17;
	_ =	sdelay $0x1  }
0x42b: {  	s14 =	simm.s32 $0x1;
	v20 =	vadd.f32 v20, v19  }
0x42c: {  	v23 =	vmov s14;
	v18 =	vadd.f32 v18, v21  }
0x42d: {  	[tilespmem:v22+s26+$0x0] =	vst.idx.msk $0xffff, v20;
	v20 =	vshrl.u32 v23, $0x3  }
0x42e: {  	[tilespmem:v17+s26+$0x0] =	vst.idx.msk $0xffff, v18;
	v17 =	vshll.u32 v20, v1  }
0x42f: {  	v18 =	vld [tilespmem:s9+$0xFFFFFFA0];
	v17 =	vbroadcast v17, $0x0  }
0x430: {  	v20 =	vld [tilespmem:s9+$0xFFFFFFB0]  }
0x431: {  	v51 =	vadd.s32 v3, v17  }
0x432: {  	v17 =	vadd.s32 v4, v17;
	_ =	sdelay $0x1  }
0x433: {  	s15 =	simm.s32 $0x2;
	v18 =	vadd.f32 v18, v19  }
0x434: {  	v52 =	vmov s15;
	v20 =	vadd.f32 v20, v21  }
0x435: {  	[tilespmem:v51+s26+$0x0] =	vst.idx.msk $0xffff, v18;
	v18 =	vshrl.u32 v52, $0x3  }
0x436: {  	[tilespmem:v17+s26+$0x0] =	vst.idx.msk $0xffff, v20;
	v17 =	vshll.u32 v18, v1  }
0x437: {  	v18 =	vld [tilespmem:s9+$0xFFFFFFC0];
	v17 =	vbroadcast v17, $0x0  }
0x438: {  	v20 =	vld [tilespmem:s9+$0xFFFFFFD0]  }
0x439: {  	v53 =	vadd.s32 v5, v17  }
0x43a: {  	v17 =	vadd.s32 v6, v17;
	_ =	sdelay $0x1  }
0x43b: {  	s31 =	simm.s32 $0x3;
	v18 =	vadd.f32 v18, v19  }
0x43c: {  	v54 =	vmov s31;
	v20 =	vadd.f32 v20, v21  }
0x43d: {  	[tilespmem:v53+s26+$0x0] =	vst.idx.msk $0xffff, v18;
	v18 =	vshrl.u32 v54, $0x3  }
0x43e: {  	[tilespmem:v17+s26+$0x0] =	vst.idx.msk $0xffff, v20;
	v17 =	vshll.u32 v18, v1  }
0x43f: {  	v18 =	vld [tilespmem:s9+$0xFFFFFFE0];
	v17 =	vbroadcast v17, $0x0  }
0x440: {  	v20 =	vld [tilespmem:s9+$0xFFFFFFF0]  }
0x441: {  	v55 =	vadd.s32 v7, v17  }
0x442: {  	v17 =	vadd.s32 v8, v17;
	_ =	sdelay $0x1  }
0x443: {  	s13 =	simm.s32 $0x4;
	v18 =	vadd.f32 v18, v19  }
0x444: {  	v56 =	vmov s13;
	v20 =	vadd.f32 v20, v21  }
0x445: {  	[tilespmem:v55+s26+$0x0] =	vst.idx.msk $0xffff, v18;
	v18 =	vshrl.u32 v56, $0x3  }
0x446: {  	[tilespmem:v17+s26+$0x0] =	vst.idx.msk $0xffff, v20;
	v17 =	vshll.u32 v18, v1  }
0x447: {  	v18 =	vld [tilespmem:s9+$0x0];
	v17 =	vbroadcast v17, $0x0  }
0x448: {  	v20 =	vld [tilespmem:s9+$0x10]  }
0x449: {  	v57 =	vadd.s32 v9, v17  }
0x44a: {  	v17 =	vadd.s32 v10, v17;
	_ =	sdelay $0x1  }
0x44b: {  	s14 =	simm.s32 $0x5;
	v18 =	vadd.f32 v18, v19  }
0x44c: {  	v58 =	vmov s14;
	v20 =	vadd.f32 v20, v21  }
0x44d: {  	[tilespmem:v57+s26+$0x0] =	vst.idx.msk $0xffff, v18;
	v18 =	vshrl.u32 v58, $0x3  }
0x44e: {  	[tilespmem:v17+s26+$0x0] =	vst.idx.msk $0xffff, v20;
	v17 =	vshll.u32 v18, v1  }
0x44f: {  	v18 =	vld [tilespmem:s9+$0x20];
	v17 =	vbroadcast v17, $0x0  }
0x450: {  	v20 =	vld [tilespmem:s9+$0x30]  }
0x451: {  	v59 =	vadd.s32 v11, v17  }
0x452: {  	v17 =	vadd.s32 v12, v17;
	_ =	sdelay $0x1  }
0x453: {  	s15 =	simm.s32 $0x6;
	v18 =	vadd.f32 v18, v19  }
0x454: {  	v60 =	vmov s15;
	v20 =	vadd.f32 v20, v21  }
0x455: {  	[tilespmem:v59+s26+$0x0] =	vst.idx.msk $0xffff, v18;
	v18 =	vshrl.u32 v60, $0x3  }
0x456: {  	[tilespmem:v17+s26+$0x0] =	vst.idx.msk $0xffff, v20;
	v17 =	vshll.u32 v18, v1  }
0x457: {  	v18 =	vld [tilespmem:s9+$0x40];
	v17 =	vbroadcast v17, $0x0  }
0x458: {  	v20 =	vld [tilespmem:s9+$0x50]  }
0x459: {  	v61 =	vadd.s32 v13, v17  }
0x45a: {  	v17 =	vadd.s32 v14, v17;
	_ =	sdelay $0x1  }
0x45b: {  	v18 =	vadd.f32 v18, v19  }
0x45c: {  	s31 =	simm.s32 $0x7;
	v20 =	vadd.f32 v20, v21  }
0x45d: {  	v62 =	vmov s31;
	[tilespmem:v61+s26+$0x0] =	vst.idx.msk $0xffff, v18  }
0x45e: {  	v18 =	vshrl.u32 v62, $0x3;
	[tilespmem:v17+s26+$0x0] =	vst.idx.msk $0xffff, v20  }
0x45f: {  	v17 =	vshll.u32 v18, v1;
	v18 =	vld [tilespmem:s9+$0x60]  }
0x460: {  	v17 =	vbroadcast v17, $0x0;
	_ =	sdelay $0x1  }
0x461: {  	v20 =	vld [tilespmem:s9+$0x70];
	v63 =	vadd.s32 v15, v17;
	_ =	sdelay $0x1  }
0x462: {  	v18 =	vadd.f32 v18, v19;
	v19 =	vadd.s32 v16, v17;
	_ =	sdelay $0x2  }
0x463: {  	s12 =	simm.s32 $0xF;
	s13 =	simm.s32 $0x17;
	s14 =	simm.s32 $0x8;
	v17 =	vadd.f32 v20, v21;
	[tilespmem:v63+s26+$0x0] =	vst.idx.msk $0xffff, v18  }
.LBB2_17:
0x464: {  	p1 =	sne.s32 s13, $0x7F  }
0x465: {  	v18 =	vmov s14;
	[tilespmem:v19+s26+$0x0] =	vst.idx.msk $0xffff, v17;
	s9 =	sadd.s32 $0x100, s9;
	s14 =	smov.u32 s13;
	s13 =	sadd.s32 $0x8, s13  }
0x466: {  	v19 =	vld [tilespmem:s9+$0xFFFFFF90];
	v18 =	vshrl.u32 v18, $0x3  }
0x467: {  	v17 =	vld [tilespmem:s0+$0x6400];
	v18 =	vshll.u32 v18, v1  }
0x468: {  	v20 =	vld [tilespmem:s9+$0xFFFFFF80];
	v21 =	vbroadcast v18, $0x0  }
0x469: {  	v18 =	vld [tilespmem:s0+$0x6410]  }
0x46a: {  	v22 =	vadd.s32 v0, v21  }
0x46b: {  	v21 =	vadd.s32 v2, v21;
	_ =	sdelay $0x1  }
0x46c: {  	s15 =	sadd.s32 $0xFFFFFFFA, s12;
	v20 =	vadd.f32 v20, v17  }
0x46d: {  	v23 =	vmov s15;
	v19 =	vadd.f32 v19, v18  }
0x46e: {  	[tilespmem:v22+s26+$0x0] =	vst.idx.msk $0xffff, v20;
	v20 =	vshrl.u32 v23, $0x3  }
0x46f: {  	[tilespmem:v21+s26+$0x0] =	vst.idx.msk $0xffff, v19;
	v19 =	vshll.u32 v20, v1  }
0x470: {  	v20 =	vld [tilespmem:s9+$0xFFFFFFA0];
	v19 =	vbroadcast v19, $0x0  }
0x471: {  	v21 =	vld [tilespmem:s9+$0xFFFFFFB0]  }
0x472: {  	v22 =	vadd.s32 v3, v19  }
0x473: {  	v19 =	vadd.s32 v4, v19;
	_ =	sdelay $0x1  }
0x474: {  	s15 =	sadd.s32 $0xFFFFFFFB, s12;
	v20 =	vadd.f32 v20, v17  }
0x475: {  	v23 =	vmov s15;
	v21 =	vadd.f32 v21, v18  }
0x476: {  	[tilespmem:v22+s26+$0x0] =	vst.idx.msk $0xffff, v20;
	v20 =	vshrl.u32 v23, $0x3  }
0x477: {  	[tilespmem:v19+s26+$0x0] =	vst.idx.msk $0xffff, v21;
	v19 =	vshll.u32 v20, v1  }
0x478: {  	v20 =	vld [tilespmem:s9+$0xFFFFFFC0];
	v19 =	vbroadcast v19, $0x0  }
0x479: {  	v21 =	vld [tilespmem:s9+$0xFFFFFFD0]  }
0x47a: {  	v22 =	vadd.s32 v5, v19  }
0x47b: {  	v19 =	vadd.s32 v6, v19;
	_ =	sdelay $0x1  }
0x47c: {  	s15 =	sadd.s32 $0xFFFFFFFC, s12;
	v20 =	vadd.f32 v20, v17  }
0x47d: {  	v23 =	vmov s15;
	v21 =	vadd.f32 v21, v18  }
0x47e: {  	[tilespmem:v22+s26+$0x0] =	vst.idx.msk $0xffff, v20;
	v20 =	vshrl.u32 v23, $0x3  }
0x47f: {  	[tilespmem:v19+s26+$0x0] =	vst.idx.msk $0xffff, v21;
	v19 =	vshll.u32 v20, v1  }
0x480: {  	v20 =	vld [tilespmem:s9+$0xFFFFFFE0];
	v19 =	vbroadcast v19, $0x0  }
0x481: {  	v21 =	vld [tilespmem:s9+$0xFFFFFFF0]  }
0x482: {  	v22 =	vadd.s32 v7, v19  }
0x483: {  	v19 =	vadd.s32 v8, v19;
	_ =	sdelay $0x1  }
0x484: {  	s15 =	sadd.s32 $0xFFFFFFFD, s12;
	v20 =	vadd.f32 v20, v17  }
0x485: {  	v23 =	vmov s15;
	v21 =	vadd.f32 v21, v18  }
0x486: {  	[tilespmem:v22+s26+$0x0] =	vst.idx.msk $0xffff, v20;
	v20 =	vshrl.u32 v23, $0x3  }
0x487: {  	[tilespmem:v19+s26+$0x0] =	vst.idx.msk $0xffff, v21;
	v19 =	vshll.u32 v20, v1  }
0x488: {  	v20 =	vld [tilespmem:s9+$0x0];
	v19 =	vbroadcast v19, $0x0  }
0x489: {  	v21 =	vld [tilespmem:s9+$0x10]  }
0x48a: {  	v22 =	vadd.s32 v9, v19  }
0x48b: {  	v19 =	vadd.s32 v10, v19;
	_ =	sdelay $0x1  }
0x48c: {  	s15 =	sadd.s32 $0xFFFFFFFE, s12;
	v20 =	vadd.f32 v20, v17  }
0x48d: {  	v23 =	vmov s15;
	v21 =	vadd.f32 v21, v18  }
0x48e: {  	[tilespmem:v22+s26+$0x0] =	vst.idx.msk $0xffff, v20;
	v20 =	vshrl.u32 v23, $0x3  }
0x48f: {  	[tilespmem:v19+s26+$0x0] =	vst.idx.msk $0xffff, v21;
	v19 =	vshll.u32 v20, v1  }
0x490: {  	v20 =	vld [tilespmem:s9+$0x20];
	v19 =	vbroadcast v19, $0x0  }
0x491: {  	v21 =	vld [tilespmem:s9+$0x30]  }
0x492: {  	v22 =	vadd.s32 v11, v19  }
0x493: {  	v19 =	vadd.s32 v12, v19;
	_ =	sdelay $0x1  }
0x494: {  	s15 =	sadd.s32 $0xFFFFFFFF, s12;
	v20 =	vadd.f32 v20, v17  }
0x495: {  	v23 =	vmov s15;
	v21 =	vadd.f32 v21, v18  }
0x496: {  	[tilespmem:v22+s26+$0x0] =	vst.idx.msk $0xffff, v20;
	v20 =	vshrl.u32 v23, $0x3  }
0x497: {  	[tilespmem:v19+s26+$0x0] =	vst.idx.msk $0xffff, v21;
	v19 =	vshll.u32 v20, v1  }
0x498: {  	v20 =	vld [tilespmem:s9+$0x40];
	v19 =	vbroadcast v19, $0x0  }
0x499: {  	v21 =	vld [tilespmem:s9+$0x50]  }
0x49a: {  	v22 =	vadd.s32 v13, v19  }
0x49b: {  	v19 =	vadd.s32 v14, v19;
	_ =	sdelay $0x1  }
0x49c: {  	v20 =	vadd.f32 v20, v17  }
0x49d: {  	v23 =	vmov s12;
	s12 =	smov.u32 s14;
	v21 =	vadd.f32 v21, v18  }
0x49e: {  	[tilespmem:v22+s26+$0x0] =	vst.idx.msk $0xffff, v20;
	v20 =	vshrl.u32 v23, $0x3  }
0x49f: {  	[tilespmem:v19+s26+$0x0] =	vst.idx.msk $0xffff, v21;
	v19 =	vshll.u32 v20, v1  }
0x4a0: {  	v20 =	vld [tilespmem:s9+$0x60];
	v19 =	vbroadcast v19, $0x0  }
0x4a1: {  	v21 =	vld [tilespmem:s9+$0x70]  }
0x4a2: {  	v22 =	vadd.s32 v15, v19  }
.Ltmp9:
0x4a3: {  	v19 =	vadd.s32 v16, v19;
	(pc) =	sbr.rel @p1 .LBB2_17-.Ltmp9, $4  }
0x4a4: {  	_ = 	snop  }
0x4a5: {  	v20 =	vadd.f32 v20, v17  }
0x4a6: {  	v17 =	vadd.f32 v21, v18  }
0x4a7: {  	s14 =	sadd.s32 $0xFFFFFFF9, s12;
	[tilespmem:v22+s26+$0x0] =	vst.idx.msk $0xffff, v20  }
0x4a8: {  	_ =	sdelay $0x3  }
0x4a9: {  	v18 =	vmov s14;
	[tilespmem:v19+s26+$0x0] =	vst.idx.msk $0xffff, v17;
	s9 =	sadd.s32 $0x100, s9  }
0x4aa: {  	v17 =	vld [tilespmem:s9+$0xFFFFFF90];
	v18 =	vshrl.u32 v18, $0x3  }
0x4ab: {  	v19 =	vld [tilespmem:s0+$0x6400];
	v18 =	vshll.u32 v18, v1  }
0x4ac: {  	v20 =	vld [tilespmem:s9+$0xFFFFFF80];
	v18 =	vbroadcast v18, $0x0  }
0x4ad: {  	v21 =	vld [tilespmem:s0+$0x6410]  }
0x4ae: {  	v22 =	vadd.s32 v0, v18  }
0x4af: {  	v18 =	vadd.s32 v2, v18;
	_ =	sdelay $0x1  }
0x4b0: {  	s15 =	sadd.s32 $0xFFFFFFFA, s12;
	v20 =	vadd.f32 v20, v19  }
0x4b1: {  	v23 =	vmov s15;
	v17 =	vadd.f32 v17, v21  }
0x4b2: {  	v49 =	vshrl.u32 v23, $0x3;
	[tilespmem:v22+s26+$0x0] =	vst.idx.msk $0xffff, v20  }
0x4b3: {  	[tilespmem:v18+s26+$0x0] =	vst.idx.msk $0xffff, v17;
	v17 =	vshll.u32 v49, v1  }
0x4b4: {  	v18 =	vld [tilespmem:s9+$0xFFFFFFA0];
	v17 =	vbroadcast v17, $0x0  }
0x4b5: {  	v50 =	vld [tilespmem:s9+$0xFFFFFFB0]  }
0x4b6: {  	v51 =	vadd.s32 v3, v17  }
0x4b7: {  	v17 =	vadd.s32 v4, v17;
	_ =	sdelay $0x1  }
0x4b8: {  	s31 =	sadd.s32 $0xFFFFFFFB, s12;
	v18 =	vadd.f32 v18, v19  }
0x4b9: {  	v52 =	vmov s31;
	v20 =	vadd.f32 v50, v21  }
0x4ba: {  	[tilespmem:v51+s26+$0x0] =	vst.idx.msk $0xffff, v18;
	v18 =	vshrl.u32 v52, $0x3  }
0x4bb: {  	[tilespmem:v17+s26+$0x0] =	vst.idx.msk $0xffff, v20;
	v17 =	vshll.u32 v18, v1  }
0x4bc: {  	v18 =	vld [tilespmem:s9+$0xFFFFFFC0];
	v17 =	vbroadcast v17, $0x0  }
0x4bd: {  	v20 =	vld [tilespmem:s9+$0xFFFFFFD0]  }
0x4be: {  	v53 =	vadd.s32 v5, v17  }
0x4bf: {  	v17 =	vadd.s32 v6, v17;
	_ =	sdelay $0x1  }
0x4c0: {  	s13 =	sadd.s32 $0xFFFFFFFC, s12;
	v18 =	vadd.f32 v18, v19  }
0x4c1: {  	v54 =	vmov s13;
	v20 =	vadd.f32 v20, v21  }
0x4c2: {  	[tilespmem:v53+s26+$0x0] =	vst.idx.msk $0xffff, v18;
	v18 =	vshrl.u32 v54, $0x3  }
0x4c3: {  	[tilespmem:v17+s26+$0x0] =	vst.idx.msk $0xffff, v20;
	v17 =	vshll.u32 v18, v1  }
0x4c4: {  	v18 =	vld [tilespmem:s9+$0xFFFFFFE0];
	v17 =	vbroadcast v17, $0x0  }
0x4c5: {  	v20 =	vld [tilespmem:s9+$0xFFFFFFF0]  }
0x4c6: {  	v55 =	vadd.s32 v7, v17  }
0x4c7: {  	v17 =	vadd.s32 v8, v17;
	_ =	sdelay $0x1  }
0x4c8: {  	s14 =	sadd.s32 $0xFFFFFFFD, s12;
	v18 =	vadd.f32 v18, v19  }
0x4c9: {  	v56 =	vmov s14;
	v20 =	vadd.f32 v20, v21  }
0x4ca: {  	[tilespmem:v55+s26+$0x0] =	vst.idx.msk $0xffff, v18;
	v18 =	vshrl.u32 v56, $0x3  }
0x4cb: {  	[tilespmem:v17+s26+$0x0] =	vst.idx.msk $0xffff, v20;
	v17 =	vshll.u32 v18, v1  }
0x4cc: {  	v18 =	vld [tilespmem:s9+$0x0];
	v17 =	vbroadcast v17, $0x0  }
0x4cd: {  	v20 =	vld [tilespmem:s9+$0x10]  }
0x4ce: {  	v57 =	vadd.s32 v9, v17  }
0x4cf: {  	v17 =	vadd.s32 v10, v17;
	_ =	sdelay $0x1  }
0x4d0: {  	s15 =	sadd.s32 $0xFFFFFFFE, s12;
	v18 =	vadd.f32 v18, v19  }
0x4d1: {  	v58 =	vmov s15;
	v20 =	vadd.f32 v20, v21  }
0x4d2: {  	[tilespmem:v57+s26+$0x0] =	vst.idx.msk $0xffff, v18;
	v18 =	vshrl.u32 v58, $0x3  }
0x4d3: {  	[tilespmem:v17+s26+$0x0] =	vst.idx.msk $0xffff, v20;
	v17 =	vshll.u32 v18, v1  }
0x4d4: {  	v18 =	vld [tilespmem:s9+$0x20];
	v17 =	vbroadcast v17, $0x0  }
0x4d5: {  	v20 =	vld [tilespmem:s9+$0x30]  }
0x4d6: {  	v59 =	vadd.s32 v11, v17  }
0x4d7: {  	v17 =	vadd.s32 v12, v17;
	_ =	sdelay $0x1  }
0x4d8: {  	s31 =	sadd.s32 $0xFFFFFFFF, s12;
	v18 =	vadd.f32 v18, v19  }
0x4d9: {  	v60 =	vmov s31;
	v20 =	vadd.f32 v20, v21  }
0x4da: {  	[tilespmem:v59+s26+$0x0] =	vst.idx.msk $0xffff, v18;
	v18 =	vshrl.u32 v60, $0x3  }
0x4db: {  	[tilespmem:v17+s26+$0x0] =	vst.idx.msk $0xffff, v20;
	v17 =	vshll.u32 v18, v1  }
0x4dc: {  	v18 =	vld [tilespmem:s9+$0x40];
	v17 =	vbroadcast v17, $0x0  }
0x4dd: {  	v20 =	vld [tilespmem:s9+$0x50]  }
0x4de: {  	v61 =	vadd.s32 v13, v17  }
0x4df: {  	v17 =	vadd.s32 v14, v17;
	_ =	sdelay $0x1  }
0x4e0: {  	v18 =	vadd.f32 v18, v19  }
0x4e1: {  	v62 =	vmov s12;
	v20 =	vadd.f32 v20, v21  }
0x4e2: {  	[tilespmem:v61+s26+$0x0] =	vst.idx.msk $0xffff, v18;
	v18 =	vshrl.u32 v62, $0x3  }
0x4e3: {  	[tilespmem:v17+s26+$0x0] =	vst.idx.msk $0xffff, v20;
	v17 =	vshll.u32 v18, v1  }
0x4e4: {  	v18 =	vld [tilespmem:s9+$0x60];
	v17 =	vbroadcast v17, $0x0  }
0x4e5: {  	v20 =	vld [tilespmem:s9+$0x70]  }
0x4e6: {  	v63 =	vadd.s32 v15, v17  }
0x4e7: {  	v17 =	vadd.s32 v16, v17;
	_ =	sdelay $0x1  }
0x4e8: {  	s13 =	sshll.u32 s30, $0x11;
	v18 =	vadd.f32 v18, v19  }
0x4e9: {  	s0 =	sor.u32 s4, s13;
	v19 =	vadd.f32 v20, v21  }
0x4ea: {  	s0 =	sshrl.u32 s0, $0x3;
	[tilespmem:v63+s26+$0x0] =	vst.idx.msk $0xffff, v18  }
0x4eb: {  	s0 =	sadd.s32 s2, s0;
	[tilespmem:v17+s26+$0x0] =	vst.idx.msk $0xffff, v19  }
0x4ec: {  	[hbm4b:s0+s3] =	stream.linear.scatter [tilespmem:s26], [sflag:$0x8], $0x80, $0x38;
	[tilespmem:$0x10100] =	vst v63  }
0x4ed: {  	s15 =	simm.s32 $0xF088;
	s14 =	sadd.s32 $0x10, s0  }
0x4ee: {  	[hbm4b:s14+s3] =	stream.linear.scatter [tilespmem:s15], [sflag:$0x8], $0x80, $0x38;
	[tilespmem:$0x10100] =	vst v63  }
0x4ef: {  	s31 =	simm.s32 $0xF110;
	s30 =	sadd.s32 $0x20, s0  }
0x4f0: {  	[hbm4b:s30+s3] =	stream.linear.scatter [tilespmem:s31], [sflag:$0x8], $0x80, $0x38;
	[tilespmem:$0x10100] =	vst v63  }
0x4f1: {  	s13 =	simm.s32 $0xF198;
	s12 =	sadd.s32 $0x30, s0  }
0x4f2: {  	[hbm4b:s12+s3] =	stream.linear.scatter [tilespmem:s13], [sflag:$0x8], $0x80, $0x38;
	[tilespmem:$0x10100] =	vst v63  }
0x4f3: {  	s14 =	sadd.s32 $0x40, s0;
	s15 =	simm.s32 $0xF220  }
0x4f4: {  	[hbm4b:s14+s3] =	stream.linear.scatter [tilespmem:s15], [sflag:$0x8], $0x80, $0x38;
	[tilespmem:$0x10100] =	vst v63  }
0x4f5: {  	s30 =	sadd.s32 $0x50, s0;
	s31 =	simm.s32 $0xF2A8  }
0x4f6: {  	[hbm4b:s30+s3] =	stream.linear.scatter [tilespmem:s31], [sflag:$0x8], $0x80, $0x38;
	[tilespmem:$0x10100] =	vst v63  }
0x4f7: {  	s12 =	sadd.s32 $0x60, s0;
	s13 =	simm.s32 $0xF330  }
0x4f8: {  	[hbm4b:s12+s3] =	stream.linear.scatter [tilespmem:s13], [sflag:$0x8], $0x80, $0x38;
	[tilespmem:$0x10100] =	vst v63  }
0x4f9: {  	s14 =	sadd.s32 $0x70, s0;
	s15 =	simm.s32 $0xF3B8  }
0x4fa: {  	[hbm4b:s14+s3] =	stream.linear.scatter [tilespmem:s15], [sflag:$0x8], $0x80, $0x38;
	[tilespmem:$0x10100] =	vst v63  }
0x4fb: {  	s30 =	sadd.s32 $0x1000, s0;
	s31 =	simm.s32 $0xF440  }
0x4fc: {  	[hbm4b:s30+s3] =	stream.linear.scatter [tilespmem:s31], [sflag:$0x8], $0x80, $0x38;
	[tilespmem:$0x10100] =	vst v63  }
0x4fd: {  	s12 =	sadd.s32 $0x1010, s0;
	s13 =	simm.s32 $0xF4C8  }
0x4fe: {  	[hbm4b:s12+s3] =	stream.linear.scatter [tilespmem:s13], [sflag:$0x8], $0x80, $0x38;
	[tilespmem:$0x10100] =	vst v63  }
0x4ff: {  	s14 =	sadd.s32 $0x1020, s0;
	s15 =	simm.s32 $0xF550  }
0x500: {  	[hbm4b:s14+s3] =	stream.linear.scatter [tilespmem:s15], [sflag:$0x8], $0x80, $0x38;
	[tilespmem:$0x10100] =	vst v63  }
0x501: {  	s30 =	sadd.s32 $0x1030, s0;
	s31 =	simm.s32 $0xF5D8  }
0x502: {  	[hbm4b:s30+s3] =	stream.linear.scatter [tilespmem:s31], [sflag:$0x8], $0x80, $0x38;
	[tilespmem:$0x10100] =	vst v63  }
0x503: {  	s12 =	sadd.s32 $0x1040, s0;
	s13 =	simm.s32 $0xF660  }
0x504: {  	[hbm4b:s12+s3] =	stream.linear.scatter [tilespmem:s13], [sflag:$0x8], $0x80, $0x38;
	[tilespmem:$0x10100] =	vst v63  }
0x505: {  	s14 =	sadd.s32 $0x1050, s0;
	s15 =	simm.s32 $0xF6E8  }
0x506: {  	[hbm4b:s14+s3] =	stream.linear.scatter [tilespmem:s15], [sflag:$0x8], $0x80, $0x38;
	[tilespmem:$0x10100] =	vst v63  }
0x507: {  	s30 =	sadd.s32 $0x1060, s0;
	s31 =	simm.s32 $0xF770  }
0x508: {  	[hbm4b:s30+s3] =	stream.linear.scatter [tilespmem:s31], [sflag:$0x8], $0x80, $0x38;
	[tilespmem:$0x10100] =	vst v63  }
0x509: {  	s12 =	sadd.s32 $0x1070, s0;
	s13 =	simm.s32 $0xF7F8  }
0x50a: {  	[hbm4b:s12+s3] =	stream.linear.scatter [tilespmem:s13], [sflag:$0x8], $0x80, $0x38;
	[tilespmem:$0x10100] =	vst v63  }
0x50b: {  	s14 =	sadd.s32 $0x2000, s0;
	s15 =	simm.s32 $0xF880  }
0x50c: {  	[hbm4b:s14+s3] =	stream.linear.scatter [tilespmem:s15], [sflag:$0x8], $0x80, $0x38;
	[tilespmem:$0x10100] =	vst v63  }
0x50d: {  	s30 =	sadd.s32 $0x2010, s0;
	s31 =	simm.s32 $0xF908  }
0x50e: {  	[hbm4b:s30+s3] =	stream.linear.scatter [tilespmem:s31], [sflag:$0x8], $0x80, $0x38;
	[tilespmem:$0x10100] =	vst v63  }
0x50f: {  	s12 =	sadd.s32 $0x2020, s0;
	s13 =	simm.s32 $0xF990  }
0x510: {  	[hbm4b:s12+s3] =	stream.linear.scatter [tilespmem:s13], [sflag:$0x8], $0x80, $0x38;
	[tilespmem:$0x10100] =	vst v63  }
0x511: {  	s14 =	sadd.s32 $0x2030, s0;
	s15 =	simm.s32 $0xFA18  }
0x512: {  	[hbm4b:s14+s3] =	stream.linear.scatter [tilespmem:s15], [sflag:$0x8], $0x80, $0x38;
	[tilespmem:$0x10100] =	vst v63  }
0x513: {  	s30 =	sadd.s32 $0x2040, s0;
	s31 =	simm.s32 $0xFAA0  }
0x514: {  	[hbm4b:s30+s3] =	stream.linear.scatter [tilespmem:s31], [sflag:$0x8], $0x80, $0x38;
	[tilespmem:$0x10100] =	vst v63  }
0x515: {  	s12 =	sadd.s32 $0x2050, s0;
	s13 =	simm.s32 $0xFB28  }
0x516: {  	[hbm4b:s12+s3] =	stream.linear.scatter [tilespmem:s13], [sflag:$0x8], $0x80, $0x38;
	[tilespmem:$0x10100] =	vst v63  }
0x517: {  	s14 =	sadd.s32 $0x2060, s0;
	s15 =	simm.s32 $0xFBB0  }
0x518: {  	[hbm4b:s14+s3] =	stream.linear.scatter [tilespmem:s15], [sflag:$0x8], $0x80, $0x38;
	[tilespmem:$0x10100] =	vst v63  }
0x519: {  	s30 =	sadd.s32 $0x2070, s0;
	s31 =	simm.s32 $0xFC38  }
0x51a: {  	[hbm4b:s30+s3] =	stream.linear.scatter [tilespmem:s31], [sflag:$0x8], $0x80, $0x38;
	[tilespmem:$0x10100] =	vst v63  }
0x51b: {  	s12 =	sadd.s32 $0x3000, s0;
	s13 =	simm.s32 $0xFCC0  }
0x51c: {  	[hbm4b:s12+s3] =	stream.linear.scatter [tilespmem:s13], [sflag:$0x8], $0x80, $0x38;
	[tilespmem:$0x10100] =	vst v63  }
0x51d: {  	s14 =	sadd.s32 $0x3010, s0;
	s15 =	simm.s32 $0xFD48  }
0x51e: {  	[hbm4b:s14+s3] =	stream.linear.scatter [tilespmem:s15], [sflag:$0x8], $0x80, $0x38;
	[tilespmem:$0x10100] =	vst v63  }
0x51f: {  	s30 =	sadd.s32 $0x3020, s0;
	s31 =	simm.s32 $0xFDD0  }
0x520: {  	[hbm4b:s30+s3] =	stream.linear.scatter [tilespmem:s31], [sflag:$0x8], $0x80, $0x38;
	[tilespmem:$0x10100] =	vst v63  }
0x521: {  	s13 =	sadd.s32 $0x3030, s0;
	s14 =	simm.s32 $0xFE58  }
0x522: {  	[hbm4b:s13+s3] =	stream.linear.scatter [tilespmem:s14], [sflag:$0x8], $0x80, $0x38;
	[tilespmem:$0x10100] =	vst v63  }
0x523: {  	s15 =	sadd.s32 $0x3040, s0  }
0x524: {  	[hbm4b:s15+s3] =	stream.linear.scatter [tilespmem:s16], [sflag:$0x8], $0x80, $0x38;
	[tilespmem:$0x10100] =	vst v63  }
0x525: {  	s30 =	sadd.s32 $0x3050, s0  }
0x526: {  	[hbm4b:s30+s3] =	stream.linear.scatter [tilespmem:s17], [sflag:$0x8], $0x80, $0x38;
	[tilespmem:$0x10100] =	vst v63  }
.Ltmp10:
0x527: {  	_ = 	snop;
	(pc) =	sbr.rel @p0 .LBB2_20-.Ltmp10, $4  }
0x528: {  	s31 =	sadd.s32 $0x3060, s0  }
0x529: {  	[hbm4b:s31+s3] =	stream.linear.scatter [tilespmem:s18], [sflag:$0x8], $0x80, $0x38;
	[tilespmem:$0x10100] =	vst v63  }
0x52a: {  	s0 =	sadd.s32 $0x3070, s0  }
0x52b: {  	[hbm4b:s0+s3] =	stream.linear.scatter [tilespmem:s19], [sflag:$0x8], $0x80, $0x38;
	[tilespmem:$0x10100] =	vst v63  }
.Ltmp11:
0x52c: {  	(pc) =	sbr.rel .LBB2_4-.Ltmp11, $4  }
0x52d: {  	s0 =	sshll.u32 s29, $0x7  }
0x52e: {  	s0 =	sadd.s32 $0x380, s0  }
0x52f: {  	s9 =	simm.s32 $0xAD00;
	s28 =	sadd.s32 $0x1, s28;
	s0 =	sand.u32 $0xFF80, s0  }
0x530: {  	[tilespmem:s9], [sflag:$0x4] =	stream.indirect.gather [hbm4b:s5+s8], $0x20, s0, s8, $0xb8;
	[tilespmem:$0x10100] =	vst v63  }
.LBB2_21:
0x531: {  	_ =	sfence.sel $0x180000  }
0x532: {  	[bflag:$0x0] =	sbarrier.arrive $0xFFFF  }
0x533: {  	_ =	strace $0x90000047  }
0x534: {  	s0 =	stileid.u32;
	[bflag:$0x2] =	sbarrier.arrive $0xFFFF  }
0x535: {  	p0 =	sne.s32 s0, $0x0;
	s0 =	rddreg [dreg:$0x3]  }
0x536: {  	s0 =	sadd.s32 @!p0 $0x100000, s0  }
0x537: {  	[sflag:s0] =	ssyncadd.tile.s32 @!p0 $0x1;
	_ =	shalt  }
.Lfunc_end2:
_tile_overlayer_lowered:
.L_overlay_start_2:
0x538: {  	(tag) =	ssettag $0x2  }
0x539: {  	s0 =	rddreg [dreg:$0x0];
	s2 =	stileid.u32  }
0x53a: {  	s1 =	rddreg [dreg:$0x1];
	p0 =	sne.s32 s2, $0x0  }
0x53b: {  	s3 =	rddreg [dreg:$0x2];
	[bflag:$0x3] =	sbarrier.arrive $0xFFFF;
	s2 =	simm.s32 @!p0 $0x1C0A  }
0x53c: {  	[timem:s3], [sflag:s2] =	dma.local @!p0 [hbm:s0], s1  }
0x53d: {  	s0 =	simm.s32 @!p0 $0xA  }
0x53e: {  	_ =	swait.ge @!p0 [sflag:s0], s1  }
0x53f: {  	s1 =	ssub.s32 @!p0 $0x0, s1;
	[sflag:s0] =	ssyncset.done @!p0 $0x0  }
0x540: {  	[sflag:s0] =	ssyncadd.s32 @!p0 s1  }
0x541: {  	[bflag:$0x3] =	sbarrier.arrive $0xFFFF  }
0x542: {  	_ =	shalt  }

</sc_bundles>
